<compile_context>
chip_gen: v7x
topology: tpu7x:2x2x1
jax: 0.10.2.dev20260603
libtpu: 0.0.44.dev20260713+nightly
codegen_flags: <defaults>
</compile_context>

<pallas_src>
import functools

import jax
import jax.numpy as jnp
from jax import lax
from jax.experimental import pallas as pl
from jax.experimental.pallas import tpu as pltpu
from jax.experimental.pallas import tpu_sc as plsc

BATCH = 1024
SEQ = 77
HIDDEN = 768
ROWS = BATCH * SEQ
NUM_WORKERS = 32
WB = BATCH // NUM_WORKERS
IDS_PER_WORKER = WB * SEQ
LANES = 16
NPAIR = SEQ // 2


def _gather_pair(tok_hbm, idx_v, p, buf, h, sem):
    return pltpu.async_copy(
        tok_hbm.at[idx_v.at[pl.ds(p * 2 * WB, 2 * WB)]],
        buf.at[pl.ds(h * 2 * WB, 2 * WB)], sem)


def _wait_scatter(out_hbm, buf, wb0, sem):
    pltpu.make_async_copy(
        buf.at[pl.ds(0, WB)], out_hbm.at[pl.ds(wb0, WB)], sem).wait()


def _add_pos(posbuf, pq, buf, row0):
    def g_body(g, carry):
        o = g * 2 * LANES
        v0 = posbuf[pl.ds(pq * HIDDEN + o, LANES)]
        v1 = posbuf[pl.ds(pq * HIDDEN + o + LANES, LANES)]
        for i in range(WB):
            plsc.addupdate(buf.at[row0 + i, pl.ds(o, LANES)], v0)
            plsc.addupdate(buf.at[row0 + i, pl.ds(o + LANES, LANES)], v1)
        return carry

    lax.fori_loop(0, HIDDEN // (2 * LANES), g_body, 0)


def _emb_body(ids_hbm, tok_hbm, pos_hbm, out_hbm,
              idx_v, posbuf, buf, pos_sh, gsems, ssems):
    wid = lax.axis_index("s") * 2 + lax.axis_index("c")
    wb0 = wid * WB
    pltpu.sync_copy(ids_hbm.at[pl.ds(wid * IDS_PER_WORKER, IDS_PER_WORKER)],
                    idx_v)
    _gather_pair(tok_hbm, idx_v, 0, buf, 0, gsems[0])
    @pl.when(lax.axis_index("s") == 0)
    def _():
        pltpu.sync_copy(pos_hbm, pos_sh)
    plsc.subcore_barrier()

    def sub_body(p, h, i):
        hn = 1 - h

        def wait_and_prefetch():
            _wait_scatter(out_hbm, buf, wb0, ssems[hn])
            _wait_scatter(out_hbm, buf, wb0, ssems[hn])
            _gather_pair(tok_hbm, idx_v, p + 1, buf, hn, gsems[hn])

        if h == 0:
            @pl.when(i > 0)
            def _():
                wait_and_prefetch()

            @pl.when(i == 0)
            def _():
                _gather_pair(tok_hbm, idx_v, p + 1, buf, hn, gsems[hn])
        else:
            @pl.when(i < (NPAIR // 2) - 1)
            def _():
                wait_and_prefetch()

        pltpu.sync_copy(pos_sh.at[pl.ds(p * 2 * HIDDEN, 2 * HIDDEN)], posbuf)
        pltpu.make_async_copy(
            tok_hbm.at[idx_v.at[pl.ds(p * 2 * WB, 2 * WB)]],
            buf.at[pl.ds(h * 2 * WB, 2 * WB)], gsems[h]).wait()
        for pq in range(2):
            row0 = h * 2 * WB + pq * WB
            _add_pos(posbuf, pq, buf, row0)
            pltpu.async_copy(
                buf.at[pl.ds(row0, WB)],
                out_hbm.at[pl.ds((2 * p + pq) * BATCH + wb0, WB)], ssems[h])

    def duo_body(i, carry):
        sub_body(2 * i, 0, i)
        sub_body(2 * i + 1, 1, i)
        return carry

    lax.fori_loop(0, NPAIR // 2, duo_body, 0)

    c_t = SEQ - 1
    _wait_scatter(out_hbm, buf, wb0, ssems[0])
    _wait_scatter(out_hbm, buf, wb0, ssems[0])
    pltpu.async_copy(
        tok_hbm.at[idx_v.at[pl.ds(c_t * WB, WB)]],
        buf.at[pl.ds(0, WB)], gsems[0])
    pltpu.sync_copy(pos_sh.at[pl.ds(c_t * HIDDEN, HIDDEN)],
                    posbuf.at[pl.ds(0, HIDDEN)])
    pltpu.make_async_copy(
        tok_hbm.at[idx_v.at[pl.ds(c_t * WB, WB)]],
        buf.at[pl.ds(0, WB)], gsems[0]).wait()
    _add_pos(posbuf, 0, buf, 0)
    pltpu.async_copy(
        buf.at[pl.ds(0, WB)],
        out_hbm.at[pl.ds(c_t * BATCH + wb0, WB)], ssems[0])
    _wait_scatter(out_hbm, buf, wb0, ssems[1])
    _wait_scatter(out_hbm, buf, wb0, ssems[1])
    _wait_scatter(out_hbm, buf, wb0, ssems[0])


@functools.partial(
    pl.kernel,
    out_type=jax.ShapeDtypeStruct((ROWS, HIDDEN), jnp.float32),
    mesh=plsc.VectorSubcoreMesh(core_axis_name="c", subcore_axis_name="s"),
    scratch_types=[
        pltpu.VMEM((IDS_PER_WORKER,), jnp.int32),
        pltpu.VMEM((2 * HIDDEN,), jnp.float32),
        pltpu.VMEM((4 * WB, HIDDEN), jnp.float32),
        pltpu.VMEM_SHARED((SEQ * HIDDEN,), jnp.float32),
        pltpu.SemaphoreType.DMA,
        pltpu.SemaphoreType.DMA,
        pltpu.SemaphoreType.DMA,
        pltpu.SemaphoreType.DMA,
    ],
)
def _emb_kernel(ids_hbm, tok_hbm, pos_hbm, out_hbm,
                idx_v, posbuf, buf, pos_sh, g0, g1, s0, s1):
    _emb_body(ids_hbm, tok_hbm, pos_hbm, out_hbm,
              idx_v, posbuf, buf, pos_sh, (g0, g1), (s0, s1))


def kernel(input_ids, token_table, position_table):
    ids_grouped = (
        input_ids.astype(jnp.int32)
        .reshape(NUM_WORKERS, WB, SEQ)
        .transpose(0, 2, 1)
        .reshape(-1)
    )
    out = _emb_kernel(ids_grouped, token_table, position_table.reshape(-1))
    return out.reshape(SEQ, BATCH, HIDDEN).transpose(1, 0, 2)

# --- scband reference (transcript-rebuilt; emitter-appended) ---
"""Pipeline reference for scband-clip-text-embeddings-29575144801132 (READ-ONLY COPY).

The authoritative reference and input builder live on the scoring server;
editing this copy changes nothing except your own understanding.
"""

import jax, jax.numpy as jnp
import numpy as np

VOCAB = 49408
HIDDEN = 768
MAX_POS = 77
BATCH = 1024
SEQ = 77

def setup_inputs(seed: int = 0) -> dict:
    key = jax.random.key(seed)
    k1, k2, k3 = jax.random.split(key, 3)
    input_ids = jax.random.randint(k1, (BATCH, SEQ), 0, VOCAB, dtype=jnp.int64 if jax.config.jax_enable_x64 else jnp.int32)
    token_table = jax.random.normal(k2, (VOCAB, HIDDEN), dtype=jnp.float32) * 0.02
    position_table = jax.random.normal(k3, (MAX_POS, HIDDEN), dtype=jnp.float32) * 0.02
    return {"input_ids": input_ids, "token_table": token_table, "position_table": position_table}

def reference(input_ids, token_table, position_table):
    seq_length = input_ids.shape[-1]
    # position_ids buffer: arange(max_position_embeddings)[None, :seq_length]
    position_ids = jnp.arange(MAX_POS, dtype=input_ids.dtype)[None, :seq_length]
    inputs_embeds = jnp.take(token_table, input_ids, axis=0)
    position_embeddings = jnp.take(position_table, position_ids, axis=0)
    embeddings = inputs_embeds + position_embeddings
    return embeddings

if __name__ == "__main__":
    import jax
    _d = setup_inputs()
    print(jax.jit(kernel)(*tuple(_d.values())))

</pallas_src>

<mosaic_0001>
#map = affine_map<(d0, d1) -> (0)>
#map1 = affine_map<(d0, d1) -> (0, 0)>
module attributes {stable_mosaic.version = 14 : i64} {
  func.func @_emb_kernel(%arg0: i32, %arg1: i32, %arg2: memref<78848xi32, #tpu.memory_space<hbm>>, %arg3: memref<49408x768xf32, #tpu.memory_space<hbm>>, %arg4: memref<59136xf32, #tpu.memory_space<hbm>>, %arg5: memref<78848x768xf32, #tpu.memory_space<hbm>>, %arg6: memref<2464xi32, #tpu.memory_space<vmem>>, %arg7: memref<1536xf32, #tpu.memory_space<vmem>>, %arg8: memref<128x768xf32, #tpu.memory_space<vmem>>, %arg9: memref<59136xf32, #tpu.memory_space<vmem_shared>>, %arg10: memref<!tpu.dma_semaphore, #tpu.memory_space<semaphore_mem>>, %arg11: memref<!tpu.dma_semaphore, #tpu.memory_space<semaphore_mem>>, %arg12: memref<!tpu.dma_semaphore, #tpu.memory_space<semaphore_mem>>, %arg13: memref<!tpu.dma_semaphore, #tpu.memory_space<semaphore_mem>>) attributes {dimension_semantics = [#tpu.dimension_semantics<core_parallel>, #tpu.dimension_semantics<subcore_parallel>], iteration_bounds = array<i64: 2, 16>, scalar_prefetch = 0 : i64, scratch_operands = 8 : i64, tpu.core_type = #tpu.core_type<sc_vector_subcore>, window_params = [{transform_indices = #map}, {transform_indices = #map1}, {transform_indices = #map}, {transform_indices = #map1}]} {
    %mul3A = arith.constant 2 : i32
    %mul3A_0 = arith.muli %arg1, %mul3A : i32
    %add3A = arith.addi %mul3A_0, %arg0 : i32
    %mul3A_1 = arith.constant 32 : i32
    %mul3A_2 = arith.muli %add3A, %mul3A_1 : i32
    %mul3A_3 = arith.constant 2464 : i32
    %mul3A_4 = arith.muli %add3A, %mul3A_3 : i32
    "tpu.region"() ({
      %run_scoped3A = tpu.sem_alloc : memref<!tpu.dma_semaphore, #tpu.memory_space<semaphore_mem>>
      %dma_start3A_102 = tpu.memref_slice %arg2[%mul3A_4] : memref<78848xi32, #tpu.memory_space<hbm>> -> memref<2464xi32, #tpu.memory_space<hbm>>
      %dma_start3A_103 = tpu.memref_slice %arg2[%mul3A_4] : memref<78848xi32, #tpu.memory_space<hbm>> -> memref<2464xi32, #tpu.memory_space<hbm>>
      tpu.enqueue_dma source(%dma_start3A_103 : memref<2464xi32, #tpu.memory_space<hbm>>) target(%arg6 : memref<2464xi32, #tpu.memory_space<vmem>>) target_semaphore(%run_scoped3A : memref<!tpu.dma_semaphore, #tpu.memory_space<semaphore_mem>>)
      %dma_wait3A_104 = tpu.memref_slice %arg2[%mul3A_4] : memref<78848xi32, #tpu.memory_space<hbm>> -> memref<2464xi32, #tpu.memory_space<hbm>>
      %dma_wait3A_105 = tpu.memref_slice %arg2[%mul3A_4] : memref<78848xi32, #tpu.memory_space<hbm>> -> memref<2464xi32, #tpu.memory_space<hbm>>
      tpu.wait_dma2 semaphore(%run_scoped3A : memref<!tpu.dma_semaphore, #tpu.memory_space<semaphore_mem>>) src(%dma_wait3A_105 : memref<2464xi32, #tpu.memory_space<hbm>>) dst(%arg6 : memref<2464xi32, #tpu.memory_space<vmem>>)
      tpu.yield
    }) : () -> ()
    %dma_start3A = arith.constant 0 : i32
    %dma_start3A_5 = arith.constant 0 : i32
    %dma_start3A_6 = tpu.memref_slice %arg8[%dma_start3A, %dma_start3A_5] : memref<128x768xf32, #tpu.memory_space<vmem>> -> memref<64x768xf32, #tpu.memory_space<vmem>>
    %dma_start3A_7 = arith.constant 0 : i32
    %dma_start3A_8 = tpu.memref_slice %arg6[%dma_start3A_7] : memref<2464xi32, #tpu.memory_space<vmem>> -> memref<64xi32, #tpu.memory_space<vmem>>
    %dma_start3A_9 = arith.constant 0 : i32
    %dma_start3A_10 = arith.constant 0 : i32
    %dma_start3A_11 = tpu.memref_slice %arg3[%dma_start3A_9, %dma_start3A_10] : memref<49408x768xf32, #tpu.memory_space<hbm>> -> memref<49408x768xf32, #tpu.memory_space<hbm>>
    tpu.enqueue_indirect_dma source(%dma_start3A_11 : memref<49408x768xf32, #tpu.memory_space<hbm>>) target(%dma_start3A_6 : memref<64x768xf32, #tpu.memory_space<vmem>>) offsets(%dma_start3A_8 : memref<64xi32, #tpu.memory_space<vmem>>) semaphore(%arg10 : memref<!tpu.dma_semaphore, #tpu.memory_space<semaphore_mem>>)
    %eq3A = arith.constant 0 : i32
    %eq3A_12 = arith.cmpi eq, %arg1, %eq3A : i32
    %convert_element_type3A = arith.extui %eq3A_12 : i1 to i32
    %cond3A = arith.constant 0 : i32
    %cond3A_13 = arith.cmpi ne, %convert_element_type3A, %cond3A : i32
    scf.if %cond3A_13 {
      "tpu.region"() ({
        %run_scoped3A = tpu.sem_alloc : memref<!tpu.dma_semaphore, #tpu.memory_space<semaphore_mem>>
        tpu.enqueue_dma source(%arg4 : memref<59136xf32, #tpu.memory_space<hbm>>) target(%arg9 : memref<59136xf32, #tpu.memory_space<vmem_shared>>) target_semaphore(%run_scoped3A : memref<!tpu.dma_semaphore, #tpu.memory_space<semaphore_mem>>)
        tpu.wait_dma2 semaphore(%run_scoped3A : memref<!tpu.dma_semaphore, #tpu.memory_space<semaphore_mem>>) src(%arg4 : memref<59136xf32, #tpu.memory_space<hbm>>) dst(%arg9 : memref<59136xf32, #tpu.memory_space<vmem_shared>>)
        tpu.yield
      }) : () -> ()
    } else {
    }
    %barrier3A = arith.constant 0 : index
    tpu.barrier barrier_id(%barrier3A)
    %scan3A = arith.constant 0 : i32
    %scan3A_14 = arith.constant 0 : i32
    %scan3A_15 = arith.constant 19 : i32
    %scan3A_16 = arith.addi %scan3A_14, %scan3A_15 : i32
    %scan3A_17 = arith.constant 1 : i32
    scf.for %scan3A_102 = %scan3A_14 to %scan3A_16 step %scan3A_17  : i32 {
      %mul3A_103 = arith.constant 2 : i32
      %mul3A_104 = arith.muli %mul3A_103, %scan3A_102 : i32
      %gt3A = arith.constant 0 : i32
      %gt3A_105 = arith.cmpi sgt, %scan3A_102, %gt3A : i32
      %convert_element_type3A_106 = arith.extui %gt3A_105 : i1 to i32
      %cond3A_107 = arith.constant 0 : i32
      %cond3A_108 = arith.cmpi ne, %convert_element_type3A_106, %cond3A_107 : i32
      scf.if %cond3A_108 {
        %dma_wait3A_244 = arith.constant 0 : i32
        %dma_wait3A_245 = arith.constant 0 : i32
        %dma_wait3A_246 = tpu.memref_slice %arg8[%dma_wait3A_244, %dma_wait3A_245] : memref<128x768xf32, #tpu.memory_space<vmem>> -> memref<32x768xf32, #tpu.memory_space<vmem>>
        %dma_wait3A_247 = arith.constant 0 : i32
        %dma_wait3A_248 = tpu.memref_slice %arg5[%mul3A_2, %dma_wait3A_247] : memref<78848x768xf32, #tpu.memory_space<hbm>> -> memref<32x768xf32, #tpu.memory_space<hbm>>
        %dma_wait3A_249 = arith.constant 0 : i32
        %dma_wait3A_250 = tpu.memref_slice %arg5[%mul3A_2, %dma_wait3A_249] : memref<78848x768xf32, #tpu.memory_space<hbm>> -> memref<32x768xf32, #tpu.memory_space<hbm>>
        %dma_wait3A_251 = arith.constant 0 : i32
        %dma_wait3A_252 = arith.constant 0 : i32
        %dma_wait3A_253 = tpu.memref_slice %arg8[%dma_wait3A_251, %dma_wait3A_252] : memref<128x768xf32, #tpu.memory_space<vmem>> -> memref<32x768xf32, #tpu.memory_space<vmem>>
        tpu.wait_dma2 semaphore(%arg13 : memref<!tpu.dma_semaphore, #tpu.memory_space<semaphore_mem>>) src(%dma_wait3A_253 : memref<32x768xf32, #tpu.memory_space<vmem>>) dst(%dma_wait3A_250 : memref<32x768xf32, #tpu.memory_space<hbm>>)
        %dma_wait3A_254 = arith.constant 0 : i32
        %dma_wait3A_255 = arith.constant 0 : i32
        %dma_wait3A_256 = tpu.memref_slice %arg8[%dma_wait3A_254, %dma_wait3A_255] : memref<128x768xf32, #tpu.memory_space<vmem>> -> memref<32x768xf32, #tpu.memory_space<vmem>>
        %dma_wait3A_257 = arith.constant 0 : i32
        %dma_wait3A_258 = tpu.memref_slice %arg5[%mul3A_2, %dma_wait3A_257] : memref<78848x768xf32, #tpu.memory_space<hbm>> -> memref<32x768xf32, #tpu.memory_space<hbm>>
        %dma_wait3A_259 = arith.constant 0 : i32
        %dma_wait3A_260 = tpu.memref_slice %arg5[%mul3A_2, %dma_wait3A_259] : memref<78848x768xf32, #tpu.memory_space<hbm>> -> memref<32x768xf32, #tpu.memory_space<hbm>>
        %dma_wait3A_261 = arith.constant 0 : i32
        %dma_wait3A_262 = arith.constant 0 : i32
        %dma_wait3A_263 = tpu.memref_slice %arg8[%dma_wait3A_261, %dma_wait3A_262] : memref<128x768xf32, #tpu.memory_space<vmem>> -> memref<32x768xf32, #tpu.memory_space<vmem>>
        tpu.wait_dma2 semaphore(%arg13 : memref<!tpu.dma_semaphore, #tpu.memory_space<semaphore_mem>>) src(%dma_wait3A_263 : memref<32x768xf32, #tpu.memory_space<vmem>>) dst(%dma_wait3A_260 : memref<32x768xf32, #tpu.memory_space<hbm>>)
        %add3A_264 = arith.constant 1 : i32
        %add3A_265 = arith.addi %mul3A_104, %add3A_264 : i32
        %mul3A_266 = arith.constant 2 : i32
        %mul3A_267 = arith.muli %add3A_265, %mul3A_266 : i32
        %mul3A_268 = arith.constant 32 : i32
        %mul3A_269 = arith.muli %mul3A_267, %mul3A_268 : i32
        %dma_start3A_270 = arith.constant 64 : i32
        %dma_start3A_271 = arith.constant 0 : i32
        %dma_start3A_272 = tpu.memref_slice %arg8[%dma_start3A_270, %dma_start3A_271] : memref<128x768xf32, #tpu.memory_space<vmem>> -> memref<64x768xf32, #tpu.memory_space<vmem>>
        %dma_start3A_273 = tpu.memref_slice %arg6[%mul3A_269] : memref<2464xi32, #tpu.memory_space<vmem>> -> memref<64xi32, #tpu.memory_space<vmem>>
        %dma_start3A_274 = arith.constant 0 : i32
        %dma_start3A_275 = arith.constant 0 : i32
        %dma_start3A_276 = tpu.memref_slice %arg3[%dma_start3A_274, %dma_start3A_275] : memref<49408x768xf32, #tpu.memory_space<hbm>> -> memref<49408x768xf32, #tpu.memory_space<hbm>>
        tpu.enqueue_indirect_dma source(%dma_start3A_276 : memref<49408x768xf32, #tpu.memory_space<hbm>>) target(%dma_start3A_272 : memref<64x768xf32, #tpu.memory_space<vmem>>) offsets(%dma_start3A_273 : memref<64xi32, #tpu.memory_space<vmem>>) semaphore(%arg11 : memref<!tpu.dma_semaphore, #tpu.memory_space<semaphore_mem>>)
      } else {
      }
      %eq3A_109 = arith.constant 0 : i32
      %eq3A_110 = arith.cmpi eq, %scan3A_102, %eq3A_109 : i32
      %convert_element_type3A_111 = arith.extui %eq3A_110 : i1 to i32
      %cond3A_112 = arith.constant 0 : i32
      %cond3A_113 = arith.cmpi ne, %convert_element_type3A_111, %cond3A_112 : i32
      scf.if %cond3A_113 {
        %add3A_244 = arith.constant 1 : i32
        %add3A_245 = arith.addi %mul3A_104, %add3A_244 : i32
        %mul3A_246 = arith.constant 2 : i32
        %mul3A_247 = arith.muli %add3A_245, %mul3A_246 : i32
        %mul3A_248 = arith.constant 32 : i32
        %mul3A_249 = arith.muli %mul3A_247, %mul3A_248 : i32
        %dma_start3A_250 = arith.constant 64 : i32
        %dma_start3A_251 = arith.constant 0 : i32
        %dma_start3A_252 = tpu.memref_slice %arg8[%dma_start3A_250, %dma_start3A_251] : memref<128x768xf32, #tpu.memory_space<vmem>> -> memref<64x768xf32, #tpu.memory_space<vmem>>
        %dma_start3A_253 = tpu.memref_slice %arg6[%mul3A_249] : memref<2464xi32, #tpu.memory_space<vmem>> -> memref<64xi32, #tpu.memory_space<vmem>>
        %dma_start3A_254 = arith.constant 0 : i32
        %dma_start3A_255 = arith.constant 0 : i32
        %dma_start3A_256 = tpu.memref_slice %arg3[%dma_start3A_254, %dma_start3A_255] : memref<49408x768xf32, #tpu.memory_space<hbm>> -> memref<49408x768xf32, #tpu.memory_space<hbm>>
        tpu.enqueue_indirect_dma source(%dma_start3A_256 : memref<49408x768xf32, #tpu.memory_space<hbm>>) target(%dma_start3A_252 : memref<64x768xf32, #tpu.memory_space<vmem>>) offsets(%dma_start3A_253 : memref<64xi32, #tpu.memory_space<vmem>>) semaphore(%arg11 : memref<!tpu.dma_semaphore, #tpu.memory_space<semaphore_mem>>)
      } else {
      }
      %mul3A_114 = arith.constant 2 : i32
      %mul3A_115 = arith.muli %mul3A_104, %mul3A_114 : i32
      %mul3A_116 = arith.constant 768 : i32
      %mul3A_117 = arith.muli %mul3A_115, %mul3A_116 : i32
      "tpu.region"() ({
        %run_scoped3A = tpu.sem_alloc : memref<!tpu.dma_semaphore, #tpu.memory_space<semaphore_mem>>
        %dma_start3A_244 = tpu.memref_slice %arg9[%mul3A_117] : memref<59136xf32, #tpu.memory_space<vmem_shared>> -> memref<1536xf32, #tpu.memory_space<vmem_shared>>
        %dma_start3A_245 = tpu.memref_slice %arg9[%mul3A_117] : memref<59136xf32, #tpu.memory_space<vmem_shared>> -> memref<1536xf32, #tpu.memory_space<vmem_shared>>
        tpu.enqueue_dma source(%dma_start3A_245 : memref<1536xf32, #tpu.memory_space<vmem_shared>>) target(%arg7 : memref<1536xf32, #tpu.memory_space<vmem>>) target_semaphore(%run_scoped3A : memref<!tpu.dma_semaphore, #tpu.memory_space<semaphore_mem>>)
        %dma_wait3A_246 = tpu.memref_slice %arg9[%mul3A_117] : memref<59136xf32, #tpu.memory_space<vmem_shared>> -> memref<1536xf32, #tpu.memory_space<vmem_shared>>
        %dma_wait3A_247 = tpu.memref_slice %arg9[%mul3A_117] : memref<59136xf32, #tpu.memory_space<vmem_shared>> -> memref<1536xf32, #tpu.memory_space<vmem_shared>>
        tpu.wait_dma2 semaphore(%run_scoped3A : memref<!tpu.dma_semaphore, #tpu.memory_space<semaphore_mem>>) src(%dma_wait3A_247 : memref<1536xf32, #tpu.memory_space<vmem_shared>>) dst(%arg7 : memref<1536xf32, #tpu.memory_space<vmem>>)
        tpu.yield
      }) : () -> ()
      %mul3A_118 = arith.constant 2 : i32
      %mul3A_119 = arith.muli %mul3A_104, %mul3A_118 : i32
      %mul3A_120 = arith.constant 32 : i32
      %mul3A_121 = arith.muli %mul3A_119, %mul3A_120 : i32
      %dma_wait3A_122 = arith.constant 0 : i32
      %dma_wait3A_123 = arith.constant 0 : i32
      %dma_wait3A_124 = tpu.memref_slice %arg8[%dma_wait3A_122, %dma_wait3A_123] : memref<128x768xf32, #tpu.memory_space<vmem>> -> memref<64x768xf32, #tpu.memory_space<vmem>>
      %dma_wait3A_125 = tpu.memref_slice %arg6[%mul3A_121] : memref<2464xi32, #tpu.memory_space<vmem>> -> memref<64xi32, #tpu.memory_space<vmem>>
      %dma_wait3A_126 = arith.constant 0 : i32
      %dma_wait3A_127 = arith.constant 0 : i32
      %dma_wait3A_128 = tpu.memref_slice %arg3[%dma_wait3A_126, %dma_wait3A_127] : memref<49408x768xf32, #tpu.memory_space<hbm>> -> memref<49408x768xf32, #tpu.memory_space<hbm>>
      tpu.wait_indirect_dma semaphore(%arg10 : memref<!tpu.dma_semaphore, #tpu.memory_space<semaphore_mem>>) src(%dma_wait3A_128 : memref<49408x768xf32, #tpu.memory_space<hbm>>) dst(%dma_wait3A_124 : memref<64x768xf32, #tpu.memory_space<vmem>>)
      %scan3A_129 = arith.constant 0 : i32
      %scan3A_130 = arith.constant 0 : i32
      %scan3A_131 = arith.constant 24 : i32
      %scan3A_132 = arith.addi %scan3A_130, %scan3A_131 : i32
      %scan3A_133 = arith.constant 1 : i32
      scf.for %scan3A_244 = %scan3A_130 to %scan3A_132 step %scan3A_133  : i32 {
        %mul3A_245 = arith.constant 2 : i32
        %mul3A_246 = arith.muli %scan3A_244, %mul3A_245 : i32
        %mul3A_247 = arith.constant 16 : i32
        %mul3A_248 = arith.muli %mul3A_246, %mul3A_247 : i32
        %add3A_249 = arith.constant 0 : i32
        %add3A_250 = arith.addi %add3A_249, %mul3A_248 : i32
        %get3A = arith.index_cast %add3A_250 : i32 to index
        %get3A_251 = tpu.vector_load %arg7[%get3A] {strides = array<i32>} : memref<1536xf32, #tpu.memory_space<vmem>>, vector<16xf32>,
        %get3A_252 = vector.shape_cast %get3A_251 : vector<16xf32> to vector<16xf32>
        %add3A_253 = arith.constant 0 : i32
        %add3A_254 = arith.addi %add3A_253, %mul3A_248 : i32
        %add3A_255 = arith.constant 16 : i32
        %add3A_256 = arith.addi %add3A_254, %add3A_255 : i32
        %get3A_257 = arith.index_cast %add3A_256 : i32 to index
        %get3A_258 = tpu.vector_load %arg7[%get3A_257] {strides = array<i32>} : memref<1536xf32, #tpu.memory_space<vmem>>, vector<16xf32>,
        %get3A_259 = vector.shape_cast %get3A_258 : vector<16xf32> to vector<16xf32>
        %swap3A = arith.constant 0 : i32
        %swap3A_260 = arith.index_cast %swap3A : i32 to index
        %swap3A_261 = arith.index_cast %mul3A_248 : i32 to index
        %swap3A_262 = tpu.vector_load %arg8[%swap3A_260, %swap3A_261] {strides = array<i32>} : memref<128x768xf32, #tpu.memory_space<vmem>>, vector<1x16xf32>,
        %swap3A_263 = vector.shape_cast %swap3A_262 : vector<1x16xf32> to vector<16xf32>
        %swap3A_264 = vector.shape_cast %get3A_252 : vector<16xf32> to vector<1x16xf32>
        tpu.vector_store %arg8[%swap3A_260, %swap3A_261], %swap3A_264 {add = true, strides = array<i32>} : memref<128x768xf32, #tpu.memory_space<vmem>>, vector<1x16xf32>,
        %add3A_265 = arith.constant 16 : i32
        %add3A_266 = arith.addi %mul3A_248, %add3A_265 : i32
        %swap3A_267 = arith.constant 0 : i32
        %swap3A_268 = arith.index_cast %swap3A_267 : i32 to index
        %swap3A_269 = arith.index_cast %add3A_266 : i32 to index
        %swap3A_270 = tpu.vector_load %arg8[%swap3A_268, %swap3A_269] {strides = array<i32>} : memref<128x768xf32, #tpu.memory_space<vmem>>, vector<1x16xf32>,
        %swap3A_271 = vector.shape_cast %swap3A_270 : vector<1x16xf32> to vector<16xf32>
        %swap3A_272 = vector.shape_cast %get3A_259 : vector<16xf32> to vector<1x16xf32>
        tpu.vector_store %arg8[%swap3A_268, %swap3A_269], %swap3A_272 {add = true, strides = array<i32>} : memref<128x768xf32, #tpu.memory_space<vmem>>, vector<1x16xf32>,
        %swap3A_273 = arith.constant 1 : i32
        %swap3A_274 = arith.index_cast %swap3A_273 : i32 to index
        %swap3A_275 = arith.index_cast %mul3A_248 : i32 to index
        %swap3A_276 = tpu.vector_load %arg8[%swap3A_274, %swap3A_275] {strides = array<i32>} : memref<128x768xf32, #tpu.memory_space<vmem>>, vector<1x16xf32>,
        %swap3A_277 = vector.shape_cast %swap3A_276 : vector<1x16xf32> to vector<16xf32>
        %swap3A_278 = vector.shape_cast %get3A_252 : vector<16xf32> to vector<1x16xf32>
        tpu.vector_store %arg8[%swap3A_274, %swap3A_275], %swap3A_278 {add = true, strides = array<i32>} : memref<128x768xf32, #tpu.memory_space<vmem>>, vector<1x16xf32>,
        %add3A_279 = arith.constant 16 : i32
        %add3A_280 = arith.addi %mul3A_248, %add3A_279 : i32
        %swap3A_281 = arith.constant 1 : i32
        %swap3A_282 = arith.index_cast %swap3A_281 : i32 to index
        %swap3A_283 = arith.index_cast %add3A_280 : i32 to index
        %swap3A_284 = tpu.vector_load %arg8[%swap3A_282, %swap3A_283] {strides = array<i32>} : memref<128x768xf32, #tpu.memory_space<vmem>>, vector<1x16xf32>,
        %swap3A_285 = vector.shape_cast %swap3A_284 : vector<1x16xf32> to vector<16xf32>
        %swap3A_286 = vector.shape_cast %get3A_259 : vector<16xf32> to vector<1x16xf32>
        tpu.vector_store %arg8[%swap3A_282, %swap3A_283], %swap3A_286 {add = true, strides = array<i32>} : memref<128x768xf32, #tpu.memory_space<vmem>>, vector<1x16xf32>,
        %swap3A_287 = arith.constant 2 : i32
        %swap3A_288 = arith.index_cast %swap3A_287 : i32 to index
        %swap3A_289 = arith.index_cast %mul3A_248 : i32 to index
        %swap3A_290 = tpu.vector_load %arg8[%swap3A_288, %swap3A_289] {strides = array<i32>} : memref<128x768xf32, #tpu.memory_space<vmem>>, vector<1x16xf32>,
        %swap3A_291 = vector.shape_cast %swap3A_290 : vector<1x16xf32> to vector<16xf32>
        %swap3A_292 = vector.shape_cast %get3A_252 : vector<16xf32> to vector<1x16xf32>
        tpu.vector_store %arg8[%swap3A_288, %swap3A_289], %swap3A_292 {add = true, strides = array<i32>} : memref<128x768xf32, #tpu.memory_space<vmem>>, vector<1x16xf32>,
        %add3A_293 = arith.constant 16 : i32
        %add3A_294 = arith.addi %mul3A_248, %add3A_293 : i32
        %swap3A_295 = arith.constant 2 : i32
        %swap3A_296 = arith.index_cast %swap3A_295 : i32 to index
        %swap3A_297 = arith.index_cast %add3A_294 : i32 to index
        %swap3A_298 = tpu.vector_load %arg8[%swap3A_296, %swap3A_297] {strides = array<i32>} : memref<128x768xf32, #tpu.memory_space<vmem>>, vector<1x16xf32>,
        %swap3A_299 = vector.shape_cast %swap3A_298 : vector<1x16xf32> to vector<16xf32>
        %swap3A_300 = vector.shape_cast %get3A_259 : vector<16xf32> to vector<1x16xf32>
        tpu.vector_store %arg8[%swap3A_296, %swap3A_297], %swap3A_300 {add = true, strides = array<i32>} : memref<128x768xf32, #tpu.memory_space<vmem>>, vector<1x16xf32>,
        %swap3A_301 = arith.constant 3 : i32
        %swap3A_302 = arith.index_cast %swap3A_301 : i32 to index
        %swap3A_303 = arith.index_cast %mul3A_248 : i32 to index
        %swap3A_304 = tpu.vector_load %arg8[%swap3A_302, %swap3A_303] {strides = array<i32>} : memref<128x768xf32, #tpu.memory_space<vmem>>, vector<1x16xf32>,
        %swap3A_305 = vector.shape_cast %swap3A_304 : vector<1x16xf32> to vector<16xf32>
        %swap3A_306 = vector.shape_cast %get3A_252 : vector<16xf32> to vector<1x16xf32>
        tpu.vector_store %arg8[%swap3A_302, %swap3A_303], %swap3A_306 {add = true, strides = array<i32>} : memref<128x768xf32, #tpu.memory_space<vmem>>, vector<1x16xf32>,
        %add3A_307 = arith.constant 16 : i32
        %add3A_308 = arith.addi %mul3A_248, %add3A_307 : i32
        %swap3A_309 = arith.constant 3 : i32
        %swap3A_310 = arith.index_cast %swap3A_309 : i32 to index
        %swap3A_311 = arith.index_cast %add3A_308 : i32 to index
        %swap3A_312 = tpu.vector_load %arg8[%swap3A_310, %swap3A_311] {strides = array<i32>} : memref<128x768xf32, #tpu.memory_space<vmem>>, vector<1x16xf32>,
        %swap3A_313 = vector.shape_cast %swap3A_312 : vector<1x16xf32> to vector<16xf32>
        %swap3A_314 = vector.shape_cast %get3A_259 : vector<16xf32> to vector<1x16xf32>
        tpu.vector_store %arg8[%swap3A_310, %swap3A_311], %swap3A_314 {add = true, strides = array<i32>} : memref<128x768xf32, #tpu.memory_space<vmem>>, vector<1x16xf32>,
        %swap3A_315 = arith.constant 4 : i32
        %swap3A_316 = arith.index_cast %swap3A_315 : i32 to index
        %swap3A_317 = arith.index_cast %mul3A_248 : i32 to index
        %swap3A_318 = tpu.vector_load %arg8[%swap3A_316, %swap3A_317] {strides = array<i32>} : memref<128x768xf32, #tpu.memory_space<vmem>>, vector<1x16xf32>,
        %swap3A_319 = vector.shape_cast %swap3A_318 : vector<1x16xf32> to vector<16xf32>
        %swap3A_320 = vector.shape_cast %get3A_252 : vector<16xf32> to vector<1x16xf32>
        tpu.vector_store %arg8[%swap3A_316, %swap3A_317], %swap3A_320 {add = true, strides = array<i32>} : memref<128x768xf32, #tpu.memory_space<vmem>>, vector<1x16xf32>,
        %add3A_321 = arith.constant 16 : i32
        %add3A_322 = arith.addi %mul3A_248, %add3A_321 : i32
        %swap3A_323 = arith.constant 4 : i32
        %swap3A_324 = arith.index_cast %swap3A_323 : i32 to index
        %swap3A_325 = arith.index_cast %add3A_322 : i32 to index
        %swap3A_326 = tpu.vector_load %arg8[%swap3A_324, %swap3A_325] {strides = array<i32>} : memref<128x768xf32, #tpu.memory_space<vmem>>, vector<1x16xf32>,
        %swap3A_327 = vector.shape_cast %swap3A_326 : vector<1x16xf32> to vector<16xf32>
        %swap3A_328 = vector.shape_cast %get3A_259 : vector<16xf32> to vector<1x16xf32>
        tpu.vector_store %arg8[%swap3A_324, %swap3A_325], %swap3A_328 {add = true, strides = array<i32>} : memref<128x768xf32, #tpu.memory_space<vmem>>, vector<1x16xf32>,
        %swap3A_329 = arith.constant 5 : i32
        %swap3A_330 = arith.index_cast %swap3A_329 : i32 to index
        %swap3A_331 = arith.index_cast %mul3A_248 : i32 to index
        %swap3A_332 = tpu.vector_load %arg8[%swap3A_330, %swap3A_331] {strides = array<i32>} : memref<128x768xf32, #tpu.memory_space<vmem>>, vector<1x16xf32>,
        %swap3A_333 = vector.shape_cast %swap3A_332 : vector<1x16xf32> to vector<16xf32>
        %swap3A_334 = vector.shape_cast %get3A_252 : vector<16xf32> to vector<1x16xf32>
        tpu.vector_store %arg8[%swap3A_330, %swap3A_331], %swap3A_334 {add = true, strides = array<i32>} : memref<128x768xf32, #tpu.memory_space<vmem>>, vector<1x16xf32>,
        %add3A_335 = arith.constant 16 : i32
        %add3A_336 = arith.addi %mul3A_248, %add3A_335 : i32
        %swap3A_337 = arith.constant 5 : i32
        %swap3A_338 = arith.index_cast %swap3A_337 : i32 to index
        %swap3A_339 = arith.index_cast %add3A_336 : i32 to index
        %swap3A_340 = tpu.vector_load %arg8[%swap3A_338, %swap3A_339] {strides = array<i32>} : memref<128x768xf32, #tpu.memory_space<vmem>>, vector<1x16xf32>,
        %swap3A_341 = vector.shape_cast %swap3A_340 : vector<1x16xf32> to vector<16xf32>
        %swap3A_342 = vector.shape_cast %get3A_259 : vector<16xf32> to vector<1x16xf32>
        tpu.vector_store %arg8[%swap3A_338, %swap3A_339], %swap3A_342 {add = true, strides = array<i32>} : memref<128x768xf32, #tpu.memory_space<vmem>>, vector<1x16xf32>,
        %swap3A_343 = arith.constant 6 : i32
        %swap3A_344 = arith.index_cast %swap3A_343 : i32 to index
        %swap3A_345 = arith.index_cast %mul3A_248 : i32 to index
        %swap3A_346 = tpu.vector_load %arg8[%swap3A_344, %swap3A_345] {strides = array<i32>} : memref<128x768xf32, #tpu.memory_space<vmem>>, vector<1x16xf32>,
        %swap3A_347 = vector.shape_cast %swap3A_346 : vector<1x16xf32> to vector<16xf32>
        %swap3A_348 = vector.shape_cast %get3A_252 : vector<16xf32> to vector<1x16xf32>
        tpu.vector_store %arg8[%swap3A_344, %swap3A_345], %swap3A_348 {add = true, strides = array<i32>} : memref<128x768xf32, #tpu.memory_space<vmem>>, vector<1x16xf32>,
        %add3A_349 = arith.constant 16 : i32
        %add3A_350 = arith.addi %mul3A_248, %add3A_349 : i32
        %swap3A_351 = arith.constant 6 : i32
        %swap3A_352 = arith.index_cast %swap3A_351 : i32 to index
        %swap3A_353 = arith.index_cast %add3A_350 : i32 to index
        %swap3A_354 = tpu.vector_load %arg8[%swap3A_352, %swap3A_353] {strides = array<i32>} : memref<128x768xf32, #tpu.memory_space<vmem>>, vector<1x16xf32>,
        %swap3A_355 = vector.shape_cast %swap3A_354 : vector<1x16xf32> to vector<16xf32>
        %swap3A_356 = vector.shape_cast %get3A_259 : vector<16xf32> to vector<1x16xf32>
        tpu.vector_store %arg8[%swap3A_352, %swap3A_353], %swap3A_356 {add = true, strides = array<i32>} : memref<128x768xf32, #tpu.memory_space<vmem>>, vector<1x16xf32>,
        %swap3A_357 = arith.constant 7 : i32
        %swap3A_358 = arith.index_cast %swap3A_357 : i32 to index
        %swap3A_359 = arith.index_cast %mul3A_248 : i32 to index
        %swap3A_360 = tpu.vector_load %arg8[%swap3A_358, %swap3A_359] {strides = array<i32>} : memref<128x768xf32, #tpu.memory_space<vmem>>, vector<1x16xf32>,
        %swap3A_361 = vector.shape_cast %swap3A_360 : vector<1x16xf32> to vector<16xf32>
        %swap3A_362 = vector.shape_cast %get3A_252 : vector<16xf32> to vector<1x16xf32>
        tpu.vector_store %arg8[%swap3A_358, %swap3A_359], %swap3A_362 {add = true, strides = array<i32>} : memref<128x768xf32, #tpu.memory_space<vmem>>, vector<1x16xf32>,
        %add3A_363 = arith.constant 16 : i32
        %add3A_364 = arith.addi %mul3A_248, %add3A_363 : i32
        %swap3A_365 = arith.constant 7 : i32
        %swap3A_366 = arith.index_cast %swap3A_365 : i32 to index
        %swap3A_367 = arith.index_cast %add3A_364 : i32 to index
        %swap3A_368 = tpu.vector_load %arg8[%swap3A_366, %swap3A_367] {strides = array<i32>} : memref<128x768xf32, #tpu.memory_space<vmem>>, vector<1x16xf32>,
        %swap3A_369 = vector.shape_cast %swap3A_368 : vector<1x16xf32> to vector<16xf32>
        %swap3A_370 = vector.shape_cast %get3A_259 : vector<16xf32> to vector<1x16xf32>
        tpu.vector_store %arg8[%swap3A_366, %swap3A_367], %swap3A_370 {add = true, strides = array<i32>} : memref<128x768xf32, #tpu.memory_space<vmem>>, vector<1x16xf32>,
        %swap3A_371 = arith.constant 8 : i32
        %swap3A_372 = arith.index_cast %swap3A_371 : i32 to index
        %swap3A_373 = arith.index_cast %mul3A_248 : i32 to index
        %swap3A_374 = tpu.vector_load %arg8[%swap3A_372, %swap3A_373] {strides = array<i32>} : memref<128x768xf32, #tpu.memory_space<vmem>>, vector<1x16xf32>,
        %swap3A_375 = vector.shape_cast %swap3A_374 : vector<1x16xf32> to vector<16xf32>
        %swap3A_376 = vector.shape_cast %get3A_252 : vector<16xf32> to vector<1x16xf32>
        tpu.vector_store %arg8[%swap3A_372, %swap3A_373], %swap3A_376 {add = true, strides = array<i32>} : memref<128x768xf32, #tpu.memory_space<vmem>>, vector<1x16xf32>,
        %add3A_377 = arith.constant 16 : i32
        %add3A_378 = arith.addi %mul3A_248, %add3A_377 : i32
        %swap3A_379 = arith.constant 8 : i32
        %swap3A_380 = arith.index_cast %swap3A_379 : i32 to index
        %swap3A_381 = arith.index_cast %add3A_378 : i32 to index
        %swap3A_382 = tpu.vector_load %arg8[%swap3A_380, %swap3A_381] {strides = array<i32>} : memref<128x768xf32, #tpu.memory_space<vmem>>, vector<1x16xf32>,
        %swap3A_383 = vector.shape_cast %swap3A_382 : vector<1x16xf32> to vector<16xf32>
        %swap3A_384 = vector.shape_cast %get3A_259 : vector<16xf32> to vector<1x16xf32>
        tpu.vector_store %arg8[%swap3A_380, %swap3A_381], %swap3A_384 {add = true, strides = array<i32>} : memref<128x768xf32, #tpu.memory_space<vmem>>, vector<1x16xf32>,
        %swap3A_385 = arith.constant 9 : i32
        %swap3A_386 = arith.index_cast %swap3A_385 : i32 to index
        %swap3A_387 = arith.index_cast %mul3A_248 : i32 to index
        %swap3A_388 = tpu.vector_load %arg8[%swap3A_386, %swap3A_387] {strides = array<i32>} : memref<128x768xf32, #tpu.memory_space<vmem>>, vector<1x16xf32>,
        %swap3A_389 = vector.shape_cast %swap3A_388 : vector<1x16xf32> to vector<16xf32>
        %swap3A_390 = vector.shape_cast %get3A_252 : vector<16xf32> to vector<1x16xf32>
        tpu.vector_store %arg8[%swap3A_386, %swap3A_387], %swap3A_390 {add = true, strides = array<i32>} : memref<128x768xf32, #tpu.memory_space<vmem>>, vector<1x16xf32>,
        %add3A_391 = arith.constant 16 : i32
        %add3A_392 = arith.addi %mul3A_248, %add3A_391 : i32
        %swap3A_393 = arith.constant 9 : i32
        %swap3A_394 = arith.index_cast %swap3A_393 : i32 to index
        %swap3A_395 = arith.index_cast %add3A_392 : i32 to index
        %swap3A_396 = tpu.vector_load %arg8[%swap3A_394, %swap3A_395] {strides = array<i32>} : memref<128x768xf32, #tpu.memory_space<vmem>>, vector<1x16xf32>,
        %swap3A_397 = vector.shape_cast %swap3A_396 : vector<1x16xf32> to vector<16xf32>
        %swap3A_398 = vector.shape_cast %get3A_259 : vector<16xf32> to vector<1x16xf32>
        tpu.vector_store %arg8[%swap3A_394, %swap3A_395], %swap3A_398 {add = true, strides = array<i32>} : memref<128x768xf32, #tpu.memory_space<vmem>>, vector<1x16xf32>,
        %swap3A_399 = arith.constant 10 : i32
        %swap3A_400 = arith.index_cast %swap3A_399 : i32 to index
        %swap3A_401 = arith.index_cast %mul3A_248 : i32 to index
        %swap3A_402 = tpu.vector_load %arg8[%swap3A_400, %swap3A_401] {strides = array<i32>} : memref<128x768xf32, #tpu.memory_space<vmem>>, vector<1x16xf32>,
        %swap3A_403 = vector.shape_cast %swap3A_402 : vector<1x16xf32> to vector<16xf32>
        %swap3A_404 = vector.shape_cast %get3A_252 : vector<16xf32> to vector<1x16xf32>
        tpu.vector_store %arg8[%swap3A_400, %swap3A_401], %swap3A_404 {add = true, strides = array<i32>} : memref<128x768xf32, #tpu.memory_space<vmem>>, vector<1x16xf32>,
        %add3A_405 = arith.constant 16 : i32
        %add3A_406 = arith.addi %mul3A_248, %add3A_405 : i32
        %swap3A_407 = arith.constant 10 : i32
        %swap3A_408 = arith.index_cast %swap3A_407 : i32 to index
        %swap3A_409 = arith.index_cast %add3A_406 : i32 to index
        %swap3A_410 = tpu.vector_load %arg8[%swap3A_408, %swap3A_409] {strides = array<i32>} : memref<128x768xf32, #tpu.memory_space<vmem>>, vector<1x16xf32>,
        %swap3A_411 = vector.shape_cast %swap3A_410 : vector<1x16xf32> to vector<16xf32>
        %swap3A_412 = vector.shape_cast %get3A_259 : vector<16xf32> to vector<1x16xf32>
        tpu.vector_store %arg8[%swap3A_408, %swap3A_409], %swap3A_412 {add = true, strides = array<i32>} : memref<128x768xf32, #tpu.memory_space<vmem>>, vector<1x16xf32>,
        %swap3A_413 = arith.constant 11 : i32
        %swap3A_414 = arith.index_cast %swap3A_413 : i32 to index
        %swap3A_415 = arith.index_cast %mul3A_248 : i32 to index
        %swap3A_416 = tpu.vector_load %arg8[%swap3A_414, %swap3A_415] {strides = array<i32>} : memref<128x768xf32, #tpu.memory_space<vmem>>, vector<1x16xf32>,
        %swap3A_417 = vector.shape_cast %swap3A_416 : vector<1x16xf32> to vector<16xf32>
        %swap3A_418 = vector.shape_cast %get3A_252 : vector<16xf32> to vector<1x16xf32>
        tpu.vector_store %arg8[%swap3A_414, %swap3A_415], %swap3A_418 {add = true, strides = array<i32>} : memref<128x768xf32, #tpu.memory_space<vmem>>, vector<1x16xf32>,
        %add3A_419 = arith.constant 16 : i32
        %add3A_420 = arith.addi %mul3A_248, %add3A_419 : i32
        %swap3A_421 = arith.constant 11 : i32
        %swap3A_422 = arith.index_cast %swap3A_421 : i32 to index
        %swap3A_423 = arith.index_cast %add3A_420 : i32 to index
        %swap3A_424 = tpu.vector_load %arg8[%swap3A_422, %swap3A_423] {strides = array<i32>} : memref<128x768xf32, #tpu.memory_space<vmem>>, vector<1x16xf32>,
        %swap3A_425 = vector.shape_cast %swap3A_424 : vector<1x16xf32> to vector<16xf32>
        %swap3A_426 = vector.shape_cast %get3A_259 : vector<16xf32> to vector<1x16xf32>
        tpu.vector_store %arg8[%swap3A_422, %swap3A_423], %swap3A_426 {add = true, strides = array<i32>} : memref<128x768xf32, #tpu.memory_space<vmem>>, vector<1x16xf32>,
        %swap3A_427 = arith.constant 12 : i32
        %swap3A_428 = arith.index_cast %swap3A_427 : i32 to index
        %swap3A_429 = arith.index_cast %mul3A_248 : i32 to index
        %swap3A_430 = tpu.vector_load %arg8[%swap3A_428, %swap3A_429] {strides = array<i32>} : memref<128x768xf32, #tpu.memory_space<vmem>>, vector<1x16xf32>,
        %swap3A_431 = vector.shape_cast %swap3A_430 : vector<1x16xf32> to vector<16xf32>
        %swap3A_432 = vector.shape_cast %get3A_252 : vector<16xf32> to vector<1x16xf32>
        tpu.vector_store %arg8[%swap3A_428, %swap3A_429], %swap3A_432 {add = true, strides = array<i32>} : memref<128x768xf32, #tpu.memory_space<vmem>>, vector<1x16xf32>,
        %add3A_433 = arith.constant 16 : i32
        %add3A_434 = arith.addi %mul3A_248, %add3A_433 : i32
        %swap3A_435 = arith.constant 12 : i32
        %swap3A_436 = arith.index_cast %swap3A_435 : i32 to index
        %swap3A_437 = arith.index_cast %add3A_434 : i32 to index
        %swap3A_438 = tpu.vector_load %arg8[%swap3A_436, %swap3A_437] {strides = array<i32>} : memref<128x768xf32, #tpu.memory_space<vmem>>, vector<1x16xf32>,
        %swap3A_439 = vector.shape_cast %swap3A_438 : vector<1x16xf32> to vector<16xf32>
        %swap3A_440 = vector.shape_cast %get3A_259 : vector<16xf32> to vector<1x16xf32>
        tpu.vector_store %arg8[%swap3A_436, %swap3A_437], %swap3A_440 {add = true, strides = array<i32>} : memref<128x768xf32, #tpu.memory_space<vmem>>, vector<1x16xf32>,
        %swap3A_441 = arith.constant 13 : i32
        %swap3A_442 = arith.index_cast %swap3A_441 : i32 to index
        %swap3A_443 = arith.index_cast %mul3A_248 : i32 to index
        %swap3A_444 = tpu.vector_load %arg8[%swap3A_442, %swap3A_443] {strides = array<i32>} : memref<128x768xf32, #tpu.memory_space<vmem>>, vector<1x16xf32>,
        %swap3A_445 = vector.shape_cast %swap3A_444 : vector<1x16xf32> to vector<16xf32>
        %swap3A_446 = vector.shape_cast %get3A_252 : vector<16xf32> to vector<1x16xf32>
        tpu.vector_store %arg8[%swap3A_442, %swap3A_443], %swap3A_446 {add = true, strides = array<i32>} : memref<128x768xf32, #tpu.memory_space<vmem>>, vector<1x16xf32>,
        %add3A_447 = arith.constant 16 : i32
        %add3A_448 = arith.addi %mul3A_248, %add3A_447 : i32
        %swap3A_449 = arith.constant 13 : i32
        %swap3A_450 = arith.index_cast %swap3A_449 : i32 to index
        %swap3A_451 = arith.index_cast %add3A_448 : i32 to index
        %swap3A_452 = tpu.vector_load %arg8[%swap3A_450, %swap3A_451] {strides = array<i32>} : memref<128x768xf32, #tpu.memory_space<vmem>>, vector<1x16xf32>,
        %swap3A_453 = vector.shape_cast %swap3A_452 : vector<1x16xf32> to vector<16xf32>
        %swap3A_454 = vector.shape_cast %get3A_259 : vector<16xf32> to vector<1x16xf32>
        tpu.vector_store %arg8[%swap3A_450, %swap3A_451], %swap3A_454 {add = true, strides = array<i32>} : memref<128x768xf32, #tpu.memory_space<vmem>>, vector<1x16xf32>,
        %swap3A_455 = arith.constant 14 : i32
        %swap3A_456 = arith.index_cast %swap3A_455 : i32 to index
        %swap3A_457 = arith.index_cast %mul3A_248 : i32 to index
        %swap3A_458 = tpu.vector_load %arg8[%swap3A_456, %swap3A_457] {strides = array<i32>} : memref<128x768xf32, #tpu.memory_space<vmem>>, vector<1x16xf32>,
        %swap3A_459 = vector.shape_cast %swap3A_458 : vector<1x16xf32> to vector<16xf32>
        %swap3A_460 = vector.shape_cast %get3A_252 : vector<16xf32> to vector<1x16xf32>
        tpu.vector_store %arg8[%swap3A_456, %swap3A_457], %swap3A_460 {add = true, strides = array<i32>} : memref<128x768xf32, #tpu.memory_space<vmem>>, vector<1x16xf32>,
        %add3A_461 = arith.constant 16 : i32
        %add3A_462 = arith.addi %mul3A_248, %add3A_461 : i32
        %swap3A_463 = arith.constant 14 : i32
        %swap3A_464 = arith.index_cast %swap3A_463 : i32 to index
        %swap3A_465 = arith.index_cast %add3A_462 : i32 to index
        %swap3A_466 = tpu.vector_load %arg8[%swap3A_464, %swap3A_465] {strides = array<i32>} : memref<128x768xf32, #tpu.memory_space<vmem>>, vector<1x16xf32>,
        %swap3A_467 = vector.shape_cast %swap3A_466 : vector<1x16xf32> to vector<16xf32>
        %swap3A_468 = vector.shape_cast %get3A_259 : vector<16xf32> to vector<1x16xf32>
        tpu.vector_store %arg8[%swap3A_464, %swap3A_465], %swap3A_468 {add = true, strides = array<i32>} : memref<128x768xf32, #tpu.memory_space<vmem>>, vector<1x16xf32>,
        %swap3A_469 = arith.constant 15 : i32
        %swap3A_470 = arith.index_cast %swap3A_469 : i32 to index
        %swap3A_471 = arith.index_cast %mul3A_248 : i32 to index
        %swap3A_472 = tpu.vector_load %arg8[%swap3A_470, %swap3A_471] {strides = array<i32>} : memref<128x768xf32, #tpu.memory_space<vmem>>, vector<1x16xf32>,
        %swap3A_473 = vector.shape_cast %swap3A_472 : vector<1x16xf32> to vector<16xf32>
        %swap3A_474 = vector.shape_cast %get3A_252 : vector<16xf32> to vector<1x16xf32>
        tpu.vector_store %arg8[%swap3A_470, %swap3A_471], %swap3A_474 {add = true, strides = array<i32>} : memref<128x768xf32, #tpu.memory_space<vmem>>, vector<1x16xf32>,
        %add3A_475 = arith.constant 16 : i32
        %add3A_476 = arith.addi %mul3A_248, %add3A_475 : i32
        %swap3A_477 = arith.constant 15 : i32
        %swap3A_478 = arith.index_cast %swap3A_477 : i32 to index
        %swap3A_479 = arith.index_cast %add3A_476 : i32 to index
        %swap3A_480 = tpu.vector_load %arg8[%swap3A_478, %swap3A_479] {strides = array<i32>} : memref<128x768xf32, #tpu.memory_space<vmem>>, vector<1x16xf32>,
        %swap3A_481 = vector.shape_cast %swap3A_480 : vector<1x16xf32> to vector<16xf32>
        %swap3A_482 = vector.shape_cast %get3A_259 : vector<16xf32> to vector<1x16xf32>
        tpu.vector_store %arg8[%swap3A_478, %swap3A_479], %swap3A_482 {add = true, strides = array<i32>} : memref<128x768xf32, #tpu.memory_space<vmem>>, vector<1x16xf32>,
        %swap3A_483 = arith.constant 16 : i32
        %swap3A_484 = arith.index_cast %swap3A_483 : i32 to index
        %swap3A_485 = arith.index_cast %mul3A_248 : i32 to index
        %swap3A_486 = tpu.vector_load %arg8[%swap3A_484, %swap3A_485] {strides = array<i32>} : memref<128x768xf32, #tpu.memory_space<vmem>>, vector<1x16xf32>,
        %swap3A_487 = vector.shape_cast %swap3A_486 : vector<1x16xf32> to vector<16xf32>
        %swap3A_488 = vector.shape_cast %get3A_252 : vector<16xf32> to vector<1x16xf32>
        tpu.vector_store %arg8[%swap3A_484, %swap3A_485], %swap3A_488 {add = true, strides = array<i32>} : memref<128x768xf32, #tpu.memory_space<vmem>>, vector<1x16xf32>,
        %add3A_489 = arith.constant 16 : i32
        %add3A_490 = arith.addi %mul3A_248, %add3A_489 : i32
        %swap3A_491 = arith.constant 16 : i32
        %swap3A_492 = arith.index_cast %swap3A_491 : i32 to index
        %swap3A_493 = arith.index_cast %add3A_490 : i32 to index
        %swap3A_494 = tpu.vector_load %arg8[%swap3A_492, %swap3A_493] {strides = array<i32>} : memref<128x768xf32, #tpu.memory_space<vmem>>, vector<1x16xf32>,
        %swap3A_495 = vector.shape_cast %swap3A_494 : vector<1x16xf32> to vector<16xf32>
        %swap3A_496 = vector.shape_cast %get3A_259 : vector<16xf32> to vector<1x16xf32>
        tpu.vector_store %arg8[%swap3A_492, %swap3A_493], %swap3A_496 {add = true, strides = array<i32>} : memref<128x768xf32, #tpu.memory_space<vmem>>, vector<1x16xf32>,
        %swap3A_497 = arith.constant 17 : i32
        %swap3A_498 = arith.index_cast %swap3A_497 : i32 to index
        %swap3A_499 = arith.index_cast %mul3A_248 : i32 to index
        %swap3A_500 = tpu.vector_load %arg8[%swap3A_498, %swap3A_499] {strides = array<i32>} : memref<128x768xf32, #tpu.memory_space<vmem>>, vector<1x16xf32>,
        %swap3A_501 = vector.shape_cast %swap3A_500 : vector<1x16xf32> to vector<16xf32>
        %swap3A_502 = vector.shape_cast %get3A_252 : vector<16xf32> to vector<1x16xf32>
        tpu.vector_store %arg8[%swap3A_498, %swap3A_499], %swap3A_502 {add = true, strides = array<i32>} : memref<128x768xf32, #tpu.memory_space<vmem>>, vector<1x16xf32>,
        %add3A_503 = arith.constant 16 : i32
        %add3A_504 = arith.addi %mul3A_248, %add3A_503 : i32
        %swap3A_505 = arith.constant 17 : i32
        %swap3A_506 = arith.index_cast %swap3A_505 : i32 to index
        %swap3A_507 = arith.index_cast %add3A_504 : i32 to index
        %swap3A_508 = tpu.vector_load %arg8[%swap3A_506, %swap3A_507] {strides = array<i32>} : memref<128x768xf32, #tpu.memory_space<vmem>>, vector<1x16xf32>,
        %swap3A_509 = vector.shape_cast %swap3A_508 : vector<1x16xf32> to vector<16xf32>
        %swap3A_510 = vector.shape_cast %get3A_259 : vector<16xf32> to vector<1x16xf32>
        tpu.vector_store %arg8[%swap3A_506, %swap3A_507], %swap3A_510 {add = true, strides = array<i32>} : memref<128x768xf32, #tpu.memory_space<vmem>>, vector<1x16xf32>,
        %swap3A_511 = arith.constant 18 : i32
        %swap3A_512 = arith.index_cast %swap3A_511 : i32 to index
        %swap3A_513 = arith.index_cast %mul3A_248 : i32 to index
        %swap3A_514 = tpu.vector_load %arg8[%swap3A_512, %swap3A_513] {strides = array<i32>} : memref<128x768xf32, #tpu.memory_space<vmem>>, vector<1x16xf32>,
        %swap3A_515 = vector.shape_cast %swap3A_514 : vector<1x16xf32> to vector<16xf32>
        %swap3A_516 = vector.shape_cast %get3A_252 : vector<16xf32> to vector<1x16xf32>
        tpu.vector_store %arg8[%swap3A_512, %swap3A_513], %swap3A_516 {add = true, strides = array<i32>} : memref<128x768xf32, #tpu.memory_space<vmem>>, vector<1x16xf32>,
        %add3A_517 = arith.constant 16 : i32
        %add3A_518 = arith.addi %mul3A_248, %add3A_517 : i32
        %swap3A_519 = arith.constant 18 : i32
        %swap3A_520 = arith.index_cast %swap3A_519 : i32 to index
        %swap3A_521 = arith.index_cast %add3A_518 : i32 to index
        %swap3A_522 = tpu.vector_load %arg8[%swap3A_520, %swap3A_521] {strides = array<i32>} : memref<128x768xf32, #tpu.memory_space<vmem>>, vector<1x16xf32>,
        %swap3A_523 = vector.shape_cast %swap3A_522 : vector<1x16xf32> to vector<16xf32>
        %swap3A_524 = vector.shape_cast %get3A_259 : vector<16xf32> to vector<1x16xf32>
        tpu.vector_store %arg8[%swap3A_520, %swap3A_521], %swap3A_524 {add = true, strides = array<i32>} : memref<128x768xf32, #tpu.memory_space<vmem>>, vector<1x16xf32>,
        %swap3A_525 = arith.constant 19 : i32
        %swap3A_526 = arith.index_cast %swap3A_525 : i32 to index
        %swap3A_527 = arith.index_cast %mul3A_248 : i32 to index
        %swap3A_528 = tpu.vector_load %arg8[%swap3A_526, %swap3A_527] {strides = array<i32>} : memref<128x768xf32, #tpu.memory_space<vmem>>, vector<1x16xf32>,
        %swap3A_529 = vector.shape_cast %swap3A_528 : vector<1x16xf32> to vector<16xf32>
        %swap3A_530 = vector.shape_cast %get3A_252 : vector<16xf32> to vector<1x16xf32>
        tpu.vector_store %arg8[%swap3A_526, %swap3A_527], %swap3A_530 {add = true, strides = array<i32>} : memref<128x768xf32, #tpu.memory_space<vmem>>, vector<1x16xf32>,
        %add3A_531 = arith.constant 16 : i32
        %add3A_532 = arith.addi %mul3A_248, %add3A_531 : i32
        %swap3A_533 = arith.constant 19 : i32
        %swap3A_534 = arith.index_cast %swap3A_533 : i32 to index
        %swap3A_535 = arith.index_cast %add3A_532 : i32 to index
        %swap3A_536 = tpu.vector_load %arg8[%swap3A_534, %swap3A_535] {strides = array<i32>} : memref<128x768xf32, #tpu.memory_space<vmem>>, vector<1x16xf32>,
        %swap3A_537 = vector.shape_cast %swap3A_536 : vector<1x16xf32> to vector<16xf32>
        %swap3A_538 = vector.shape_cast %get3A_259 : vector<16xf32> to vector<1x16xf32>
        tpu.vector_store %arg8[%swap3A_534, %swap3A_535], %swap3A_538 {add = true, strides = array<i32>} : memref<128x768xf32, #tpu.memory_space<vmem>>, vector<1x16xf32>,
        %swap3A_539 = arith.constant 20 : i32
        %swap3A_540 = arith.index_cast %swap3A_539 : i32 to index
        %swap3A_541 = arith.index_cast %mul3A_248 : i32 to index
        %swap3A_542 = tpu.vector_load %arg8[%swap3A_540, %swap3A_541] {strides = array<i32>} : memref<128x768xf32, #tpu.memory_space<vmem>>, vector<1x16xf32>,
        %swap3A_543 = vector.shape_cast %swap3A_542 : vector<1x16xf32> to vector<16xf32>
        %swap3A_544 = vector.shape_cast %get3A_252 : vector<16xf32> to vector<1x16xf32>
        tpu.vector_store %arg8[%swap3A_540, %swap3A_541], %swap3A_544 {add = true, strides = array<i32>} : memref<128x768xf32, #tpu.memory_space<vmem>>, vector<1x16xf32>,
        %add3A_545 = arith.constant 16 : i32
        %add3A_546 = arith.addi %mul3A_248, %add3A_545 : i32
        %swap3A_547 = arith.constant 20 : i32
        %swap3A_548 = arith.index_cast %swap3A_547 : i32 to index
        %swap3A_549 = arith.index_cast %add3A_546 : i32 to index
        %swap3A_550 = tpu.vector_load %arg8[%swap3A_548, %swap3A_549] {strides = array<i32>} : memref<128x768xf32, #tpu.memory_space<vmem>>, vector<1x16xf32>,
        %swap3A_551 = vector.shape_cast %swap3A_550 : vector<1x16xf32> to vector<16xf32>
        %swap3A_552 = vector.shape_cast %get3A_259 : vector<16xf32> to vector<1x16xf32>
        tpu.vector_store %arg8[%swap3A_548, %swap3A_549], %swap3A_552 {add = true, strides = array<i32>} : memref<128x768xf32, #tpu.memory_space<vmem>>, vector<1x16xf32>,
        %swap3A_553 = arith.constant 21 : i32
        %swap3A_554 = arith.index_cast %swap3A_553 : i32 to index
        %swap3A_555 = arith.index_cast %mul3A_248 : i32 to index
        %swap3A_556 = tpu.vector_load %arg8[%swap3A_554, %swap3A_555] {strides = array<i32>} : memref<128x768xf32, #tpu.memory_space<vmem>>, vector<1x16xf32>,
        %swap3A_557 = vector.shape_cast %swap3A_556 : vector<1x16xf32> to vector<16xf32>
        %swap3A_558 = vector.shape_cast %get3A_252 : vector<16xf32> to vector<1x16xf32>
        tpu.vector_store %arg8[%swap3A_554, %swap3A_555], %swap3A_558 {add = true, strides = array<i32>} : memref<128x768xf32, #tpu.memory_space<vmem>>, vector<1x16xf32>,
        %add3A_559 = arith.constant 16 : i32
        %add3A_560 = arith.addi %mul3A_248, %add3A_559 : i32
        %swap3A_561 = arith.constant 21 : i32
        %swap3A_562 = arith.index_cast %swap3A_561 : i32 to index
        %swap3A_563 = arith.index_cast %add3A_560 : i32 to index
        %swap3A_564 = tpu.vector_load %arg8[%swap3A_562, %swap3A_563] {strides = array<i32>} : memref<128x768xf32, #tpu.memory_space<vmem>>, vector<1x16xf32>,
        %swap3A_565 = vector.shape_cast %swap3A_564 : vector<1x16xf32> to vector<16xf32>
        %swap3A_566 = vector.shape_cast %get3A_259 : vector<16xf32> to vector<1x16xf32>
        tpu.vector_store %arg8[%swap3A_562, %swap3A_563], %swap3A_566 {add = true, strides = array<i32>} : memref<128x768xf32, #tpu.memory_space<vmem>>, vector<1x16xf32>,
        %swap3A_567 = arith.constant 22 : i32
        %swap3A_568 = arith.index_cast %swap3A_567 : i32 to index
        %swap3A_569 = arith.index_cast %mul3A_248 : i32 to index
        %swap3A_570 = tpu.vector_load %arg8[%swap3A_568, %swap3A_569] {strides = array<i32>} : memref<128x768xf32, #tpu.memory_space<vmem>>, vector<1x16xf32>,
        %swap3A_571 = vector.shape_cast %swap3A_570 : vector<1x16xf32> to vector<16xf32>
        %swap3A_572 = vector.shape_cast %get3A_252 : vector<16xf32> to vector<1x16xf32>
        tpu.vector_store %arg8[%swap3A_568, %swap3A_569], %swap3A_572 {add = true, strides = array<i32>} : memref<128x768xf32, #tpu.memory_space<vmem>>, vector<1x16xf32>,
        %add3A_573 = arith.constant 16 : i32
        %add3A_574 = arith.addi %mul3A_248, %add3A_573 : i32
        %swap3A_575 = arith.constant 22 : i32
        %swap3A_576 = arith.index_cast %swap3A_575 : i32 to index
        %swap3A_577 = arith.index_cast %add3A_574 : i32 to index
        %swap3A_578 = tpu.vector_load %arg8[%swap3A_576, %swap3A_577] {strides = array<i32>} : memref<128x768xf32, #tpu.memory_space<vmem>>, vector<1x16xf32>,
        %swap3A_579 = vector.shape_cast %swap3A_578 : vector<1x16xf32> to vector<16xf32>
        %swap3A_580 = vector.shape_cast %get3A_259 : vector<16xf32> to vector<1x16xf32>
        tpu.vector_store %arg8[%swap3A_576, %swap3A_577], %swap3A_580 {add = true, strides = array<i32>} : memref<128x768xf32, #tpu.memory_space<vmem>>, vector<1x16xf32>,
        %swap3A_581 = arith.constant 23 : i32
        %swap3A_582 = arith.index_cast %swap3A_581 : i32 to index
        %swap3A_583 = arith.index_cast %mul3A_248 : i32 to index
        %swap3A_584 = tpu.vector_load %arg8[%swap3A_582, %swap3A_583] {strides = array<i32>} : memref<128x768xf32, #tpu.memory_space<vmem>>, vector<1x16xf32>,
        %swap3A_585 = vector.shape_cast %swap3A_584 : vector<1x16xf32> to vector<16xf32>
        %swap3A_586 = vector.shape_cast %get3A_252 : vector<16xf32> to vector<1x16xf32>
        tpu.vector_store %arg8[%swap3A_582, %swap3A_583], %swap3A_586 {add = true, strides = array<i32>} : memref<128x768xf32, #tpu.memory_space<vmem>>, vector<1x16xf32>,
        %add3A_587 = arith.constant 16 : i32
        %add3A_588 = arith.addi %mul3A_248, %add3A_587 : i32
        %swap3A_589 = arith.constant 23 : i32
        %swap3A_590 = arith.index_cast %swap3A_589 : i32 to index
        %swap3A_591 = arith.index_cast %add3A_588 : i32 to index
        %swap3A_592 = tpu.vector_load %arg8[%swap3A_590, %swap3A_591] {strides = array<i32>} : memref<128x768xf32, #tpu.memory_space<vmem>>, vector<1x16xf32>,
        %swap3A_593 = vector.shape_cast %swap3A_592 : vector<1x16xf32> to vector<16xf32>
        %swap3A_594 = vector.shape_cast %get3A_259 : vector<16xf32> to vector<1x16xf32>
        tpu.vector_store %arg8[%swap3A_590, %swap3A_591], %swap3A_594 {add = true, strides = array<i32>} : memref<128x768xf32, #tpu.memory_space<vmem>>, vector<1x16xf32>,
        %swap3A_595 = arith.constant 24 : i32
        %swap3A_596 = arith.index_cast %swap3A_595 : i32 to index
        %swap3A_597 = arith.index_cast %mul3A_248 : i32 to index
        %swap3A_598 = tpu.vector_load %arg8[%swap3A_596, %swap3A_597] {strides = array<i32>} : memref<128x768xf32, #tpu.memory_space<vmem>>, vector<1x16xf32>,
        %swap3A_599 = vector.shape_cast %swap3A_598 : vector<1x16xf32> to vector<16xf32>
        %swap3A_600 = vector.shape_cast %get3A_252 : vector<16xf32> to vector<1x16xf32>
        tpu.vector_store %arg8[%swap3A_596, %swap3A_597], %swap3A_600 {add = true, strides = array<i32>} : memref<128x768xf32, #tpu.memory_space<vmem>>, vector<1x16xf32>,
        %add3A_601 = arith.constant 16 : i32
        %add3A_602 = arith.addi %mul3A_248, %add3A_601 : i32
        %swap3A_603 = arith.constant 24 : i32
        %swap3A_604 = arith.index_cast %swap3A_603 : i32 to index
        %swap3A_605 = arith.index_cast %add3A_602 : i32 to index
        %swap3A_606 = tpu.vector_load %arg8[%swap3A_604, %swap3A_605] {strides = array<i32>} : memref<128x768xf32, #tpu.memory_space<vmem>>, vector<1x16xf32>,
        %swap3A_607 = vector.shape_cast %swap3A_606 : vector<1x16xf32> to vector<16xf32>
        %swap3A_608 = vector.shape_cast %get3A_259 : vector<16xf32> to vector<1x16xf32>
        tpu.vector_store %arg8[%swap3A_604, %swap3A_605], %swap3A_608 {add = true, strides = array<i32>} : memref<128x768xf32, #tpu.memory_space<vmem>>, vector<1x16xf32>,
        %swap3A_609 = arith.constant 25 : i32
        %swap3A_610 = arith.index_cast %swap3A_609 : i32 to index
        %swap3A_611 = arith.index_cast %mul3A_248 : i32 to index
        %swap3A_612 = tpu.vector_load %arg8[%swap3A_610, %swap3A_611] {strides = array<i32>} : memref<128x768xf32, #tpu.memory_space<vmem>>, vector<1x16xf32>,
        %swap3A_613 = vector.shape_cast %swap3A_612 : vector<1x16xf32> to vector<16xf32>
        %swap3A_614 = vector.shape_cast %get3A_252 : vector<16xf32> to vector<1x16xf32>
        tpu.vector_store %arg8[%swap3A_610, %swap3A_611], %swap3A_614 {add = true, strides = array<i32>} : memref<128x768xf32, #tpu.memory_space<vmem>>, vector<1x16xf32>,
        %add3A_615 = arith.constant 16 : i32
        %add3A_616 = arith.addi %mul3A_248, %add3A_615 : i32
        %swap3A_617 = arith.constant 25 : i32
        %swap3A_618 = arith.index_cast %swap3A_617 : i32 to index
        %swap3A_619 = arith.index_cast %add3A_616 : i32 to index
        %swap3A_620 = tpu.vector_load %arg8[%swap3A_618, %swap3A_619] {strides = array<i32>} : memref<128x768xf32, #tpu.memory_space<vmem>>, vector<1x16xf32>,
        %swap3A_621 = vector.shape_cast %swap3A_620 : vector<1x16xf32> to vector<16xf32>
        %swap3A_622 = vector.shape_cast %get3A_259 : vector<16xf32> to vector<1x16xf32>
        tpu.vector_store %arg8[%swap3A_618, %swap3A_619], %swap3A_622 {add = true, strides = array<i32>} : memref<128x768xf32, #tpu.memory_space<vmem>>, vector<1x16xf32>,
        %swap3A_623 = arith.constant 26 : i32
        %swap3A_624 = arith.index_cast %swap3A_623 : i32 to index
        %swap3A_625 = arith.index_cast %mul3A_248 : i32 to index
        %swap3A_626 = tpu.vector_load %arg8[%swap3A_624, %swap3A_625] {strides = array<i32>} : memref<128x768xf32, #tpu.memory_space<vmem>>, vector<1x16xf32>,
        %swap3A_627 = vector.shape_cast %swap3A_626 : vector<1x16xf32> to vector<16xf32>
        %swap3A_628 = vector.shape_cast %get3A_252 : vector<16xf32> to vector<1x16xf32>
        tpu.vector_store %arg8[%swap3A_624, %swap3A_625], %swap3A_628 {add = true, strides = array<i32>} : memref<128x768xf32, #tpu.memory_space<vmem>>, vector<1x16xf32>,
        %add3A_629 = arith.constant 16 : i32
        %add3A_630 = arith.addi %mul3A_248, %add3A_629 : i32
        %swap3A_631 = arith.constant 26 : i32
        %swap3A_632 = arith.index_cast %swap3A_631 : i32 to index
        %swap3A_633 = arith.index_cast %add3A_630 : i32 to index
        %swap3A_634 = tpu.vector_load %arg8[%swap3A_632, %swap3A_633] {strides = array<i32>} : memref<128x768xf32, #tpu.memory_space<vmem>>, vector<1x16xf32>,
        %swap3A_635 = vector.shape_cast %swap3A_634 : vector<1x16xf32> to vector<16xf32>
        %swap3A_636 = vector.shape_cast %get3A_259 : vector<16xf32> to vector<1x16xf32>
        tpu.vector_store %arg8[%swap3A_632, %swap3A_633], %swap3A_636 {add = true, strides = array<i32>} : memref<128x768xf32, #tpu.memory_space<vmem>>, vector<1x16xf32>,
        %swap3A_637 = arith.constant 27 : i32
        %swap3A_638 = arith.index_cast %swap3A_637 : i32 to index
        %swap3A_639 = arith.index_cast %mul3A_248 : i32 to index
        %swap3A_640 = tpu.vector_load %arg8[%swap3A_638, %swap3A_639] {strides = array<i32>} : memref<128x768xf32, #tpu.memory_space<vmem>>, vector<1x16xf32>,
        %swap3A_641 = vector.shape_cast %swap3A_640 : vector<1x16xf32> to vector<16xf32>
        %swap3A_642 = vector.shape_cast %get3A_252 : vector<16xf32> to vector<1x16xf32>
        tpu.vector_store %arg8[%swap3A_638, %swap3A_639], %swap3A_642 {add = true, strides = array<i32>} : memref<128x768xf32, #tpu.memory_space<vmem>>, vector<1x16xf32>,
        %add3A_643 = arith.constant 16 : i32
        %add3A_644 = arith.addi %mul3A_248, %add3A_643 : i32
        %swap3A_645 = arith.constant 27 : i32
        %swap3A_646 = arith.index_cast %swap3A_645 : i32 to index
        %swap3A_647 = arith.index_cast %add3A_644 : i32 to index
        %swap3A_648 = tpu.vector_load %arg8[%swap3A_646, %swap3A_647] {strides = array<i32>} : memref<128x768xf32, #tpu.memory_space<vmem>>, vector<1x16xf32>,
        %swap3A_649 = vector.shape_cast %swap3A_648 : vector<1x16xf32> to vector<16xf32>
        %swap3A_650 = vector.shape_cast %get3A_259 : vector<16xf32> to vector<1x16xf32>
        tpu.vector_store %arg8[%swap3A_646, %swap3A_647], %swap3A_650 {add = true, strides = array<i32>} : memref<128x768xf32, #tpu.memory_space<vmem>>, vector<1x16xf32>,
        %swap3A_651 = arith.constant 28 : i32
        %swap3A_652 = arith.index_cast %swap3A_651 : i32 to index
        %swap3A_653 = arith.index_cast %mul3A_248 : i32 to index
        %swap3A_654 = tpu.vector_load %arg8[%swap3A_652, %swap3A_653] {strides = array<i32>} : memref<128x768xf32, #tpu.memory_space<vmem>>, vector<1x16xf32>,
        %swap3A_655 = vector.shape_cast %swap3A_654 : vector<1x16xf32> to vector<16xf32>
        %swap3A_656 = vector.shape_cast %get3A_252 : vector<16xf32> to vector<1x16xf32>
        tpu.vector_store %arg8[%swap3A_652, %swap3A_653], %swap3A_656 {add = true, strides = array<i32>} : memref<128x768xf32, #tpu.memory_space<vmem>>, vector<1x16xf32>,
        %add3A_657 = arith.constant 16 : i32
        %add3A_658 = arith.addi %mul3A_248, %add3A_657 : i32
        %swap3A_659 = arith.constant 28 : i32
        %swap3A_660 = arith.index_cast %swap3A_659 : i32 to index
        %swap3A_661 = arith.index_cast %add3A_658 : i32 to index
        %swap3A_662 = tpu.vector_load %arg8[%swap3A_660, %swap3A_661] {strides = array<i32>} : memref<128x768xf32, #tpu.memory_space<vmem>>, vector<1x16xf32>,
        %swap3A_663 = vector.shape_cast %swap3A_662 : vector<1x16xf32> to vector<16xf32>
        %swap3A_664 = vector.shape_cast %get3A_259 : vector<16xf32> to vector<1x16xf32>
        tpu.vector_store %arg8[%swap3A_660, %swap3A_661], %swap3A_664 {add = true, strides = array<i32>} : memref<128x768xf32, #tpu.memory_space<vmem>>, vector<1x16xf32>,
        %swap3A_665 = arith.constant 29 : i32
        %swap3A_666 = arith.index_cast %swap3A_665 : i32 to index
        %swap3A_667 = arith.index_cast %mul3A_248 : i32 to index
        %swap3A_668 = tpu.vector_load %arg8[%swap3A_666, %swap3A_667] {strides = array<i32>} : memref<128x768xf32, #tpu.memory_space<vmem>>, vector<1x16xf32>,
        %swap3A_669 = vector.shape_cast %swap3A_668 : vector<1x16xf32> to vector<16xf32>
        %swap3A_670 = vector.shape_cast %get3A_252 : vector<16xf32> to vector<1x16xf32>
        tpu.vector_store %arg8[%swap3A_666, %swap3A_667], %swap3A_670 {add = true, strides = array<i32>} : memref<128x768xf32, #tpu.memory_space<vmem>>, vector<1x16xf32>,
        %add3A_671 = arith.constant 16 : i32
        %add3A_672 = arith.addi %mul3A_248, %add3A_671 : i32
        %swap3A_673 = arith.constant 29 : i32
        %swap3A_674 = arith.index_cast %swap3A_673 : i32 to index
        %swap3A_675 = arith.index_cast %add3A_672 : i32 to index
        %swap3A_676 = tpu.vector_load %arg8[%swap3A_674, %swap3A_675] {strides = array<i32>} : memref<128x768xf32, #tpu.memory_space<vmem>>, vector<1x16xf32>,
        %swap3A_677 = vector.shape_cast %swap3A_676 : vector<1x16xf32> to vector<16xf32>
        %swap3A_678 = vector.shape_cast %get3A_259 : vector<16xf32> to vector<1x16xf32>
        tpu.vector_store %arg8[%swap3A_674, %swap3A_675], %swap3A_678 {add = true, strides = array<i32>} : memref<128x768xf32, #tpu.memory_space<vmem>>, vector<1x16xf32>,
        %swap3A_679 = arith.constant 30 : i32
        %swap3A_680 = arith.index_cast %swap3A_679 : i32 to index
        %swap3A_681 = arith.index_cast %mul3A_248 : i32 to index
        %swap3A_682 = tpu.vector_load %arg8[%swap3A_680, %swap3A_681] {strides = array<i32>} : memref<128x768xf32, #tpu.memory_space<vmem>>, vector<1x16xf32>,
        %swap3A_683 = vector.shape_cast %swap3A_682 : vector<1x16xf32> to vector<16xf32>
        %swap3A_684 = vector.shape_cast %get3A_252 : vector<16xf32> to vector<1x16xf32>
        tpu.vector_store %arg8[%swap3A_680, %swap3A_681], %swap3A_684 {add = true, strides = array<i32>} : memref<128x768xf32, #tpu.memory_space<vmem>>, vector<1x16xf32>,
        %add3A_685 = arith.constant 16 : i32
        %add3A_686 = arith.addi %mul3A_248, %add3A_685 : i32
        %swap3A_687 = arith.constant 30 : i32
        %swap3A_688 = arith.index_cast %swap3A_687 : i32 to index
        %swap3A_689 = arith.index_cast %add3A_686 : i32 to index
        %swap3A_690 = tpu.vector_load %arg8[%swap3A_688, %swap3A_689] {strides = array<i32>} : memref<128x768xf32, #tpu.memory_space<vmem>>, vector<1x16xf32>,
        %swap3A_691 = vector.shape_cast %swap3A_690 : vector<1x16xf32> to vector<16xf32>
        %swap3A_692 = vector.shape_cast %get3A_259 : vector<16xf32> to vector<1x16xf32>
        tpu.vector_store %arg8[%swap3A_688, %swap3A_689], %swap3A_692 {add = true, strides = array<i32>} : memref<128x768xf32, #tpu.memory_space<vmem>>, vector<1x16xf32>,
        %swap3A_693 = arith.constant 31 : i32
        %swap3A_694 = arith.index_cast %swap3A_693 : i32 to index
        %swap3A_695 = arith.index_cast %mul3A_248 : i32 to index
        %swap3A_696 = tpu.vector_load %arg8[%swap3A_694, %swap3A_695] {strides = array<i32>} : memref<128x768xf32, #tpu.memory_space<vmem>>, vector<1x16xf32>,
        %swap3A_697 = vector.shape_cast %swap3A_696 : vector<1x16xf32> to vector<16xf32>
        %swap3A_698 = vector.shape_cast %get3A_252 : vector<16xf32> to vector<1x16xf32>
        tpu.vector_store %arg8[%swap3A_694, %swap3A_695], %swap3A_698 {add = true, strides = array<i32>} : memref<128x768xf32, #tpu.memory_space<vmem>>, vector<1x16xf32>,
        %add3A_699 = arith.constant 16 : i32
        %add3A_700 = arith.addi %mul3A_248, %add3A_699 : i32
        %swap3A_701 = arith.constant 31 : i32
        %swap3A_702 = arith.index_cast %swap3A_701 : i32 to index
        %swap3A_703 = arith.index_cast %add3A_700 : i32 to index
        %swap3A_704 = tpu.vector_load %arg8[%swap3A_702, %swap3A_703] {strides = array<i32>} : memref<128x768xf32, #tpu.memory_space<vmem>>, vector<1x16xf32>,
        %swap3A_705 = vector.shape_cast %swap3A_704 : vector<1x16xf32> to vector<16xf32>
        %swap3A_706 = vector.shape_cast %get3A_259 : vector<16xf32> to vector<1x16xf32>
        tpu.vector_store %arg8[%swap3A_702, %swap3A_703], %swap3A_706 {add = true, strides = array<i32>} : memref<128x768xf32, #tpu.memory_space<vmem>>, vector<1x16xf32>,
      }
      %scan3A_134 = arith.constant 24 : i32
      %mul3A_135 = arith.constant 2 : i32
      %mul3A_136 = arith.muli %mul3A_135, %mul3A_104 : i32
      %add3A_137 = arith.constant 0 : i32
      %add3A_138 = arith.addi %mul3A_136, %add3A_137 : i32
      %mul3A_139 = arith.constant 1024 : i32
      %mul3A_140 = arith.muli %add3A_138, %mul3A_139 : i32
      %add3A_141 = arith.addi %mul3A_140, %mul3A_2 : i32
      %dma_start3A_142 = arith.constant 0 : i32
      %dma_start3A_143 = arith.constant 0 : i32
      %dma_start3A_144 = tpu.memref_slice %arg8[%dma_start3A_142, %dma_start3A_143] : memref<128x768xf32, #tpu.memory_space<vmem>> -> memref<32x768xf32, #tpu.memory_space<vmem>>
      %dma_start3A_145 = arith.constant 0 : i32
      %dma_start3A_146 = tpu.memref_slice %arg5[%add3A_141, %dma_start3A_145] : memref<78848x768xf32, #tpu.memory_space<hbm>> -> memref<32x768xf32, #tpu.memory_space<hbm>>
      %dma_start3A_147 = arith.constant 0 : i32
      %dma_start3A_148 = tpu.memref_slice %arg5[%add3A_141, %dma_start3A_147] : memref<78848x768xf32, #tpu.memory_space<hbm>> -> memref<32x768xf32, #tpu.memory_space<hbm>>
      %dma_start3A_149 = arith.constant 0 : i32
      %dma_start3A_150 = arith.constant 0 : i32
      %dma_start3A_151 = tpu.memref_slice %arg8[%dma_start3A_149, %dma_start3A_150] : memref<128x768xf32, #tpu.memory_space<vmem>> -> memref<32x768xf32, #tpu.memory_space<vmem>>
      tpu.enqueue_dma source(%dma_start3A_151 : memref<32x768xf32, #tpu.memory_space<vmem>>) target(%dma_start3A_148 : memref<32x768xf32, #tpu.memory_space<hbm>>) target_semaphore(%arg12 : memref<!tpu.dma_semaphore, #tpu.memory_space<semaphore_mem>>)
      %scan3A_152 = arith.constant 0 : i32
      %scan3A_153 = arith.constant 0 : i32
      %scan3A_154 = arith.constant 24 : i32
      %scan3A_155 = arith.addi %scan3A_153, %scan3A_154 : i32
      %scan3A_156 = arith.constant 1 : i32
      scf.for %scan3A_244 = %scan3A_153 to %scan3A_155 step %scan3A_156  : i32 {
        %mul3A_245 = arith.constant 2 : i32
        %mul3A_246 = arith.muli %scan3A_244, %mul3A_245 : i32
        %mul3A_247 = arith.constant 16 : i32
        %mul3A_248 = arith.muli %mul3A_246, %mul3A_247 : i32
        %add3A_249 = arith.constant 768 : i32
        %add3A_250 = arith.addi %add3A_249, %mul3A_248 : i32
        %get3A = arith.index_cast %add3A_250 : i32 to index
        %get3A_251 = tpu.vector_load %arg7[%get3A] {strides = array<i32>} : memref<1536xf32, #tpu.memory_space<vmem>>, vector<16xf32>,
        %get3A_252 = vector.shape_cast %get3A_251 : vector<16xf32> to vector<16xf32>
        %add3A_253 = arith.constant 768 : i32
        %add3A_254 = arith.addi %add3A_253, %mul3A_248 : i32
        %add3A_255 = arith.constant 16 : i32
        %add3A_256 = arith.addi %add3A_254, %add3A_255 : i32
        %get3A_257 = arith.index_cast %add3A_256 : i32 to index
        %get3A_258 = tpu.vector_load %arg7[%get3A_257] {strides = array<i32>} : memref<1536xf32, #tpu.memory_space<vmem>>, vector<16xf32>,
        %get3A_259 = vector.shape_cast %get3A_258 : vector<16xf32> to vector<16xf32>
        %swap3A = arith.constant 32 : i32
        %swap3A_260 = arith.index_cast %swap3A : i32 to index
        %swap3A_261 = arith.index_cast %mul3A_248 : i32 to index
        %swap3A_262 = tpu.vector_load %arg8[%swap3A_260, %swap3A_261] {strides = array<i32>} : memref<128x768xf32, #tpu.memory_space<vmem>>, vector<1x16xf32>,
        %swap3A_263 = vector.shape_cast %swap3A_262 : vector<1x16xf32> to vector<16xf32>
        %swap3A_264 = vector.shape_cast %get3A_252 : vector<16xf32> to vector<1x16xf32>
        tpu.vector_store %arg8[%swap3A_260, %swap3A_261], %swap3A_264 {add = true, strides = array<i32>} : memref<128x768xf32, #tpu.memory_space<vmem>>, vector<1x16xf32>,
        %add3A_265 = arith.constant 16 : i32
        %add3A_266 = arith.addi %mul3A_248, %add3A_265 : i32
        %swap3A_267 = arith.constant 32 : i32
        %swap3A_268 = arith.index_cast %swap3A_267 : i32 to index
        %swap3A_269 = arith.index_cast %add3A_266 : i32 to index
        %swap3A_270 = tpu.vector_load %arg8[%swap3A_268, %swap3A_269] {strides = array<i32>} : memref<128x768xf32, #tpu.memory_space<vmem>>, vector<1x16xf32>,
        %swap3A_271 = vector.shape_cast %swap3A_270 : vector<1x16xf32> to vector<16xf32>
        %swap3A_272 = vector.shape_cast %get3A_259 : vector<16xf32> to vector<1x16xf32>
        tpu.vector_store %arg8[%swap3A_268, %swap3A_269], %swap3A_272 {add = true, strides = array<i32>} : memref<128x768xf32, #tpu.memory_space<vmem>>, vector<1x16xf32>,
        %swap3A_273 = arith.constant 33 : i32
        %swap3A_274 = arith.index_cast %swap3A_273 : i32 to index
        %swap3A_275 = arith.index_cast %mul3A_248 : i32 to index
        %swap3A_276 = tpu.vector_load %arg8[%swap3A_274, %swap3A_275] {strides = array<i32>} : memref<128x768xf32, #tpu.memory_space<vmem>>, vector<1x16xf32>,
        %swap3A_277 = vector.shape_cast %swap3A_276 : vector<1x16xf32> to vector<16xf32>
        %swap3A_278 = vector.shape_cast %get3A_252 : vector<16xf32> to vector<1x16xf32>
        tpu.vector_store %arg8[%swap3A_274, %swap3A_275], %swap3A_278 {add = true, strides = array<i32>} : memref<128x768xf32, #tpu.memory_space<vmem>>, vector<1x16xf32>,
        %add3A_279 = arith.constant 16 : i32
        %add3A_280 = arith.addi %mul3A_248, %add3A_279 : i32
        %swap3A_281 = arith.constant 33 : i32
        %swap3A_282 = arith.index_cast %swap3A_281 : i32 to index
        %swap3A_283 = arith.index_cast %add3A_280 : i32 to index
        %swap3A_284 = tpu.vector_load %arg8[%swap3A_282, %swap3A_283] {strides = array<i32>} : memref<128x768xf32, #tpu.memory_space<vmem>>, vector<1x16xf32>,
        %swap3A_285 = vector.shape_cast %swap3A_284 : vector<1x16xf32> to vector<16xf32>
        %swap3A_286 = vector.shape_cast %get3A_259 : vector<16xf32> to vector<1x16xf32>
        tpu.vector_store %arg8[%swap3A_282, %swap3A_283], %swap3A_286 {add = true, strides = array<i32>} : memref<128x768xf32, #tpu.memory_space<vmem>>, vector<1x16xf32>,
        %swap3A_287 = arith.constant 34 : i32
        %swap3A_288 = arith.index_cast %swap3A_287 : i32 to index
        %swap3A_289 = arith.index_cast %mul3A_248 : i32 to index
        %swap3A_290 = tpu.vector_load %arg8[%swap3A_288, %swap3A_289] {strides = array<i32>} : memref<128x768xf32, #tpu.memory_space<vmem>>, vector<1x16xf32>,
        %swap3A_291 = vector.shape_cast %swap3A_290 : vector<1x16xf32> to vector<16xf32>
        %swap3A_292 = vector.shape_cast %get3A_252 : vector<16xf32> to vector<1x16xf32>
        tpu.vector_store %arg8[%swap3A_288, %swap3A_289], %swap3A_292 {add = true, strides = array<i32>} : memref<128x768xf32, #tpu.memory_space<vmem>>, vector<1x16xf32>,
        %add3A_293 = arith.constant 16 : i32
        %add3A_294 = arith.addi %mul3A_248, %add3A_293 : i32
        %swap3A_295 = arith.constant 34 : i32
        %swap3A_296 = arith.index_cast %swap3A_295 : i32 to index
        %swap3A_297 = arith.index_cast %add3A_294 : i32 to index
        %swap3A_298 = tpu.vector_load %arg8[%swap3A_296, %swap3A_297] {strides = array<i32>} : memref<128x768xf32, #tpu.memory_space<vmem>>, vector<1x16xf32>,
        %swap3A_299 = vector.shape_cast %swap3A_298 : vector<1x16xf32> to vector<16xf32>
        %swap3A_300 = vector.shape_cast %get3A_259 : vector<16xf32> to vector<1x16xf32>
        tpu.vector_store %arg8[%swap3A_296, %swap3A_297], %swap3A_300 {add = true, strides = array<i32>} : memref<128x768xf32, #tpu.memory_space<vmem>>, vector<1x16xf32>,
        %swap3A_301 = arith.constant 35 : i32
        %swap3A_302 = arith.index_cast %swap3A_301 : i32 to index
        %swap3A_303 = arith.index_cast %mul3A_248 : i32 to index
        %swap3A_304 = tpu.vector_load %arg8[%swap3A_302, %swap3A_303] {strides = array<i32>} : memref<128x768xf32, #tpu.memory_space<vmem>>, vector<1x16xf32>,
        %swap3A_305 = vector.shape_cast %swap3A_304 : vector<1x16xf32> to vector<16xf32>
        %swap3A_306 = vector.shape_cast %get3A_252 : vector<16xf32> to vector<1x16xf32>
        tpu.vector_store %arg8[%swap3A_302, %swap3A_303], %swap3A_306 {add = true, strides = array<i32>} : memref<128x768xf32, #tpu.memory_space<vmem>>, vector<1x16xf32>,
        %add3A_307 = arith.constant 16 : i32
        %add3A_308 = arith.addi %mul3A_248, %add3A_307 : i32
        %swap3A_309 = arith.constant 35 : i32
        %swap3A_310 = arith.index_cast %swap3A_309 : i32 to index
        %swap3A_311 = arith.index_cast %add3A_308 : i32 to index
        %swap3A_312 = tpu.vector_load %arg8[%swap3A_310, %swap3A_311] {strides = array<i32>} : memref<128x768xf32, #tpu.memory_space<vmem>>, vector<1x16xf32>,
        %swap3A_313 = vector.shape_cast %swap3A_312 : vector<1x16xf32> to vector<16xf32>
        %swap3A_314 = vector.shape_cast %get3A_259 : vector<16xf32> to vector<1x16xf32>
        tpu.vector_store %arg8[%swap3A_310, %swap3A_311], %swap3A_314 {add = true, strides = array<i32>} : memref<128x768xf32, #tpu.memory_space<vmem>>, vector<1x16xf32>,
        %swap3A_315 = arith.constant 36 : i32
        %swap3A_316 = arith.index_cast %swap3A_315 : i32 to index
        %swap3A_317 = arith.index_cast %mul3A_248 : i32 to index
        %swap3A_318 = tpu.vector_load %arg8[%swap3A_316, %swap3A_317] {strides = array<i32>} : memref<128x768xf32, #tpu.memory_space<vmem>>, vector<1x16xf32>,
        %swap3A_319 = vector.shape_cast %swap3A_318 : vector<1x16xf32> to vector<16xf32>
        %swap3A_320 = vector.shape_cast %get3A_252 : vector<16xf32> to vector<1x16xf32>
        tpu.vector_store %arg8[%swap3A_316, %swap3A_317], %swap3A_320 {add = true, strides = array<i32>} : memref<128x768xf32, #tpu.memory_space<vmem>>, vector<1x16xf32>,
        %add3A_321 = arith.constant 16 : i32
        %add3A_322 = arith.addi %mul3A_248, %add3A_321 : i32
        %swap3A_323 = arith.constant 36 : i32
        %swap3A_324 = arith.index_cast %swap3A_323 : i32 to index
        %swap3A_325 = arith.index_cast %add3A_322 : i32 to index
        %swap3A_326 = tpu.vector_load %arg8[%swap3A_324, %swap3A_325] {strides = array<i32>} : memref<128x768xf32, #tpu.memory_space<vmem>>, vector<1x16xf32>,
        %swap3A_327 = vector.shape_cast %swap3A_326 : vector<1x16xf32> to vector<16xf32>
        %swap3A_328 = vector.shape_cast %get3A_259 : vector<16xf32> to vector<1x16xf32>
        tpu.vector_store %arg8[%swap3A_324, %swap3A_325], %swap3A_328 {add = true, strides = array<i32>} : memref<128x768xf32, #tpu.memory_space<vmem>>, vector<1x16xf32>,
        %swap3A_329 = arith.constant 37 : i32
        %swap3A_330 = arith.index_cast %swap3A_329 : i32 to index
        %swap3A_331 = arith.index_cast %mul3A_248 : i32 to index
        %swap3A_332 = tpu.vector_load %arg8[%swap3A_330, %swap3A_331] {strides = array<i32>} : memref<128x768xf32, #tpu.memory_space<vmem>>, vector<1x16xf32>,
        %swap3A_333 = vector.shape_cast %swap3A_332 : vector<1x16xf32> to vector<16xf32>
        %swap3A_334 = vector.shape_cast %get3A_252 : vector<16xf32> to vector<1x16xf32>
        tpu.vector_store %arg8[%swap3A_330, %swap3A_331], %swap3A_334 {add = true, strides = array<i32>} : memref<128x768xf32, #tpu.memory_space<vmem>>, vector<1x16xf32>,
        %add3A_335 = arith.constant 16 : i32
        %add3A_336 = arith.addi %mul3A_248, %add3A_335 : i32
        %swap3A_337 = arith.constant 37 : i32
        %swap3A_338 = arith.index_cast %swap3A_337 : i32 to index
        %swap3A_339 = arith.index_cast %add3A_336 : i32 to index
        %swap3A_340 = tpu.vector_load %arg8[%swap3A_338, %swap3A_339] {strides = array<i32>} : memref<128x768xf32, #tpu.memory_space<vmem>>, vector<1x16xf32>,
        %swap3A_341 = vector.shape_cast %swap3A_340 : vector<1x16xf32> to vector<16xf32>
        %swap3A_342 = vector.shape_cast %get3A_259 : vector<16xf32> to vector<1x16xf32>
        tpu.vector_store %arg8[%swap3A_338, %swap3A_339], %swap3A_342 {add = true, strides = array<i32>} : memref<128x768xf32, #tpu.memory_space<vmem>>, vector<1x16xf32>,
        %swap3A_343 = arith.constant 38 : i32
        %swap3A_344 = arith.index_cast %swap3A_343 : i32 to index
        %swap3A_345 = arith.index_cast %mul3A_248 : i32 to index
        %swap3A_346 = tpu.vector_load %arg8[%swap3A_344, %swap3A_345] {strides = array<i32>} : memref<128x768xf32, #tpu.memory_space<vmem>>, vector<1x16xf32>,
        %swap3A_347 = vector.shape_cast %swap3A_346 : vector<1x16xf32> to vector<16xf32>
        %swap3A_348 = vector.shape_cast %get3A_252 : vector<16xf32> to vector<1x16xf32>
        tpu.vector_store %arg8[%swap3A_344, %swap3A_345], %swap3A_348 {add = true, strides = array<i32>} : memref<128x768xf32, #tpu.memory_space<vmem>>, vector<1x16xf32>,
        %add3A_349 = arith.constant 16 : i32
        %add3A_350 = arith.addi %mul3A_248, %add3A_349 : i32
        %swap3A_351 = arith.constant 38 : i32
        %swap3A_352 = arith.index_cast %swap3A_351 : i32 to index
        %swap3A_353 = arith.index_cast %add3A_350 : i32 to index
        %swap3A_354 = tpu.vector_load %arg8[%swap3A_352, %swap3A_353] {strides = array<i32>} : memref<128x768xf32, #tpu.memory_space<vmem>>, vector<1x16xf32>,
        %swap3A_355 = vector.shape_cast %swap3A_354 : vector<1x16xf32> to vector<16xf32>
        %swap3A_356 = vector.shape_cast %get3A_259 : vector<16xf32> to vector<1x16xf32>
        tpu.vector_store %arg8[%swap3A_352, %swap3A_353], %swap3A_356 {add = true, strides = array<i32>} : memref<128x768xf32, #tpu.memory_space<vmem>>, vector<1x16xf32>,
        %swap3A_357 = arith.constant 39 : i32
        %swap3A_358 = arith.index_cast %swap3A_357 : i32 to index
        %swap3A_359 = arith.index_cast %mul3A_248 : i32 to index
        %swap3A_360 = tpu.vector_load %arg8[%swap3A_358, %swap3A_359] {strides = array<i32>} : memref<128x768xf32, #tpu.memory_space<vmem>>, vector<1x16xf32>,
        %swap3A_361 = vector.shape_cast %swap3A_360 : vector<1x16xf32> to vector<16xf32>
        %swap3A_362 = vector.shape_cast %get3A_252 : vector<16xf32> to vector<1x16xf32>
        tpu.vector_store %arg8[%swap3A_358, %swap3A_359], %swap3A_362 {add = true, strides = array<i32>} : memref<128x768xf32, #tpu.memory_space<vmem>>, vector<1x16xf32>,
        %add3A_363 = arith.constant 16 : i32
        %add3A_364 = arith.addi %mul3A_248, %add3A_363 : i32
        %swap3A_365 = arith.constant 39 : i32
        %swap3A_366 = arith.index_cast %swap3A_365 : i32 to index
        %swap3A_367 = arith.index_cast %add3A_364 : i32 to index
        %swap3A_368 = tpu.vector_load %arg8[%swap3A_366, %swap3A_367] {strides = array<i32>} : memref<128x768xf32, #tpu.memory_space<vmem>>, vector<1x16xf32>,
        %swap3A_369 = vector.shape_cast %swap3A_368 : vector<1x16xf32> to vector<16xf32>
        %swap3A_370 = vector.shape_cast %get3A_259 : vector<16xf32> to vector<1x16xf32>
        tpu.vector_store %arg8[%swap3A_366, %swap3A_367], %swap3A_370 {add = true, strides = array<i32>} : memref<128x768xf32, #tpu.memory_space<vmem>>, vector<1x16xf32>,
        %swap3A_371 = arith.constant 40 : i32
        %swap3A_372 = arith.index_cast %swap3A_371 : i32 to index
        %swap3A_373 = arith.index_cast %mul3A_248 : i32 to index
        %swap3A_374 = tpu.vector_load %arg8[%swap3A_372, %swap3A_373] {strides = array<i32>} : memref<128x768xf32, #tpu.memory_space<vmem>>, vector<1x16xf32>,
        %swap3A_375 = vector.shape_cast %swap3A_374 : vector<1x16xf32> to vector<16xf32>
        %swap3A_376 = vector.shape_cast %get3A_252 : vector<16xf32> to vector<1x16xf32>
        tpu.vector_store %arg8[%swap3A_372, %swap3A_373], %swap3A_376 {add = true, strides = array<i32>} : memref<128x768xf32, #tpu.memory_space<vmem>>, vector<1x16xf32>,
        %add3A_377 = arith.constant 16 : i32
        %add3A_378 = arith.addi %mul3A_248, %add3A_377 : i32
        %swap3A_379 = arith.constant 40 : i32
        %swap3A_380 = arith.index_cast %swap3A_379 : i32 to index
        %swap3A_381 = arith.index_cast %add3A_378 : i32 to index
        %swap3A_382 = tpu.vector_load %arg8[%swap3A_380, %swap3A_381] {strides = array<i32>} : memref<128x768xf32, #tpu.memory_space<vmem>>, vector<1x16xf32>,
        %swap3A_383 = vector.shape_cast %swap3A_382 : vector<1x16xf32> to vector<16xf32>
        %swap3A_384 = vector.shape_cast %get3A_259 : vector<16xf32> to vector<1x16xf32>
        tpu.vector_store %arg8[%swap3A_380, %swap3A_381], %swap3A_384 {add = true, strides = array<i32>} : memref<128x768xf32, #tpu.memory_space<vmem>>, vector<1x16xf32>,
        %swap3A_385 = arith.constant 41 : i32
        %swap3A_386 = arith.index_cast %swap3A_385 : i32 to index
        %swap3A_387 = arith.index_cast %mul3A_248 : i32 to index
        %swap3A_388 = tpu.vector_load %arg8[%swap3A_386, %swap3A_387] {strides = array<i32>} : memref<128x768xf32, #tpu.memory_space<vmem>>, vector<1x16xf32>,
        %swap3A_389 = vector.shape_cast %swap3A_388 : vector<1x16xf32> to vector<16xf32>
        %swap3A_390 = vector.shape_cast %get3A_252 : vector<16xf32> to vector<1x16xf32>
        tpu.vector_store %arg8[%swap3A_386, %swap3A_387], %swap3A_390 {add = true, strides = array<i32>} : memref<128x768xf32, #tpu.memory_space<vmem>>, vector<1x16xf32>,
        %add3A_391 = arith.constant 16 : i32
        %add3A_392 = arith.addi %mul3A_248, %add3A_391 : i32
        %swap3A_393 = arith.constant 41 : i32
        %swap3A_394 = arith.index_cast %swap3A_393 : i32 to index
        %swap3A_395 = arith.index_cast %add3A_392 : i32 to index
        %swap3A_396 = tpu.vector_load %arg8[%swap3A_394, %swap3A_395] {strides = array<i32>} : memref<128x768xf32, #tpu.memory_space<vmem>>, vector<1x16xf32>,
        %swap3A_397 = vector.shape_cast %swap3A_396 : vector<1x16xf32> to vector<16xf32>
        %swap3A_398 = vector.shape_cast %get3A_259 : vector<16xf32> to vector<1x16xf32>
        tpu.vector_store %arg8[%swap3A_394, %swap3A_395], %swap3A_398 {add = true, strides = array<i32>} : memref<128x768xf32, #tpu.memory_space<vmem>>, vector<1x16xf32>,
        %swap3A_399 = arith.constant 42 : i32
        %swap3A_400 = arith.index_cast %swap3A_399 : i32 to index
        %swap3A_401 = arith.index_cast %mul3A_248 : i32 to index
        %swap3A_402 = tpu.vector_load %arg8[%swap3A_400, %swap3A_401] {strides = array<i32>} : memref<128x768xf32, #tpu.memory_space<vmem>>, vector<1x16xf32>,
        %swap3A_403 = vector.shape_cast %swap3A_402 : vector<1x16xf32> to vector<16xf32>
        %swap3A_404 = vector.shape_cast %get3A_252 : vector<16xf32> to vector<1x16xf32>
        tpu.vector_store %arg8[%swap3A_400, %swap3A_401], %swap3A_404 {add = true, strides = array<i32>} : memref<128x768xf32, #tpu.memory_space<vmem>>, vector<1x16xf32>,
        %add3A_405 = arith.constant 16 : i32
        %add3A_406 = arith.addi %mul3A_248, %add3A_405 : i32
        %swap3A_407 = arith.constant 42 : i32
        %swap3A_408 = arith.index_cast %swap3A_407 : i32 to index
        %swap3A_409 = arith.index_cast %add3A_406 : i32 to index
        %swap3A_410 = tpu.vector_load %arg8[%swap3A_408, %swap3A_409] {strides = array<i32>} : memref<128x768xf32, #tpu.memory_space<vmem>>, vector<1x16xf32>,
        %swap3A_411 = vector.shape_cast %swap3A_410 : vector<1x16xf32> to vector<16xf32>
        %swap3A_412 = vector.shape_cast %get3A_259 : vector<16xf32> to vector<1x16xf32>
        tpu.vector_store %arg8[%swap3A_408, %swap3A_409], %swap3A_412 {add = true, strides = array<i32>} : memref<128x768xf32, #tpu.memory_space<vmem>>, vector<1x16xf32>,
        %swap3A_413 = arith.constant 43 : i32
        %swap3A_414 = arith.index_cast %swap3A_413 : i32 to index
        %swap3A_415 = arith.index_cast %mul3A_248 : i32 to index
        %swap3A_416 = tpu.vector_load %arg8[%swap3A_414, %swap3A_415] {strides = array<i32>} : memref<128x768xf32, #tpu.memory_space<vmem>>, vector<1x16xf32>,
        %swap3A_417 = vector.shape_cast %swap3A_416 : vector<1x16xf32> to vector<16xf32>
        %swap3A_418 = vector.shape_cast %get3A_252 : vector<16xf32> to vector<1x16xf32>
        tpu.vector_store %arg8[%swap3A_414, %swap3A_415], %swap3A_418 {add = true, strides = array<i32>} : memref<128x768xf32, #tpu.memory_space<vmem>>, vector<1x16xf32>,
        %add3A_419 = arith.constant 16 : i32
        %add3A_420 = arith.addi %mul3A_248, %add3A_419 : i32
        %swap3A_421 = arith.constant 43 : i32
        %swap3A_422 = arith.index_cast %swap3A_421 : i32 to index
        %swap3A_423 = arith.index_cast %add3A_420 : i32 to index
        %swap3A_424 = tpu.vector_load %arg8[%swap3A_422, %swap3A_423] {strides = array<i32>} : memref<128x768xf32, #tpu.memory_space<vmem>>, vector<1x16xf32>,
        %swap3A_425 = vector.shape_cast %swap3A_424 : vector<1x16xf32> to vector<16xf32>
        %swap3A_426 = vector.shape_cast %get3A_259 : vector<16xf32> to vector<1x16xf32>
        tpu.vector_store %arg8[%swap3A_422, %swap3A_423], %swap3A_426 {add = true, strides = array<i32>} : memref<128x768xf32, #tpu.memory_space<vmem>>, vector<1x16xf32>,
        %swap3A_427 = arith.constant 44 : i32
        %swap3A_428 = arith.index_cast %swap3A_427 : i32 to index
        %swap3A_429 = arith.index_cast %mul3A_248 : i32 to index
        %swap3A_430 = tpu.vector_load %arg8[%swap3A_428, %swap3A_429] {strides = array<i32>} : memref<128x768xf32, #tpu.memory_space<vmem>>, vector<1x16xf32>,
        %swap3A_431 = vector.shape_cast %swap3A_430 : vector<1x16xf32> to vector<16xf32>
        %swap3A_432 = vector.shape_cast %get3A_252 : vector<16xf32> to vector<1x16xf32>
        tpu.vector_store %arg8[%swap3A_428, %swap3A_429], %swap3A_432 {add = true, strides = array<i32>} : memref<128x768xf32, #tpu.memory_space<vmem>>, vector<1x16xf32>,
        %add3A_433 = arith.constant 16 : i32
        %add3A_434 = arith.addi %mul3A_248, %add3A_433 : i32
        %swap3A_435 = arith.constant 44 : i32
        %swap3A_436 = arith.index_cast %swap3A_435 : i32 to index
        %swap3A_437 = arith.index_cast %add3A_434 : i32 to index
        %swap3A_438 = tpu.vector_load %arg8[%swap3A_436, %swap3A_437] {strides = array<i32>} : memref<128x768xf32, #tpu.memory_space<vmem>>, vector<1x16xf32>,
        %swap3A_439 = vector.shape_cast %swap3A_438 : vector<1x16xf32> to vector<16xf32>
        %swap3A_440 = vector.shape_cast %get3A_259 : vector<16xf32> to vector<1x16xf32>
        tpu.vector_store %arg8[%swap3A_436, %swap3A_437], %swap3A_440 {add = true, strides = array<i32>} : memref<128x768xf32, #tpu.memory_space<vmem>>, vector<1x16xf32>,
        %swap3A_441 = arith.constant 45 : i32
        %swap3A_442 = arith.index_cast %swap3A_441 : i32 to index
        %swap3A_443 = arith.index_cast %mul3A_248 : i32 to index
        %swap3A_444 = tpu.vector_load %arg8[%swap3A_442, %swap3A_443] {strides = array<i32>} : memref<128x768xf32, #tpu.memory_space<vmem>>, vector<1x16xf32>,
        %swap3A_445 = vector.shape_cast %swap3A_444 : vector<1x16xf32> to vector<16xf32>
        %swap3A_446 = vector.shape_cast %get3A_252 : vector<16xf32> to vector<1x16xf32>
        tpu.vector_store %arg8[%swap3A_442, %swap3A_443], %swap3A_446 {add = true, strides = array<i32>} : memref<128x768xf32, #tpu.memory_space<vmem>>, vector<1x16xf32>,
        %add3A_447 = arith.constant 16 : i32
        %add3A_448 = arith.addi %mul3A_248, %add3A_447 : i32
        %swap3A_449 = arith.constant 45 : i32
        %swap3A_450 = arith.index_cast %swap3A_449 : i32 to index
        %swap3A_451 = arith.index_cast %add3A_448 : i32 to index
        %swap3A_452 = tpu.vector_load %arg8[%swap3A_450, %swap3A_451] {strides = array<i32>} : memref<128x768xf32, #tpu.memory_space<vmem>>, vector<1x16xf32>,
        %swap3A_453 = vector.shape_cast %swap3A_452 : vector<1x16xf32> to vector<16xf32>
        %swap3A_454 = vector.shape_cast %get3A_259 : vector<16xf32> to vector<1x16xf32>
        tpu.vector_store %arg8[%swap3A_450, %swap3A_451], %swap3A_454 {add = true, strides = array<i32>} : memref<128x768xf32, #tpu.memory_space<vmem>>, vector<1x16xf32>,
        %swap3A_455 = arith.constant 46 : i32
        %swap3A_456 = arith.index_cast %swap3A_455 : i32 to index
        %swap3A_457 = arith.index_cast %mul3A_248 : i32 to index
        %swap3A_458 = tpu.vector_load %arg8[%swap3A_456, %swap3A_457] {strides = array<i32>} : memref<128x768xf32, #tpu.memory_space<vmem>>, vector<1x16xf32>,
        %swap3A_459 = vector.shape_cast %swap3A_458 : vector<1x16xf32> to vector<16xf32>
        %swap3A_460 = vector.shape_cast %get3A_252 : vector<16xf32> to vector<1x16xf32>
        tpu.vector_store %arg8[%swap3A_456, %swap3A_457], %swap3A_460 {add = true, strides = array<i32>} : memref<128x768xf32, #tpu.memory_space<vmem>>, vector<1x16xf32>,
        %add3A_461 = arith.constant 16 : i32
        %add3A_462 = arith.addi %mul3A_248, %add3A_461 : i32
        %swap3A_463 = arith.constant 46 : i32
        %swap3A_464 = arith.index_cast %swap3A_463 : i32 to index
        %swap3A_465 = arith.index_cast %add3A_462 : i32 to index
        %swap3A_466 = tpu.vector_load %arg8[%swap3A_464, %swap3A_465] {strides = array<i32>} : memref<128x768xf32, #tpu.memory_space<vmem>>, vector<1x16xf32>,
        %swap3A_467 = vector.shape_cast %swap3A_466 : vector<1x16xf32> to vector<16xf32>
        %swap3A_468 = vector.shape_cast %get3A_259 : vector<16xf32> to vector<1x16xf32>
        tpu.vector_store %arg8[%swap3A_464, %swap3A_465], %swap3A_468 {add = true, strides = array<i32>} : memref<128x768xf32, #tpu.memory_space<vmem>>, vector<1x16xf32>,
        %swap3A_469 = arith.constant 47 : i32
        %swap3A_470 = arith.index_cast %swap3A_469 : i32 to index
        %swap3A_471 = arith.index_cast %mul3A_248 : i32 to index
        %swap3A_472 = tpu.vector_load %arg8[%swap3A_470, %swap3A_471] {strides = array<i32>} : memref<128x768xf32, #tpu.memory_space<vmem>>, vector<1x16xf32>,
        %swap3A_473 = vector.shape_cast %swap3A_472 : vector<1x16xf32> to vector<16xf32>
        %swap3A_474 = vector.shape_cast %get3A_252 : vector<16xf32> to vector<1x16xf32>
        tpu.vector_store %arg8[%swap3A_470, %swap3A_471], %swap3A_474 {add = true, strides = array<i32>} : memref<128x768xf32, #tpu.memory_space<vmem>>, vector<1x16xf32>,
        %add3A_475 = arith.constant 16 : i32
        %add3A_476 = arith.addi %mul3A_248, %add3A_475 : i32
        %swap3A_477 = arith.constant 47 : i32
        %swap3A_478 = arith.index_cast %swap3A_477 : i32 to index
        %swap3A_479 = arith.index_cast %add3A_476 : i32 to index
        %swap3A_480 = tpu.vector_load %arg8[%swap3A_478, %swap3A_479] {strides = array<i32>} : memref<128x768xf32, #tpu.memory_space<vmem>>, vector<1x16xf32>,
        %swap3A_481 = vector.shape_cast %swap3A_480 : vector<1x16xf32> to vector<16xf32>
        %swap3A_482 = vector.shape_cast %get3A_259 : vector<16xf32> to vector<1x16xf32>
        tpu.vector_store %arg8[%swap3A_478, %swap3A_479], %swap3A_482 {add = true, strides = array<i32>} : memref<128x768xf32, #tpu.memory_space<vmem>>, vector<1x16xf32>,
        %swap3A_483 = arith.constant 48 : i32
        %swap3A_484 = arith.index_cast %swap3A_483 : i32 to index
        %swap3A_485 = arith.index_cast %mul3A_248 : i32 to index
        %swap3A_486 = tpu.vector_load %arg8[%swap3A_484, %swap3A_485] {strides = array<i32>} : memref<128x768xf32, #tpu.memory_space<vmem>>, vector<1x16xf32>,
        %swap3A_487 = vector.shape_cast %swap3A_486 : vector<1x16xf32> to vector<16xf32>
        %swap3A_488 = vector.shape_cast %get3A_252 : vector<16xf32> to vector<1x16xf32>
        tpu.vector_store %arg8[%swap3A_484, %swap3A_485], %swap3A_488 {add = true, strides = array<i32>} : memref<128x768xf32, #tpu.memory_space<vmem>>, vector<1x16xf32>,
        %add3A_489 = arith.constant 16 : i32
        %add3A_490 = arith.addi %mul3A_248, %add3A_489 : i32
        %swap3A_491 = arith.constant 48 : i32
        %swap3A_492 = arith.index_cast %swap3A_491 : i32 to index
        %swap3A_493 = arith.index_cast %add3A_490 : i32 to index
        %swap3A_494 = tpu.vector_load %arg8[%swap3A_492, %swap3A_493] {strides = array<i32>} : memref<128x768xf32, #tpu.memory_space<vmem>>, vector<1x16xf32>,
        %swap3A_495 = vector.shape_cast %swap3A_494 : vector<1x16xf32> to vector<16xf32>
        %swap3A_496 = vector.shape_cast %get3A_259 : vector<16xf32> to vector<1x16xf32>
        tpu.vector_store %arg8[%swap3A_492, %swap3A_493], %swap3A_496 {add = true, strides = array<i32>} : memref<128x768xf32, #tpu.memory_space<vmem>>, vector<1x16xf32>,
        %swap3A_497 = arith.constant 49 : i32
        %swap3A_498 = arith.index_cast %swap3A_497 : i32 to index
        %swap3A_499 = arith.index_cast %mul3A_248 : i32 to index
        %swap3A_500 = tpu.vector_load %arg8[%swap3A_498, %swap3A_499] {strides = array<i32>} : memref<128x768xf32, #tpu.memory_space<vmem>>, vector<1x16xf32>,
        %swap3A_501 = vector.shape_cast %swap3A_500 : vector<1x16xf32> to vector<16xf32>
        %swap3A_502 = vector.shape_cast %get3A_252 : vector<16xf32> to vector<1x16xf32>
        tpu.vector_store %arg8[%swap3A_498, %swap3A_499], %swap3A_502 {add = true, strides = array<i32>} : memref<128x768xf32, #tpu.memory_space<vmem>>, vector<1x16xf32>,
        %add3A_503 = arith.constant 16 : i32
        %add3A_504 = arith.addi %mul3A_248, %add3A_503 : i32
        %swap3A_505 = arith.constant 49 : i32
        %swap3A_506 = arith.index_cast %swap3A_505 : i32 to index
        %swap3A_507 = arith.index_cast %add3A_504 : i32 to index
        %swap3A_508 = tpu.vector_load %arg8[%swap3A_506, %swap3A_507] {strides = array<i32>} : memref<128x768xf32, #tpu.memory_space<vmem>>, vector<1x16xf32>,
        %swap3A_509 = vector.shape_cast %swap3A_508 : vector<1x16xf32> to vector<16xf32>
        %swap3A_510 = vector.shape_cast %get3A_259 : vector<16xf32> to vector<1x16xf32>
        tpu.vector_store %arg8[%swap3A_506, %swap3A_507], %swap3A_510 {add = true, strides = array<i32>} : memref<128x768xf32, #tpu.memory_space<vmem>>, vector<1x16xf32>,
        %swap3A_511 = arith.constant 50 : i32
        %swap3A_512 = arith.index_cast %swap3A_511 : i32 to index
        %swap3A_513 = arith.index_cast %mul3A_248 : i32 to index
        %swap3A_514 = tpu.vector_load %arg8[%swap3A_512, %swap3A_513] {strides = array<i32>} : memref<128x768xf32, #tpu.memory_space<vmem>>, vector<1x16xf32>,
        %swap3A_515 = vector.shape_cast %swap3A_514 : vector<1x16xf32> to vector<16xf32>
        %swap3A_516 = vector.shape_cast %get3A_252 : vector<16xf32> to vector<1x16xf32>
        tpu.vector_store %arg8[%swap3A_512, %swap3A_513], %swap3A_516 {add = true, strides = array<i32>} : memref<128x768xf32, #tpu.memory_space<vmem>>, vector<1x16xf32>,
        %add3A_517 = arith.constant 16 : i32
        %add3A_518 = arith.addi %mul3A_248, %add3A_517 : i32
        %swap3A_519 = arith.constant 50 : i32
        %swap3A_520 = arith.index_cast %swap3A_519 : i32 to index
        %swap3A_521 = arith.index_cast %add3A_518 : i32 to index
        %swap3A_522 = tpu.vector_load %arg8[%swap3A_520, %swap3A_521] {strides = array<i32>} : memref<128x768xf32, #tpu.memory_space<vmem>>, vector<1x16xf32>,
        %swap3A_523 = vector.shape_cast %swap3A_522 : vector<1x16xf32> to vector<16xf32>
        %swap3A_524 = vector.shape_cast %get3A_259 : vector<16xf32> to vector<1x16xf32>
        tpu.vector_store %arg8[%swap3A_520, %swap3A_521], %swap3A_524 {add = true, strides = array<i32>} : memref<128x768xf32, #tpu.memory_space<vmem>>, vector<1x16xf32>,
        %swap3A_525 = arith.constant 51 : i32
        %swap3A_526 = arith.index_cast %swap3A_525 : i32 to index
        %swap3A_527 = arith.index_cast %mul3A_248 : i32 to index
        %swap3A_528 = tpu.vector_load %arg8[%swap3A_526, %swap3A_527] {strides = array<i32>} : memref<128x768xf32, #tpu.memory_space<vmem>>, vector<1x16xf32>,
        %swap3A_529 = vector.shape_cast %swap3A_528 : vector<1x16xf32> to vector<16xf32>
        %swap3A_530 = vector.shape_cast %get3A_252 : vector<16xf32> to vector<1x16xf32>
        tpu.vector_store %arg8[%swap3A_526, %swap3A_527], %swap3A_530 {add = true, strides = array<i32>} : memref<128x768xf32, #tpu.memory_space<vmem>>, vector<1x16xf32>,
        %add3A_531 = arith.constant 16 : i32
        %add3A_532 = arith.addi %mul3A_248, %add3A_531 : i32
        %swap3A_533 = arith.constant 51 : i32
        %swap3A_534 = arith.index_cast %swap3A_533 : i32 to index
        %swap3A_535 = arith.index_cast %add3A_532 : i32 to index
        %swap3A_536 = tpu.vector_load %arg8[%swap3A_534, %swap3A_535] {strides = array<i32>} : memref<128x768xf32, #tpu.memory_space<vmem>>, vector<1x16xf32>,
        %swap3A_537 = vector.shape_cast %swap3A_536 : vector<1x16xf32> to vector<16xf32>
        %swap3A_538 = vector.shape_cast %get3A_259 : vector<16xf32> to vector<1x16xf32>
        tpu.vector_store %arg8[%swap3A_534, %swap3A_535], %swap3A_538 {add = true, strides = array<i32>} : memref<128x768xf32, #tpu.memory_space<vmem>>, vector<1x16xf32>,
        %swap3A_539 = arith.constant 52 : i32
        %swap3A_540 = arith.index_cast %swap3A_539 : i32 to index
        %swap3A_541 = arith.index_cast %mul3A_248 : i32 to index
        %swap3A_542 = tpu.vector_load %arg8[%swap3A_540, %swap3A_541] {strides = array<i32>} : memref<128x768xf32, #tpu.memory_space<vmem>>, vector<1x16xf32>,
        %swap3A_543 = vector.shape_cast %swap3A_542 : vector<1x16xf32> to vector<16xf32>
        %swap3A_544 = vector.shape_cast %get3A_252 : vector<16xf32> to vector<1x16xf32>
        tpu.vector_store %arg8[%swap3A_540, %swap3A_541], %swap3A_544 {add = true, strides = array<i32>} : memref<128x768xf32, #tpu.memory_space<vmem>>, vector<1x16xf32>,
        %add3A_545 = arith.constant 16 : i32
        %add3A_546 = arith.addi %mul3A_248, %add3A_545 : i32
        %swap3A_547 = arith.constant 52 : i32
        %swap3A_548 = arith.index_cast %swap3A_547 : i32 to index
        %swap3A_549 = arith.index_cast %add3A_546 : i32 to index
        %swap3A_550 = tpu.vector_load %arg8[%swap3A_548, %swap3A_549] {strides = array<i32>} : memref<128x768xf32, #tpu.memory_space<vmem>>, vector<1x16xf32>,
        %swap3A_551 = vector.shape_cast %swap3A_550 : vector<1x16xf32> to vector<16xf32>
        %swap3A_552 = vector.shape_cast %get3A_259 : vector<16xf32> to vector<1x16xf32>
        tpu.vector_store %arg8[%swap3A_548, %swap3A_549], %swap3A_552 {add = true, strides = array<i32>} : memref<128x768xf32, #tpu.memory_space<vmem>>, vector<1x16xf32>,
        %swap3A_553 = arith.constant 53 : i32
        %swap3A_554 = arith.index_cast %swap3A_553 : i32 to index
        %swap3A_555 = arith.index_cast %mul3A_248 : i32 to index
        %swap3A_556 = tpu.vector_load %arg8[%swap3A_554, %swap3A_555] {strides = array<i32>} : memref<128x768xf32, #tpu.memory_space<vmem>>, vector<1x16xf32>,
        %swap3A_557 = vector.shape_cast %swap3A_556 : vector<1x16xf32> to vector<16xf32>
        %swap3A_558 = vector.shape_cast %get3A_252 : vector<16xf32> to vector<1x16xf32>
        tpu.vector_store %arg8[%swap3A_554, %swap3A_555], %swap3A_558 {add = true, strides = array<i32>} : memref<128x768xf32, #tpu.memory_space<vmem>>, vector<1x16xf32>,
        %add3A_559 = arith.constant 16 : i32
        %add3A_560 = arith.addi %mul3A_248, %add3A_559 : i32
        %swap3A_561 = arith.constant 53 : i32
        %swap3A_562 = arith.index_cast %swap3A_561 : i32 to index
        %swap3A_563 = arith.index_cast %add3A_560 : i32 to index
        %swap3A_564 = tpu.vector_load %arg8[%swap3A_562, %swap3A_563] {strides = array<i32>} : memref<128x768xf32, #tpu.memory_space<vmem>>, vector<1x16xf32>,
        %swap3A_565 = vector.shape_cast %swap3A_564 : vector<1x16xf32> to vector<16xf32>
        %swap3A_566 = vector.shape_cast %get3A_259 : vector<16xf32> to vector<1x16xf32>
        tpu.vector_store %arg8[%swap3A_562, %swap3A_563], %swap3A_566 {add = true, strides = array<i32>} : memref<128x768xf32, #tpu.memory_space<vmem>>, vector<1x16xf32>,
        %swap3A_567 = arith.constant 54 : i32
        %swap3A_568 = arith.index_cast %swap3A_567 : i32 to index
        %swap3A_569 = arith.index_cast %mul3A_248 : i32 to index
        %swap3A_570 = tpu.vector_load %arg8[%swap3A_568, %swap3A_569] {strides = array<i32>} : memref<128x768xf32, #tpu.memory_space<vmem>>, vector<1x16xf32>,
        %swap3A_571 = vector.shape_cast %swap3A_570 : vector<1x16xf32> to vector<16xf32>
        %swap3A_572 = vector.shape_cast %get3A_252 : vector<16xf32> to vector<1x16xf32>
        tpu.vector_store %arg8[%swap3A_568, %swap3A_569], %swap3A_572 {add = true, strides = array<i32>} : memref<128x768xf32, #tpu.memory_space<vmem>>, vector<1x16xf32>,
        %add3A_573 = arith.constant 16 : i32
        %add3A_574 = arith.addi %mul3A_248, %add3A_573 : i32
        %swap3A_575 = arith.constant 54 : i32
        %swap3A_576 = arith.index_cast %swap3A_575 : i32 to index
        %swap3A_577 = arith.index_cast %add3A_574 : i32 to index
        %swap3A_578 = tpu.vector_load %arg8[%swap3A_576, %swap3A_577] {strides = array<i32>} : memref<128x768xf32, #tpu.memory_space<vmem>>, vector<1x16xf32>,
        %swap3A_579 = vector.shape_cast %swap3A_578 : vector<1x16xf32> to vector<16xf32>
        %swap3A_580 = vector.shape_cast %get3A_259 : vector<16xf32> to vector<1x16xf32>
        tpu.vector_store %arg8[%swap3A_576, %swap3A_577], %swap3A_580 {add = true, strides = array<i32>} : memref<128x768xf32, #tpu.memory_space<vmem>>, vector<1x16xf32>,
        %swap3A_581 = arith.constant 55 : i32
        %swap3A_582 = arith.index_cast %swap3A_581 : i32 to index
        %swap3A_583 = arith.index_cast %mul3A_248 : i32 to index
        %swap3A_584 = tpu.vector_load %arg8[%swap3A_582, %swap3A_583] {strides = array<i32>} : memref<128x768xf32, #tpu.memory_space<vmem>>, vector<1x16xf32>,
        %swap3A_585 = vector.shape_cast %swap3A_584 : vector<1x16xf32> to vector<16xf32>
        %swap3A_586 = vector.shape_cast %get3A_252 : vector<16xf32> to vector<1x16xf32>
        tpu.vector_store %arg8[%swap3A_582, %swap3A_583], %swap3A_586 {add = true, strides = array<i32>} : memref<128x768xf32, #tpu.memory_space<vmem>>, vector<1x16xf32>,
        %add3A_587 = arith.constant 16 : i32
        %add3A_588 = arith.addi %mul3A_248, %add3A_587 : i32
        %swap3A_589 = arith.constant 55 : i32
        %swap3A_590 = arith.index_cast %swap3A_589 : i32 to index
        %swap3A_591 = arith.index_cast %add3A_588 : i32 to index
        %swap3A_592 = tpu.vector_load %arg8[%swap3A_590, %swap3A_591] {strides = array<i32>} : memref<128x768xf32, #tpu.memory_space<vmem>>, vector<1x16xf32>,
        %swap3A_593 = vector.shape_cast %swap3A_592 : vector<1x16xf32> to vector<16xf32>
        %swap3A_594 = vector.shape_cast %get3A_259 : vector<16xf32> to vector<1x16xf32>
        tpu.vector_store %arg8[%swap3A_590, %swap3A_591], %swap3A_594 {add = true, strides = array<i32>} : memref<128x768xf32, #tpu.memory_space<vmem>>, vector<1x16xf32>,
        %swap3A_595 = arith.constant 56 : i32
        %swap3A_596 = arith.index_cast %swap3A_595 : i32 to index
        %swap3A_597 = arith.index_cast %mul3A_248 : i32 to index
        %swap3A_598 = tpu.vector_load %arg8[%swap3A_596, %swap3A_597] {strides = array<i32>} : memref<128x768xf32, #tpu.memory_space<vmem>>, vector<1x16xf32>,
        %swap3A_599 = vector.shape_cast %swap3A_598 : vector<1x16xf32> to vector<16xf32>
        %swap3A_600 = vector.shape_cast %get3A_252 : vector<16xf32> to vector<1x16xf32>
        tpu.vector_store %arg8[%swap3A_596, %swap3A_597], %swap3A_600 {add = true, strides = array<i32>} : memref<128x768xf32, #tpu.memory_space<vmem>>, vector<1x16xf32>,
        %add3A_601 = arith.constant 16 : i32
        %add3A_602 = arith.addi %mul3A_248, %add3A_601 : i32
        %swap3A_603 = arith.constant 56 : i32
        %swap3A_604 = arith.index_cast %swap3A_603 : i32 to index
        %swap3A_605 = arith.index_cast %add3A_602 : i32 to index
        %swap3A_606 = tpu.vector_load %arg8[%swap3A_604, %swap3A_605] {strides = array<i32>} : memref<128x768xf32, #tpu.memory_space<vmem>>, vector<1x16xf32>,
        %swap3A_607 = vector.shape_cast %swap3A_606 : vector<1x16xf32> to vector<16xf32>
        %swap3A_608 = vector.shape_cast %get3A_259 : vector<16xf32> to vector<1x16xf32>
        tpu.vector_store %arg8[%swap3A_604, %swap3A_605], %swap3A_608 {add = true, strides = array<i32>} : memref<128x768xf32, #tpu.memory_space<vmem>>, vector<1x16xf32>,
        %swap3A_609 = arith.constant 57 : i32
        %swap3A_610 = arith.index_cast %swap3A_609 : i32 to index
        %swap3A_611 = arith.index_cast %mul3A_248 : i32 to index
        %swap3A_612 = tpu.vector_load %arg8[%swap3A_610, %swap3A_611] {strides = array<i32>} : memref<128x768xf32, #tpu.memory_space<vmem>>, vector<1x16xf32>,
        %swap3A_613 = vector.shape_cast %swap3A_612 : vector<1x16xf32> to vector<16xf32>
        %swap3A_614 = vector.shape_cast %get3A_252 : vector<16xf32> to vector<1x16xf32>
        tpu.vector_store %arg8[%swap3A_610, %swap3A_611], %swap3A_614 {add = true, strides = array<i32>} : memref<128x768xf32, #tpu.memory_space<vmem>>, vector<1x16xf32>,
        %add3A_615 = arith.constant 16 : i32
        %add3A_616 = arith.addi %mul3A_248, %add3A_615 : i32
        %swap3A_617 = arith.constant 57 : i32
        %swap3A_618 = arith.index_cast %swap3A_617 : i32 to index
        %swap3A_619 = arith.index_cast %add3A_616 : i32 to index
        %swap3A_620 = tpu.vector_load %arg8[%swap3A_618, %swap3A_619] {strides = array<i32>} : memref<128x768xf32, #tpu.memory_space<vmem>>, vector<1x16xf32>,
        %swap3A_621 = vector.shape_cast %swap3A_620 : vector<1x16xf32> to vector<16xf32>
        %swap3A_622 = vector.shape_cast %get3A_259 : vector<16xf32> to vector<1x16xf32>
        tpu.vector_store %arg8[%swap3A_618, %swap3A_619], %swap3A_622 {add = true, strides = array<i32>} : memref<128x768xf32, #tpu.memory_space<vmem>>, vector<1x16xf32>,
        %swap3A_623 = arith.constant 58 : i32
        %swap3A_624 = arith.index_cast %swap3A_623 : i32 to index
        %swap3A_625 = arith.index_cast %mul3A_248 : i32 to index
        %swap3A_626 = tpu.vector_load %arg8[%swap3A_624, %swap3A_625] {strides = array<i32>} : memref<128x768xf32, #tpu.memory_space<vmem>>, vector<1x16xf32>,
        %swap3A_627 = vector.shape_cast %swap3A_626 : vector<1x16xf32> to vector<16xf32>
        %swap3A_628 = vector.shape_cast %get3A_252 : vector<16xf32> to vector<1x16xf32>
        tpu.vector_store %arg8[%swap3A_624, %swap3A_625], %swap3A_628 {add = true, strides = array<i32>} : memref<128x768xf32, #tpu.memory_space<vmem>>, vector<1x16xf32>,
        %add3A_629 = arith.constant 16 : i32
        %add3A_630 = arith.addi %mul3A_248, %add3A_629 : i32
        %swap3A_631 = arith.constant 58 : i32
        %swap3A_632 = arith.index_cast %swap3A_631 : i32 to index
        %swap3A_633 = arith.index_cast %add3A_630 : i32 to index
        %swap3A_634 = tpu.vector_load %arg8[%swap3A_632, %swap3A_633] {strides = array<i32>} : memref<128x768xf32, #tpu.memory_space<vmem>>, vector<1x16xf32>,
        %swap3A_635 = vector.shape_cast %swap3A_634 : vector<1x16xf32> to vector<16xf32>
        %swap3A_636 = vector.shape_cast %get3A_259 : vector<16xf32> to vector<1x16xf32>
        tpu.vector_store %arg8[%swap3A_632, %swap3A_633], %swap3A_636 {add = true, strides = array<i32>} : memref<128x768xf32, #tpu.memory_space<vmem>>, vector<1x16xf32>,
        %swap3A_637 = arith.constant 59 : i32
        %swap3A_638 = arith.index_cast %swap3A_637 : i32 to index
        %swap3A_639 = arith.index_cast %mul3A_248 : i32 to index
        %swap3A_640 = tpu.vector_load %arg8[%swap3A_638, %swap3A_639] {strides = array<i32>} : memref<128x768xf32, #tpu.memory_space<vmem>>, vector<1x16xf32>,
        %swap3A_641 = vector.shape_cast %swap3A_640 : vector<1x16xf32> to vector<16xf32>
        %swap3A_642 = vector.shape_cast %get3A_252 : vector<16xf32> to vector<1x16xf32>
        tpu.vector_store %arg8[%swap3A_638, %swap3A_639], %swap3A_642 {add = true, strides = array<i32>} : memref<128x768xf32, #tpu.memory_space<vmem>>, vector<1x16xf32>,
        %add3A_643 = arith.constant 16 : i32
        %add3A_644 = arith.addi %mul3A_248, %add3A_643 : i32
        %swap3A_645 = arith.constant 59 : i32
        %swap3A_646 = arith.index_cast %swap3A_645 : i32 to index
        %swap3A_647 = arith.index_cast %add3A_644 : i32 to index
        %swap3A_648 = tpu.vector_load %arg8[%swap3A_646, %swap3A_647] {strides = array<i32>} : memref<128x768xf32, #tpu.memory_space<vmem>>, vector<1x16xf32>,
        %swap3A_649 = vector.shape_cast %swap3A_648 : vector<1x16xf32> to vector<16xf32>
        %swap3A_650 = vector.shape_cast %get3A_259 : vector<16xf32> to vector<1x16xf32>
        tpu.vector_store %arg8[%swap3A_646, %swap3A_647], %swap3A_650 {add = true, strides = array<i32>} : memref<128x768xf32, #tpu.memory_space<vmem>>, vector<1x16xf32>,
        %swap3A_651 = arith.constant 60 : i32
        %swap3A_652 = arith.index_cast %swap3A_651 : i32 to index
        %swap3A_653 = arith.index_cast %mul3A_248 : i32 to index
        %swap3A_654 = tpu.vector_load %arg8[%swap3A_652, %swap3A_653] {strides = array<i32>} : memref<128x768xf32, #tpu.memory_space<vmem>>, vector<1x16xf32>,
        %swap3A_655 = vector.shape_cast %swap3A_654 : vector<1x16xf32> to vector<16xf32>
        %swap3A_656 = vector.shape_cast %get3A_252 : vector<16xf32> to vector<1x16xf32>
        tpu.vector_store %arg8[%swap3A_652, %swap3A_653], %swap3A_656 {add = true, strides = array<i32>} : memref<128x768xf32, #tpu.memory_space<vmem>>, vector<1x16xf32>,
        %add3A_657 = arith.constant 16 : i32
        %add3A_658 = arith.addi %mul3A_248, %add3A_657 : i32
        %swap3A_659 = arith.constant 60 : i32
        %swap3A_660 = arith.index_cast %swap3A_659 : i32 to index
        %swap3A_661 = arith.index_cast %add3A_658 : i32 to index
        %swap3A_662 = tpu.vector_load %arg8[%swap3A_660, %swap3A_661] {strides = array<i32>} : memref<128x768xf32, #tpu.memory_space<vmem>>, vector<1x16xf32>,
        %swap3A_663 = vector.shape_cast %swap3A_662 : vector<1x16xf32> to vector<16xf32>
        %swap3A_664 = vector.shape_cast %get3A_259 : vector<16xf32> to vector<1x16xf32>
        tpu.vector_store %arg8[%swap3A_660, %swap3A_661], %swap3A_664 {add = true, strides = array<i32>} : memref<128x768xf32, #tpu.memory_space<vmem>>, vector<1x16xf32>,
        %swap3A_665 = arith.constant 61 : i32
        %swap3A_666 = arith.index_cast %swap3A_665 : i32 to index
        %swap3A_667 = arith.index_cast %mul3A_248 : i32 to index
        %swap3A_668 = tpu.vector_load %arg8[%swap3A_666, %swap3A_667] {strides = array<i32>} : memref<128x768xf32, #tpu.memory_space<vmem>>, vector<1x16xf32>,
        %swap3A_669 = vector.shape_cast %swap3A_668 : vector<1x16xf32> to vector<16xf32>
        %swap3A_670 = vector.shape_cast %get3A_252 : vector<16xf32> to vector<1x16xf32>
        tpu.vector_store %arg8[%swap3A_666, %swap3A_667], %swap3A_670 {add = true, strides = array<i32>} : memref<128x768xf32, #tpu.memory_space<vmem>>, vector<1x16xf32>,
        %add3A_671 = arith.constant 16 : i32
        %add3A_672 = arith.addi %mul3A_248, %add3A_671 : i32
        %swap3A_673 = arith.constant 61 : i32
        %swap3A_674 = arith.index_cast %swap3A_673 : i32 to index
        %swap3A_675 = arith.index_cast %add3A_672 : i32 to index
        %swap3A_676 = tpu.vector_load %arg8[%swap3A_674, %swap3A_675] {strides = array<i32>} : memref<128x768xf32, #tpu.memory_space<vmem>>, vector<1x16xf32>,
        %swap3A_677 = vector.shape_cast %swap3A_676 : vector<1x16xf32> to vector<16xf32>
        %swap3A_678 = vector.shape_cast %get3A_259 : vector<16xf32> to vector<1x16xf32>
        tpu.vector_store %arg8[%swap3A_674, %swap3A_675], %swap3A_678 {add = true, strides = array<i32>} : memref<128x768xf32, #tpu.memory_space<vmem>>, vector<1x16xf32>,
        %swap3A_679 = arith.constant 62 : i32
        %swap3A_680 = arith.index_cast %swap3A_679 : i32 to index
        %swap3A_681 = arith.index_cast %mul3A_248 : i32 to index
        %swap3A_682 = tpu.vector_load %arg8[%swap3A_680, %swap3A_681] {strides = array<i32>} : memref<128x768xf32, #tpu.memory_space<vmem>>, vector<1x16xf32>,
        %swap3A_683 = vector.shape_cast %swap3A_682 : vector<1x16xf32> to vector<16xf32>
        %swap3A_684 = vector.shape_cast %get3A_252 : vector<16xf32> to vector<1x16xf32>
        tpu.vector_store %arg8[%swap3A_680, %swap3A_681], %swap3A_684 {add = true, strides = array<i32>} : memref<128x768xf32, #tpu.memory_space<vmem>>, vector<1x16xf32>,
        %add3A_685 = arith.constant 16 : i32
        %add3A_686 = arith.addi %mul3A_248, %add3A_685 : i32
        %swap3A_687 = arith.constant 62 : i32
        %swap3A_688 = arith.index_cast %swap3A_687 : i32 to index
        %swap3A_689 = arith.index_cast %add3A_686 : i32 to index
        %swap3A_690 = tpu.vector_load %arg8[%swap3A_688, %swap3A_689] {strides = array<i32>} : memref<128x768xf32, #tpu.memory_space<vmem>>, vector<1x16xf32>,
        %swap3A_691 = vector.shape_cast %swap3A_690 : vector<1x16xf32> to vector<16xf32>
        %swap3A_692 = vector.shape_cast %get3A_259 : vector<16xf32> to vector<1x16xf32>
        tpu.vector_store %arg8[%swap3A_688, %swap3A_689], %swap3A_692 {add = true, strides = array<i32>} : memref<128x768xf32, #tpu.memory_space<vmem>>, vector<1x16xf32>,
        %swap3A_693 = arith.constant 63 : i32
        %swap3A_694 = arith.index_cast %swap3A_693 : i32 to index
        %swap3A_695 = arith.index_cast %mul3A_248 : i32 to index
        %swap3A_696 = tpu.vector_load %arg8[%swap3A_694, %swap3A_695] {strides = array<i32>} : memref<128x768xf32, #tpu.memory_space<vmem>>, vector<1x16xf32>,
        %swap3A_697 = vector.shape_cast %swap3A_696 : vector<1x16xf32> to vector<16xf32>
        %swap3A_698 = vector.shape_cast %get3A_252 : vector<16xf32> to vector<1x16xf32>
        tpu.vector_store %arg8[%swap3A_694, %swap3A_695], %swap3A_698 {add = true, strides = array<i32>} : memref<128x768xf32, #tpu.memory_space<vmem>>, vector<1x16xf32>,
        %add3A_699 = arith.constant 16 : i32
        %add3A_700 = arith.addi %mul3A_248, %add3A_699 : i32
        %swap3A_701 = arith.constant 63 : i32
        %swap3A_702 = arith.index_cast %swap3A_701 : i32 to index
        %swap3A_703 = arith.index_cast %add3A_700 : i32 to index
        %swap3A_704 = tpu.vector_load %arg8[%swap3A_702, %swap3A_703] {strides = array<i32>} : memref<128x768xf32, #tpu.memory_space<vmem>>, vector<1x16xf32>,
        %swap3A_705 = vector.shape_cast %swap3A_704 : vector<1x16xf32> to vector<16xf32>
        %swap3A_706 = vector.shape_cast %get3A_259 : vector<16xf32> to vector<1x16xf32>
        tpu.vector_store %arg8[%swap3A_702, %swap3A_703], %swap3A_706 {add = true, strides = array<i32>} : memref<128x768xf32, #tpu.memory_space<vmem>>, vector<1x16xf32>,
      }
      %scan3A_157 = arith.constant 24 : i32
      %mul3A_158 = arith.constant 2 : i32
      %mul3A_159 = arith.muli %mul3A_158, %mul3A_104 : i32
      %add3A_160 = arith.constant 1 : i32
      %add3A_161 = arith.addi %mul3A_159, %add3A_160 : i32
      %mul3A_162 = arith.constant 1024 : i32
      %mul3A_163 = arith.muli %add3A_161, %mul3A_162 : i32
      %add3A_164 = arith.addi %mul3A_163, %mul3A_2 : i32
      %dma_start3A_165 = arith.constant 32 : i32
      %dma_start3A_166 = arith.constant 0 : i32
      %dma_start3A_167 = tpu.memref_slice %arg8[%dma_start3A_165, %dma_start3A_166] : memref<128x768xf32, #tpu.memory_space<vmem>> -> memref<32x768xf32, #tpu.memory_space<vmem>>
      %dma_start3A_168 = arith.constant 0 : i32
      %dma_start3A_169 = tpu.memref_slice %arg5[%add3A_164, %dma_start3A_168] : memref<78848x768xf32, #tpu.memory_space<hbm>> -> memref<32x768xf32, #tpu.memory_space<hbm>>
      %dma_start3A_170 = arith.constant 0 : i32
      %dma_start3A_171 = tpu.memref_slice %arg5[%add3A_164, %dma_start3A_170] : memref<78848x768xf32, #tpu.memory_space<hbm>> -> memref<32x768xf32, #tpu.memory_space<hbm>>
      %dma_start3A_172 = arith.constant 32 : i32
      %dma_start3A_173 = arith.constant 0 : i32
      %dma_start3A_174 = tpu.memref_slice %arg8[%dma_start3A_172, %dma_start3A_173] : memref<128x768xf32, #tpu.memory_space<vmem>> -> memref<32x768xf32, #tpu.memory_space<vmem>>
      tpu.enqueue_dma source(%dma_start3A_174 : memref<32x768xf32, #tpu.memory_space<vmem>>) target(%dma_start3A_171 : memref<32x768xf32, #tpu.memory_space<hbm>>) target_semaphore(%arg12 : memref<!tpu.dma_semaphore, #tpu.memory_space<semaphore_mem>>)
      %mul3A_175 = arith.constant 2 : i32
      %mul3A_176 = arith.muli %mul3A_175, %scan3A_102 : i32
      %add3A_177 = arith.constant 1 : i32
      %add3A_178 = arith.addi %mul3A_176, %add3A_177 : i32
      %lt3A = arith.constant 18 : i32
      %lt3A_179 = arith.cmpi slt, %scan3A_102, %lt3A : i32
      %convert_element_type3A_180 = arith.extui %lt3A_179 : i1 to i32
      %cond3A_181 = arith.constant 0 : i32
      %cond3A_182 = arith.cmpi ne, %convert_element_type3A_180, %cond3A_181 : i32
      scf.if %cond3A_182 {
        %dma_wait3A_244 = arith.constant 0 : i32
        %dma_wait3A_245 = arith.constant 0 : i32
        %dma_wait3A_246 = tpu.memref_slice %arg8[%dma_wait3A_244, %dma_wait3A_245] : memref<128x768xf32, #tpu.memory_space<vmem>> -> memref<32x768xf32, #tpu.memory_space<vmem>>
        %dma_wait3A_247 = arith.constant 0 : i32
        %dma_wait3A_248 = tpu.memref_slice %arg5[%mul3A_2, %dma_wait3A_247] : memref<78848x768xf32, #tpu.memory_space<hbm>> -> memref<32x768xf32, #tpu.memory_space<hbm>>
        %dma_wait3A_249 = arith.constant 0 : i32
        %dma_wait3A_250 = tpu.memref_slice %arg5[%mul3A_2, %dma_wait3A_249] : memref<78848x768xf32, #tpu.memory_space<hbm>> -> memref<32x768xf32, #tpu.memory_space<hbm>>
        %dma_wait3A_251 = arith.constant 0 : i32
        %dma_wait3A_252 = arith.constant 0 : i32
        %dma_wait3A_253 = tpu.memref_slice %arg8[%dma_wait3A_251, %dma_wait3A_252] : memref<128x768xf32, #tpu.memory_space<vmem>> -> memref<32x768xf32, #tpu.memory_space<vmem>>
        tpu.wait_dma2 semaphore(%arg12 : memref<!tpu.dma_semaphore, #tpu.memory_space<semaphore_mem>>) src(%dma_wait3A_253 : memref<32x768xf32, #tpu.memory_space<vmem>>) dst(%dma_wait3A_250 : memref<32x768xf32, #tpu.memory_space<hbm>>)
        %dma_wait3A_254 = arith.constant 0 : i32
        %dma_wait3A_255 = arith.constant 0 : i32
        %dma_wait3A_256 = tpu.memref_slice %arg8[%dma_wait3A_254, %dma_wait3A_255] : memref<128x768xf32, #tpu.memory_space<vmem>> -> memref<32x768xf32, #tpu.memory_space<vmem>>
        %dma_wait3A_257 = arith.constant 0 : i32
        %dma_wait3A_258 = tpu.memref_slice %arg5[%mul3A_2, %dma_wait3A_257] : memref<78848x768xf32, #tpu.memory_space<hbm>> -> memref<32x768xf32, #tpu.memory_space<hbm>>
        %dma_wait3A_259 = arith.constant 0 : i32
        %dma_wait3A_260 = tpu.memref_slice %arg5[%mul3A_2, %dma_wait3A_259] : memref<78848x768xf32, #tpu.memory_space<hbm>> -> memref<32x768xf32, #tpu.memory_space<hbm>>
        %dma_wait3A_261 = arith.constant 0 : i32
        %dma_wait3A_262 = arith.constant 0 : i32
        %dma_wait3A_263 = tpu.memref_slice %arg8[%dma_wait3A_261, %dma_wait3A_262] : memref<128x768xf32, #tpu.memory_space<vmem>> -> memref<32x768xf32, #tpu.memory_space<vmem>>
        tpu.wait_dma2 semaphore(%arg12 : memref<!tpu.dma_semaphore, #tpu.memory_space<semaphore_mem>>) src(%dma_wait3A_263 : memref<32x768xf32, #tpu.memory_space<vmem>>) dst(%dma_wait3A_260 : memref<32x768xf32, #tpu.memory_space<hbm>>)
        %add3A_264 = arith.constant 1 : i32
        %add3A_265 = arith.addi %add3A_178, %add3A_264 : i32
        %mul3A_266 = arith.constant 2 : i32
        %mul3A_267 = arith.muli %add3A_265, %mul3A_266 : i32
        %mul3A_268 = arith.constant 32 : i32
        %mul3A_269 = arith.muli %mul3A_267, %mul3A_268 : i32
        %dma_start3A_270 = arith.constant 0 : i32
        %dma_start3A_271 = arith.constant 0 : i32
        %dma_start3A_272 = tpu.memref_slice %arg8[%dma_start3A_270, %dma_start3A_271] : memref<128x768xf32, #tpu.memory_space<vmem>> -> memref<64x768xf32, #tpu.memory_space<vmem>>
        %dma_start3A_273 = tpu.memref_slice %arg6[%mul3A_269] : memref<2464xi32, #tpu.memory_space<vmem>> -> memref<64xi32, #tpu.memory_space<vmem>>
        %dma_start3A_274 = arith.constant 0 : i32
        %dma_start3A_275 = arith.constant 0 : i32
        %dma_start3A_276 = tpu.memref_slice %arg3[%dma_start3A_274, %dma_start3A_275] : memref<49408x768xf32, #tpu.memory_space<hbm>> -> memref<49408x768xf32, #tpu.memory_space<hbm>>
        tpu.enqueue_indirect_dma source(%dma_start3A_276 : memref<49408x768xf32, #tpu.memory_space<hbm>>) target(%dma_start3A_272 : memref<64x768xf32, #tpu.memory_space<vmem>>) offsets(%dma_start3A_273 : memref<64xi32, #tpu.memory_space<vmem>>) semaphore(%arg10 : memref<!tpu.dma_semaphore, #tpu.memory_space<semaphore_mem>>)
      } else {
      }
      %mul3A_183 = arith.constant 2 : i32
      %mul3A_184 = arith.muli %add3A_178, %mul3A_183 : i32
      %mul3A_185 = arith.constant 768 : i32
      %mul3A_186 = arith.muli %mul3A_184, %mul3A_185 : i32
      "tpu.region"() ({
        %run_scoped3A = tpu.sem_alloc : memref<!tpu.dma_semaphore, #tpu.memory_space<semaphore_mem>>
        %dma_start3A_244 = tpu.memref_slice %arg9[%mul3A_186] : memref<59136xf32, #tpu.memory_space<vmem_shared>> -> memref<1536xf32, #tpu.memory_space<vmem_shared>>
        %dma_start3A_245 = tpu.memref_slice %arg9[%mul3A_186] : memref<59136xf32, #tpu.memory_space<vmem_shared>> -> memref<1536xf32, #tpu.memory_space<vmem_shared>>
        tpu.enqueue_dma source(%dma_start3A_245 : memref<1536xf32, #tpu.memory_space<vmem_shared>>) target(%arg7 : memref<1536xf32, #tpu.memory_space<vmem>>) target_semaphore(%run_scoped3A : memref<!tpu.dma_semaphore, #tpu.memory_space<semaphore_mem>>)
        %dma_wait3A_246 = tpu.memref_slice %arg9[%mul3A_186] : memref<59136xf32, #tpu.memory_space<vmem_shared>> -> memref<1536xf32, #tpu.memory_space<vmem_shared>>
        %dma_wait3A_247 = tpu.memref_slice %arg9[%mul3A_186] : memref<59136xf32, #tpu.memory_space<vmem_shared>> -> memref<1536xf32, #tpu.memory_space<vmem_shared>>
        tpu.wait_dma2 semaphore(%run_scoped3A : memref<!tpu.dma_semaphore, #tpu.memory_space<semaphore_mem>>) src(%dma_wait3A_247 : memref<1536xf32, #tpu.memory_space<vmem_shared>>) dst(%arg7 : memref<1536xf32, #tpu.memory_space<vmem>>)
        tpu.yield
      }) : () -> ()
      %mul3A_187 = arith.constant 2 : i32
      %mul3A_188 = arith.muli %add3A_178, %mul3A_187 : i32
      %mul3A_189 = arith.constant 32 : i32
      %mul3A_190 = arith.muli %mul3A_188, %mul3A_189 : i32
      %dma_wait3A_191 = arith.constant 64 : i32
      %dma_wait3A_192 = arith.constant 0 : i32
      %dma_wait3A_193 = tpu.memref_slice %arg8[%dma_wait3A_191, %dma_wait3A_192] : memref<128x768xf32, #tpu.memory_space<vmem>> -> memref<64x768xf32, #tpu.memory_space<vmem>>
      %dma_wait3A_194 = tpu.memref_slice %arg6[%mul3A_190] : memref<2464xi32, #tpu.memory_space<vmem>> -> memref<64xi32, #tpu.memory_space<vmem>>
      %dma_wait3A_195 = arith.constant 0 : i32
      %dma_wait3A_196 = arith.constant 0 : i32
      %dma_wait3A_197 = tpu.memref_slice %arg3[%dma_wait3A_195, %dma_wait3A_196] : memref<49408x768xf32, #tpu.memory_space<hbm>> -> memref<49408x768xf32, #tpu.memory_space<hbm>>
      tpu.wait_indirect_dma semaphore(%arg11 : memref<!tpu.dma_semaphore, #tpu.memory_space<semaphore_mem>>) src(%dma_wait3A_197 : memref<49408x768xf32, #tpu.memory_space<hbm>>) dst(%dma_wait3A_193 : memref<64x768xf32, #tpu.memory_space<vmem>>)
      %scan3A_198 = arith.constant 0 : i32
      %scan3A_199 = arith.constant 0 : i32
      %scan3A_200 = arith.constant 24 : i32
      %scan3A_201 = arith.addi %scan3A_199, %scan3A_200 : i32
      %scan3A_202 = arith.constant 1 : i32
      scf.for %scan3A_244 = %scan3A_199 to %scan3A_201 step %scan3A_202  : i32 {
        %mul3A_245 = arith.constant 2 : i32
        %mul3A_246 = arith.muli %scan3A_244, %mul3A_245 : i32
        %mul3A_247 = arith.constant 16 : i32
        %mul3A_248 = arith.muli %mul3A_246, %mul3A_247 : i32
        %add3A_249 = arith.constant 0 : i32
        %add3A_250 = arith.addi %add3A_249, %mul3A_248 : i32
        %get3A = arith.index_cast %add3A_250 : i32 to index
        %get3A_251 = tpu.vector_load %arg7[%get3A] {strides = array<i32>} : memref<1536xf32, #tpu.memory_space<vmem>>, vector<16xf32>,
        %get3A_252 = vector.shape_cast %get3A_251 : vector<16xf32> to vector<16xf32>
        %add3A_253 = arith.constant 0 : i32
        %add3A_254 = arith.addi %add3A_253, %mul3A_248 : i32
        %add3A_255 = arith.constant 16 : i32
        %add3A_256 = arith.addi %add3A_254, %add3A_255 : i32
        %get3A_257 = arith.index_cast %add3A_256 : i32 to index
        %get3A_258 = tpu.vector_load %arg7[%get3A_257] {strides = array<i32>} : memref<1536xf32, #tpu.memory_space<vmem>>, vector<16xf32>,
        %get3A_259 = vector.shape_cast %get3A_258 : vector<16xf32> to vector<16xf32>
        %swap3A = arith.constant 64 : i32
        %swap3A_260 = arith.index_cast %swap3A : i32 to index
        %swap3A_261 = arith.index_cast %mul3A_248 : i32 to index
        %swap3A_262 = tpu.vector_load %arg8[%swap3A_260, %swap3A_261] {strides = array<i32>} : memref<128x768xf32, #tpu.memory_space<vmem>>, vector<1x16xf32>,
        %swap3A_263 = vector.shape_cast %swap3A_262 : vector<1x16xf32> to vector<16xf32>
        %swap3A_264 = vector.shape_cast %get3A_252 : vector<16xf32> to vector<1x16xf32>
        tpu.vector_store %arg8[%swap3A_260, %swap3A_261], %swap3A_264 {add = true, strides = array<i32>} : memref<128x768xf32, #tpu.memory_space<vmem>>, vector<1x16xf32>,
        %add3A_265 = arith.constant 16 : i32
        %add3A_266 = arith.addi %mul3A_248, %add3A_265 : i32
        %swap3A_267 = arith.constant 64 : i32
        %swap3A_268 = arith.index_cast %swap3A_267 : i32 to index
        %swap3A_269 = arith.index_cast %add3A_266 : i32 to index
        %swap3A_270 = tpu.vector_load %arg8[%swap3A_268, %swap3A_269] {strides = array<i32>} : memref<128x768xf32, #tpu.memory_space<vmem>>, vector<1x16xf32>,
        %swap3A_271 = vector.shape_cast %swap3A_270 : vector<1x16xf32> to vector<16xf32>
        %swap3A_272 = vector.shape_cast %get3A_259 : vector<16xf32> to vector<1x16xf32>
        tpu.vector_store %arg8[%swap3A_268, %swap3A_269], %swap3A_272 {add = true, strides = array<i32>} : memref<128x768xf32, #tpu.memory_space<vmem>>, vector<1x16xf32>,
        %swap3A_273 = arith.constant 65 : i32
        %swap3A_274 = arith.index_cast %swap3A_273 : i32 to index
        %swap3A_275 = arith.index_cast %mul3A_248 : i32 to index
        %swap3A_276 = tpu.vector_load %arg8[%swap3A_274, %swap3A_275] {strides = array<i32>} : memref<128x768xf32, #tpu.memory_space<vmem>>, vector<1x16xf32>,
        %swap3A_277 = vector.shape_cast %swap3A_276 : vector<1x16xf32> to vector<16xf32>
        %swap3A_278 = vector.shape_cast %get3A_252 : vector<16xf32> to vector<1x16xf32>
        tpu.vector_store %arg8[%swap3A_274, %swap3A_275], %swap3A_278 {add = true, strides = array<i32>} : memref<128x768xf32, #tpu.memory_space<vmem>>, vector<1x16xf32>,
        %add3A_279 = arith.constant 16 : i32
        %add3A_280 = arith.addi %mul3A_248, %add3A_279 : i32
        %swap3A_281 = arith.constant 65 : i32
        %swap3A_282 = arith.index_cast %swap3A_281 : i32 to index
        %swap3A_283 = arith.index_cast %add3A_280 : i32 to index
        %swap3A_284 = tpu.vector_load %arg8[%swap3A_282, %swap3A_283] {strides = array<i32>} : memref<128x768xf32, #tpu.memory_space<vmem>>, vector<1x16xf32>,
        %swap3A_285 = vector.shape_cast %swap3A_284 : vector<1x16xf32> to vector<16xf32>
        %swap3A_286 = vector.shape_cast %get3A_259 : vector<16xf32> to vector<1x16xf32>
        tpu.vector_store %arg8[%swap3A_282, %swap3A_283], %swap3A_286 {add = true, strides = array<i32>} : memref<128x768xf32, #tpu.memory_space<vmem>>, vector<1x16xf32>,
        %swap3A_287 = arith.constant 66 : i32
        %swap3A_288 = arith.index_cast %swap3A_287 : i32 to index
        %swap3A_289 = arith.index_cast %mul3A_248 : i32 to index
        %swap3A_290 = tpu.vector_load %arg8[%swap3A_288, %swap3A_289] {strides = array<i32>} : memref<128x768xf32, #tpu.memory_space<vmem>>, vector<1x16xf32>,
        %swap3A_291 = vector.shape_cast %swap3A_290 : vector<1x16xf32> to vector<16xf32>
        %swap3A_292 = vector.shape_cast %get3A_252 : vector<16xf32> to vector<1x16xf32>
        tpu.vector_store %arg8[%swap3A_288, %swap3A_289], %swap3A_292 {add = true, strides = array<i32>} : memref<128x768xf32, #tpu.memory_space<vmem>>, vector<1x16xf32>,
        %add3A_293 = arith.constant 16 : i32
        %add3A_294 = arith.addi %mul3A_248, %add3A_293 : i32
        %swap3A_295 = arith.constant 66 : i32
        %swap3A_296 = arith.index_cast %swap3A_295 : i32 to index
        %swap3A_297 = arith.index_cast %add3A_294 : i32 to index
        %swap3A_298 = tpu.vector_load %arg8[%swap3A_296, %swap3A_297] {strides = array<i32>} : memref<128x768xf32, #tpu.memory_space<vmem>>, vector<1x16xf32>,
        %swap3A_299 = vector.shape_cast %swap3A_298 : vector<1x16xf32> to vector<16xf32>
        %swap3A_300 = vector.shape_cast %get3A_259 : vector<16xf32> to vector<1x16xf32>
        tpu.vector_store %arg8[%swap3A_296, %swap3A_297], %swap3A_300 {add = true, strides = array<i32>} : memref<128x768xf32, #tpu.memory_space<vmem>>, vector<1x16xf32>,
        %swap3A_301 = arith.constant 67 : i32
        %swap3A_302 = arith.index_cast %swap3A_301 : i32 to index
        %swap3A_303 = arith.index_cast %mul3A_248 : i32 to index
        %swap3A_304 = tpu.vector_load %arg8[%swap3A_302, %swap3A_303] {strides = array<i32>} : memref<128x768xf32, #tpu.memory_space<vmem>>, vector<1x16xf32>,
        %swap3A_305 = vector.shape_cast %swap3A_304 : vector<1x16xf32> to vector<16xf32>
        %swap3A_306 = vector.shape_cast %get3A_252 : vector<16xf32> to vector<1x16xf32>
        tpu.vector_store %arg8[%swap3A_302, %swap3A_303], %swap3A_306 {add = true, strides = array<i32>} : memref<128x768xf32, #tpu.memory_space<vmem>>, vector<1x16xf32>,
        %add3A_307 = arith.constant 16 : i32
        %add3A_308 = arith.addi %mul3A_248, %add3A_307 : i32
        %swap3A_309 = arith.constant 67 : i32
        %swap3A_310 = arith.index_cast %swap3A_309 : i32 to index
        %swap3A_311 = arith.index_cast %add3A_308 : i32 to index
        %swap3A_312 = tpu.vector_load %arg8[%swap3A_310, %swap3A_311] {strides = array<i32>} : memref<128x768xf32, #tpu.memory_space<vmem>>, vector<1x16xf32>,
        %swap3A_313 = vector.shape_cast %swap3A_312 : vector<1x16xf32> to vector<16xf32>
        %swap3A_314 = vector.shape_cast %get3A_259 : vector<16xf32> to vector<1x16xf32>
        tpu.vector_store %arg8[%swap3A_310, %swap3A_311], %swap3A_314 {add = true, strides = array<i32>} : memref<128x768xf32, #tpu.memory_space<vmem>>, vector<1x16xf32>,
        %swap3A_315 = arith.constant 68 : i32
        %swap3A_316 = arith.index_cast %swap3A_315 : i32 to index
        %swap3A_317 = arith.index_cast %mul3A_248 : i32 to index
        %swap3A_318 = tpu.vector_load %arg8[%swap3A_316, %swap3A_317] {strides = array<i32>} : memref<128x768xf32, #tpu.memory_space<vmem>>, vector<1x16xf32>,
        %swap3A_319 = vector.shape_cast %swap3A_318 : vector<1x16xf32> to vector<16xf32>
        %swap3A_320 = vector.shape_cast %get3A_252 : vector<16xf32> to vector<1x16xf32>
        tpu.vector_store %arg8[%swap3A_316, %swap3A_317], %swap3A_320 {add = true, strides = array<i32>} : memref<128x768xf32, #tpu.memory_space<vmem>>, vector<1x16xf32>,
        %add3A_321 = arith.constant 16 : i32
        %add3A_322 = arith.addi %mul3A_248, %add3A_321 : i32
        %swap3A_323 = arith.constant 68 : i32
        %swap3A_324 = arith.index_cast %swap3A_323 : i32 to index
        %swap3A_325 = arith.index_cast %add3A_322 : i32 to index
        %swap3A_326 = tpu.vector_load %arg8[%swap3A_324, %swap3A_325] {strides = array<i32>} : memref<128x768xf32, #tpu.memory_space<vmem>>, vector<1x16xf32>,
        %swap3A_327 = vector.shape_cast %swap3A_326 : vector<1x16xf32> to vector<16xf32>
        %swap3A_328 = vector.shape_cast %get3A_259 : vector<16xf32> to vector<1x16xf32>
        tpu.vector_store %arg8[%swap3A_324, %swap3A_325], %swap3A_328 {add = true, strides = array<i32>} : memref<128x768xf32, #tpu.memory_space<vmem>>, vector<1x16xf32>,
        %swap3A_329 = arith.constant 69 : i32
        %swap3A_330 = arith.index_cast %swap3A_329 : i32 to index
        %swap3A_331 = arith.index_cast %mul3A_248 : i32 to index
        %swap3A_332 = tpu.vector_load %arg8[%swap3A_330, %swap3A_331] {strides = array<i32>} : memref<128x768xf32, #tpu.memory_space<vmem>>, vector<1x16xf32>,
        %swap3A_333 = vector.shape_cast %swap3A_332 : vector<1x16xf32> to vector<16xf32>
        %swap3A_334 = vector.shape_cast %get3A_252 : vector<16xf32> to vector<1x16xf32>
        tpu.vector_store %arg8[%swap3A_330, %swap3A_331], %swap3A_334 {add = true, strides = array<i32>} : memref<128x768xf32, #tpu.memory_space<vmem>>, vector<1x16xf32>,
        %add3A_335 = arith.constant 16 : i32
        %add3A_336 = arith.addi %mul3A_248, %add3A_335 : i32
        %swap3A_337 = arith.constant 69 : i32
        %swap3A_338 = arith.index_cast %swap3A_337 : i32 to index
        %swap3A_339 = arith.index_cast %add3A_336 : i32 to index
        %swap3A_340 = tpu.vector_load %arg8[%swap3A_338, %swap3A_339] {strides = array<i32>} : memref<128x768xf32, #tpu.memory_space<vmem>>, vector<1x16xf32>,
        %swap3A_341 = vector.shape_cast %swap3A_340 : vector<1x16xf32> to vector<16xf32>
        %swap3A_342 = vector.shape_cast %get3A_259 : vector<16xf32> to vector<1x16xf32>
        tpu.vector_store %arg8[%swap3A_338, %swap3A_339], %swap3A_342 {add = true, strides = array<i32>} : memref<128x768xf32, #tpu.memory_space<vmem>>, vector<1x16xf32>,
        %swap3A_343 = arith.constant 70 : i32
        %swap3A_344 = arith.index_cast %swap3A_343 : i32 to index
        %swap3A_345 = arith.index_cast %mul3A_248 : i32 to index
        %swap3A_346 = tpu.vector_load %arg8[%swap3A_344, %swap3A_345] {strides = array<i32>} : memref<128x768xf32, #tpu.memory_space<vmem>>, vector<1x16xf32>,
        %swap3A_347 = vector.shape_cast %swap3A_346 : vector<1x16xf32> to vector<16xf32>
        %swap3A_348 = vector.shape_cast %get3A_252 : vector<16xf32> to vector<1x16xf32>
        tpu.vector_store %arg8[%swap3A_344, %swap3A_345], %swap3A_348 {add = true, strides = array<i32>} : memref<128x768xf32, #tpu.memory_space<vmem>>, vector<1x16xf32>,
        %add3A_349 = arith.constant 16 : i32
        %add3A_350 = arith.addi %mul3A_248, %add3A_349 : i32
        %swap3A_351 = arith.constant 70 : i32
        %swap3A_352 = arith.index_cast %swap3A_351 : i32 to index
        %swap3A_353 = arith.index_cast %add3A_350 : i32 to index
        %swap3A_354 = tpu.vector_load %arg8[%swap3A_352, %swap3A_353] {strides = array<i32>} : memref<128x768xf32, #tpu.memory_space<vmem>>, vector<1x16xf32>,
        %swap3A_355 = vector.shape_cast %swap3A_354 : vector<1x16xf32> to vector<16xf32>
        %swap3A_356 = vector.shape_cast %get3A_259 : vector<16xf32> to vector<1x16xf32>
        tpu.vector_store %arg8[%swap3A_352, %swap3A_353], %swap3A_356 {add = true, strides = array<i32>} : memref<128x768xf32, #tpu.memory_space<vmem>>, vector<1x16xf32>,
        %swap3A_357 = arith.constant 71 : i32
        %swap3A_358 = arith.index_cast %swap3A_357 : i32 to index
        %swap3A_359 = arith.index_cast %mul3A_248 : i32 to index
        %swap3A_360 = tpu.vector_load %arg8[%swap3A_358, %swap3A_359] {strides = array<i32>} : memref<128x768xf32, #tpu.memory_space<vmem>>, vector<1x16xf32>,
        %swap3A_361 = vector.shape_cast %swap3A_360 : vector<1x16xf32> to vector<16xf32>
        %swap3A_362 = vector.shape_cast %get3A_252 : vector<16xf32> to vector<1x16xf32>
        tpu.vector_store %arg8[%swap3A_358, %swap3A_359], %swap3A_362 {add = true, strides = array<i32>} : memref<128x768xf32, #tpu.memory_space<vmem>>, vector<1x16xf32>,
        %add3A_363 = arith.constant 16 : i32
        %add3A_364 = arith.addi %mul3A_248, %add3A_363 : i32
        %swap3A_365 = arith.constant 71 : i32
        %swap3A_366 = arith.index_cast %swap3A_365 : i32 to index
        %swap3A_367 = arith.index_cast %add3A_364 : i32 to index
        %swap3A_368 = tpu.vector_load %arg8[%swap3A_366, %swap3A_367] {strides = array<i32>} : memref<128x768xf32, #tpu.memory_space<vmem>>, vector<1x16xf32>,
        %swap3A_369 = vector.shape_cast %swap3A_368 : vector<1x16xf32> to vector<16xf32>
        %swap3A_370 = vector.shape_cast %get3A_259 : vector<16xf32> to vector<1x16xf32>
        tpu.vector_store %arg8[%swap3A_366, %swap3A_367], %swap3A_370 {add = true, strides = array<i32>} : memref<128x768xf32, #tpu.memory_space<vmem>>, vector<1x16xf32>,
        %swap3A_371 = arith.constant 72 : i32
        %swap3A_372 = arith.index_cast %swap3A_371 : i32 to index
        %swap3A_373 = arith.index_cast %mul3A_248 : i32 to index
        %swap3A_374 = tpu.vector_load %arg8[%swap3A_372, %swap3A_373] {strides = array<i32>} : memref<128x768xf32, #tpu.memory_space<vmem>>, vector<1x16xf32>,
        %swap3A_375 = vector.shape_cast %swap3A_374 : vector<1x16xf32> to vector<16xf32>
        %swap3A_376 = vector.shape_cast %get3A_252 : vector<16xf32> to vector<1x16xf32>
        tpu.vector_store %arg8[%swap3A_372, %swap3A_373], %swap3A_376 {add = true, strides = array<i32>} : memref<128x768xf32, #tpu.memory_space<vmem>>, vector<1x16xf32>,
        %add3A_377 = arith.constant 16 : i32
        %add3A_378 = arith.addi %mul3A_248, %add3A_377 : i32
        %swap3A_379 = arith.constant 72 : i32
        %swap3A_380 = arith.index_cast %swap3A_379 : i32 to index
        %swap3A_381 = arith.index_cast %add3A_378 : i32 to index
        %swap3A_382 = tpu.vector_load %arg8[%swap3A_380, %swap3A_381] {strides = array<i32>} : memref<128x768xf32, #tpu.memory_space<vmem>>, vector<1x16xf32>,
        %swap3A_383 = vector.shape_cast %swap3A_382 : vector<1x16xf32> to vector<16xf32>
        %swap3A_384 = vector.shape_cast %get3A_259 : vector<16xf32> to vector<1x16xf32>
        tpu.vector_store %arg8[%swap3A_380, %swap3A_381], %swap3A_384 {add = true, strides = array<i32>} : memref<128x768xf32, #tpu.memory_space<vmem>>, vector<1x16xf32>,
        %swap3A_385 = arith.constant 73 : i32
        %swap3A_386 = arith.index_cast %swap3A_385 : i32 to index
        %swap3A_387 = arith.index_cast %mul3A_248 : i32 to index
        %swap3A_388 = tpu.vector_load %arg8[%swap3A_386, %swap3A_387] {strides = array<i32>} : memref<128x768xf32, #tpu.memory_space<vmem>>, vector<1x16xf32>,
        %swap3A_389 = vector.shape_cast %swap3A_388 : vector<1x16xf32> to vector<16xf32>
        %swap3A_390 = vector.shape_cast %get3A_252 : vector<16xf32> to vector<1x16xf32>
        tpu.vector_store %arg8[%swap3A_386, %swap3A_387], %swap3A_390 {add = true, strides = array<i32>} : memref<128x768xf32, #tpu.memory_space<vmem>>, vector<1x16xf32>,
        %add3A_391 = arith.constant 16 : i32
        %add3A_392 = arith.addi %mul3A_248, %add3A_391 : i32
        %swap3A_393 = arith.constant 73 : i32
        %swap3A_394 = arith.index_cast %swap3A_393 : i32 to index
        %swap3A_395 = arith.index_cast %add3A_392 : i32 to index
        %swap3A_396 = tpu.vector_load %arg8[%swap3A_394, %swap3A_395] {strides = array<i32>} : memref<128x768xf32, #tpu.memory_space<vmem>>, vector<1x16xf32>,
        %swap3A_397 = vector.shape_cast %swap3A_396 : vector<1x16xf32> to vector<16xf32>
        %swap3A_398 = vector.shape_cast %get3A_259 : vector<16xf32> to vector<1x16xf32>
        tpu.vector_store %arg8[%swap3A_394, %swap3A_395], %swap3A_398 {add = true, strides = array<i32>} : memref<128x768xf32, #tpu.memory_space<vmem>>, vector<1x16xf32>,
        %swap3A_399 = arith.constant 74 : i32
        %swap3A_400 = arith.index_cast %swap3A_399 : i32 to index
        %swap3A_401 = arith.index_cast %mul3A_248 : i32 to index
        %swap3A_402 = tpu.vector_load %arg8[%swap3A_400, %swap3A_401] {strides = array<i32>} : memref<128x768xf32, #tpu.memory_space<vmem>>, vector<1x16xf32>,
        %swap3A_403 = vector.shape_cast %swap3A_402 : vector<1x16xf32> to vector<16xf32>
        %swap3A_404 = vector.shape_cast %get3A_252 : vector<16xf32> to vector<1x16xf32>
        tpu.vector_store %arg8[%swap3A_400, %swap3A_401], %swap3A_404 {add = true, strides = array<i32>} : memref<128x768xf32, #tpu.memory_space<vmem>>, vector<1x16xf32>,
        %add3A_405 = arith.constant 16 : i32
        %add3A_406 = arith.addi %mul3A_248, %add3A_405 : i32
        %swap3A_407 = arith.constant 74 : i32
        %swap3A_408 = arith.index_cast %swap3A_407 : i32 to index
        %swap3A_409 = arith.index_cast %add3A_406 : i32 to index
        %swap3A_410 = tpu.vector_load %arg8[%swap3A_408, %swap3A_409] {strides = array<i32>} : memref<128x768xf32, #tpu.memory_space<vmem>>, vector<1x16xf32>,
        %swap3A_411 = vector.shape_cast %swap3A_410 : vector<1x16xf32> to vector<16xf32>
        %swap3A_412 = vector.shape_cast %get3A_259 : vector<16xf32> to vector<1x16xf32>
        tpu.vector_store %arg8[%swap3A_408, %swap3A_409], %swap3A_412 {add = true, strides = array<i32>} : memref<128x768xf32, #tpu.memory_space<vmem>>, vector<1x16xf32>,
        %swap3A_413 = arith.constant 75 : i32
        %swap3A_414 = arith.index_cast %swap3A_413 : i32 to index
        %swap3A_415 = arith.index_cast %mul3A_248 : i32 to index
        %swap3A_416 = tpu.vector_load %arg8[%swap3A_414, %swap3A_415] {strides = array<i32>} : memref<128x768xf32, #tpu.memory_space<vmem>>, vector<1x16xf32>,
        %swap3A_417 = vector.shape_cast %swap3A_416 : vector<1x16xf32> to vector<16xf32>
        %swap3A_418 = vector.shape_cast %get3A_252 : vector<16xf32> to vector<1x16xf32>
        tpu.vector_store %arg8[%swap3A_414, %swap3A_415], %swap3A_418 {add = true, strides = array<i32>} : memref<128x768xf32, #tpu.memory_space<vmem>>, vector<1x16xf32>,
        %add3A_419 = arith.constant 16 : i32
        %add3A_420 = arith.addi %mul3A_248, %add3A_419 : i32
        %swap3A_421 = arith.constant 75 : i32
        %swap3A_422 = arith.index_cast %swap3A_421 : i32 to index
        %swap3A_423 = arith.index_cast %add3A_420 : i32 to index
        %swap3A_424 = tpu.vector_load %arg8[%swap3A_422, %swap3A_423] {strides = array<i32>} : memref<128x768xf32, #tpu.memory_space<vmem>>, vector<1x16xf32>,
        %swap3A_425 = vector.shape_cast %swap3A_424 : vector<1x16xf32> to vector<16xf32>
        %swap3A_426 = vector.shape_cast %get3A_259 : vector<16xf32> to vector<1x16xf32>
        tpu.vector_store %arg8[%swap3A_422, %swap3A_423], %swap3A_426 {add = true, strides = array<i32>} : memref<128x768xf32, #tpu.memory_space<vmem>>, vector<1x16xf32>,
        %swap3A_427 = arith.constant 76 : i32
        %swap3A_428 = arith.index_cast %swap3A_427 : i32 to index
        %swap3A_429 = arith.index_cast %mul3A_248 : i32 to index
        %swap3A_430 = tpu.vector_load %arg8[%swap3A_428, %swap3A_429] {strides = array<i32>} : memref<128x768xf32, #tpu.memory_space<vmem>>, vector<1x16xf32>,
        %swap3A_431 = vector.shape_cast %swap3A_430 : vector<1x16xf32> to vector<16xf32>
        %swap3A_432 = vector.shape_cast %get3A_252 : vector<16xf32> to vector<1x16xf32>
        tpu.vector_store %arg8[%swap3A_428, %swap3A_429], %swap3A_432 {add = true, strides = array<i32>} : memref<128x768xf32, #tpu.memory_space<vmem>>, vector<1x16xf32>,
        %add3A_433 = arith.constant 16 : i32
        %add3A_434 = arith.addi %mul3A_248, %add3A_433 : i32
        %swap3A_435 = arith.constant 76 : i32
        %swap3A_436 = arith.index_cast %swap3A_435 : i32 to index
        %swap3A_437 = arith.index_cast %add3A_434 : i32 to index
        %swap3A_438 = tpu.vector_load %arg8[%swap3A_436, %swap3A_437] {strides = array<i32>} : memref<128x768xf32, #tpu.memory_space<vmem>>, vector<1x16xf32>,
        %swap3A_439 = vector.shape_cast %swap3A_438 : vector<1x16xf32> to vector<16xf32>
        %swap3A_440 = vector.shape_cast %get3A_259 : vector<16xf32> to vector<1x16xf32>
        tpu.vector_store %arg8[%swap3A_436, %swap3A_437], %swap3A_440 {add = true, strides = array<i32>} : memref<128x768xf32, #tpu.memory_space<vmem>>, vector<1x16xf32>,
        %swap3A_441 = arith.constant 77 : i32
        %swap3A_442 = arith.index_cast %swap3A_441 : i32 to index
        %swap3A_443 = arith.index_cast %mul3A_248 : i32 to index
        %swap3A_444 = tpu.vector_load %arg8[%swap3A_442, %swap3A_443] {strides = array<i32>} : memref<128x768xf32, #tpu.memory_space<vmem>>, vector<1x16xf32>,
        %swap3A_445 = vector.shape_cast %swap3A_444 : vector<1x16xf32> to vector<16xf32>
        %swap3A_446 = vector.shape_cast %get3A_252 : vector<16xf32> to vector<1x16xf32>
        tpu.vector_store %arg8[%swap3A_442, %swap3A_443], %swap3A_446 {add = true, strides = array<i32>} : memref<128x768xf32, #tpu.memory_space<vmem>>, vector<1x16xf32>,
        %add3A_447 = arith.constant 16 : i32
        %add3A_448 = arith.addi %mul3A_248, %add3A_447 : i32
        %swap3A_449 = arith.constant 77 : i32
        %swap3A_450 = arith.index_cast %swap3A_449 : i32 to index
        %swap3A_451 = arith.index_cast %add3A_448 : i32 to index
        %swap3A_452 = tpu.vector_load %arg8[%swap3A_450, %swap3A_451] {strides = array<i32>} : memref<128x768xf32, #tpu.memory_space<vmem>>, vector<1x16xf32>,
        %swap3A_453 = vector.shape_cast %swap3A_452 : vector<1x16xf32> to vector<16xf32>
        %swap3A_454 = vector.shape_cast %get3A_259 : vector<16xf32> to vector<1x16xf32>
        tpu.vector_store %arg8[%swap3A_450, %swap3A_451], %swap3A_454 {add = true, strides = array<i32>} : memref<128x768xf32, #tpu.memory_space<vmem>>, vector<1x16xf32>,
        %swap3A_455 = arith.constant 78 : i32
        %swap3A_456 = arith.index_cast %swap3A_455 : i32 to index
        %swap3A_457 = arith.index_cast %mul3A_248 : i32 to index
        %swap3A_458 = tpu.vector_load %arg8[%swap3A_456, %swap3A_457] {strides = array<i32>} : memref<128x768xf32, #tpu.memory_space<vmem>>, vector<1x16xf32>,
        %swap3A_459 = vector.shape_cast %swap3A_458 : vector<1x16xf32> to vector<16xf32>
        %swap3A_460 = vector.shape_cast %get3A_252 : vector<16xf32> to vector<1x16xf32>
        tpu.vector_store %arg8[%swap3A_456, %swap3A_457], %swap3A_460 {add = true, strides = array<i32>} : memref<128x768xf32, #tpu.memory_space<vmem>>, vector<1x16xf32>,
        %add3A_461 = arith.constant 16 : i32
        %add3A_462 = arith.addi %mul3A_248, %add3A_461 : i32
        %swap3A_463 = arith.constant 78 : i32
        %swap3A_464 = arith.index_cast %swap3A_463 : i32 to index
        %swap3A_465 = arith.index_cast %add3A_462 : i32 to index
        %swap3A_466 = tpu.vector_load %arg8[%swap3A_464, %swap3A_465] {strides = array<i32>} : memref<128x768xf32, #tpu.memory_space<vmem>>, vector<1x16xf32>,
        %swap3A_467 = vector.shape_cast %swap3A_466 : vector<1x16xf32> to vector<16xf32>
        %swap3A_468 = vector.shape_cast %get3A_259 : vector<16xf32> to vector<1x16xf32>
        tpu.vector_store %arg8[%swap3A_464, %swap3A_465], %swap3A_468 {add = true, strides = array<i32>} : memref<128x768xf32, #tpu.memory_space<vmem>>, vector<1x16xf32>,
        %swap3A_469 = arith.constant 79 : i32
        %swap3A_470 = arith.index_cast %swap3A_469 : i32 to index
        %swap3A_471 = arith.index_cast %mul3A_248 : i32 to index
        %swap3A_472 = tpu.vector_load %arg8[%swap3A_470, %swap3A_471] {strides = array<i32>} : memref<128x768xf32, #tpu.memory_space<vmem>>, vector<1x16xf32>,
        %swap3A_473 = vector.shape_cast %swap3A_472 : vector<1x16xf32> to vector<16xf32>
        %swap3A_474 = vector.shape_cast %get3A_252 : vector<16xf32> to vector<1x16xf32>
        tpu.vector_store %arg8[%swap3A_470, %swap3A_471], %swap3A_474 {add = true, strides = array<i32>} : memref<128x768xf32, #tpu.memory_space<vmem>>, vector<1x16xf32>,
        %add3A_475 = arith.constant 16 : i32
        %add3A_476 = arith.addi %mul3A_248, %add3A_475 : i32
        %swap3A_477 = arith.constant 79 : i32
        %swap3A_478 = arith.index_cast %swap3A_477 : i32 to index
        %swap3A_479 = arith.index_cast %add3A_476 : i32 to index
        %swap3A_480 = tpu.vector_load %arg8[%swap3A_478, %swap3A_479] {strides = array<i32>} : memref<128x768xf32, #tpu.memory_space<vmem>>, vector<1x16xf32>,
        %swap3A_481 = vector.shape_cast %swap3A_480 : vector<1x16xf32> to vector<16xf32>
        %swap3A_482 = vector.shape_cast %get3A_259 : vector<16xf32> to vector<1x16xf32>
        tpu.vector_store %arg8[%swap3A_478, %swap3A_479], %swap3A_482 {add = true, strides = array<i32>} : memref<128x768xf32, #tpu.memory_space<vmem>>, vector<1x16xf32>,
        %swap3A_483 = arith.constant 80 : i32
        %swap3A_484 = arith.index_cast %swap3A_483 : i32 to index
        %swap3A_485 = arith.index_cast %mul3A_248 : i32 to index
        %swap3A_486 = tpu.vector_load %arg8[%swap3A_484, %swap3A_485] {strides = array<i32>} : memref<128x768xf32, #tpu.memory_space<vmem>>, vector<1x16xf32>,
        %swap3A_487 = vector.shape_cast %swap3A_486 : vector<1x16xf32> to vector<16xf32>
        %swap3A_488 = vector.shape_cast %get3A_252 : vector<16xf32> to vector<1x16xf32>
        tpu.vector_store %arg8[%swap3A_484, %swap3A_485], %swap3A_488 {add = true, strides = array<i32>} : memref<128x768xf32, #tpu.memory_space<vmem>>, vector<1x16xf32>,
        %add3A_489 = arith.constant 16 : i32
        %add3A_490 = arith.addi %mul3A_248, %add3A_489 : i32
        %swap3A_491 = arith.constant 80 : i32
        %swap3A_492 = arith.index_cast %swap3A_491 : i32 to index
        %swap3A_493 = arith.index_cast %add3A_490 : i32 to index
        %swap3A_494 = tpu.vector_load %arg8[%swap3A_492, %swap3A_493] {strides = array<i32>} : memref<128x768xf32, #tpu.memory_space<vmem>>, vector<1x16xf32>,
        %swap3A_495 = vector.shape_cast %swap3A_494 : vector<1x16xf32> to vector<16xf32>
        %swap3A_496 = vector.shape_cast %get3A_259 : vector<16xf32> to vector<1x16xf32>
        tpu.vector_store %arg8[%swap3A_492, %swap3A_493], %swap3A_496 {add = true, strides = array<i32>} : memref<128x768xf32, #tpu.memory_space<vmem>>, vector<1x16xf32>,
        %swap3A_497 = arith.constant 81 : i32
        %swap3A_498 = arith.index_cast %swap3A_497 : i32 to index
        %swap3A_499 = arith.index_cast %mul3A_248 : i32 to index
        %swap3A_500 = tpu.vector_load %arg8[%swap3A_498, %swap3A_499] {strides = array<i32>} : memref<128x768xf32, #tpu.memory_space<vmem>>, vector<1x16xf32>,
        %swap3A_501 = vector.shape_cast %swap3A_500 : vector<1x16xf32> to vector<16xf32>
        %swap3A_502 = vector.shape_cast %get3A_252 : vector<16xf32> to vector<1x16xf32>
        tpu.vector_store %arg8[%swap3A_498, %swap3A_499], %swap3A_502 {add = true, strides = array<i32>} : memref<128x768xf32, #tpu.memory_space<vmem>>, vector<1x16xf32>,
        %add3A_503 = arith.constant 16 : i32
        %add3A_504 = arith.addi %mul3A_248, %add3A_503 : i32
        %swap3A_505 = arith.constant 81 : i32
        %swap3A_506 = arith.index_cast %swap3A_505 : i32 to index
        %swap3A_507 = arith.index_cast %add3A_504 : i32 to index
        %swap3A_508 = tpu.vector_load %arg8[%swap3A_506, %swap3A_507] {strides = array<i32>} : memref<128x768xf32, #tpu.memory_space<vmem>>, vector<1x16xf32>,
        %swap3A_509 = vector.shape_cast %swap3A_508 : vector<1x16xf32> to vector<16xf32>
        %swap3A_510 = vector.shape_cast %get3A_259 : vector<16xf32> to vector<1x16xf32>
        tpu.vector_store %arg8[%swap3A_506, %swap3A_507], %swap3A_510 {add = true, strides = array<i32>} : memref<128x768xf32, #tpu.memory_space<vmem>>, vector<1x16xf32>,
        %swap3A_511 = arith.constant 82 : i32
        %swap3A_512 = arith.index_cast %swap3A_511 : i32 to index
        %swap3A_513 = arith.index_cast %mul3A_248 : i32 to index
        %swap3A_514 = tpu.vector_load %arg8[%swap3A_512, %swap3A_513] {strides = array<i32>} : memref<128x768xf32, #tpu.memory_space<vmem>>, vector<1x16xf32>,
        %swap3A_515 = vector.shape_cast %swap3A_514 : vector<1x16xf32> to vector<16xf32>
        %swap3A_516 = vector.shape_cast %get3A_252 : vector<16xf32> to vector<1x16xf32>
        tpu.vector_store %arg8[%swap3A_512, %swap3A_513], %swap3A_516 {add = true, strides = array<i32>} : memref<128x768xf32, #tpu.memory_space<vmem>>, vector<1x16xf32>,
        %add3A_517 = arith.constant 16 : i32
        %add3A_518 = arith.addi %mul3A_248, %add3A_517 : i32
        %swap3A_519 = arith.constant 82 : i32
        %swap3A_520 = arith.index_cast %swap3A_519 : i32 to index
        %swap3A_521 = arith.index_cast %add3A_518 : i32 to index
        %swap3A_522 = tpu.vector_load %arg8[%swap3A_520, %swap3A_521] {strides = array<i32>} : memref<128x768xf32, #tpu.memory_space<vmem>>, vector<1x16xf32>,
        %swap3A_523 = vector.shape_cast %swap3A_522 : vector<1x16xf32> to vector<16xf32>
        %swap3A_524 = vector.shape_cast %get3A_259 : vector<16xf32> to vector<1x16xf32>
        tpu.vector_store %arg8[%swap3A_520, %swap3A_521], %swap3A_524 {add = true, strides = array<i32>} : memref<128x768xf32, #tpu.memory_space<vmem>>, vector<1x16xf32>,
        %swap3A_525 = arith.constant 83 : i32
        %swap3A_526 = arith.index_cast %swap3A_525 : i32 to index
        %swap3A_527 = arith.index_cast %mul3A_248 : i32 to index
        %swap3A_528 = tpu.vector_load %arg8[%swap3A_526, %swap3A_527] {strides = array<i32>} : memref<128x768xf32, #tpu.memory_space<vmem>>, vector<1x16xf32>,
        %swap3A_529 = vector.shape_cast %swap3A_528 : vector<1x16xf32> to vector<16xf32>
        %swap3A_530 = vector.shape_cast %get3A_252 : vector<16xf32> to vector<1x16xf32>
        tpu.vector_store %arg8[%swap3A_526, %swap3A_527], %swap3A_530 {add = true, strides = array<i32>} : memref<128x768xf32, #tpu.memory_space<vmem>>, vector<1x16xf32>,
        %add3A_531 = arith.constant 16 : i32
        %add3A_532 = arith.addi %mul3A_248, %add3A_531 : i32
        %swap3A_533 = arith.constant 83 : i32
        %swap3A_534 = arith.index_cast %swap3A_533 : i32 to index
        %swap3A_535 = arith.index_cast %add3A_532 : i32 to index
        %swap3A_536 = tpu.vector_load %arg8[%swap3A_534, %swap3A_535] {strides = array<i32>} : memref<128x768xf32, #tpu.memory_space<vmem>>, vector<1x16xf32>,
        %swap3A_537 = vector.shape_cast %swap3A_536 : vector<1x16xf32> to vector<16xf32>
        %swap3A_538 = vector.shape_cast %get3A_259 : vector<16xf32> to vector<1x16xf32>
        tpu.vector_store %arg8[%swap3A_534, %swap3A_535], %swap3A_538 {add = true, strides = array<i32>} : memref<128x768xf32, #tpu.memory_space<vmem>>, vector<1x16xf32>,
        %swap3A_539 = arith.constant 84 : i32
        %swap3A_540 = arith.index_cast %swap3A_539 : i32 to index
        %swap3A_541 = arith.index_cast %mul3A_248 : i32 to index
        %swap3A_542 = tpu.vector_load %arg8[%swap3A_540, %swap3A_541] {strides = array<i32>} : memref<128x768xf32, #tpu.memory_space<vmem>>, vector<1x16xf32>,
        %swap3A_543 = vector.shape_cast %swap3A_542 : vector<1x16xf32> to vector<16xf32>
        %swap3A_544 = vector.shape_cast %get3A_252 : vector<16xf32> to vector<1x16xf32>
        tpu.vector_store %arg8[%swap3A_540, %swap3A_541], %swap3A_544 {add = true, strides = array<i32>} : memref<128x768xf32, #tpu.memory_space<vmem>>, vector<1x16xf32>,
        %add3A_545 = arith.constant 16 : i32
        %add3A_546 = arith.addi %mul3A_248, %add3A_545 : i32
        %swap3A_547 = arith.constant 84 : i32
        %swap3A_548 = arith.index_cast %swap3A_547 : i32 to index
        %swap3A_549 = arith.index_cast %add3A_546 : i32 to index
        %swap3A_550 = tpu.vector_load %arg8[%swap3A_548, %swap3A_549] {strides = array<i32>} : memref<128x768xf32, #tpu.memory_space<vmem>>, vector<1x16xf32>,
        %swap3A_551 = vector.shape_cast %swap3A_550 : vector<1x16xf32> to vector<16xf32>
        %swap3A_552 = vector.shape_cast %get3A_259 : vector<16xf32> to vector<1x16xf32>
        tpu.vector_store %arg8[%swap3A_548, %swap3A_549], %swap3A_552 {add = true, strides = array<i32>} : memref<128x768xf32, #tpu.memory_space<vmem>>, vector<1x16xf32>,
        %swap3A_553 = arith.constant 85 : i32
        %swap3A_554 = arith.index_cast %swap3A_553 : i32 to index
        %swap3A_555 = arith.index_cast %mul3A_248 : i32 to index
        %swap3A_556 = tpu.vector_load %arg8[%swap3A_554, %swap3A_555] {strides = array<i32>} : memref<128x768xf32, #tpu.memory_space<vmem>>, vector<1x16xf32>,
        %swap3A_557 = vector.shape_cast %swap3A_556 : vector<1x16xf32> to vector<16xf32>
        %swap3A_558 = vector.shape_cast %get3A_252 : vector<16xf32> to vector<1x16xf32>
        tpu.vector_store %arg8[%swap3A_554, %swap3A_555], %swap3A_558 {add = true, strides = array<i32>} : memref<128x768xf32, #tpu.memory_space<vmem>>, vector<1x16xf32>,
        %add3A_559 = arith.constant 16 : i32
        %add3A_560 = arith.addi %mul3A_248, %add3A_559 : i32
        %swap3A_561 = arith.constant 85 : i32
        %swap3A_562 = arith.index_cast %swap3A_561 : i32 to index
        %swap3A_563 = arith.index_cast %add3A_560 : i32 to index
        %swap3A_564 = tpu.vector_load %arg8[%swap3A_562, %swap3A_563] {strides = array<i32>} : memref<128x768xf32, #tpu.memory_space<vmem>>, vector<1x16xf32>,
        %swap3A_565 = vector.shape_cast %swap3A_564 : vector<1x16xf32> to vector<16xf32>
        %swap3A_566 = vector.shape_cast %get3A_259 : vector<16xf32> to vector<1x16xf32>
        tpu.vector_store %arg8[%swap3A_562, %swap3A_563], %swap3A_566 {add = true, strides = array<i32>} : memref<128x768xf32, #tpu.memory_space<vmem>>, vector<1x16xf32>,
        %swap3A_567 = arith.constant 86 : i32
        %swap3A_568 = arith.index_cast %swap3A_567 : i32 to index
        %swap3A_569 = arith.index_cast %mul3A_248 : i32 to index
        %swap3A_570 = tpu.vector_load %arg8[%swap3A_568, %swap3A_569] {strides = array<i32>} : memref<128x768xf32, #tpu.memory_space<vmem>>, vector<1x16xf32>,
        %swap3A_571 = vector.shape_cast %swap3A_570 : vector<1x16xf32> to vector<16xf32>
        %swap3A_572 = vector.shape_cast %get3A_252 : vector<16xf32> to vector<1x16xf32>
        tpu.vector_store %arg8[%swap3A_568, %swap3A_569], %swap3A_572 {add = true, strides = array<i32>} : memref<128x768xf32, #tpu.memory_space<vmem>>, vector<1x16xf32>,
        %add3A_573 = arith.constant 16 : i32
        %add3A_574 = arith.addi %mul3A_248, %add3A_573 : i32
        %swap3A_575 = arith.constant 86 : i32
        %swap3A_576 = arith.index_cast %swap3A_575 : i32 to index
        %swap3A_577 = arith.index_cast %add3A_574 : i32 to index
        %swap3A_578 = tpu.vector_load %arg8[%swap3A_576, %swap3A_577] {strides = array<i32>} : memref<128x768xf32, #tpu.memory_space<vmem>>, vector<1x16xf32>,
        %swap3A_579 = vector.shape_cast %swap3A_578 : vector<1x16xf32> to vector<16xf32>
        %swap3A_580 = vector.shape_cast %get3A_259 : vector<16xf32> to vector<1x16xf32>
        tpu.vector_store %arg8[%swap3A_576, %swap3A_577], %swap3A_580 {add = true, strides = array<i32>} : memref<128x768xf32, #tpu.memory_space<vmem>>, vector<1x16xf32>,
        %swap3A_581 = arith.constant 87 : i32
        %swap3A_582 = arith.index_cast %swap3A_581 : i32 to index
        %swap3A_583 = arith.index_cast %mul3A_248 : i32 to index
        %swap3A_584 = tpu.vector_load %arg8[%swap3A_582, %swap3A_583] {strides = array<i32>} : memref<128x768xf32, #tpu.memory_space<vmem>>, vector<1x16xf32>,
        %swap3A_585 = vector.shape_cast %swap3A_584 : vector<1x16xf32> to vector<16xf32>
        %swap3A_586 = vector.shape_cast %get3A_252 : vector<16xf32> to vector<1x16xf32>
        tpu.vector_store %arg8[%swap3A_582, %swap3A_583], %swap3A_586 {add = true, strides = array<i32>} : memref<128x768xf32, #tpu.memory_space<vmem>>, vector<1x16xf32>,
        %add3A_587 = arith.constant 16 : i32
        %add3A_588 = arith.addi %mul3A_248, %add3A_587 : i32
        %swap3A_589 = arith.constant 87 : i32
        %swap3A_590 = arith.index_cast %swap3A_589 : i32 to index
        %swap3A_591 = arith.index_cast %add3A_588 : i32 to index
        %swap3A_592 = tpu.vector_load %arg8[%swap3A_590, %swap3A_591] {strides = array<i32>} : memref<128x768xf32, #tpu.memory_space<vmem>>, vector<1x16xf32>,
        %swap3A_593 = vector.shape_cast %swap3A_592 : vector<1x16xf32> to vector<16xf32>
        %swap3A_594 = vector.shape_cast %get3A_259 : vector<16xf32> to vector<1x16xf32>
        tpu.vector_store %arg8[%swap3A_590, %swap3A_591], %swap3A_594 {add = true, strides = array<i32>} : memref<128x768xf32, #tpu.memory_space<vmem>>, vector<1x16xf32>,
        %swap3A_595 = arith.constant 88 : i32
        %swap3A_596 = arith.index_cast %swap3A_595 : i32 to index
        %swap3A_597 = arith.index_cast %mul3A_248 : i32 to index
        %swap3A_598 = tpu.vector_load %arg8[%swap3A_596, %swap3A_597] {strides = array<i32>} : memref<128x768xf32, #tpu.memory_space<vmem>>, vector<1x16xf32>,
        %swap3A_599 = vector.shape_cast %swap3A_598 : vector<1x16xf32> to vector<16xf32>
        %swap3A_600 = vector.shape_cast %get3A_252 : vector<16xf32> to vector<1x16xf32>
        tpu.vector_store %arg8[%swap3A_596, %swap3A_597], %swap3A_600 {add = true, strides = array<i32>} : memref<128x768xf32, #tpu.memory_space<vmem>>, vector<1x16xf32>,
        %add3A_601 = arith.constant 16 : i32
        %add3A_602 = arith.addi %mul3A_248, %add3A_601 : i32
        %swap3A_603 = arith.constant 88 : i32
        %swap3A_604 = arith.index_cast %swap3A_603 : i32 to index
        %swap3A_605 = arith.index_cast %add3A_602 : i32 to index
        %swap3A_606 = tpu.vector_load %arg8[%swap3A_604, %swap3A_605] {strides = array<i32>} : memref<128x768xf32, #tpu.memory_space<vmem>>, vector<1x16xf32>,
        %swap3A_607 = vector.shape_cast %swap3A_606 : vector<1x16xf32> to vector<16xf32>
        %swap3A_608 = vector.shape_cast %get3A_259 : vector<16xf32> to vector<1x16xf32>
        tpu.vector_store %arg8[%swap3A_604, %swap3A_605], %swap3A_608 {add = true, strides = array<i32>} : memref<128x768xf32, #tpu.memory_space<vmem>>, vector<1x16xf32>,
        %swap3A_609 = arith.constant 89 : i32
        %swap3A_610 = arith.index_cast %swap3A_609 : i32 to index
        %swap3A_611 = arith.index_cast %mul3A_248 : i32 to index
        %swap3A_612 = tpu.vector_load %arg8[%swap3A_610, %swap3A_611] {strides = array<i32>} : memref<128x768xf32, #tpu.memory_space<vmem>>, vector<1x16xf32>,
        %swap3A_613 = vector.shape_cast %swap3A_612 : vector<1x16xf32> to vector<16xf32>
        %swap3A_614 = vector.shape_cast %get3A_252 : vector<16xf32> to vector<1x16xf32>
        tpu.vector_store %arg8[%swap3A_610, %swap3A_611], %swap3A_614 {add = true, strides = array<i32>} : memref<128x768xf32, #tpu.memory_space<vmem>>, vector<1x16xf32>,
        %add3A_615 = arith.constant 16 : i32
        %add3A_616 = arith.addi %mul3A_248, %add3A_615 : i32
        %swap3A_617 = arith.constant 89 : i32
        %swap3A_618 = arith.index_cast %swap3A_617 : i32 to index
        %swap3A_619 = arith.index_cast %add3A_616 : i32 to index
        %swap3A_620 = tpu.vector_load %arg8[%swap3A_618, %swap3A_619] {strides = array<i32>} : memref<128x768xf32, #tpu.memory_space<vmem>>, vector<1x16xf32>,
        %swap3A_621 = vector.shape_cast %swap3A_620 : vector<1x16xf32> to vector<16xf32>
        %swap3A_622 = vector.shape_cast %get3A_259 : vector<16xf32> to vector<1x16xf32>
        tpu.vector_store %arg8[%swap3A_618, %swap3A_619], %swap3A_622 {add = true, strides = array<i32>} : memref<128x768xf32, #tpu.memory_space<vmem>>, vector<1x16xf32>,
        %swap3A_623 = arith.constant 90 : i32
        %swap3A_624 = arith.index_cast %swap3A_623 : i32 to index
        %swap3A_625 = arith.index_cast %mul3A_248 : i32 to index
        %swap3A_626 = tpu.vector_load %arg8[%swap3A_624, %swap3A_625] {strides = array<i32>} : memref<128x768xf32, #tpu.memory_space<vmem>>, vector<1x16xf32>,
        %swap3A_627 = vector.shape_cast %swap3A_626 : vector<1x16xf32> to vector<16xf32>
        %swap3A_628 = vector.shape_cast %get3A_252 : vector<16xf32> to vector<1x16xf32>
        tpu.vector_store %arg8[%swap3A_624, %swap3A_625], %swap3A_628 {add = true, strides = array<i32>} : memref<128x768xf32, #tpu.memory_space<vmem>>, vector<1x16xf32>,
        %add3A_629 = arith.constant 16 : i32
        %add3A_630 = arith.addi %mul3A_248, %add3A_629 : i32
        %swap3A_631 = arith.constant 90 : i32
        %swap3A_632 = arith.index_cast %swap3A_631 : i32 to index
        %swap3A_633 = arith.index_cast %add3A_630 : i32 to index
        %swap3A_634 = tpu.vector_load %arg8[%swap3A_632, %swap3A_633] {strides = array<i32>} : memref<128x768xf32, #tpu.memory_space<vmem>>, vector<1x16xf32>,
        %swap3A_635 = vector.shape_cast %swap3A_634 : vector<1x16xf32> to vector<16xf32>
        %swap3A_636 = vector.shape_cast %get3A_259 : vector<16xf32> to vector<1x16xf32>
        tpu.vector_store %arg8[%swap3A_632, %swap3A_633], %swap3A_636 {add = true, strides = array<i32>} : memref<128x768xf32, #tpu.memory_space<vmem>>, vector<1x16xf32>,
        %swap3A_637 = arith.constant 91 : i32
        %swap3A_638 = arith.index_cast %swap3A_637 : i32 to index
        %swap3A_639 = arith.index_cast %mul3A_248 : i32 to index
        %swap3A_640 = tpu.vector_load %arg8[%swap3A_638, %swap3A_639] {strides = array<i32>} : memref<128x768xf32, #tpu.memory_space<vmem>>, vector<1x16xf32>,
        %swap3A_641 = vector.shape_cast %swap3A_640 : vector<1x16xf32> to vector<16xf32>
        %swap3A_642 = vector.shape_cast %get3A_252 : vector<16xf32> to vector<1x16xf32>
        tpu.vector_store %arg8[%swap3A_638, %swap3A_639], %swap3A_642 {add = true, strides = array<i32>} : memref<128x768xf32, #tpu.memory_space<vmem>>, vector<1x16xf32>,
        %add3A_643 = arith.constant 16 : i32
        %add3A_644 = arith.addi %mul3A_248, %add3A_643 : i32
        %swap3A_645 = arith.constant 91 : i32
        %swap3A_646 = arith.index_cast %swap3A_645 : i32 to index
        %swap3A_647 = arith.index_cast %add3A_644 : i32 to index
        %swap3A_648 = tpu.vector_load %arg8[%swap3A_646, %swap3A_647] {strides = array<i32>} : memref<128x768xf32, #tpu.memory_space<vmem>>, vector<1x16xf32>,
        %swap3A_649 = vector.shape_cast %swap3A_648 : vector<1x16xf32> to vector<16xf32>
        %swap3A_650 = vector.shape_cast %get3A_259 : vector<16xf32> to vector<1x16xf32>
        tpu.vector_store %arg8[%swap3A_646, %swap3A_647], %swap3A_650 {add = true, strides = array<i32>} : memref<128x768xf32, #tpu.memory_space<vmem>>, vector<1x16xf32>,
        %swap3A_651 = arith.constant 92 : i32
        %swap3A_652 = arith.index_cast %swap3A_651 : i32 to index
        %swap3A_653 = arith.index_cast %mul3A_248 : i32 to index
        %swap3A_654 = tpu.vector_load %arg8[%swap3A_652, %swap3A_653] {strides = array<i32>} : memref<128x768xf32, #tpu.memory_space<vmem>>, vector<1x16xf32>,
        %swap3A_655 = vector.shape_cast %swap3A_654 : vector<1x16xf32> to vector<16xf32>
        %swap3A_656 = vector.shape_cast %get3A_252 : vector<16xf32> to vector<1x16xf32>
        tpu.vector_store %arg8[%swap3A_652, %swap3A_653], %swap3A_656 {add = true, strides = array<i32>} : memref<128x768xf32, #tpu.memory_space<vmem>>, vector<1x16xf32>,
        %add3A_657 = arith.constant 16 : i32
        %add3A_658 = arith.addi %mul3A_248, %add3A_657 : i32
        %swap3A_659 = arith.constant 92 : i32
        %swap3A_660 = arith.index_cast %swap3A_659 : i32 to index
        %swap3A_661 = arith.index_cast %add3A_658 : i32 to index
        %swap3A_662 = tpu.vector_load %arg8[%swap3A_660, %swap3A_661] {strides = array<i32>} : memref<128x768xf32, #tpu.memory_space<vmem>>, vector<1x16xf32>,
        %swap3A_663 = vector.shape_cast %swap3A_662 : vector<1x16xf32> to vector<16xf32>
        %swap3A_664 = vector.shape_cast %get3A_259 : vector<16xf32> to vector<1x16xf32>
        tpu.vector_store %arg8[%swap3A_660, %swap3A_661], %swap3A_664 {add = true, strides = array<i32>} : memref<128x768xf32, #tpu.memory_space<vmem>>, vector<1x16xf32>,
        %swap3A_665 = arith.constant 93 : i32
        %swap3A_666 = arith.index_cast %swap3A_665 : i32 to index
        %swap3A_667 = arith.index_cast %mul3A_248 : i32 to index
        %swap3A_668 = tpu.vector_load %arg8[%swap3A_666, %swap3A_667] {strides = array<i32>} : memref<128x768xf32, #tpu.memory_space<vmem>>, vector<1x16xf32>,
        %swap3A_669 = vector.shape_cast %swap3A_668 : vector<1x16xf32> to vector<16xf32>
        %swap3A_670 = vector.shape_cast %get3A_252 : vector<16xf32> to vector<1x16xf32>
        tpu.vector_store %arg8[%swap3A_666, %swap3A_667], %swap3A_670 {add = true, strides = array<i32>} : memref<128x768xf32, #tpu.memory_space<vmem>>, vector<1x16xf32>,
        %add3A_671 = arith.constant 16 : i32
        %add3A_672 = arith.addi %mul3A_248, %add3A_671 : i32
        %swap3A_673 = arith.constant 93 : i32
        %swap3A_674 = arith.index_cast %swap3A_673 : i32 to index
        %swap3A_675 = arith.index_cast %add3A_672 : i32 to index
        %swap3A_676 = tpu.vector_load %arg8[%swap3A_674, %swap3A_675] {strides = array<i32>} : memref<128x768xf32, #tpu.memory_space<vmem>>, vector<1x16xf32>,
        %swap3A_677 = vector.shape_cast %swap3A_676 : vector<1x16xf32> to vector<16xf32>
        %swap3A_678 = vector.shape_cast %get3A_259 : vector<16xf32> to vector<1x16xf32>
        tpu.vector_store %arg8[%swap3A_674, %swap3A_675], %swap3A_678 {add = true, strides = array<i32>} : memref<128x768xf32, #tpu.memory_space<vmem>>, vector<1x16xf32>,
        %swap3A_679 = arith.constant 94 : i32
        %swap3A_680 = arith.index_cast %swap3A_679 : i32 to index
        %swap3A_681 = arith.index_cast %mul3A_248 : i32 to index
        %swap3A_682 = tpu.vector_load %arg8[%swap3A_680, %swap3A_681] {strides = array<i32>} : memref<128x768xf32, #tpu.memory_space<vmem>>, vector<1x16xf32>,
        %swap3A_683 = vector.shape_cast %swap3A_682 : vector<1x16xf32> to vector<16xf32>
        %swap3A_684 = vector.shape_cast %get3A_252 : vector<16xf32> to vector<1x16xf32>
        tpu.vector_store %arg8[%swap3A_680, %swap3A_681], %swap3A_684 {add = true, strides = array<i32>} : memref<128x768xf32, #tpu.memory_space<vmem>>, vector<1x16xf32>,
        %add3A_685 = arith.constant 16 : i32
        %add3A_686 = arith.addi %mul3A_248, %add3A_685 : i32
        %swap3A_687 = arith.constant 94 : i32
        %swap3A_688 = arith.index_cast %swap3A_687 : i32 to index
        %swap3A_689 = arith.index_cast %add3A_686 : i32 to index
        %swap3A_690 = tpu.vector_load %arg8[%swap3A_688, %swap3A_689] {strides = array<i32>} : memref<128x768xf32, #tpu.memory_space<vmem>>, vector<1x16xf32>,
        %swap3A_691 = vector.shape_cast %swap3A_690 : vector<1x16xf32> to vector<16xf32>
        %swap3A_692 = vector.shape_cast %get3A_259 : vector<16xf32> to vector<1x16xf32>
        tpu.vector_store %arg8[%swap3A_688, %swap3A_689], %swap3A_692 {add = true, strides = array<i32>} : memref<128x768xf32, #tpu.memory_space<vmem>>, vector<1x16xf32>,
        %swap3A_693 = arith.constant 95 : i32
        %swap3A_694 = arith.index_cast %swap3A_693 : i32 to index
        %swap3A_695 = arith.index_cast %mul3A_248 : i32 to index
        %swap3A_696 = tpu.vector_load %arg8[%swap3A_694, %swap3A_695] {strides = array<i32>} : memref<128x768xf32, #tpu.memory_space<vmem>>, vector<1x16xf32>,
        %swap3A_697 = vector.shape_cast %swap3A_696 : vector<1x16xf32> to vector<16xf32>
        %swap3A_698 = vector.shape_cast %get3A_252 : vector<16xf32> to vector<1x16xf32>
        tpu.vector_store %arg8[%swap3A_694, %swap3A_695], %swap3A_698 {add = true, strides = array<i32>} : memref<128x768xf32, #tpu.memory_space<vmem>>, vector<1x16xf32>,
        %add3A_699 = arith.constant 16 : i32
        %add3A_700 = arith.addi %mul3A_248, %add3A_699 : i32
        %swap3A_701 = arith.constant 95 : i32
        %swap3A_702 = arith.index_cast %swap3A_701 : i32 to index
        %swap3A_703 = arith.index_cast %add3A_700 : i32 to index
        %swap3A_704 = tpu.vector_load %arg8[%swap3A_702, %swap3A_703] {strides = array<i32>} : memref<128x768xf32, #tpu.memory_space<vmem>>, vector<1x16xf32>,
        %swap3A_705 = vector.shape_cast %swap3A_704 : vector<1x16xf32> to vector<16xf32>
        %swap3A_706 = vector.shape_cast %get3A_259 : vector<16xf32> to vector<1x16xf32>
        tpu.vector_store %arg8[%swap3A_702, %swap3A_703], %swap3A_706 {add = true, strides = array<i32>} : memref<128x768xf32, #tpu.memory_space<vmem>>, vector<1x16xf32>,
      }
      %scan3A_203 = arith.constant 24 : i32
      %mul3A_204 = arith.constant 2 : i32
      %mul3A_205 = arith.muli %mul3A_204, %add3A_178 : i32
      %add3A_206 = arith.constant 0 : i32
      %add3A_207 = arith.addi %mul3A_205, %add3A_206 : i32
      %mul3A_208 = arith.constant 1024 : i32
      %mul3A_209 = arith.muli %add3A_207, %mul3A_208 : i32
      %add3A_210 = arith.addi %mul3A_209, %mul3A_2 : i32
      %dma_start3A_211 = arith.constant 64 : i32
      %dma_start3A_212 = arith.constant 0 : i32
      %dma_start3A_213 = tpu.memref_slice %arg8[%dma_start3A_211, %dma_start3A_212] : memref<128x768xf32, #tpu.memory_space<vmem>> -> memref<32x768xf32, #tpu.memory_space<vmem>>
      %dma_start3A_214 = arith.constant 0 : i32
      %dma_start3A_215 = tpu.memref_slice %arg5[%add3A_210, %dma_start3A_214] : memref<78848x768xf32, #tpu.memory_space<hbm>> -> memref<32x768xf32, #tpu.memory_space<hbm>>
      %dma_start3A_216 = arith.constant 0 : i32
      %dma_start3A_217 = tpu.memref_slice %arg5[%add3A_210, %dma_start3A_216] : memref<78848x768xf32, #tpu.memory_space<hbm>> -> memref<32x768xf32, #tpu.memory_space<hbm>>
      %dma_start3A_218 = arith.constant 64 : i32
      %dma_start3A_219 = arith.constant 0 : i32
      %dma_start3A_220 = tpu.memref_slice %arg8[%dma_start3A_218, %dma_start3A_219] : memref<128x768xf32, #tpu.memory_space<vmem>> -> memref<32x768xf32, #tpu.memory_space<vmem>>
      tpu.enqueue_dma source(%dma_start3A_220 : memref<32x768xf32, #tpu.memory_space<vmem>>) target(%dma_start3A_217 : memref<32x768xf32, #tpu.memory_space<hbm>>) target_semaphore(%arg13 : memref<!tpu.dma_semaphore, #tpu.memory_space<semaphore_mem>>)
      %scan3A_221 = arith.constant 0 : i32
      %scan3A_222 = arith.constant 0 : i32
      %scan3A_223 = arith.constant 24 : i32
      %scan3A_224 = arith.addi %scan3A_222, %scan3A_223 : i32
      %scan3A_225 = arith.constant 1 : i32
      scf.for %scan3A_244 = %scan3A_222 to %scan3A_224 step %scan3A_225  : i32 {
        %mul3A_245 = arith.constant 2 : i32
        %mul3A_246 = arith.muli %scan3A_244, %mul3A_245 : i32
        %mul3A_247 = arith.constant 16 : i32
        %mul3A_248 = arith.muli %mul3A_246, %mul3A_247 : i32
        %add3A_249 = arith.constant 768 : i32
        %add3A_250 = arith.addi %add3A_249, %mul3A_248 : i32
        %get3A = arith.index_cast %add3A_250 : i32 to index
        %get3A_251 = tpu.vector_load %arg7[%get3A] {strides = array<i32>} : memref<1536xf32, #tpu.memory_space<vmem>>, vector<16xf32>,
        %get3A_252 = vector.shape_cast %get3A_251 : vector<16xf32> to vector<16xf32>
        %add3A_253 = arith.constant 768 : i32
        %add3A_254 = arith.addi %add3A_253, %mul3A_248 : i32
        %add3A_255 = arith.constant 16 : i32
        %add3A_256 = arith.addi %add3A_254, %add3A_255 : i32
        %get3A_257 = arith.index_cast %add3A_256 : i32 to index
        %get3A_258 = tpu.vector_load %arg7[%get3A_257] {strides = array<i32>} : memref<1536xf32, #tpu.memory_space<vmem>>, vector<16xf32>,
        %get3A_259 = vector.shape_cast %get3A_258 : vector<16xf32> to vector<16xf32>
        %swap3A = arith.constant 96 : i32
        %swap3A_260 = arith.index_cast %swap3A : i32 to index
        %swap3A_261 = arith.index_cast %mul3A_248 : i32 to index
        %swap3A_262 = tpu.vector_load %arg8[%swap3A_260, %swap3A_261] {strides = array<i32>} : memref<128x768xf32, #tpu.memory_space<vmem>>, vector<1x16xf32>,
        %swap3A_263 = vector.shape_cast %swap3A_262 : vector<1x16xf32> to vector<16xf32>
        %swap3A_264 = vector.shape_cast %get3A_252 : vector<16xf32> to vector<1x16xf32>
        tpu.vector_store %arg8[%swap3A_260, %swap3A_261], %swap3A_264 {add = true, strides = array<i32>} : memref<128x768xf32, #tpu.memory_space<vmem>>, vector<1x16xf32>,
        %add3A_265 = arith.constant 16 : i32
        %add3A_266 = arith.addi %mul3A_248, %add3A_265 : i32
        %swap3A_267 = arith.constant 96 : i32
        %swap3A_268 = arith.index_cast %swap3A_267 : i32 to index
        %swap3A_269 = arith.index_cast %add3A_266 : i32 to index
        %swap3A_270 = tpu.vector_load %arg8[%swap3A_268, %swap3A_269] {strides = array<i32>} : memref<128x768xf32, #tpu.memory_space<vmem>>, vector<1x16xf32>,
        %swap3A_271 = vector.shape_cast %swap3A_270 : vector<1x16xf32> to vector<16xf32>
        %swap3A_272 = vector.shape_cast %get3A_259 : vector<16xf32> to vector<1x16xf32>
        tpu.vector_store %arg8[%swap3A_268, %swap3A_269], %swap3A_272 {add = true, strides = array<i32>} : memref<128x768xf32, #tpu.memory_space<vmem>>, vector<1x16xf32>,
        %swap3A_273 = arith.constant 97 : i32
        %swap3A_274 = arith.index_cast %swap3A_273 : i32 to index
        %swap3A_275 = arith.index_cast %mul3A_248 : i32 to index
        %swap3A_276 = tpu.vector_load %arg8[%swap3A_274, %swap3A_275] {strides = array<i32>} : memref<128x768xf32, #tpu.memory_space<vmem>>, vector<1x16xf32>,
        %swap3A_277 = vector.shape_cast %swap3A_276 : vector<1x16xf32> to vector<16xf32>
        %swap3A_278 = vector.shape_cast %get3A_252 : vector<16xf32> to vector<1x16xf32>
        tpu.vector_store %arg8[%swap3A_274, %swap3A_275], %swap3A_278 {add = true, strides = array<i32>} : memref<128x768xf32, #tpu.memory_space<vmem>>, vector<1x16xf32>,
        %add3A_279 = arith.constant 16 : i32
        %add3A_280 = arith.addi %mul3A_248, %add3A_279 : i32
        %swap3A_281 = arith.constant 97 : i32
        %swap3A_282 = arith.index_cast %swap3A_281 : i32 to index
        %swap3A_283 = arith.index_cast %add3A_280 : i32 to index
        %swap3A_284 = tpu.vector_load %arg8[%swap3A_282, %swap3A_283] {strides = array<i32>} : memref<128x768xf32, #tpu.memory_space<vmem>>, vector<1x16xf32>,
        %swap3A_285 = vector.shape_cast %swap3A_284 : vector<1x16xf32> to vector<16xf32>
        %swap3A_286 = vector.shape_cast %get3A_259 : vector<16xf32> to vector<1x16xf32>
        tpu.vector_store %arg8[%swap3A_282, %swap3A_283], %swap3A_286 {add = true, strides = array<i32>} : memref<128x768xf32, #tpu.memory_space<vmem>>, vector<1x16xf32>,
        %swap3A_287 = arith.constant 98 : i32
        %swap3A_288 = arith.index_cast %swap3A_287 : i32 to index
        %swap3A_289 = arith.index_cast %mul3A_248 : i32 to index
        %swap3A_290 = tpu.vector_load %arg8[%swap3A_288, %swap3A_289] {strides = array<i32>} : memref<128x768xf32, #tpu.memory_space<vmem>>, vector<1x16xf32>,
        %swap3A_291 = vector.shape_cast %swap3A_290 : vector<1x16xf32> to vector<16xf32>
        %swap3A_292 = vector.shape_cast %get3A_252 : vector<16xf32> to vector<1x16xf32>
        tpu.vector_store %arg8[%swap3A_288, %swap3A_289], %swap3A_292 {add = true, strides = array<i32>} : memref<128x768xf32, #tpu.memory_space<vmem>>, vector<1x16xf32>,
        %add3A_293 = arith.constant 16 : i32
        %add3A_294 = arith.addi %mul3A_248, %add3A_293 : i32
        %swap3A_295 = arith.constant 98 : i32
        %swap3A_296 = arith.index_cast %swap3A_295 : i32 to index
        %swap3A_297 = arith.index_cast %add3A_294 : i32 to index
        %swap3A_298 = tpu.vector_load %arg8[%swap3A_296, %swap3A_297] {strides = array<i32>} : memref<128x768xf32, #tpu.memory_space<vmem>>, vector<1x16xf32>,
        %swap3A_299 = vector.shape_cast %swap3A_298 : vector<1x16xf32> to vector<16xf32>
        %swap3A_300 = vector.shape_cast %get3A_259 : vector<16xf32> to vector<1x16xf32>
        tpu.vector_store %arg8[%swap3A_296, %swap3A_297], %swap3A_300 {add = true, strides = array<i32>} : memref<128x768xf32, #tpu.memory_space<vmem>>, vector<1x16xf32>,
        %swap3A_301 = arith.constant 99 : i32
        %swap3A_302 = arith.index_cast %swap3A_301 : i32 to index
        %swap3A_303 = arith.index_cast %mul3A_248 : i32 to index
        %swap3A_304 = tpu.vector_load %arg8[%swap3A_302, %swap3A_303] {strides = array<i32>} : memref<128x768xf32, #tpu.memory_space<vmem>>, vector<1x16xf32>,
        %swap3A_305 = vector.shape_cast %swap3A_304 : vector<1x16xf32> to vector<16xf32>
        %swap3A_306 = vector.shape_cast %get3A_252 : vector<16xf32> to vector<1x16xf32>
        tpu.vector_store %arg8[%swap3A_302, %swap3A_303], %swap3A_306 {add = true, strides = array<i32>} : memref<128x768xf32, #tpu.memory_space<vmem>>, vector<1x16xf32>,
        %add3A_307 = arith.constant 16 : i32
        %add3A_308 = arith.addi %mul3A_248, %add3A_307 : i32
        %swap3A_309 = arith.constant 99 : i32
        %swap3A_310 = arith.index_cast %swap3A_309 : i32 to index
        %swap3A_311 = arith.index_cast %add3A_308 : i32 to index
        %swap3A_312 = tpu.vector_load %arg8[%swap3A_310, %swap3A_311] {strides = array<i32>} : memref<128x768xf32, #tpu.memory_space<vmem>>, vector<1x16xf32>,
        %swap3A_313 = vector.shape_cast %swap3A_312 : vector<1x16xf32> to vector<16xf32>
        %swap3A_314 = vector.shape_cast %get3A_259 : vector<16xf32> to vector<1x16xf32>
        tpu.vector_store %arg8[%swap3A_310, %swap3A_311], %swap3A_314 {add = true, strides = array<i32>} : memref<128x768xf32, #tpu.memory_space<vmem>>, vector<1x16xf32>,
        %swap3A_315 = arith.constant 100 : i32
        %swap3A_316 = arith.index_cast %swap3A_315 : i32 to index
        %swap3A_317 = arith.index_cast %mul3A_248 : i32 to index
        %swap3A_318 = tpu.vector_load %arg8[%swap3A_316, %swap3A_317] {strides = array<i32>} : memref<128x768xf32, #tpu.memory_space<vmem>>, vector<1x16xf32>,
        %swap3A_319 = vector.shape_cast %swap3A_318 : vector<1x16xf32> to vector<16xf32>
        %swap3A_320 = vector.shape_cast %get3A_252 : vector<16xf32> to vector<1x16xf32>
        tpu.vector_store %arg8[%swap3A_316, %swap3A_317], %swap3A_320 {add = true, strides = array<i32>} : memref<128x768xf32, #tpu.memory_space<vmem>>, vector<1x16xf32>,
        %add3A_321 = arith.constant 16 : i32
        %add3A_322 = arith.addi %mul3A_248, %add3A_321 : i32
        %swap3A_323 = arith.constant 100 : i32
        %swap3A_324 = arith.index_cast %swap3A_323 : i32 to index
        %swap3A_325 = arith.index_cast %add3A_322 : i32 to index
        %swap3A_326 = tpu.vector_load %arg8[%swap3A_324, %swap3A_325] {strides = array<i32>} : memref<128x768xf32, #tpu.memory_space<vmem>>, vector<1x16xf32>,
        %swap3A_327 = vector.shape_cast %swap3A_326 : vector<1x16xf32> to vector<16xf32>
        %swap3A_328 = vector.shape_cast %get3A_259 : vector<16xf32> to vector<1x16xf32>
        tpu.vector_store %arg8[%swap3A_324, %swap3A_325], %swap3A_328 {add = true, strides = array<i32>} : memref<128x768xf32, #tpu.memory_space<vmem>>, vector<1x16xf32>,
        %swap3A_329 = arith.constant 101 : i32
        %swap3A_330 = arith.index_cast %swap3A_329 : i32 to index
        %swap3A_331 = arith.index_cast %mul3A_248 : i32 to index
        %swap3A_332 = tpu.vector_load %arg8[%swap3A_330, %swap3A_331] {strides = array<i32>} : memref<128x768xf32, #tpu.memory_space<vmem>>, vector<1x16xf32>,
        %swap3A_333 = vector.shape_cast %swap3A_332 : vector<1x16xf32> to vector<16xf32>
        %swap3A_334 = vector.shape_cast %get3A_252 : vector<16xf32> to vector<1x16xf32>
        tpu.vector_store %arg8[%swap3A_330, %swap3A_331], %swap3A_334 {add = true, strides = array<i32>} : memref<128x768xf32, #tpu.memory_space<vmem>>, vector<1x16xf32>,
        %add3A_335 = arith.constant 16 : i32
        %add3A_336 = arith.addi %mul3A_248, %add3A_335 : i32
        %swap3A_337 = arith.constant 101 : i32
        %swap3A_338 = arith.index_cast %swap3A_337 : i32 to index
        %swap3A_339 = arith.index_cast %add3A_336 : i32 to index
        %swap3A_340 = tpu.vector_load %arg8[%swap3A_338, %swap3A_339] {strides = array<i32>} : memref<128x768xf32, #tpu.memory_space<vmem>>, vector<1x16xf32>,
        %swap3A_341 = vector.shape_cast %swap3A_340 : vector<1x16xf32> to vector<16xf32>
        %swap3A_342 = vector.shape_cast %get3A_259 : vector<16xf32> to vector<1x16xf32>
        tpu.vector_store %arg8[%swap3A_338, %swap3A_339], %swap3A_342 {add = true, strides = array<i32>} : memref<128x768xf32, #tpu.memory_space<vmem>>, vector<1x16xf32>,
        %swap3A_343 = arith.constant 102 : i32
        %swap3A_344 = arith.index_cast %swap3A_343 : i32 to index
        %swap3A_345 = arith.index_cast %mul3A_248 : i32 to index
        %swap3A_346 = tpu.vector_load %arg8[%swap3A_344, %swap3A_345] {strides = array<i32>} : memref<128x768xf32, #tpu.memory_space<vmem>>, vector<1x16xf32>,
        %swap3A_347 = vector.shape_cast %swap3A_346 : vector<1x16xf32> to vector<16xf32>
        %swap3A_348 = vector.shape_cast %get3A_252 : vector<16xf32> to vector<1x16xf32>
        tpu.vector_store %arg8[%swap3A_344, %swap3A_345], %swap3A_348 {add = true, strides = array<i32>} : memref<128x768xf32, #tpu.memory_space<vmem>>, vector<1x16xf32>,
        %add3A_349 = arith.constant 16 : i32
        %add3A_350 = arith.addi %mul3A_248, %add3A_349 : i32
        %swap3A_351 = arith.constant 102 : i32
        %swap3A_352 = arith.index_cast %swap3A_351 : i32 to index
        %swap3A_353 = arith.index_cast %add3A_350 : i32 to index
        %swap3A_354 = tpu.vector_load %arg8[%swap3A_352, %swap3A_353] {strides = array<i32>} : memref<128x768xf32, #tpu.memory_space<vmem>>, vector<1x16xf32>,
        %swap3A_355 = vector.shape_cast %swap3A_354 : vector<1x16xf32> to vector<16xf32>
        %swap3A_356 = vector.shape_cast %get3A_259 : vector<16xf32> to vector<1x16xf32>
        tpu.vector_store %arg8[%swap3A_352, %swap3A_353], %swap3A_356 {add = true, strides = array<i32>} : memref<128x768xf32, #tpu.memory_space<vmem>>, vector<1x16xf32>,
        %swap3A_357 = arith.constant 103 : i32
        %swap3A_358 = arith.index_cast %swap3A_357 : i32 to index
        %swap3A_359 = arith.index_cast %mul3A_248 : i32 to index
        %swap3A_360 = tpu.vector_load %arg8[%swap3A_358, %swap3A_359] {strides = array<i32>} : memref<128x768xf32, #tpu.memory_space<vmem>>, vector<1x16xf32>,
        %swap3A_361 = vector.shape_cast %swap3A_360 : vector<1x16xf32> to vector<16xf32>
        %swap3A_362 = vector.shape_cast %get3A_252 : vector<16xf32> to vector<1x16xf32>
        tpu.vector_store %arg8[%swap3A_358, %swap3A_359], %swap3A_362 {add = true, strides = array<i32>} : memref<128x768xf32, #tpu.memory_space<vmem>>, vector<1x16xf32>,
        %add3A_363 = arith.constant 16 : i32
        %add3A_364 = arith.addi %mul3A_248, %add3A_363 : i32
        %swap3A_365 = arith.constant 103 : i32
        %swap3A_366 = arith.index_cast %swap3A_365 : i32 to index
        %swap3A_367 = arith.index_cast %add3A_364 : i32 to index
        %swap3A_368 = tpu.vector_load %arg8[%swap3A_366, %swap3A_367] {strides = array<i32>} : memref<128x768xf32, #tpu.memory_space<vmem>>, vector<1x16xf32>,
        %swap3A_369 = vector.shape_cast %swap3A_368 : vector<1x16xf32> to vector<16xf32>
        %swap3A_370 = vector.shape_cast %get3A_259 : vector<16xf32> to vector<1x16xf32>
        tpu.vector_store %arg8[%swap3A_366, %swap3A_367], %swap3A_370 {add = true, strides = array<i32>} : memref<128x768xf32, #tpu.memory_space<vmem>>, vector<1x16xf32>,
        %swap3A_371 = arith.constant 104 : i32
        %swap3A_372 = arith.index_cast %swap3A_371 : i32 to index
        %swap3A_373 = arith.index_cast %mul3A_248 : i32 to index
        %swap3A_374 = tpu.vector_load %arg8[%swap3A_372, %swap3A_373] {strides = array<i32>} : memref<128x768xf32, #tpu.memory_space<vmem>>, vector<1x16xf32>,
        %swap3A_375 = vector.shape_cast %swap3A_374 : vector<1x16xf32> to vector<16xf32>
        %swap3A_376 = vector.shape_cast %get3A_252 : vector<16xf32> to vector<1x16xf32>
        tpu.vector_store %arg8[%swap3A_372, %swap3A_373], %swap3A_376 {add = true, strides = array<i32>} : memref<128x768xf32, #tpu.memory_space<vmem>>, vector<1x16xf32>,
        %add3A_377 = arith.constant 16 : i32
        %add3A_378 = arith.addi %mul3A_248, %add3A_377 : i32
        %swap3A_379 = arith.constant 104 : i32
        %swap3A_380 = arith.index_cast %swap3A_379 : i32 to index
        %swap3A_381 = arith.index_cast %add3A_378 : i32 to index
        %swap3A_382 = tpu.vector_load %arg8[%swap3A_380, %swap3A_381] {strides = array<i32>} : memref<128x768xf32, #tpu.memory_space<vmem>>, vector<1x16xf32>,
        %swap3A_383 = vector.shape_cast %swap3A_382 : vector<1x16xf32> to vector<16xf32>
        %swap3A_384 = vector.shape_cast %get3A_259 : vector<16xf32> to vector<1x16xf32>
        tpu.vector_store %arg8[%swap3A_380, %swap3A_381], %swap3A_384 {add = true, strides = array<i32>} : memref<128x768xf32, #tpu.memory_space<vmem>>, vector<1x16xf32>,
        %swap3A_385 = arith.constant 105 : i32
        %swap3A_386 = arith.index_cast %swap3A_385 : i32 to index
        %swap3A_387 = arith.index_cast %mul3A_248 : i32 to index
        %swap3A_388 = tpu.vector_load %arg8[%swap3A_386, %swap3A_387] {strides = array<i32>} : memref<128x768xf32, #tpu.memory_space<vmem>>, vector<1x16xf32>,
        %swap3A_389 = vector.shape_cast %swap3A_388 : vector<1x16xf32> to vector<16xf32>
        %swap3A_390 = vector.shape_cast %get3A_252 : vector<16xf32> to vector<1x16xf32>
        tpu.vector_store %arg8[%swap3A_386, %swap3A_387], %swap3A_390 {add = true, strides = array<i32>} : memref<128x768xf32, #tpu.memory_space<vmem>>, vector<1x16xf32>,
        %add3A_391 = arith.constant 16 : i32
        %add3A_392 = arith.addi %mul3A_248, %add3A_391 : i32
        %swap3A_393 = arith.constant 105 : i32
        %swap3A_394 = arith.index_cast %swap3A_393 : i32 to index
        %swap3A_395 = arith.index_cast %add3A_392 : i32 to index
        %swap3A_396 = tpu.vector_load %arg8[%swap3A_394, %swap3A_395] {strides = array<i32>} : memref<128x768xf32, #tpu.memory_space<vmem>>, vector<1x16xf32>,
        %swap3A_397 = vector.shape_cast %swap3A_396 : vector<1x16xf32> to vector<16xf32>
        %swap3A_398 = vector.shape_cast %get3A_259 : vector<16xf32> to vector<1x16xf32>
        tpu.vector_store %arg8[%swap3A_394, %swap3A_395], %swap3A_398 {add = true, strides = array<i32>} : memref<128x768xf32, #tpu.memory_space<vmem>>, vector<1x16xf32>,
        %swap3A_399 = arith.constant 106 : i32
        %swap3A_400 = arith.index_cast %swap3A_399 : i32 to index
        %swap3A_401 = arith.index_cast %mul3A_248 : i32 to index
        %swap3A_402 = tpu.vector_load %arg8[%swap3A_400, %swap3A_401] {strides = array<i32>} : memref<128x768xf32, #tpu.memory_space<vmem>>, vector<1x16xf32>,
        %swap3A_403 = vector.shape_cast %swap3A_402 : vector<1x16xf32> to vector<16xf32>
        %swap3A_404 = vector.shape_cast %get3A_252 : vector<16xf32> to vector<1x16xf32>
        tpu.vector_store %arg8[%swap3A_400, %swap3A_401], %swap3A_404 {add = true, strides = array<i32>} : memref<128x768xf32, #tpu.memory_space<vmem>>, vector<1x16xf32>,
        %add3A_405 = arith.constant 16 : i32
        %add3A_406 = arith.addi %mul3A_248, %add3A_405 : i32
        %swap3A_407 = arith.constant 106 : i32
        %swap3A_408 = arith.index_cast %swap3A_407 : i32 to index
        %swap3A_409 = arith.index_cast %add3A_406 : i32 to index
        %swap3A_410 = tpu.vector_load %arg8[%swap3A_408, %swap3A_409] {strides = array<i32>} : memref<128x768xf32, #tpu.memory_space<vmem>>, vector<1x16xf32>,
        %swap3A_411 = vector.shape_cast %swap3A_410 : vector<1x16xf32> to vector<16xf32>
        %swap3A_412 = vector.shape_cast %get3A_259 : vector<16xf32> to vector<1x16xf32>
        tpu.vector_store %arg8[%swap3A_408, %swap3A_409], %swap3A_412 {add = true, strides = array<i32>} : memref<128x768xf32, #tpu.memory_space<vmem>>, vector<1x16xf32>,
        %swap3A_413 = arith.constant 107 : i32
        %swap3A_414 = arith.index_cast %swap3A_413 : i32 to index
        %swap3A_415 = arith.index_cast %mul3A_248 : i32 to index
        %swap3A_416 = tpu.vector_load %arg8[%swap3A_414, %swap3A_415] {strides = array<i32>} : memref<128x768xf32, #tpu.memory_space<vmem>>, vector<1x16xf32>,
        %swap3A_417 = vector.shape_cast %swap3A_416 : vector<1x16xf32> to vector<16xf32>
        %swap3A_418 = vector.shape_cast %get3A_252 : vector<16xf32> to vector<1x16xf32>
        tpu.vector_store %arg8[%swap3A_414, %swap3A_415], %swap3A_418 {add = true, strides = array<i32>} : memref<128x768xf32, #tpu.memory_space<vmem>>, vector<1x16xf32>,
        %add3A_419 = arith.constant 16 : i32
        %add3A_420 = arith.addi %mul3A_248, %add3A_419 : i32
        %swap3A_421 = arith.constant 107 : i32
        %swap3A_422 = arith.index_cast %swap3A_421 : i32 to index
        %swap3A_423 = arith.index_cast %add3A_420 : i32 to index
        %swap3A_424 = tpu.vector_load %arg8[%swap3A_422, %swap3A_423] {strides = array<i32>} : memref<128x768xf32, #tpu.memory_space<vmem>>, vector<1x16xf32>,
        %swap3A_425 = vector.shape_cast %swap3A_424 : vector<1x16xf32> to vector<16xf32>
        %swap3A_426 = vector.shape_cast %get3A_259 : vector<16xf32> to vector<1x16xf32>
        tpu.vector_store %arg8[%swap3A_422, %swap3A_423], %swap3A_426 {add = true, strides = array<i32>} : memref<128x768xf32, #tpu.memory_space<vmem>>, vector<1x16xf32>,
        %swap3A_427 = arith.constant 108 : i32
        %swap3A_428 = arith.index_cast %swap3A_427 : i32 to index
        %swap3A_429 = arith.index_cast %mul3A_248 : i32 to index
        %swap3A_430 = tpu.vector_load %arg8[%swap3A_428, %swap3A_429] {strides = array<i32>} : memref<128x768xf32, #tpu.memory_space<vmem>>, vector<1x16xf32>,
        %swap3A_431 = vector.shape_cast %swap3A_430 : vector<1x16xf32> to vector<16xf32>
        %swap3A_432 = vector.shape_cast %get3A_252 : vector<16xf32> to vector<1x16xf32>
        tpu.vector_store %arg8[%swap3A_428, %swap3A_429], %swap3A_432 {add = true, strides = array<i32>} : memref<128x768xf32, #tpu.memory_space<vmem>>, vector<1x16xf32>,
        %add3A_433 = arith.constant 16 : i32
        %add3A_434 = arith.addi %mul3A_248, %add3A_433 : i32
        %swap3A_435 = arith.constant 108 : i32
        %swap3A_436 = arith.index_cast %swap3A_435 : i32 to index
        %swap3A_437 = arith.index_cast %add3A_434 : i32 to index
        %swap3A_438 = tpu.vector_load %arg8[%swap3A_436, %swap3A_437] {strides = array<i32>} : memref<128x768xf32, #tpu.memory_space<vmem>>, vector<1x16xf32>,
        %swap3A_439 = vector.shape_cast %swap3A_438 : vector<1x16xf32> to vector<16xf32>
        %swap3A_440 = vector.shape_cast %get3A_259 : vector<16xf32> to vector<1x16xf32>
        tpu.vector_store %arg8[%swap3A_436, %swap3A_437], %swap3A_440 {add = true, strides = array<i32>} : memref<128x768xf32, #tpu.memory_space<vmem>>, vector<1x16xf32>,
        %swap3A_441 = arith.constant 109 : i32
        %swap3A_442 = arith.index_cast %swap3A_441 : i32 to index
        %swap3A_443 = arith.index_cast %mul3A_248 : i32 to index
        %swap3A_444 = tpu.vector_load %arg8[%swap3A_442, %swap3A_443] {strides = array<i32>} : memref<128x768xf32, #tpu.memory_space<vmem>>, vector<1x16xf32>,
        %swap3A_445 = vector.shape_cast %swap3A_444 : vector<1x16xf32> to vector<16xf32>
        %swap3A_446 = vector.shape_cast %get3A_252 : vector<16xf32> to vector<1x16xf32>
        tpu.vector_store %arg8[%swap3A_442, %swap3A_443], %swap3A_446 {add = true, strides = array<i32>} : memref<128x768xf32, #tpu.memory_space<vmem>>, vector<1x16xf32>,
        %add3A_447 = arith.constant 16 : i32
        %add3A_448 = arith.addi %mul3A_248, %add3A_447 : i32
        %swap3A_449 = arith.constant 109 : i32
        %swap3A_450 = arith.index_cast %swap3A_449 : i32 to index
        %swap3A_451 = arith.index_cast %add3A_448 : i32 to index
        %swap3A_452 = tpu.vector_load %arg8[%swap3A_450, %swap3A_451] {strides = array<i32>} : memref<128x768xf32, #tpu.memory_space<vmem>>, vector<1x16xf32>,
        %swap3A_453 = vector.shape_cast %swap3A_452 : vector<1x16xf32> to vector<16xf32>
        %swap3A_454 = vector.shape_cast %get3A_259 : vector<16xf32> to vector<1x16xf32>
        tpu.vector_store %arg8[%swap3A_450, %swap3A_451], %swap3A_454 {add = true, strides = array<i32>} : memref<128x768xf32, #tpu.memory_space<vmem>>, vector<1x16xf32>,
        %swap3A_455 = arith.constant 110 : i32
        %swap3A_456 = arith.index_cast %swap3A_455 : i32 to index
        %swap3A_457 = arith.index_cast %mul3A_248 : i32 to index
        %swap3A_458 = tpu.vector_load %arg8[%swap3A_456, %swap3A_457] {strides = array<i32>} : memref<128x768xf32, #tpu.memory_space<vmem>>, vector<1x16xf32>,
        %swap3A_459 = vector.shape_cast %swap3A_458 : vector<1x16xf32> to vector<16xf32>
        %swap3A_460 = vector.shape_cast %get3A_252 : vector<16xf32> to vector<1x16xf32>
        tpu.vector_store %arg8[%swap3A_456, %swap3A_457], %swap3A_460 {add = true, strides = array<i32>} : memref<128x768xf32, #tpu.memory_space<vmem>>, vector<1x16xf32>,
        %add3A_461 = arith.constant 16 : i32
        %add3A_462 = arith.addi %mul3A_248, %add3A_461 : i32
        %swap3A_463 = arith.constant 110 : i32
        %swap3A_464 = arith.index_cast %swap3A_463 : i32 to index
        %swap3A_465 = arith.index_cast %add3A_462 : i32 to index
        %swap3A_466 = tpu.vector_load %arg8[%swap3A_464, %swap3A_465] {strides = array<i32>} : memref<128x768xf32, #tpu.memory_space<vmem>>, vector<1x16xf32>,
        %swap3A_467 = vector.shape_cast %swap3A_466 : vector<1x16xf32> to vector<16xf32>
        %swap3A_468 = vector.shape_cast %get3A_259 : vector<16xf32> to vector<1x16xf32>
        tpu.vector_store %arg8[%swap3A_464, %swap3A_465], %swap3A_468 {add = true, strides = array<i32>} : memref<128x768xf32, #tpu.memory_space<vmem>>, vector<1x16xf32>,
        %swap3A_469 = arith.constant 111 : i32
        %swap3A_470 = arith.index_cast %swap3A_469 : i32 to index
        %swap3A_471 = arith.index_cast %mul3A_248 : i32 to index
        %swap3A_472 = tpu.vector_load %arg8[%swap3A_470, %swap3A_471] {strides = array<i32>} : memref<128x768xf32, #tpu.memory_space<vmem>>, vector<1x16xf32>,
        %swap3A_473 = vector.shape_cast %swap3A_472 : vector<1x16xf32> to vector<16xf32>
        %swap3A_474 = vector.shape_cast %get3A_252 : vector<16xf32> to vector<1x16xf32>
        tpu.vector_store %arg8[%swap3A_470, %swap3A_471], %swap3A_474 {add = true, strides = array<i32>} : memref<128x768xf32, #tpu.memory_space<vmem>>, vector<1x16xf32>,
        %add3A_475 = arith.constant 16 : i32
        %add3A_476 = arith.addi %mul3A_248, %add3A_475 : i32
        %swap3A_477 = arith.constant 111 : i32
        %swap3A_478 = arith.index_cast %swap3A_477 : i32 to index
        %swap3A_479 = arith.index_cast %add3A_476 : i32 to index
        %swap3A_480 = tpu.vector_load %arg8[%swap3A_478, %swap3A_479] {strides = array<i32>} : memref<128x768xf32, #tpu.memory_space<vmem>>, vector<1x16xf32>,
        %swap3A_481 = vector.shape_cast %swap3A_480 : vector<1x16xf32> to vector<16xf32>
        %swap3A_482 = vector.shape_cast %get3A_259 : vector<16xf32> to vector<1x16xf32>
        tpu.vector_store %arg8[%swap3A_478, %swap3A_479], %swap3A_482 {add = true, strides = array<i32>} : memref<128x768xf32, #tpu.memory_space<vmem>>, vector<1x16xf32>,
        %swap3A_483 = arith.constant 112 : i32
        %swap3A_484 = arith.index_cast %swap3A_483 : i32 to index
        %swap3A_485 = arith.index_cast %mul3A_248 : i32 to index
        %swap3A_486 = tpu.vector_load %arg8[%swap3A_484, %swap3A_485] {strides = array<i32>} : memref<128x768xf32, #tpu.memory_space<vmem>>, vector<1x16xf32>,
        %swap3A_487 = vector.shape_cast %swap3A_486 : vector<1x16xf32> to vector<16xf32>
        %swap3A_488 = vector.shape_cast %get3A_252 : vector<16xf32> to vector<1x16xf32>
        tpu.vector_store %arg8[%swap3A_484, %swap3A_485], %swap3A_488 {add = true, strides = array<i32>} : memref<128x768xf32, #tpu.memory_space<vmem>>, vector<1x16xf32>,
        %add3A_489 = arith.constant 16 : i32
        %add3A_490 = arith.addi %mul3A_248, %add3A_489 : i32
        %swap3A_491 = arith.constant 112 : i32
        %swap3A_492 = arith.index_cast %swap3A_491 : i32 to index
        %swap3A_493 = arith.index_cast %add3A_490 : i32 to index
        %swap3A_494 = tpu.vector_load %arg8[%swap3A_492, %swap3A_493] {strides = array<i32>} : memref<128x768xf32, #tpu.memory_space<vmem>>, vector<1x16xf32>,
        %swap3A_495 = vector.shape_cast %swap3A_494 : vector<1x16xf32> to vector<16xf32>
        %swap3A_496 = vector.shape_cast %get3A_259 : vector<16xf32> to vector<1x16xf32>
        tpu.vector_store %arg8[%swap3A_492, %swap3A_493], %swap3A_496 {add = true, strides = array<i32>} : memref<128x768xf32, #tpu.memory_space<vmem>>, vector<1x16xf32>,
        %swap3A_497 = arith.constant 113 : i32
        %swap3A_498 = arith.index_cast %swap3A_497 : i32 to index
        %swap3A_499 = arith.index_cast %mul3A_248 : i32 to index
        %swap3A_500 = tpu.vector_load %arg8[%swap3A_498, %swap3A_499] {strides = array<i32>} : memref<128x768xf32, #tpu.memory_space<vmem>>, vector<1x16xf32>,
        %swap3A_501 = vector.shape_cast %swap3A_500 : vector<1x16xf32> to vector<16xf32>
        %swap3A_502 = vector.shape_cast %get3A_252 : vector<16xf32> to vector<1x16xf32>
        tpu.vector_store %arg8[%swap3A_498, %swap3A_499], %swap3A_502 {add = true, strides = array<i32>} : memref<128x768xf32, #tpu.memory_space<vmem>>, vector<1x16xf32>,
        %add3A_503 = arith.constant 16 : i32
        %add3A_504 = arith.addi %mul3A_248, %add3A_503 : i32
        %swap3A_505 = arith.constant 113 : i32
        %swap3A_506 = arith.index_cast %swap3A_505 : i32 to index
        %swap3A_507 = arith.index_cast %add3A_504 : i32 to index
        %swap3A_508 = tpu.vector_load %arg8[%swap3A_506, %swap3A_507] {strides = array<i32>} : memref<128x768xf32, #tpu.memory_space<vmem>>, vector<1x16xf32>,
        %swap3A_509 = vector.shape_cast %swap3A_508 : vector<1x16xf32> to vector<16xf32>
        %swap3A_510 = vector.shape_cast %get3A_259 : vector<16xf32> to vector<1x16xf32>
        tpu.vector_store %arg8[%swap3A_506, %swap3A_507], %swap3A_510 {add = true, strides = array<i32>} : memref<128x768xf32, #tpu.memory_space<vmem>>, vector<1x16xf32>,
        %swap3A_511 = arith.constant 114 : i32
        %swap3A_512 = arith.index_cast %swap3A_511 : i32 to index
        %swap3A_513 = arith.index_cast %mul3A_248 : i32 to index
        %swap3A_514 = tpu.vector_load %arg8[%swap3A_512, %swap3A_513] {strides = array<i32>} : memref<128x768xf32, #tpu.memory_space<vmem>>, vector<1x16xf32>,
        %swap3A_515 = vector.shape_cast %swap3A_514 : vector<1x16xf32> to vector<16xf32>
        %swap3A_516 = vector.shape_cast %get3A_252 : vector<16xf32> to vector<1x16xf32>
        tpu.vector_store %arg8[%swap3A_512, %swap3A_513], %swap3A_516 {add = true, strides = array<i32>} : memref<128x768xf32, #tpu.memory_space<vmem>>, vector<1x16xf32>,
        %add3A_517 = arith.constant 16 : i32
        %add3A_518 = arith.addi %mul3A_248, %add3A_517 : i32
        %swap3A_519 = arith.constant 114 : i32
        %swap3A_520 = arith.index_cast %swap3A_519 : i32 to index
        %swap3A_521 = arith.index_cast %add3A_518 : i32 to index
        %swap3A_522 = tpu.vector_load %arg8[%swap3A_520, %swap3A_521] {strides = array<i32>} : memref<128x768xf32, #tpu.memory_space<vmem>>, vector<1x16xf32>,
        %swap3A_523 = vector.shape_cast %swap3A_522 : vector<1x16xf32> to vector<16xf32>
        %swap3A_524 = vector.shape_cast %get3A_259 : vector<16xf32> to vector<1x16xf32>
        tpu.vector_store %arg8[%swap3A_520, %swap3A_521], %swap3A_524 {add = true, strides = array<i32>} : memref<128x768xf32, #tpu.memory_space<vmem>>, vector<1x16xf32>,
        %swap3A_525 = arith.constant 115 : i32
        %swap3A_526 = arith.index_cast %swap3A_525 : i32 to index
        %swap3A_527 = arith.index_cast %mul3A_248 : i32 to index
        %swap3A_528 = tpu.vector_load %arg8[%swap3A_526, %swap3A_527] {strides = array<i32>} : memref<128x768xf32, #tpu.memory_space<vmem>>, vector<1x16xf32>,
        %swap3A_529 = vector.shape_cast %swap3A_528 : vector<1x16xf32> to vector<16xf32>
        %swap3A_530 = vector.shape_cast %get3A_252 : vector<16xf32> to vector<1x16xf32>
        tpu.vector_store %arg8[%swap3A_526, %swap3A_527], %swap3A_530 {add = true, strides = array<i32>} : memref<128x768xf32, #tpu.memory_space<vmem>>, vector<1x16xf32>,
        %add3A_531 = arith.constant 16 : i32
        %add3A_532 = arith.addi %mul3A_248, %add3A_531 : i32
        %swap3A_533 = arith.constant 115 : i32
        %swap3A_534 = arith.index_cast %swap3A_533 : i32 to index
        %swap3A_535 = arith.index_cast %add3A_532 : i32 to index
        %swap3A_536 = tpu.vector_load %arg8[%swap3A_534, %swap3A_535] {strides = array<i32>} : memref<128x768xf32, #tpu.memory_space<vmem>>, vector<1x16xf32>,
        %swap3A_537 = vector.shape_cast %swap3A_536 : vector<1x16xf32> to vector<16xf32>
        %swap3A_538 = vector.shape_cast %get3A_259 : vector<16xf32> to vector<1x16xf32>
        tpu.vector_store %arg8[%swap3A_534, %swap3A_535], %swap3A_538 {add = true, strides = array<i32>} : memref<128x768xf32, #tpu.memory_space<vmem>>, vector<1x16xf32>,
        %swap3A_539 = arith.constant 116 : i32
        %swap3A_540 = arith.index_cast %swap3A_539 : i32 to index
        %swap3A_541 = arith.index_cast %mul3A_248 : i32 to index
        %swap3A_542 = tpu.vector_load %arg8[%swap3A_540, %swap3A_541] {strides = array<i32>} : memref<128x768xf32, #tpu.memory_space<vmem>>, vector<1x16xf32>,
        %swap3A_543 = vector.shape_cast %swap3A_542 : vector<1x16xf32> to vector<16xf32>
        %swap3A_544 = vector.shape_cast %get3A_252 : vector<16xf32> to vector<1x16xf32>
        tpu.vector_store %arg8[%swap3A_540, %swap3A_541], %swap3A_544 {add = true, strides = array<i32>} : memref<128x768xf32, #tpu.memory_space<vmem>>, vector<1x16xf32>,
        %add3A_545 = arith.constant 16 : i32
        %add3A_546 = arith.addi %mul3A_248, %add3A_545 : i32
        %swap3A_547 = arith.constant 116 : i32
        %swap3A_548 = arith.index_cast %swap3A_547 : i32 to index
        %swap3A_549 = arith.index_cast %add3A_546 : i32 to index
        %swap3A_550 = tpu.vector_load %arg8[%swap3A_548, %swap3A_549] {strides = array<i32>} : memref<128x768xf32, #tpu.memory_space<vmem>>, vector<1x16xf32>,
        %swap3A_551 = vector.shape_cast %swap3A_550 : vector<1x16xf32> to vector<16xf32>
        %swap3A_552 = vector.shape_cast %get3A_259 : vector<16xf32> to vector<1x16xf32>
        tpu.vector_store %arg8[%swap3A_548, %swap3A_549], %swap3A_552 {add = true, strides = array<i32>} : memref<128x768xf32, #tpu.memory_space<vmem>>, vector<1x16xf32>,
        %swap3A_553 = arith.constant 117 : i32
        %swap3A_554 = arith.index_cast %swap3A_553 : i32 to index
        %swap3A_555 = arith.index_cast %mul3A_248 : i32 to index
        %swap3A_556 = tpu.vector_load %arg8[%swap3A_554, %swap3A_555] {strides = array<i32>} : memref<128x768xf32, #tpu.memory_space<vmem>>, vector<1x16xf32>,
        %swap3A_557 = vector.shape_cast %swap3A_556 : vector<1x16xf32> to vector<16xf32>
        %swap3A_558 = vector.shape_cast %get3A_252 : vector<16xf32> to vector<1x16xf32>
        tpu.vector_store %arg8[%swap3A_554, %swap3A_555], %swap3A_558 {add = true, strides = array<i32>} : memref<128x768xf32, #tpu.memory_space<vmem>>, vector<1x16xf32>,
        %add3A_559 = arith.constant 16 : i32
        %add3A_560 = arith.addi %mul3A_248, %add3A_559 : i32
        %swap3A_561 = arith.constant 117 : i32
        %swap3A_562 = arith.index_cast %swap3A_561 : i32 to index
        %swap3A_563 = arith.index_cast %add3A_560 : i32 to index
        %swap3A_564 = tpu.vector_load %arg8[%swap3A_562, %swap3A_563] {strides = array<i32>} : memref<128x768xf32, #tpu.memory_space<vmem>>, vector<1x16xf32>,
        %swap3A_565 = vector.shape_cast %swap3A_564 : vector<1x16xf32> to vector<16xf32>
        %swap3A_566 = vector.shape_cast %get3A_259 : vector<16xf32> to vector<1x16xf32>
        tpu.vector_store %arg8[%swap3A_562, %swap3A_563], %swap3A_566 {add = true, strides = array<i32>} : memref<128x768xf32, #tpu.memory_space<vmem>>, vector<1x16xf32>,
        %swap3A_567 = arith.constant 118 : i32
        %swap3A_568 = arith.index_cast %swap3A_567 : i32 to index
        %swap3A_569 = arith.index_cast %mul3A_248 : i32 to index
        %swap3A_570 = tpu.vector_load %arg8[%swap3A_568, %swap3A_569] {strides = array<i32>} : memref<128x768xf32, #tpu.memory_space<vmem>>, vector<1x16xf32>,
        %swap3A_571 = vector.shape_cast %swap3A_570 : vector<1x16xf32> to vector<16xf32>
        %swap3A_572 = vector.shape_cast %get3A_252 : vector<16xf32> to vector<1x16xf32>
        tpu.vector_store %arg8[%swap3A_568, %swap3A_569], %swap3A_572 {add = true, strides = array<i32>} : memref<128x768xf32, #tpu.memory_space<vmem>>, vector<1x16xf32>,
        %add3A_573 = arith.constant 16 : i32
        %add3A_574 = arith.addi %mul3A_248, %add3A_573 : i32
        %swap3A_575 = arith.constant 118 : i32
        %swap3A_576 = arith.index_cast %swap3A_575 : i32 to index
        %swap3A_577 = arith.index_cast %add3A_574 : i32 to index
        %swap3A_578 = tpu.vector_load %arg8[%swap3A_576, %swap3A_577] {strides = array<i32>} : memref<128x768xf32, #tpu.memory_space<vmem>>, vector<1x16xf32>,
        %swap3A_579 = vector.shape_cast %swap3A_578 : vector<1x16xf32> to vector<16xf32>
        %swap3A_580 = vector.shape_cast %get3A_259 : vector<16xf32> to vector<1x16xf32>
        tpu.vector_store %arg8[%swap3A_576, %swap3A_577], %swap3A_580 {add = true, strides = array<i32>} : memref<128x768xf32, #tpu.memory_space<vmem>>, vector<1x16xf32>,
        %swap3A_581 = arith.constant 119 : i32
        %swap3A_582 = arith.index_cast %swap3A_581 : i32 to index
        %swap3A_583 = arith.index_cast %mul3A_248 : i32 to index
        %swap3A_584 = tpu.vector_load %arg8[%swap3A_582, %swap3A_583] {strides = array<i32>} : memref<128x768xf32, #tpu.memory_space<vmem>>, vector<1x16xf32>,
        %swap3A_585 = vector.shape_cast %swap3A_584 : vector<1x16xf32> to vector<16xf32>
        %swap3A_586 = vector.shape_cast %get3A_252 : vector<16xf32> to vector<1x16xf32>
        tpu.vector_store %arg8[%swap3A_582, %swap3A_583], %swap3A_586 {add = true, strides = array<i32>} : memref<128x768xf32, #tpu.memory_space<vmem>>, vector<1x16xf32>,
        %add3A_587 = arith.constant 16 : i32
        %add3A_588 = arith.addi %mul3A_248, %add3A_587 : i32
        %swap3A_589 = arith.constant 119 : i32
        %swap3A_590 = arith.index_cast %swap3A_589 : i32 to index
        %swap3A_591 = arith.index_cast %add3A_588 : i32 to index
        %swap3A_592 = tpu.vector_load %arg8[%swap3A_590, %swap3A_591] {strides = array<i32>} : memref<128x768xf32, #tpu.memory_space<vmem>>, vector<1x16xf32>,
        %swap3A_593 = vector.shape_cast %swap3A_592 : vector<1x16xf32> to vector<16xf32>
        %swap3A_594 = vector.shape_cast %get3A_259 : vector<16xf32> to vector<1x16xf32>
        tpu.vector_store %arg8[%swap3A_590, %swap3A_591], %swap3A_594 {add = true, strides = array<i32>} : memref<128x768xf32, #tpu.memory_space<vmem>>, vector<1x16xf32>,
        %swap3A_595 = arith.constant 120 : i32
        %swap3A_596 = arith.index_cast %swap3A_595 : i32 to index
        %swap3A_597 = arith.index_cast %mul3A_248 : i32 to index
        %swap3A_598 = tpu.vector_load %arg8[%swap3A_596, %swap3A_597] {strides = array<i32>} : memref<128x768xf32, #tpu.memory_space<vmem>>, vector<1x16xf32>,
        %swap3A_599 = vector.shape_cast %swap3A_598 : vector<1x16xf32> to vector<16xf32>
        %swap3A_600 = vector.shape_cast %get3A_252 : vector<16xf32> to vector<1x16xf32>
        tpu.vector_store %arg8[%swap3A_596, %swap3A_597], %swap3A_600 {add = true, strides = array<i32>} : memref<128x768xf32, #tpu.memory_space<vmem>>, vector<1x16xf32>,
        %add3A_601 = arith.constant 16 : i32
        %add3A_602 = arith.addi %mul3A_248, %add3A_601 : i32
        %swap3A_603 = arith.constant 120 : i32
        %swap3A_604 = arith.index_cast %swap3A_603 : i32 to index
        %swap3A_605 = arith.index_cast %add3A_602 : i32 to index
        %swap3A_606 = tpu.vector_load %arg8[%swap3A_604, %swap3A_605] {strides = array<i32>} : memref<128x768xf32, #tpu.memory_space<vmem>>, vector<1x16xf32>,
        %swap3A_607 = vector.shape_cast %swap3A_606 : vector<1x16xf32> to vector<16xf32>
        %swap3A_608 = vector.shape_cast %get3A_259 : vector<16xf32> to vector<1x16xf32>
        tpu.vector_store %arg8[%swap3A_604, %swap3A_605], %swap3A_608 {add = true, strides = array<i32>} : memref<128x768xf32, #tpu.memory_space<vmem>>, vector<1x16xf32>,
        %swap3A_609 = arith.constant 121 : i32
        %swap3A_610 = arith.index_cast %swap3A_609 : i32 to index
        %swap3A_611 = arith.index_cast %mul3A_248 : i32 to index
        %swap3A_612 = tpu.vector_load %arg8[%swap3A_610, %swap3A_611] {strides = array<i32>} : memref<128x768xf32, #tpu.memory_space<vmem>>, vector<1x16xf32>,
        %swap3A_613 = vector.shape_cast %swap3A_612 : vector<1x16xf32> to vector<16xf32>
        %swap3A_614 = vector.shape_cast %get3A_252 : vector<16xf32> to vector<1x16xf32>
        tpu.vector_store %arg8[%swap3A_610, %swap3A_611], %swap3A_614 {add = true, strides = array<i32>} : memref<128x768xf32, #tpu.memory_space<vmem>>, vector<1x16xf32>,
        %add3A_615 = arith.constant 16 : i32
        %add3A_616 = arith.addi %mul3A_248, %add3A_615 : i32
        %swap3A_617 = arith.constant 121 : i32
        %swap3A_618 = arith.index_cast %swap3A_617 : i32 to index
        %swap3A_619 = arith.index_cast %add3A_616 : i32 to index
        %swap3A_620 = tpu.vector_load %arg8[%swap3A_618, %swap3A_619] {strides = array<i32>} : memref<128x768xf32, #tpu.memory_space<vmem>>, vector<1x16xf32>,
        %swap3A_621 = vector.shape_cast %swap3A_620 : vector<1x16xf32> to vector<16xf32>
        %swap3A_622 = vector.shape_cast %get3A_259 : vector<16xf32> to vector<1x16xf32>
        tpu.vector_store %arg8[%swap3A_618, %swap3A_619], %swap3A_622 {add = true, strides = array<i32>} : memref<128x768xf32, #tpu.memory_space<vmem>>, vector<1x16xf32>,
        %swap3A_623 = arith.constant 122 : i32
        %swap3A_624 = arith.index_cast %swap3A_623 : i32 to index
        %swap3A_625 = arith.index_cast %mul3A_248 : i32 to index
        %swap3A_626 = tpu.vector_load %arg8[%swap3A_624, %swap3A_625] {strides = array<i32>} : memref<128x768xf32, #tpu.memory_space<vmem>>, vector<1x16xf32>,
        %swap3A_627 = vector.shape_cast %swap3A_626 : vector<1x16xf32> to vector<16xf32>
        %swap3A_628 = vector.shape_cast %get3A_252 : vector<16xf32> to vector<1x16xf32>
        tpu.vector_store %arg8[%swap3A_624, %swap3A_625], %swap3A_628 {add = true, strides = array<i32>} : memref<128x768xf32, #tpu.memory_space<vmem>>, vector<1x16xf32>,
        %add3A_629 = arith.constant 16 : i32
        %add3A_630 = arith.addi %mul3A_248, %add3A_629 : i32
        %swap3A_631 = arith.constant 122 : i32
        %swap3A_632 = arith.index_cast %swap3A_631 : i32 to index
        %swap3A_633 = arith.index_cast %add3A_630 : i32 to index
        %swap3A_634 = tpu.vector_load %arg8[%swap3A_632, %swap3A_633] {strides = array<i32>} : memref<128x768xf32, #tpu.memory_space<vmem>>, vector<1x16xf32>,
        %swap3A_635 = vector.shape_cast %swap3A_634 : vector<1x16xf32> to vector<16xf32>
        %swap3A_636 = vector.shape_cast %get3A_259 : vector<16xf32> to vector<1x16xf32>
        tpu.vector_store %arg8[%swap3A_632, %swap3A_633], %swap3A_636 {add = true, strides = array<i32>} : memref<128x768xf32, #tpu.memory_space<vmem>>, vector<1x16xf32>,
        %swap3A_637 = arith.constant 123 : i32
        %swap3A_638 = arith.index_cast %swap3A_637 : i32 to index
        %swap3A_639 = arith.index_cast %mul3A_248 : i32 to index
        %swap3A_640 = tpu.vector_load %arg8[%swap3A_638, %swap3A_639] {strides = array<i32>} : memref<128x768xf32, #tpu.memory_space<vmem>>, vector<1x16xf32>,
        %swap3A_641 = vector.shape_cast %swap3A_640 : vector<1x16xf32> to vector<16xf32>
        %swap3A_642 = vector.shape_cast %get3A_252 : vector<16xf32> to vector<1x16xf32>
        tpu.vector_store %arg8[%swap3A_638, %swap3A_639], %swap3A_642 {add = true, strides = array<i32>} : memref<128x768xf32, #tpu.memory_space<vmem>>, vector<1x16xf32>,
        %add3A_643 = arith.constant 16 : i32
        %add3A_644 = arith.addi %mul3A_248, %add3A_643 : i32
        %swap3A_645 = arith.constant 123 : i32
        %swap3A_646 = arith.index_cast %swap3A_645 : i32 to index
        %swap3A_647 = arith.index_cast %add3A_644 : i32 to index
        %swap3A_648 = tpu.vector_load %arg8[%swap3A_646, %swap3A_647] {strides = array<i32>} : memref<128x768xf32, #tpu.memory_space<vmem>>, vector<1x16xf32>,
        %swap3A_649 = vector.shape_cast %swap3A_648 : vector<1x16xf32> to vector<16xf32>
        %swap3A_650 = vector.shape_cast %get3A_259 : vector<16xf32> to vector<1x16xf32>
        tpu.vector_store %arg8[%swap3A_646, %swap3A_647], %swap3A_650 {add = true, strides = array<i32>} : memref<128x768xf32, #tpu.memory_space<vmem>>, vector<1x16xf32>,
        %swap3A_651 = arith.constant 124 : i32
        %swap3A_652 = arith.index_cast %swap3A_651 : i32 to index
        %swap3A_653 = arith.index_cast %mul3A_248 : i32 to index
        %swap3A_654 = tpu.vector_load %arg8[%swap3A_652, %swap3A_653] {strides = array<i32>} : memref<128x768xf32, #tpu.memory_space<vmem>>, vector<1x16xf32>,
        %swap3A_655 = vector.shape_cast %swap3A_654 : vector<1x16xf32> to vector<16xf32>
        %swap3A_656 = vector.shape_cast %get3A_252 : vector<16xf32> to vector<1x16xf32>
        tpu.vector_store %arg8[%swap3A_652, %swap3A_653], %swap3A_656 {add = true, strides = array<i32>} : memref<128x768xf32, #tpu.memory_space<vmem>>, vector<1x16xf32>,
        %add3A_657 = arith.constant 16 : i32
        %add3A_658 = arith.addi %mul3A_248, %add3A_657 : i32
        %swap3A_659 = arith.constant 124 : i32
        %swap3A_660 = arith.index_cast %swap3A_659 : i32 to index
        %swap3A_661 = arith.index_cast %add3A_658 : i32 to index
        %swap3A_662 = tpu.vector_load %arg8[%swap3A_660, %swap3A_661] {strides = array<i32>} : memref<128x768xf32, #tpu.memory_space<vmem>>, vector<1x16xf32>,
        %swap3A_663 = vector.shape_cast %swap3A_662 : vector<1x16xf32> to vector<16xf32>
        %swap3A_664 = vector.shape_cast %get3A_259 : vector<16xf32> to vector<1x16xf32>
        tpu.vector_store %arg8[%swap3A_660, %swap3A_661], %swap3A_664 {add = true, strides = array<i32>} : memref<128x768xf32, #tpu.memory_space<vmem>>, vector<1x16xf32>,
        %swap3A_665 = arith.constant 125 : i32
        %swap3A_666 = arith.index_cast %swap3A_665 : i32 to index
        %swap3A_667 = arith.index_cast %mul3A_248 : i32 to index
        %swap3A_668 = tpu.vector_load %arg8[%swap3A_666, %swap3A_667] {strides = array<i32>} : memref<128x768xf32, #tpu.memory_space<vmem>>, vector<1x16xf32>,
        %swap3A_669 = vector.shape_cast %swap3A_668 : vector<1x16xf32> to vector<16xf32>
        %swap3A_670 = vector.shape_cast %get3A_252 : vector<16xf32> to vector<1x16xf32>
        tpu.vector_store %arg8[%swap3A_666, %swap3A_667], %swap3A_670 {add = true, strides = array<i32>} : memref<128x768xf32, #tpu.memory_space<vmem>>, vector<1x16xf32>,
        %add3A_671 = arith.constant 16 : i32
        %add3A_672 = arith.addi %mul3A_248, %add3A_671 : i32
        %swap3A_673 = arith.constant 125 : i32
        %swap3A_674 = arith.index_cast %swap3A_673 : i32 to index
        %swap3A_675 = arith.index_cast %add3A_672 : i32 to index
        %swap3A_676 = tpu.vector_load %arg8[%swap3A_674, %swap3A_675] {strides = array<i32>} : memref<128x768xf32, #tpu.memory_space<vmem>>, vector<1x16xf32>,
        %swap3A_677 = vector.shape_cast %swap3A_676 : vector<1x16xf32> to vector<16xf32>
        %swap3A_678 = vector.shape_cast %get3A_259 : vector<16xf32> to vector<1x16xf32>
        tpu.vector_store %arg8[%swap3A_674, %swap3A_675], %swap3A_678 {add = true, strides = array<i32>} : memref<128x768xf32, #tpu.memory_space<vmem>>, vector<1x16xf32>,
        %swap3A_679 = arith.constant 126 : i32
        %swap3A_680 = arith.index_cast %swap3A_679 : i32 to index
        %swap3A_681 = arith.index_cast %mul3A_248 : i32 to index
        %swap3A_682 = tpu.vector_load %arg8[%swap3A_680, %swap3A_681] {strides = array<i32>} : memref<128x768xf32, #tpu.memory_space<vmem>>, vector<1x16xf32>,
        %swap3A_683 = vector.shape_cast %swap3A_682 : vector<1x16xf32> to vector<16xf32>
        %swap3A_684 = vector.shape_cast %get3A_252 : vector<16xf32> to vector<1x16xf32>
        tpu.vector_store %arg8[%swap3A_680, %swap3A_681], %swap3A_684 {add = true, strides = array<i32>} : memref<128x768xf32, #tpu.memory_space<vmem>>, vector<1x16xf32>,
        %add3A_685 = arith.constant 16 : i32
        %add3A_686 = arith.addi %mul3A_248, %add3A_685 : i32
        %swap3A_687 = arith.constant 126 : i32
        %swap3A_688 = arith.index_cast %swap3A_687 : i32 to index
        %swap3A_689 = arith.index_cast %add3A_686 : i32 to index
        %swap3A_690 = tpu.vector_load %arg8[%swap3A_688, %swap3A_689] {strides = array<i32>} : memref<128x768xf32, #tpu.memory_space<vmem>>, vector<1x16xf32>,
        %swap3A_691 = vector.shape_cast %swap3A_690 : vector<1x16xf32> to vector<16xf32>
        %swap3A_692 = vector.shape_cast %get3A_259 : vector<16xf32> to vector<1x16xf32>
        tpu.vector_store %arg8[%swap3A_688, %swap3A_689], %swap3A_692 {add = true, strides = array<i32>} : memref<128x768xf32, #tpu.memory_space<vmem>>, vector<1x16xf32>,
        %swap3A_693 = arith.constant 127 : i32
        %swap3A_694 = arith.index_cast %swap3A_693 : i32 to index
        %swap3A_695 = arith.index_cast %mul3A_248 : i32 to index
        %swap3A_696 = tpu.vector_load %arg8[%swap3A_694, %swap3A_695] {strides = array<i32>} : memref<128x768xf32, #tpu.memory_space<vmem>>, vector<1x16xf32>,
        %swap3A_697 = vector.shape_cast %swap3A_696 : vector<1x16xf32> to vector<16xf32>
        %swap3A_698 = vector.shape_cast %get3A_252 : vector<16xf32> to vector<1x16xf32>
        tpu.vector_store %arg8[%swap3A_694, %swap3A_695], %swap3A_698 {add = true, strides = array<i32>} : memref<128x768xf32, #tpu.memory_space<vmem>>, vector<1x16xf32>,
        %add3A_699 = arith.constant 16 : i32
        %add3A_700 = arith.addi %mul3A_248, %add3A_699 : i32
        %swap3A_701 = arith.constant 127 : i32
        %swap3A_702 = arith.index_cast %swap3A_701 : i32 to index
        %swap3A_703 = arith.index_cast %add3A_700 : i32 to index
        %swap3A_704 = tpu.vector_load %arg8[%swap3A_702, %swap3A_703] {strides = array<i32>} : memref<128x768xf32, #tpu.memory_space<vmem>>, vector<1x16xf32>,
        %swap3A_705 = vector.shape_cast %swap3A_704 : vector<1x16xf32> to vector<16xf32>
        %swap3A_706 = vector.shape_cast %get3A_259 : vector<16xf32> to vector<1x16xf32>
        tpu.vector_store %arg8[%swap3A_702, %swap3A_703], %swap3A_706 {add = true, strides = array<i32>} : memref<128x768xf32, #tpu.memory_space<vmem>>, vector<1x16xf32>,
      }
      %scan3A_226 = arith.constant 24 : i32
      %mul3A_227 = arith.constant 2 : i32
      %mul3A_228 = arith.muli %mul3A_227, %add3A_178 : i32
      %add3A_229 = arith.constant 1 : i32
      %add3A_230 = arith.addi %mul3A_228, %add3A_229 : i32
      %mul3A_231 = arith.constant 1024 : i32
      %mul3A_232 = arith.muli %add3A_230, %mul3A_231 : i32
      %add3A_233 = arith.addi %mul3A_232, %mul3A_2 : i32
      %dma_start3A_234 = arith.constant 96 : i32
      %dma_start3A_235 = arith.constant 0 : i32
      %dma_start3A_236 = tpu.memref_slice %arg8[%dma_start3A_234, %dma_start3A_235] : memref<128x768xf32, #tpu.memory_space<vmem>> -> memref<32x768xf32, #tpu.memory_space<vmem>>
      %dma_start3A_237 = arith.constant 0 : i32
      %dma_start3A_238 = tpu.memref_slice %arg5[%add3A_233, %dma_start3A_237] : memref<78848x768xf32, #tpu.memory_space<hbm>> -> memref<32x768xf32, #tpu.memory_space<hbm>>
      %dma_start3A_239 = arith.constant 0 : i32
      %dma_start3A_240 = tpu.memref_slice %arg5[%add3A_233, %dma_start3A_239] : memref<78848x768xf32, #tpu.memory_space<hbm>> -> memref<32x768xf32, #tpu.memory_space<hbm>>
      %dma_start3A_241 = arith.constant 96 : i32
      %dma_start3A_242 = arith.constant 0 : i32
      %dma_start3A_243 = tpu.memref_slice %arg8[%dma_start3A_241, %dma_start3A_242] : memref<128x768xf32, #tpu.memory_space<vmem>> -> memref<32x768xf32, #tpu.memory_space<vmem>>
      tpu.enqueue_dma source(%dma_start3A_243 : memref<32x768xf32, #tpu.memory_space<vmem>>) target(%dma_start3A_240 : memref<32x768xf32, #tpu.memory_space<hbm>>) target_semaphore(%arg13 : memref<!tpu.dma_semaphore, #tpu.memory_space<semaphore_mem>>)
    }
    %scan3A_18 = arith.constant 19 : i32
    %dma_wait3A = arith.constant 0 : i32
    %dma_wait3A_19 = arith.constant 0 : i32
    %dma_wait3A_20 = tpu.memref_slice %arg8[%dma_wait3A, %dma_wait3A_19] : memref<128x768xf32, #tpu.memory_space<vmem>> -> memref<32x768xf32, #tpu.memory_space<vmem>>
    %dma_wait3A_21 = arith.constant 0 : i32
    %dma_wait3A_22 = tpu.memref_slice %arg5[%mul3A_2, %dma_wait3A_21] : memref<78848x768xf32, #tpu.memory_space<hbm>> -> memref<32x768xf32, #tpu.memory_space<hbm>>
    %dma_wait3A_23 = arith.constant 0 : i32
    %dma_wait3A_24 = tpu.memref_slice %arg5[%mul3A_2, %dma_wait3A_23] : memref<78848x768xf32, #tpu.memory_space<hbm>> -> memref<32x768xf32, #tpu.memory_space<hbm>>
    %dma_wait3A_25 = arith.constant 0 : i32
    %dma_wait3A_26 = arith.constant 0 : i32
    %dma_wait3A_27 = tpu.memref_slice %arg8[%dma_wait3A_25, %dma_wait3A_26] : memref<128x768xf32, #tpu.memory_space<vmem>> -> memref<32x768xf32, #tpu.memory_space<vmem>>
    tpu.wait_dma2 semaphore(%arg12 : memref<!tpu.dma_semaphore, #tpu.memory_space<semaphore_mem>>) src(%dma_wait3A_27 : memref<32x768xf32, #tpu.memory_space<vmem>>) dst(%dma_wait3A_24 : memref<32x768xf32, #tpu.memory_space<hbm>>)
    %dma_wait3A_28 = arith.constant 0 : i32
    %dma_wait3A_29 = arith.constant 0 : i32
    %dma_wait3A_30 = tpu.memref_slice %arg8[%dma_wait3A_28, %dma_wait3A_29] : memref<128x768xf32, #tpu.memory_space<vmem>> -> memref<32x768xf32, #tpu.memory_space<vmem>>
    %dma_wait3A_31 = arith.constant 0 : i32
    %dma_wait3A_32 = tpu.memref_slice %arg5[%mul3A_2, %dma_wait3A_31] : memref<78848x768xf32, #tpu.memory_space<hbm>> -> memref<32x768xf32, #tpu.memory_space<hbm>>
    %dma_wait3A_33 = arith.constant 0 : i32
    %dma_wait3A_34 = tpu.memref_slice %arg5[%mul3A_2, %dma_wait3A_33] : memref<78848x768xf32, #tpu.memory_space<hbm>> -> memref<32x768xf32, #tpu.memory_space<hbm>>
    %dma_wait3A_35 = arith.constant 0 : i32
    %dma_wait3A_36 = arith.constant 0 : i32
    %dma_wait3A_37 = tpu.memref_slice %arg8[%dma_wait3A_35, %dma_wait3A_36] : memref<128x768xf32, #tpu.memory_space<vmem>> -> memref<32x768xf32, #tpu.memory_space<vmem>>
    tpu.wait_dma2 semaphore(%arg12 : memref<!tpu.dma_semaphore, #tpu.memory_space<semaphore_mem>>) src(%dma_wait3A_37 : memref<32x768xf32, #tpu.memory_space<vmem>>) dst(%dma_wait3A_34 : memref<32x768xf32, #tpu.memory_space<hbm>>)
    %dma_start3A_38 = arith.constant 0 : i32
    %dma_start3A_39 = arith.constant 0 : i32
    %dma_start3A_40 = tpu.memref_slice %arg8[%dma_start3A_38, %dma_start3A_39] : memref<128x768xf32, #tpu.memory_space<vmem>> -> memref<32x768xf32, #tpu.memory_space<vmem>>
    %dma_start3A_41 = arith.constant 2432 : i32
    %dma_start3A_42 = tpu.memref_slice %arg6[%dma_start3A_41] : memref<2464xi32, #tpu.memory_space<vmem>> -> memref<32xi32, #tpu.memory_space<vmem>>
    %dma_start3A_43 = arith.constant 0 : i32
    %dma_start3A_44 = arith.constant 0 : i32
    %dma_start3A_45 = tpu.memref_slice %arg3[%dma_start3A_43, %dma_start3A_44] : memref<49408x768xf32, #tpu.memory_space<hbm>> -> memref<49408x768xf32, #tpu.memory_space<hbm>>
    tpu.enqueue_indirect_dma source(%dma_start3A_45 : memref<49408x768xf32, #tpu.memory_space<hbm>>) target(%dma_start3A_40 : memref<32x768xf32, #tpu.memory_space<vmem>>) offsets(%dma_start3A_42 : memref<32xi32, #tpu.memory_space<vmem>>) semaphore(%arg10 : memref<!tpu.dma_semaphore, #tpu.memory_space<semaphore_mem>>)
    "tpu.region"() ({
      %run_scoped3A = tpu.sem_alloc : memref<!tpu.dma_semaphore, #tpu.memory_space<semaphore_mem>>
      %dma_start3A_102 = arith.constant 0 : i32
      %dma_start3A_103 = tpu.memref_slice %arg7[%dma_start3A_102] : memref<1536xf32, #tpu.memory_space<vmem>> -> memref<768xf32, #tpu.memory_space<vmem>>
      %dma_start3A_104 = arith.constant 58368 : i32
      %dma_start3A_105 = tpu.memref_slice %arg9[%dma_start3A_104] : memref<59136xf32, #tpu.memory_space<vmem_shared>> -> memref<768xf32, #tpu.memory_space<vmem_shared>>
      %dma_start3A_106 = arith.constant 0 : i32
      %dma_start3A_107 = tpu.memref_slice %arg7[%dma_start3A_106] : memref<1536xf32, #tpu.memory_space<vmem>> -> memref<768xf32, #tpu.memory_space<vmem>>
      %dma_start3A_108 = arith.constant 58368 : i32
      %dma_start3A_109 = tpu.memref_slice %arg9[%dma_start3A_108] : memref<59136xf32, #tpu.memory_space<vmem_shared>> -> memref<768xf32, #tpu.memory_space<vmem_shared>>
      tpu.enqueue_dma source(%dma_start3A_109 : memref<768xf32, #tpu.memory_space<vmem_shared>>) target(%dma_start3A_107 : memref<768xf32, #tpu.memory_space<vmem>>) target_semaphore(%run_scoped3A : memref<!tpu.dma_semaphore, #tpu.memory_space<semaphore_mem>>)
      %dma_wait3A_110 = arith.constant 0 : i32
      %dma_wait3A_111 = tpu.memref_slice %arg7[%dma_wait3A_110] : memref<1536xf32, #tpu.memory_space<vmem>> -> memref<768xf32, #tpu.memory_space<vmem>>
      %dma_wait3A_112 = arith.constant 58368 : i32
      %dma_wait3A_113 = tpu.memref_slice %arg9[%dma_wait3A_112] : memref<59136xf32, #tpu.memory_space<vmem_shared>> -> memref<768xf32, #tpu.memory_space<vmem_shared>>
      %dma_wait3A_114 = arith.constant 0 : i32
      %dma_wait3A_115 = tpu.memref_slice %arg7[%dma_wait3A_114] : memref<1536xf32, #tpu.memory_space<vmem>> -> memref<768xf32, #tpu.memory_space<vmem>>
      %dma_wait3A_116 = arith.constant 58368 : i32
      %dma_wait3A_117 = tpu.memref_slice %arg9[%dma_wait3A_116] : memref<59136xf32, #tpu.memory_space<vmem_shared>> -> memref<768xf32, #tpu.memory_space<vmem_shared>>
      tpu.wait_dma2 semaphore(%run_scoped3A : memref<!tpu.dma_semaphore, #tpu.memory_space<semaphore_mem>>) src(%dma_wait3A_117 : memref<768xf32, #tpu.memory_space<vmem_shared>>) dst(%dma_wait3A_115 : memref<768xf32, #tpu.memory_space<vmem>>)
      tpu.yield
    }) : () -> ()
    %dma_wait3A_46 = arith.constant 0 : i32
    %dma_wait3A_47 = arith.constant 0 : i32
    %dma_wait3A_48 = tpu.memref_slice %arg8[%dma_wait3A_46, %dma_wait3A_47] : memref<128x768xf32, #tpu.memory_space<vmem>> -> memref<32x768xf32, #tpu.memory_space<vmem>>
    %dma_wait3A_49 = arith.constant 2432 : i32
    %dma_wait3A_50 = tpu.memref_slice %arg6[%dma_wait3A_49] : memref<2464xi32, #tpu.memory_space<vmem>> -> memref<32xi32, #tpu.memory_space<vmem>>
    %dma_wait3A_51 = arith.constant 0 : i32
    %dma_wait3A_52 = arith.constant 0 : i32
    %dma_wait3A_53 = tpu.memref_slice %arg3[%dma_wait3A_51, %dma_wait3A_52] : memref<49408x768xf32, #tpu.memory_space<hbm>> -> memref<49408x768xf32, #tpu.memory_space<hbm>>
    tpu.wait_indirect_dma semaphore(%arg10 : memref<!tpu.dma_semaphore, #tpu.memory_space<semaphore_mem>>) src(%dma_wait3A_53 : memref<49408x768xf32, #tpu.memory_space<hbm>>) dst(%dma_wait3A_48 : memref<32x768xf32, #tpu.memory_space<vmem>>)
    %scan3A_54 = arith.constant 0 : i32
    %scan3A_55 = arith.constant 0 : i32
    %scan3A_56 = arith.constant 24 : i32
    %scan3A_57 = arith.addi %scan3A_55, %scan3A_56 : i32
    %scan3A_58 = arith.constant 1 : i32
    scf.for %scan3A_102 = %scan3A_55 to %scan3A_57 step %scan3A_58  : i32 {
      %mul3A_103 = arith.constant 2 : i32
      %mul3A_104 = arith.muli %scan3A_102, %mul3A_103 : i32
      %mul3A_105 = arith.constant 16 : i32
      %mul3A_106 = arith.muli %mul3A_104, %mul3A_105 : i32
      %add3A_107 = arith.constant 0 : i32
      %add3A_108 = arith.addi %add3A_107, %mul3A_106 : i32
      %get3A = arith.index_cast %add3A_108 : i32 to index
      %get3A_109 = tpu.vector_load %arg7[%get3A] {strides = array<i32>} : memref<1536xf32, #tpu.memory_space<vmem>>, vector<16xf32>,
      %get3A_110 = vector.shape_cast %get3A_109 : vector<16xf32> to vector<16xf32>
      %add3A_111 = arith.constant 0 : i32
      %add3A_112 = arith.addi %add3A_111, %mul3A_106 : i32
      %add3A_113 = arith.constant 16 : i32
      %add3A_114 = arith.addi %add3A_112, %add3A_113 : i32
      %get3A_115 = arith.index_cast %add3A_114 : i32 to index
      %get3A_116 = tpu.vector_load %arg7[%get3A_115] {strides = array<i32>} : memref<1536xf32, #tpu.memory_space<vmem>>, vector<16xf32>,
      %get3A_117 = vector.shape_cast %get3A_116 : vector<16xf32> to vector<16xf32>
      %swap3A = arith.constant 0 : i32
      %swap3A_118 = arith.index_cast %swap3A : i32 to index
      %swap3A_119 = arith.index_cast %mul3A_106 : i32 to index
      %swap3A_120 = tpu.vector_load %arg8[%swap3A_118, %swap3A_119] {strides = array<i32>} : memref<128x768xf32, #tpu.memory_space<vmem>>, vector<1x16xf32>,
      %swap3A_121 = vector.shape_cast %swap3A_120 : vector<1x16xf32> to vector<16xf32>
      %swap3A_122 = vector.shape_cast %get3A_110 : vector<16xf32> to vector<1x16xf32>
      tpu.vector_store %arg8[%swap3A_118, %swap3A_119], %swap3A_122 {add = true, strides = array<i32>} : memref<128x768xf32, #tpu.memory_space<vmem>>, vector<1x16xf32>,
      %add3A_123 = arith.constant 16 : i32
      %add3A_124 = arith.addi %mul3A_106, %add3A_123 : i32
      %swap3A_125 = arith.constant 0 : i32
      %swap3A_126 = arith.index_cast %swap3A_125 : i32 to index
      %swap3A_127 = arith.index_cast %add3A_124 : i32 to index
      %swap3A_128 = tpu.vector_load %arg8[%swap3A_126, %swap3A_127] {strides = array<i32>} : memref<128x768xf32, #tpu.memory_space<vmem>>, vector<1x16xf32>,
      %swap3A_129 = vector.shape_cast %swap3A_128 : vector<1x16xf32> to vector<16xf32>
      %swap3A_130 = vector.shape_cast %get3A_117 : vector<16xf32> to vector<1x16xf32>
      tpu.vector_store %arg8[%swap3A_126, %swap3A_127], %swap3A_130 {add = true, strides = array<i32>} : memref<128x768xf32, #tpu.memory_space<vmem>>, vector<1x16xf32>,
      %swap3A_131 = arith.constant 1 : i32
      %swap3A_132 = arith.index_cast %swap3A_131 : i32 to index
      %swap3A_133 = arith.index_cast %mul3A_106 : i32 to index
      %swap3A_134 = tpu.vector_load %arg8[%swap3A_132, %swap3A_133] {strides = array<i32>} : memref<128x768xf32, #tpu.memory_space<vmem>>, vector<1x16xf32>,
      %swap3A_135 = vector.shape_cast %swap3A_134 : vector<1x16xf32> to vector<16xf32>
      %swap3A_136 = vector.shape_cast %get3A_110 : vector<16xf32> to vector<1x16xf32>
      tpu.vector_store %arg8[%swap3A_132, %swap3A_133], %swap3A_136 {add = true, strides = array<i32>} : memref<128x768xf32, #tpu.memory_space<vmem>>, vector<1x16xf32>,
      %add3A_137 = arith.constant 16 : i32
      %add3A_138 = arith.addi %mul3A_106, %add3A_137 : i32
      %swap3A_139 = arith.constant 1 : i32
      %swap3A_140 = arith.index_cast %swap3A_139 : i32 to index
      %swap3A_141 = arith.index_cast %add3A_138 : i32 to index
      %swap3A_142 = tpu.vector_load %arg8[%swap3A_140, %swap3A_141] {strides = array<i32>} : memref<128x768xf32, #tpu.memory_space<vmem>>, vector<1x16xf32>,
      %swap3A_143 = vector.shape_cast %swap3A_142 : vector<1x16xf32> to vector<16xf32>
      %swap3A_144 = vector.shape_cast %get3A_117 : vector<16xf32> to vector<1x16xf32>
      tpu.vector_store %arg8[%swap3A_140, %swap3A_141], %swap3A_144 {add = true, strides = array<i32>} : memref<128x768xf32, #tpu.memory_space<vmem>>, vector<1x16xf32>,
      %swap3A_145 = arith.constant 2 : i32
      %swap3A_146 = arith.index_cast %swap3A_145 : i32 to index
      %swap3A_147 = arith.index_cast %mul3A_106 : i32 to index
      %swap3A_148 = tpu.vector_load %arg8[%swap3A_146, %swap3A_147] {strides = array<i32>} : memref<128x768xf32, #tpu.memory_space<vmem>>, vector<1x16xf32>,
      %swap3A_149 = vector.shape_cast %swap3A_148 : vector<1x16xf32> to vector<16xf32>
      %swap3A_150 = vector.shape_cast %get3A_110 : vector<16xf32> to vector<1x16xf32>
      tpu.vector_store %arg8[%swap3A_146, %swap3A_147], %swap3A_150 {add = true, strides = array<i32>} : memref<128x768xf32, #tpu.memory_space<vmem>>, vector<1x16xf32>,
      %add3A_151 = arith.constant 16 : i32
      %add3A_152 = arith.addi %mul3A_106, %add3A_151 : i32
      %swap3A_153 = arith.constant 2 : i32
      %swap3A_154 = arith.index_cast %swap3A_153 : i32 to index
      %swap3A_155 = arith.index_cast %add3A_152 : i32 to index
      %swap3A_156 = tpu.vector_load %arg8[%swap3A_154, %swap3A_155] {strides = array<i32>} : memref<128x768xf32, #tpu.memory_space<vmem>>, vector<1x16xf32>,
      %swap3A_157 = vector.shape_cast %swap3A_156 : vector<1x16xf32> to vector<16xf32>
      %swap3A_158 = vector.shape_cast %get3A_117 : vector<16xf32> to vector<1x16xf32>
      tpu.vector_store %arg8[%swap3A_154, %swap3A_155], %swap3A_158 {add = true, strides = array<i32>} : memref<128x768xf32, #tpu.memory_space<vmem>>, vector<1x16xf32>,
      %swap3A_159 = arith.constant 3 : i32
      %swap3A_160 = arith.index_cast %swap3A_159 : i32 to index
      %swap3A_161 = arith.index_cast %mul3A_106 : i32 to index
      %swap3A_162 = tpu.vector_load %arg8[%swap3A_160, %swap3A_161] {strides = array<i32>} : memref<128x768xf32, #tpu.memory_space<vmem>>, vector<1x16xf32>,
      %swap3A_163 = vector.shape_cast %swap3A_162 : vector<1x16xf32> to vector<16xf32>
      %swap3A_164 = vector.shape_cast %get3A_110 : vector<16xf32> to vector<1x16xf32>
      tpu.vector_store %arg8[%swap3A_160, %swap3A_161], %swap3A_164 {add = true, strides = array<i32>} : memref<128x768xf32, #tpu.memory_space<vmem>>, vector<1x16xf32>,
      %add3A_165 = arith.constant 16 : i32
      %add3A_166 = arith.addi %mul3A_106, %add3A_165 : i32
      %swap3A_167 = arith.constant 3 : i32
      %swap3A_168 = arith.index_cast %swap3A_167 : i32 to index
      %swap3A_169 = arith.index_cast %add3A_166 : i32 to index
      %swap3A_170 = tpu.vector_load %arg8[%swap3A_168, %swap3A_169] {strides = array<i32>} : memref<128x768xf32, #tpu.memory_space<vmem>>, vector<1x16xf32>,
      %swap3A_171 = vector.shape_cast %swap3A_170 : vector<1x16xf32> to vector<16xf32>
      %swap3A_172 = vector.shape_cast %get3A_117 : vector<16xf32> to vector<1x16xf32>
      tpu.vector_store %arg8[%swap3A_168, %swap3A_169], %swap3A_172 {add = true, strides = array<i32>} : memref<128x768xf32, #tpu.memory_space<vmem>>, vector<1x16xf32>,
      %swap3A_173 = arith.constant 4 : i32
      %swap3A_174 = arith.index_cast %swap3A_173 : i32 to index
      %swap3A_175 = arith.index_cast %mul3A_106 : i32 to index
      %swap3A_176 = tpu.vector_load %arg8[%swap3A_174, %swap3A_175] {strides = array<i32>} : memref<128x768xf32, #tpu.memory_space<vmem>>, vector<1x16xf32>,
      %swap3A_177 = vector.shape_cast %swap3A_176 : vector<1x16xf32> to vector<16xf32>
      %swap3A_178 = vector.shape_cast %get3A_110 : vector<16xf32> to vector<1x16xf32>
      tpu.vector_store %arg8[%swap3A_174, %swap3A_175], %swap3A_178 {add = true, strides = array<i32>} : memref<128x768xf32, #tpu.memory_space<vmem>>, vector<1x16xf32>,
      %add3A_179 = arith.constant 16 : i32
      %add3A_180 = arith.addi %mul3A_106, %add3A_179 : i32
      %swap3A_181 = arith.constant 4 : i32
      %swap3A_182 = arith.index_cast %swap3A_181 : i32 to index
      %swap3A_183 = arith.index_cast %add3A_180 : i32 to index
      %swap3A_184 = tpu.vector_load %arg8[%swap3A_182, %swap3A_183] {strides = array<i32>} : memref<128x768xf32, #tpu.memory_space<vmem>>, vector<1x16xf32>,
      %swap3A_185 = vector.shape_cast %swap3A_184 : vector<1x16xf32> to vector<16xf32>
      %swap3A_186 = vector.shape_cast %get3A_117 : vector<16xf32> to vector<1x16xf32>
      tpu.vector_store %arg8[%swap3A_182, %swap3A_183], %swap3A_186 {add = true, strides = array<i32>} : memref<128x768xf32, #tpu.memory_space<vmem>>, vector<1x16xf32>,
      %swap3A_187 = arith.constant 5 : i32
      %swap3A_188 = arith.index_cast %swap3A_187 : i32 to index
      %swap3A_189 = arith.index_cast %mul3A_106 : i32 to index
      %swap3A_190 = tpu.vector_load %arg8[%swap3A_188, %swap3A_189] {strides = array<i32>} : memref<128x768xf32, #tpu.memory_space<vmem>>, vector<1x16xf32>,
      %swap3A_191 = vector.shape_cast %swap3A_190 : vector<1x16xf32> to vector<16xf32>
      %swap3A_192 = vector.shape_cast %get3A_110 : vector<16xf32> to vector<1x16xf32>
      tpu.vector_store %arg8[%swap3A_188, %swap3A_189], %swap3A_192 {add = true, strides = array<i32>} : memref<128x768xf32, #tpu.memory_space<vmem>>, vector<1x16xf32>,
      %add3A_193 = arith.constant 16 : i32
      %add3A_194 = arith.addi %mul3A_106, %add3A_193 : i32
      %swap3A_195 = arith.constant 5 : i32
      %swap3A_196 = arith.index_cast %swap3A_195 : i32 to index
      %swap3A_197 = arith.index_cast %add3A_194 : i32 to index
      %swap3A_198 = tpu.vector_load %arg8[%swap3A_196, %swap3A_197] {strides = array<i32>} : memref<128x768xf32, #tpu.memory_space<vmem>>, vector<1x16xf32>,
      %swap3A_199 = vector.shape_cast %swap3A_198 : vector<1x16xf32> to vector<16xf32>
      %swap3A_200 = vector.shape_cast %get3A_117 : vector<16xf32> to vector<1x16xf32>
      tpu.vector_store %arg8[%swap3A_196, %swap3A_197], %swap3A_200 {add = true, strides = array<i32>} : memref<128x768xf32, #tpu.memory_space<vmem>>, vector<1x16xf32>,
      %swap3A_201 = arith.constant 6 : i32
      %swap3A_202 = arith.index_cast %swap3A_201 : i32 to index
      %swap3A_203 = arith.index_cast %mul3A_106 : i32 to index
      %swap3A_204 = tpu.vector_load %arg8[%swap3A_202, %swap3A_203] {strides = array<i32>} : memref<128x768xf32, #tpu.memory_space<vmem>>, vector<1x16xf32>,
      %swap3A_205 = vector.shape_cast %swap3A_204 : vector<1x16xf32> to vector<16xf32>
      %swap3A_206 = vector.shape_cast %get3A_110 : vector<16xf32> to vector<1x16xf32>
      tpu.vector_store %arg8[%swap3A_202, %swap3A_203], %swap3A_206 {add = true, strides = array<i32>} : memref<128x768xf32, #tpu.memory_space<vmem>>, vector<1x16xf32>,
      %add3A_207 = arith.constant 16 : i32
      %add3A_208 = arith.addi %mul3A_106, %add3A_207 : i32
      %swap3A_209 = arith.constant 6 : i32
      %swap3A_210 = arith.index_cast %swap3A_209 : i32 to index
      %swap3A_211 = arith.index_cast %add3A_208 : i32 to index
      %swap3A_212 = tpu.vector_load %arg8[%swap3A_210, %swap3A_211] {strides = array<i32>} : memref<128x768xf32, #tpu.memory_space<vmem>>, vector<1x16xf32>,
      %swap3A_213 = vector.shape_cast %swap3A_212 : vector<1x16xf32> to vector<16xf32>
      %swap3A_214 = vector.shape_cast %get3A_117 : vector<16xf32> to vector<1x16xf32>
      tpu.vector_store %arg8[%swap3A_210, %swap3A_211], %swap3A_214 {add = true, strides = array<i32>} : memref<128x768xf32, #tpu.memory_space<vmem>>, vector<1x16xf32>,
      %swap3A_215 = arith.constant 7 : i32
      %swap3A_216 = arith.index_cast %swap3A_215 : i32 to index
      %swap3A_217 = arith.index_cast %mul3A_106 : i32 to index
      %swap3A_218 = tpu.vector_load %arg8[%swap3A_216, %swap3A_217] {strides = array<i32>} : memref<128x768xf32, #tpu.memory_space<vmem>>, vector<1x16xf32>,
      %swap3A_219 = vector.shape_cast %swap3A_218 : vector<1x16xf32> to vector<16xf32>
      %swap3A_220 = vector.shape_cast %get3A_110 : vector<16xf32> to vector<1x16xf32>
      tpu.vector_store %arg8[%swap3A_216, %swap3A_217], %swap3A_220 {add = true, strides = array<i32>} : memref<128x768xf32, #tpu.memory_space<vmem>>, vector<1x16xf32>,
      %add3A_221 = arith.constant 16 : i32
      %add3A_222 = arith.addi %mul3A_106, %add3A_221 : i32
      %swap3A_223 = arith.constant 7 : i32
      %swap3A_224 = arith.index_cast %swap3A_223 : i32 to index
      %swap3A_225 = arith.index_cast %add3A_222 : i32 to index
      %swap3A_226 = tpu.vector_load %arg8[%swap3A_224, %swap3A_225] {strides = array<i32>} : memref<128x768xf32, #tpu.memory_space<vmem>>, vector<1x16xf32>,
      %swap3A_227 = vector.shape_cast %swap3A_226 : vector<1x16xf32> to vector<16xf32>
      %swap3A_228 = vector.shape_cast %get3A_117 : vector<16xf32> to vector<1x16xf32>
      tpu.vector_store %arg8[%swap3A_224, %swap3A_225], %swap3A_228 {add = true, strides = array<i32>} : memref<128x768xf32, #tpu.memory_space<vmem>>, vector<1x16xf32>,
      %swap3A_229 = arith.constant 8 : i32
      %swap3A_230 = arith.index_cast %swap3A_229 : i32 to index
      %swap3A_231 = arith.index_cast %mul3A_106 : i32 to index
      %swap3A_232 = tpu.vector_load %arg8[%swap3A_230, %swap3A_231] {strides = array<i32>} : memref<128x768xf32, #tpu.memory_space<vmem>>, vector<1x16xf32>,
      %swap3A_233 = vector.shape_cast %swap3A_232 : vector<1x16xf32> to vector<16xf32>
      %swap3A_234 = vector.shape_cast %get3A_110 : vector<16xf32> to vector<1x16xf32>
      tpu.vector_store %arg8[%swap3A_230, %swap3A_231], %swap3A_234 {add = true, strides = array<i32>} : memref<128x768xf32, #tpu.memory_space<vmem>>, vector<1x16xf32>,
      %add3A_235 = arith.constant 16 : i32
      %add3A_236 = arith.addi %mul3A_106, %add3A_235 : i32
      %swap3A_237 = arith.constant 8 : i32
      %swap3A_238 = arith.index_cast %swap3A_237 : i32 to index
      %swap3A_239 = arith.index_cast %add3A_236 : i32 to index
      %swap3A_240 = tpu.vector_load %arg8[%swap3A_238, %swap3A_239] {strides = array<i32>} : memref<128x768xf32, #tpu.memory_space<vmem>>, vector<1x16xf32>,
      %swap3A_241 = vector.shape_cast %swap3A_240 : vector<1x16xf32> to vector<16xf32>
      %swap3A_242 = vector.shape_cast %get3A_117 : vector<16xf32> to vector<1x16xf32>
      tpu.vector_store %arg8[%swap3A_238, %swap3A_239], %swap3A_242 {add = true, strides = array<i32>} : memref<128x768xf32, #tpu.memory_space<vmem>>, vector<1x16xf32>,
      %swap3A_243 = arith.constant 9 : i32
      %swap3A_244 = arith.index_cast %swap3A_243 : i32 to index
      %swap3A_245 = arith.index_cast %mul3A_106 : i32 to index
      %swap3A_246 = tpu.vector_load %arg8[%swap3A_244, %swap3A_245] {strides = array<i32>} : memref<128x768xf32, #tpu.memory_space<vmem>>, vector<1x16xf32>,
      %swap3A_247 = vector.shape_cast %swap3A_246 : vector<1x16xf32> to vector<16xf32>
      %swap3A_248 = vector.shape_cast %get3A_110 : vector<16xf32> to vector<1x16xf32>
      tpu.vector_store %arg8[%swap3A_244, %swap3A_245], %swap3A_248 {add = true, strides = array<i32>} : memref<128x768xf32, #tpu.memory_space<vmem>>, vector<1x16xf32>,
      %add3A_249 = arith.constant 16 : i32
      %add3A_250 = arith.addi %mul3A_106, %add3A_249 : i32
      %swap3A_251 = arith.constant 9 : i32
      %swap3A_252 = arith.index_cast %swap3A_251 : i32 to index
      %swap3A_253 = arith.index_cast %add3A_250 : i32 to index
      %swap3A_254 = tpu.vector_load %arg8[%swap3A_252, %swap3A_253] {strides = array<i32>} : memref<128x768xf32, #tpu.memory_space<vmem>>, vector<1x16xf32>,
      %swap3A_255 = vector.shape_cast %swap3A_254 : vector<1x16xf32> to vector<16xf32>
      %swap3A_256 = vector.shape_cast %get3A_117 : vector<16xf32> to vector<1x16xf32>
      tpu.vector_store %arg8[%swap3A_252, %swap3A_253], %swap3A_256 {add = true, strides = array<i32>} : memref<128x768xf32, #tpu.memory_space<vmem>>, vector<1x16xf32>,
      %swap3A_257 = arith.constant 10 : i32
      %swap3A_258 = arith.index_cast %swap3A_257 : i32 to index
      %swap3A_259 = arith.index_cast %mul3A_106 : i32 to index
      %swap3A_260 = tpu.vector_load %arg8[%swap3A_258, %swap3A_259] {strides = array<i32>} : memref<128x768xf32, #tpu.memory_space<vmem>>, vector<1x16xf32>,
      %swap3A_261 = vector.shape_cast %swap3A_260 : vector<1x16xf32> to vector<16xf32>
      %swap3A_262 = vector.shape_cast %get3A_110 : vector<16xf32> to vector<1x16xf32>
      tpu.vector_store %arg8[%swap3A_258, %swap3A_259], %swap3A_262 {add = true, strides = array<i32>} : memref<128x768xf32, #tpu.memory_space<vmem>>, vector<1x16xf32>,
      %add3A_263 = arith.constant 16 : i32
      %add3A_264 = arith.addi %mul3A_106, %add3A_263 : i32
      %swap3A_265 = arith.constant 10 : i32
      %swap3A_266 = arith.index_cast %swap3A_265 : i32 to index
      %swap3A_267 = arith.index_cast %add3A_264 : i32 to index
      %swap3A_268 = tpu.vector_load %arg8[%swap3A_266, %swap3A_267] {strides = array<i32>} : memref<128x768xf32, #tpu.memory_space<vmem>>, vector<1x16xf32>,
      %swap3A_269 = vector.shape_cast %swap3A_268 : vector<1x16xf32> to vector<16xf32>
      %swap3A_270 = vector.shape_cast %get3A_117 : vector<16xf32> to vector<1x16xf32>
      tpu.vector_store %arg8[%swap3A_266, %swap3A_267], %swap3A_270 {add = true, strides = array<i32>} : memref<128x768xf32, #tpu.memory_space<vmem>>, vector<1x16xf32>,
      %swap3A_271 = arith.constant 11 : i32
      %swap3A_272 = arith.index_cast %swap3A_271 : i32 to index
      %swap3A_273 = arith.index_cast %mul3A_106 : i32 to index
      %swap3A_274 = tpu.vector_load %arg8[%swap3A_272, %swap3A_273] {strides = array<i32>} : memref<128x768xf32, #tpu.memory_space<vmem>>, vector<1x16xf32>,
      %swap3A_275 = vector.shape_cast %swap3A_274 : vector<1x16xf32> to vector<16xf32>
      %swap3A_276 = vector.shape_cast %get3A_110 : vector<16xf32> to vector<1x16xf32>
      tpu.vector_store %arg8[%swap3A_272, %swap3A_273], %swap3A_276 {add = true, strides = array<i32>} : memref<128x768xf32, #tpu.memory_space<vmem>>, vector<1x16xf32>,
      %add3A_277 = arith.constant 16 : i32
      %add3A_278 = arith.addi %mul3A_106, %add3A_277 : i32
      %swap3A_279 = arith.constant 11 : i32
      %swap3A_280 = arith.index_cast %swap3A_279 : i32 to index
      %swap3A_281 = arith.index_cast %add3A_278 : i32 to index
      %swap3A_282 = tpu.vector_load %arg8[%swap3A_280, %swap3A_281] {strides = array<i32>} : memref<128x768xf32, #tpu.memory_space<vmem>>, vector<1x16xf32>,
      %swap3A_283 = vector.shape_cast %swap3A_282 : vector<1x16xf32> to vector<16xf32>
      %swap3A_284 = vector.shape_cast %get3A_117 : vector<16xf32> to vector<1x16xf32>
      tpu.vector_store %arg8[%swap3A_280, %swap3A_281], %swap3A_284 {add = true, strides = array<i32>} : memref<128x768xf32, #tpu.memory_space<vmem>>, vector<1x16xf32>,
      %swap3A_285 = arith.constant 12 : i32
      %swap3A_286 = arith.index_cast %swap3A_285 : i32 to index
      %swap3A_287 = arith.index_cast %mul3A_106 : i32 to index
      %swap3A_288 = tpu.vector_load %arg8[%swap3A_286, %swap3A_287] {strides = array<i32>} : memref<128x768xf32, #tpu.memory_space<vmem>>, vector<1x16xf32>,
      %swap3A_289 = vector.shape_cast %swap3A_288 : vector<1x16xf32> to vector<16xf32>
      %swap3A_290 = vector.shape_cast %get3A_110 : vector<16xf32> to vector<1x16xf32>
      tpu.vector_store %arg8[%swap3A_286, %swap3A_287], %swap3A_290 {add = true, strides = array<i32>} : memref<128x768xf32, #tpu.memory_space<vmem>>, vector<1x16xf32>,
      %add3A_291 = arith.constant 16 : i32
      %add3A_292 = arith.addi %mul3A_106, %add3A_291 : i32
      %swap3A_293 = arith.constant 12 : i32
      %swap3A_294 = arith.index_cast %swap3A_293 : i32 to index
      %swap3A_295 = arith.index_cast %add3A_292 : i32 to index
      %swap3A_296 = tpu.vector_load %arg8[%swap3A_294, %swap3A_295] {strides = array<i32>} : memref<128x768xf32, #tpu.memory_space<vmem>>, vector<1x16xf32>,
      %swap3A_297 = vector.shape_cast %swap3A_296 : vector<1x16xf32> to vector<16xf32>
      %swap3A_298 = vector.shape_cast %get3A_117 : vector<16xf32> to vector<1x16xf32>
      tpu.vector_store %arg8[%swap3A_294, %swap3A_295], %swap3A_298 {add = true, strides = array<i32>} : memref<128x768xf32, #tpu.memory_space<vmem>>, vector<1x16xf32>,
      %swap3A_299 = arith.constant 13 : i32
      %swap3A_300 = arith.index_cast %swap3A_299 : i32 to index
      %swap3A_301 = arith.index_cast %mul3A_106 : i32 to index
      %swap3A_302 = tpu.vector_load %arg8[%swap3A_300, %swap3A_301] {strides = array<i32>} : memref<128x768xf32, #tpu.memory_space<vmem>>, vector<1x16xf32>,
      %swap3A_303 = vector.shape_cast %swap3A_302 : vector<1x16xf32> to vector<16xf32>
      %swap3A_304 = vector.shape_cast %get3A_110 : vector<16xf32> to vector<1x16xf32>
      tpu.vector_store %arg8[%swap3A_300, %swap3A_301], %swap3A_304 {add = true, strides = array<i32>} : memref<128x768xf32, #tpu.memory_space<vmem>>, vector<1x16xf32>,
      %add3A_305 = arith.constant 16 : i32
      %add3A_306 = arith.addi %mul3A_106, %add3A_305 : i32
      %swap3A_307 = arith.constant 13 : i32
      %swap3A_308 = arith.index_cast %swap3A_307 : i32 to index
      %swap3A_309 = arith.index_cast %add3A_306 : i32 to index
      %swap3A_310 = tpu.vector_load %arg8[%swap3A_308, %swap3A_309] {strides = array<i32>} : memref<128x768xf32, #tpu.memory_space<vmem>>, vector<1x16xf32>,
      %swap3A_311 = vector.shape_cast %swap3A_310 : vector<1x16xf32> to vector<16xf32>
      %swap3A_312 = vector.shape_cast %get3A_117 : vector<16xf32> to vector<1x16xf32>
      tpu.vector_store %arg8[%swap3A_308, %swap3A_309], %swap3A_312 {add = true, strides = array<i32>} : memref<128x768xf32, #tpu.memory_space<vmem>>, vector<1x16xf32>,
      %swap3A_313 = arith.constant 14 : i32
      %swap3A_314 = arith.index_cast %swap3A_313 : i32 to index
      %swap3A_315 = arith.index_cast %mul3A_106 : i32 to index
      %swap3A_316 = tpu.vector_load %arg8[%swap3A_314, %swap3A_315] {strides = array<i32>} : memref<128x768xf32, #tpu.memory_space<vmem>>, vector<1x16xf32>,
      %swap3A_317 = vector.shape_cast %swap3A_316 : vector<1x16xf32> to vector<16xf32>
      %swap3A_318 = vector.shape_cast %get3A_110 : vector<16xf32> to vector<1x16xf32>
      tpu.vector_store %arg8[%swap3A_314, %swap3A_315], %swap3A_318 {add = true, strides = array<i32>} : memref<128x768xf32, #tpu.memory_space<vmem>>, vector<1x16xf32>,
      %add3A_319 = arith.constant 16 : i32
      %add3A_320 = arith.addi %mul3A_106, %add3A_319 : i32
      %swap3A_321 = arith.constant 14 : i32
      %swap3A_322 = arith.index_cast %swap3A_321 : i32 to index
      %swap3A_323 = arith.index_cast %add3A_320 : i32 to index
      %swap3A_324 = tpu.vector_load %arg8[%swap3A_322, %swap3A_323] {strides = array<i32>} : memref<128x768xf32, #tpu.memory_space<vmem>>, vector<1x16xf32>,
      %swap3A_325 = vector.shape_cast %swap3A_324 : vector<1x16xf32> to vector<16xf32>
      %swap3A_326 = vector.shape_cast %get3A_117 : vector<16xf32> to vector<1x16xf32>
      tpu.vector_store %arg8[%swap3A_322, %swap3A_323], %swap3A_326 {add = true, strides = array<i32>} : memref<128x768xf32, #tpu.memory_space<vmem>>, vector<1x16xf32>,
      %swap3A_327 = arith.constant 15 : i32
      %swap3A_328 = arith.index_cast %swap3A_327 : i32 to index
      %swap3A_329 = arith.index_cast %mul3A_106 : i32 to index
      %swap3A_330 = tpu.vector_load %arg8[%swap3A_328, %swap3A_329] {strides = array<i32>} : memref<128x768xf32, #tpu.memory_space<vmem>>, vector<1x16xf32>,
      %swap3A_331 = vector.shape_cast %swap3A_330 : vector<1x16xf32> to vector<16xf32>
      %swap3A_332 = vector.shape_cast %get3A_110 : vector<16xf32> to vector<1x16xf32>
      tpu.vector_store %arg8[%swap3A_328, %swap3A_329], %swap3A_332 {add = true, strides = array<i32>} : memref<128x768xf32, #tpu.memory_space<vmem>>, vector<1x16xf32>,
      %add3A_333 = arith.constant 16 : i32
      %add3A_334 = arith.addi %mul3A_106, %add3A_333 : i32
      %swap3A_335 = arith.constant 15 : i32
      %swap3A_336 = arith.index_cast %swap3A_335 : i32 to index
      %swap3A_337 = arith.index_cast %add3A_334 : i32 to index
      %swap3A_338 = tpu.vector_load %arg8[%swap3A_336, %swap3A_337] {strides = array<i32>} : memref<128x768xf32, #tpu.memory_space<vmem>>, vector<1x16xf32>,
      %swap3A_339 = vector.shape_cast %swap3A_338 : vector<1x16xf32> to vector<16xf32>
      %swap3A_340 = vector.shape_cast %get3A_117 : vector<16xf32> to vector<1x16xf32>
      tpu.vector_store %arg8[%swap3A_336, %swap3A_337], %swap3A_340 {add = true, strides = array<i32>} : memref<128x768xf32, #tpu.memory_space<vmem>>, vector<1x16xf32>,
      %swap3A_341 = arith.constant 16 : i32
      %swap3A_342 = arith.index_cast %swap3A_341 : i32 to index
      %swap3A_343 = arith.index_cast %mul3A_106 : i32 to index
      %swap3A_344 = tpu.vector_load %arg8[%swap3A_342, %swap3A_343] {strides = array<i32>} : memref<128x768xf32, #tpu.memory_space<vmem>>, vector<1x16xf32>,
      %swap3A_345 = vector.shape_cast %swap3A_344 : vector<1x16xf32> to vector<16xf32>
      %swap3A_346 = vector.shape_cast %get3A_110 : vector<16xf32> to vector<1x16xf32>
      tpu.vector_store %arg8[%swap3A_342, %swap3A_343], %swap3A_346 {add = true, strides = array<i32>} : memref<128x768xf32, #tpu.memory_space<vmem>>, vector<1x16xf32>,
      %add3A_347 = arith.constant 16 : i32
      %add3A_348 = arith.addi %mul3A_106, %add3A_347 : i32
      %swap3A_349 = arith.constant 16 : i32
      %swap3A_350 = arith.index_cast %swap3A_349 : i32 to index
      %swap3A_351 = arith.index_cast %add3A_348 : i32 to index
      %swap3A_352 = tpu.vector_load %arg8[%swap3A_350, %swap3A_351] {strides = array<i32>} : memref<128x768xf32, #tpu.memory_space<vmem>>, vector<1x16xf32>,
      %swap3A_353 = vector.shape_cast %swap3A_352 : vector<1x16xf32> to vector<16xf32>
      %swap3A_354 = vector.shape_cast %get3A_117 : vector<16xf32> to vector<1x16xf32>
      tpu.vector_store %arg8[%swap3A_350, %swap3A_351], %swap3A_354 {add = true, strides = array<i32>} : memref<128x768xf32, #tpu.memory_space<vmem>>, vector<1x16xf32>,
      %swap3A_355 = arith.constant 17 : i32
      %swap3A_356 = arith.index_cast %swap3A_355 : i32 to index
      %swap3A_357 = arith.index_cast %mul3A_106 : i32 to index
      %swap3A_358 = tpu.vector_load %arg8[%swap3A_356, %swap3A_357] {strides = array<i32>} : memref<128x768xf32, #tpu.memory_space<vmem>>, vector<1x16xf32>,
      %swap3A_359 = vector.shape_cast %swap3A_358 : vector<1x16xf32> to vector<16xf32>
      %swap3A_360 = vector.shape_cast %get3A_110 : vector<16xf32> to vector<1x16xf32>
      tpu.vector_store %arg8[%swap3A_356, %swap3A_357], %swap3A_360 {add = true, strides = array<i32>} : memref<128x768xf32, #tpu.memory_space<vmem>>, vector<1x16xf32>,
      %add3A_361 = arith.constant 16 : i32
      %add3A_362 = arith.addi %mul3A_106, %add3A_361 : i32
      %swap3A_363 = arith.constant 17 : i32
      %swap3A_364 = arith.index_cast %swap3A_363 : i32 to index
      %swap3A_365 = arith.index_cast %add3A_362 : i32 to index
      %swap3A_366 = tpu.vector_load %arg8[%swap3A_364, %swap3A_365] {strides = array<i32>} : memref<128x768xf32, #tpu.memory_space<vmem>>, vector<1x16xf32>,
      %swap3A_367 = vector.shape_cast %swap3A_366 : vector<1x16xf32> to vector<16xf32>
      %swap3A_368 = vector.shape_cast %get3A_117 : vector<16xf32> to vector<1x16xf32>
      tpu.vector_store %arg8[%swap3A_364, %swap3A_365], %swap3A_368 {add = true, strides = array<i32>} : memref<128x768xf32, #tpu.memory_space<vmem>>, vector<1x16xf32>,
      %swap3A_369 = arith.constant 18 : i32
      %swap3A_370 = arith.index_cast %swap3A_369 : i32 to index
      %swap3A_371 = arith.index_cast %mul3A_106 : i32 to index
      %swap3A_372 = tpu.vector_load %arg8[%swap3A_370, %swap3A_371] {strides = array<i32>} : memref<128x768xf32, #tpu.memory_space<vmem>>, vector<1x16xf32>,
      %swap3A_373 = vector.shape_cast %swap3A_372 : vector<1x16xf32> to vector<16xf32>
      %swap3A_374 = vector.shape_cast %get3A_110 : vector<16xf32> to vector<1x16xf32>
      tpu.vector_store %arg8[%swap3A_370, %swap3A_371], %swap3A_374 {add = true, strides = array<i32>} : memref<128x768xf32, #tpu.memory_space<vmem>>, vector<1x16xf32>,
      %add3A_375 = arith.constant 16 : i32
      %add3A_376 = arith.addi %mul3A_106, %add3A_375 : i32
      %swap3A_377 = arith.constant 18 : i32
      %swap3A_378 = arith.index_cast %swap3A_377 : i32 to index
      %swap3A_379 = arith.index_cast %add3A_376 : i32 to index
      %swap3A_380 = tpu.vector_load %arg8[%swap3A_378, %swap3A_379] {strides = array<i32>} : memref<128x768xf32, #tpu.memory_space<vmem>>, vector<1x16xf32>,
      %swap3A_381 = vector.shape_cast %swap3A_380 : vector<1x16xf32> to vector<16xf32>
      %swap3A_382 = vector.shape_cast %get3A_117 : vector<16xf32> to vector<1x16xf32>
      tpu.vector_store %arg8[%swap3A_378, %swap3A_379], %swap3A_382 {add = true, strides = array<i32>} : memref<128x768xf32, #tpu.memory_space<vmem>>, vector<1x16xf32>,
      %swap3A_383 = arith.constant 19 : i32
      %swap3A_384 = arith.index_cast %swap3A_383 : i32 to index
      %swap3A_385 = arith.index_cast %mul3A_106 : i32 to index
      %swap3A_386 = tpu.vector_load %arg8[%swap3A_384, %swap3A_385] {strides = array<i32>} : memref<128x768xf32, #tpu.memory_space<vmem>>, vector<1x16xf32>,
      %swap3A_387 = vector.shape_cast %swap3A_386 : vector<1x16xf32> to vector<16xf32>
      %swap3A_388 = vector.shape_cast %get3A_110 : vector<16xf32> to vector<1x16xf32>
      tpu.vector_store %arg8[%swap3A_384, %swap3A_385], %swap3A_388 {add = true, strides = array<i32>} : memref<128x768xf32, #tpu.memory_space<vmem>>, vector<1x16xf32>,
      %add3A_389 = arith.constant 16 : i32
      %add3A_390 = arith.addi %mul3A_106, %add3A_389 : i32
      %swap3A_391 = arith.constant 19 : i32
      %swap3A_392 = arith.index_cast %swap3A_391 : i32 to index
      %swap3A_393 = arith.index_cast %add3A_390 : i32 to index
      %swap3A_394 = tpu.vector_load %arg8[%swap3A_392, %swap3A_393] {strides = array<i32>} : memref<128x768xf32, #tpu.memory_space<vmem>>, vector<1x16xf32>,
      %swap3A_395 = vector.shape_cast %swap3A_394 : vector<1x16xf32> to vector<16xf32>
      %swap3A_396 = vector.shape_cast %get3A_117 : vector<16xf32> to vector<1x16xf32>
      tpu.vector_store %arg8[%swap3A_392, %swap3A_393], %swap3A_396 {add = true, strides = array<i32>} : memref<128x768xf32, #tpu.memory_space<vmem>>, vector<1x16xf32>,
      %swap3A_397 = arith.constant 20 : i32
      %swap3A_398 = arith.index_cast %swap3A_397 : i32 to index
      %swap3A_399 = arith.index_cast %mul3A_106 : i32 to index
      %swap3A_400 = tpu.vector_load %arg8[%swap3A_398, %swap3A_399] {strides = array<i32>} : memref<128x768xf32, #tpu.memory_space<vmem>>, vector<1x16xf32>,
      %swap3A_401 = vector.shape_cast %swap3A_400 : vector<1x16xf32> to vector<16xf32>
      %swap3A_402 = vector.shape_cast %get3A_110 : vector<16xf32> to vector<1x16xf32>
      tpu.vector_store %arg8[%swap3A_398, %swap3A_399], %swap3A_402 {add = true, strides = array<i32>} : memref<128x768xf32, #tpu.memory_space<vmem>>, vector<1x16xf32>,
      %add3A_403 = arith.constant 16 : i32
      %add3A_404 = arith.addi %mul3A_106, %add3A_403 : i32
      %swap3A_405 = arith.constant 20 : i32
      %swap3A_406 = arith.index_cast %swap3A_405 : i32 to index
      %swap3A_407 = arith.index_cast %add3A_404 : i32 to index
      %swap3A_408 = tpu.vector_load %arg8[%swap3A_406, %swap3A_407] {strides = array<i32>} : memref<128x768xf32, #tpu.memory_space<vmem>>, vector<1x16xf32>,
      %swap3A_409 = vector.shape_cast %swap3A_408 : vector<1x16xf32> to vector<16xf32>
      %swap3A_410 = vector.shape_cast %get3A_117 : vector<16xf32> to vector<1x16xf32>
      tpu.vector_store %arg8[%swap3A_406, %swap3A_407], %swap3A_410 {add = true, strides = array<i32>} : memref<128x768xf32, #tpu.memory_space<vmem>>, vector<1x16xf32>,
      %swap3A_411 = arith.constant 21 : i32
      %swap3A_412 = arith.index_cast %swap3A_411 : i32 to index
      %swap3A_413 = arith.index_cast %mul3A_106 : i32 to index
      %swap3A_414 = tpu.vector_load %arg8[%swap3A_412, %swap3A_413] {strides = array<i32>} : memref<128x768xf32, #tpu.memory_space<vmem>>, vector<1x16xf32>,
      %swap3A_415 = vector.shape_cast %swap3A_414 : vector<1x16xf32> to vector<16xf32>
      %swap3A_416 = vector.shape_cast %get3A_110 : vector<16xf32> to vector<1x16xf32>
      tpu.vector_store %arg8[%swap3A_412, %swap3A_413], %swap3A_416 {add = true, strides = array<i32>} : memref<128x768xf32, #tpu.memory_space<vmem>>, vector<1x16xf32>,
      %add3A_417 = arith.constant 16 : i32
      %add3A_418 = arith.addi %mul3A_106, %add3A_417 : i32
      %swap3A_419 = arith.constant 21 : i32
      %swap3A_420 = arith.index_cast %swap3A_419 : i32 to index
      %swap3A_421 = arith.index_cast %add3A_418 : i32 to index
      %swap3A_422 = tpu.vector_load %arg8[%swap3A_420, %swap3A_421] {strides = array<i32>} : memref<128x768xf32, #tpu.memory_space<vmem>>, vector<1x16xf32>,
      %swap3A_423 = vector.shape_cast %swap3A_422 : vector<1x16xf32> to vector<16xf32>
      %swap3A_424 = vector.shape_cast %get3A_117 : vector<16xf32> to vector<1x16xf32>
      tpu.vector_store %arg8[%swap3A_420, %swap3A_421], %swap3A_424 {add = true, strides = array<i32>} : memref<128x768xf32, #tpu.memory_space<vmem>>, vector<1x16xf32>,
      %swap3A_425 = arith.constant 22 : i32
      %swap3A_426 = arith.index_cast %swap3A_425 : i32 to index
      %swap3A_427 = arith.index_cast %mul3A_106 : i32 to index
      %swap3A_428 = tpu.vector_load %arg8[%swap3A_426, %swap3A_427] {strides = array<i32>} : memref<128x768xf32, #tpu.memory_space<vmem>>, vector<1x16xf32>,
      %swap3A_429 = vector.shape_cast %swap3A_428 : vector<1x16xf32> to vector<16xf32>
      %swap3A_430 = vector.shape_cast %get3A_110 : vector<16xf32> to vector<1x16xf32>
      tpu.vector_store %arg8[%swap3A_426, %swap3A_427], %swap3A_430 {add = true, strides = array<i32>} : memref<128x768xf32, #tpu.memory_space<vmem>>, vector<1x16xf32>,
      %add3A_431 = arith.constant 16 : i32
      %add3A_432 = arith.addi %mul3A_106, %add3A_431 : i32
      %swap3A_433 = arith.constant 22 : i32
      %swap3A_434 = arith.index_cast %swap3A_433 : i32 to index
      %swap3A_435 = arith.index_cast %add3A_432 : i32 to index
      %swap3A_436 = tpu.vector_load %arg8[%swap3A_434, %swap3A_435] {strides = array<i32>} : memref<128x768xf32, #tpu.memory_space<vmem>>, vector<1x16xf32>,
      %swap3A_437 = vector.shape_cast %swap3A_436 : vector<1x16xf32> to vector<16xf32>
      %swap3A_438 = vector.shape_cast %get3A_117 : vector<16xf32> to vector<1x16xf32>
      tpu.vector_store %arg8[%swap3A_434, %swap3A_435], %swap3A_438 {add = true, strides = array<i32>} : memref<128x768xf32, #tpu.memory_space<vmem>>, vector<1x16xf32>,
      %swap3A_439 = arith.constant 23 : i32
      %swap3A_440 = arith.index_cast %swap3A_439 : i32 to index
      %swap3A_441 = arith.index_cast %mul3A_106 : i32 to index
      %swap3A_442 = tpu.vector_load %arg8[%swap3A_440, %swap3A_441] {strides = array<i32>} : memref<128x768xf32, #tpu.memory_space<vmem>>, vector<1x16xf32>,
      %swap3A_443 = vector.shape_cast %swap3A_442 : vector<1x16xf32> to vector<16xf32>
      %swap3A_444 = vector.shape_cast %get3A_110 : vector<16xf32> to vector<1x16xf32>
      tpu.vector_store %arg8[%swap3A_440, %swap3A_441], %swap3A_444 {add = true, strides = array<i32>} : memref<128x768xf32, #tpu.memory_space<vmem>>, vector<1x16xf32>,
      %add3A_445 = arith.constant 16 : i32
      %add3A_446 = arith.addi %mul3A_106, %add3A_445 : i32
      %swap3A_447 = arith.constant 23 : i32
      %swap3A_448 = arith.index_cast %swap3A_447 : i32 to index
      %swap3A_449 = arith.index_cast %add3A_446 : i32 to index
      %swap3A_450 = tpu.vector_load %arg8[%swap3A_448, %swap3A_449] {strides = array<i32>} : memref<128x768xf32, #tpu.memory_space<vmem>>, vector<1x16xf32>,
      %swap3A_451 = vector.shape_cast %swap3A_450 : vector<1x16xf32> to vector<16xf32>
      %swap3A_452 = vector.shape_cast %get3A_117 : vector<16xf32> to vector<1x16xf32>
      tpu.vector_store %arg8[%swap3A_448, %swap3A_449], %swap3A_452 {add = true, strides = array<i32>} : memref<128x768xf32, #tpu.memory_space<vmem>>, vector<1x16xf32>,
      %swap3A_453 = arith.constant 24 : i32
      %swap3A_454 = arith.index_cast %swap3A_453 : i32 to index
      %swap3A_455 = arith.index_cast %mul3A_106 : i32 to index
      %swap3A_456 = tpu.vector_load %arg8[%swap3A_454, %swap3A_455] {strides = array<i32>} : memref<128x768xf32, #tpu.memory_space<vmem>>, vector<1x16xf32>,
      %swap3A_457 = vector.shape_cast %swap3A_456 : vector<1x16xf32> to vector<16xf32>
      %swap3A_458 = vector.shape_cast %get3A_110 : vector<16xf32> to vector<1x16xf32>
      tpu.vector_store %arg8[%swap3A_454, %swap3A_455], %swap3A_458 {add = true, strides = array<i32>} : memref<128x768xf32, #tpu.memory_space<vmem>>, vector<1x16xf32>,
      %add3A_459 = arith.constant 16 : i32
      %add3A_460 = arith.addi %mul3A_106, %add3A_459 : i32
      %swap3A_461 = arith.constant 24 : i32
      %swap3A_462 = arith.index_cast %swap3A_461 : i32 to index
      %swap3A_463 = arith.index_cast %add3A_460 : i32 to index
      %swap3A_464 = tpu.vector_load %arg8[%swap3A_462, %swap3A_463] {strides = array<i32>} : memref<128x768xf32, #tpu.memory_space<vmem>>, vector<1x16xf32>,
      %swap3A_465 = vector.shape_cast %swap3A_464 : vector<1x16xf32> to vector<16xf32>
      %swap3A_466 = vector.shape_cast %get3A_117 : vector<16xf32> to vector<1x16xf32>
      tpu.vector_store %arg8[%swap3A_462, %swap3A_463], %swap3A_466 {add = true, strides = array<i32>} : memref<128x768xf32, #tpu.memory_space<vmem>>, vector<1x16xf32>,
      %swap3A_467 = arith.constant 25 : i32
      %swap3A_468 = arith.index_cast %swap3A_467 : i32 to index
      %swap3A_469 = arith.index_cast %mul3A_106 : i32 to index
      %swap3A_470 = tpu.vector_load %arg8[%swap3A_468, %swap3A_469] {strides = array<i32>} : memref<128x768xf32, #tpu.memory_space<vmem>>, vector<1x16xf32>,
      %swap3A_471 = vector.shape_cast %swap3A_470 : vector<1x16xf32> to vector<16xf32>
      %swap3A_472 = vector.shape_cast %get3A_110 : vector<16xf32> to vector<1x16xf32>
      tpu.vector_store %arg8[%swap3A_468, %swap3A_469], %swap3A_472 {add = true, strides = array<i32>} : memref<128x768xf32, #tpu.memory_space<vmem>>, vector<1x16xf32>,
      %add3A_473 = arith.constant 16 : i32
      %add3A_474 = arith.addi %mul3A_106, %add3A_473 : i32
      %swap3A_475 = arith.constant 25 : i32
      %swap3A_476 = arith.index_cast %swap3A_475 : i32 to index
      %swap3A_477 = arith.index_cast %add3A_474 : i32 to index
      %swap3A_478 = tpu.vector_load %arg8[%swap3A_476, %swap3A_477] {strides = array<i32>} : memref<128x768xf32, #tpu.memory_space<vmem>>, vector<1x16xf32>,
      %swap3A_479 = vector.shape_cast %swap3A_478 : vector<1x16xf32> to vector<16xf32>
      %swap3A_480 = vector.shape_cast %get3A_117 : vector<16xf32> to vector<1x16xf32>
      tpu.vector_store %arg8[%swap3A_476, %swap3A_477], %swap3A_480 {add = true, strides = array<i32>} : memref<128x768xf32, #tpu.memory_space<vmem>>, vector<1x16xf32>,
      %swap3A_481 = arith.constant 26 : i32
      %swap3A_482 = arith.index_cast %swap3A_481 : i32 to index
      %swap3A_483 = arith.index_cast %mul3A_106 : i32 to index
      %swap3A_484 = tpu.vector_load %arg8[%swap3A_482, %swap3A_483] {strides = array<i32>} : memref<128x768xf32, #tpu.memory_space<vmem>>, vector<1x16xf32>,
      %swap3A_485 = vector.shape_cast %swap3A_484 : vector<1x16xf32> to vector<16xf32>
      %swap3A_486 = vector.shape_cast %get3A_110 : vector<16xf32> to vector<1x16xf32>
      tpu.vector_store %arg8[%swap3A_482, %swap3A_483], %swap3A_486 {add = true, strides = array<i32>} : memref<128x768xf32, #tpu.memory_space<vmem>>, vector<1x16xf32>,
      %add3A_487 = arith.constant 16 : i32
      %add3A_488 = arith.addi %mul3A_106, %add3A_487 : i32
      %swap3A_489 = arith.constant 26 : i32
      %swap3A_490 = arith.index_cast %swap3A_489 : i32 to index
      %swap3A_491 = arith.index_cast %add3A_488 : i32 to index
      %swap3A_492 = tpu.vector_load %arg8[%swap3A_490, %swap3A_491] {strides = array<i32>} : memref<128x768xf32, #tpu.memory_space<vmem>>, vector<1x16xf32>,
      %swap3A_493 = vector.shape_cast %swap3A_492 : vector<1x16xf32> to vector<16xf32>
      %swap3A_494 = vector.shape_cast %get3A_117 : vector<16xf32> to vector<1x16xf32>
      tpu.vector_store %arg8[%swap3A_490, %swap3A_491], %swap3A_494 {add = true, strides = array<i32>} : memref<128x768xf32, #tpu.memory_space<vmem>>, vector<1x16xf32>,
      %swap3A_495 = arith.constant 27 : i32
      %swap3A_496 = arith.index_cast %swap3A_495 : i32 to index
      %swap3A_497 = arith.index_cast %mul3A_106 : i32 to index
      %swap3A_498 = tpu.vector_load %arg8[%swap3A_496, %swap3A_497] {strides = array<i32>} : memref<128x768xf32, #tpu.memory_space<vmem>>, vector<1x16xf32>,
      %swap3A_499 = vector.shape_cast %swap3A_498 : vector<1x16xf32> to vector<16xf32>
      %swap3A_500 = vector.shape_cast %get3A_110 : vector<16xf32> to vector<1x16xf32>
      tpu.vector_store %arg8[%swap3A_496, %swap3A_497], %swap3A_500 {add = true, strides = array<i32>} : memref<128x768xf32, #tpu.memory_space<vmem>>, vector<1x16xf32>,
      %add3A_501 = arith.constant 16 : i32
      %add3A_502 = arith.addi %mul3A_106, %add3A_501 : i32
      %swap3A_503 = arith.constant 27 : i32
      %swap3A_504 = arith.index_cast %swap3A_503 : i32 to index
      %swap3A_505 = arith.index_cast %add3A_502 : i32 to index
      %swap3A_506 = tpu.vector_load %arg8[%swap3A_504, %swap3A_505] {strides = array<i32>} : memref<128x768xf32, #tpu.memory_space<vmem>>, vector<1x16xf32>,
      %swap3A_507 = vector.shape_cast %swap3A_506 : vector<1x16xf32> to vector<16xf32>
      %swap3A_508 = vector.shape_cast %get3A_117 : vector<16xf32> to vector<1x16xf32>
      tpu.vector_store %arg8[%swap3A_504, %swap3A_505], %swap3A_508 {add = true, strides = array<i32>} : memref<128x768xf32, #tpu.memory_space<vmem>>, vector<1x16xf32>,
      %swap3A_509 = arith.constant 28 : i32
      %swap3A_510 = arith.index_cast %swap3A_509 : i32 to index
      %swap3A_511 = arith.index_cast %mul3A_106 : i32 to index
      %swap3A_512 = tpu.vector_load %arg8[%swap3A_510, %swap3A_511] {strides = array<i32>} : memref<128x768xf32, #tpu.memory_space<vmem>>, vector<1x16xf32>,
      %swap3A_513 = vector.shape_cast %swap3A_512 : vector<1x16xf32> to vector<16xf32>
      %swap3A_514 = vector.shape_cast %get3A_110 : vector<16xf32> to vector<1x16xf32>
      tpu.vector_store %arg8[%swap3A_510, %swap3A_511], %swap3A_514 {add = true, strides = array<i32>} : memref<128x768xf32, #tpu.memory_space<vmem>>, vector<1x16xf32>,
      %add3A_515 = arith.constant 16 : i32
      %add3A_516 = arith.addi %mul3A_106, %add3A_515 : i32
      %swap3A_517 = arith.constant 28 : i32
      %swap3A_518 = arith.index_cast %swap3A_517 : i32 to index
      %swap3A_519 = arith.index_cast %add3A_516 : i32 to index
      %swap3A_520 = tpu.vector_load %arg8[%swap3A_518, %swap3A_519] {strides = array<i32>} : memref<128x768xf32, #tpu.memory_space<vmem>>, vector<1x16xf32>,
      %swap3A_521 = vector.shape_cast %swap3A_520 : vector<1x16xf32> to vector<16xf32>
      %swap3A_522 = vector.shape_cast %get3A_117 : vector<16xf32> to vector<1x16xf32>
      tpu.vector_store %arg8[%swap3A_518, %swap3A_519], %swap3A_522 {add = true, strides = array<i32>} : memref<128x768xf32, #tpu.memory_space<vmem>>, vector<1x16xf32>,
      %swap3A_523 = arith.constant 29 : i32
      %swap3A_524 = arith.index_cast %swap3A_523 : i32 to index
      %swap3A_525 = arith.index_cast %mul3A_106 : i32 to index
      %swap3A_526 = tpu.vector_load %arg8[%swap3A_524, %swap3A_525] {strides = array<i32>} : memref<128x768xf32, #tpu.memory_space<vmem>>, vector<1x16xf32>,
      %swap3A_527 = vector.shape_cast %swap3A_526 : vector<1x16xf32> to vector<16xf32>
      %swap3A_528 = vector.shape_cast %get3A_110 : vector<16xf32> to vector<1x16xf32>
      tpu.vector_store %arg8[%swap3A_524, %swap3A_525], %swap3A_528 {add = true, strides = array<i32>} : memref<128x768xf32, #tpu.memory_space<vmem>>, vector<1x16xf32>,
      %add3A_529 = arith.constant 16 : i32
      %add3A_530 = arith.addi %mul3A_106, %add3A_529 : i32
      %swap3A_531 = arith.constant 29 : i32
      %swap3A_532 = arith.index_cast %swap3A_531 : i32 to index
      %swap3A_533 = arith.index_cast %add3A_530 : i32 to index
      %swap3A_534 = tpu.vector_load %arg8[%swap3A_532, %swap3A_533] {strides = array<i32>} : memref<128x768xf32, #tpu.memory_space<vmem>>, vector<1x16xf32>,
      %swap3A_535 = vector.shape_cast %swap3A_534 : vector<1x16xf32> to vector<16xf32>
      %swap3A_536 = vector.shape_cast %get3A_117 : vector<16xf32> to vector<1x16xf32>
      tpu.vector_store %arg8[%swap3A_532, %swap3A_533], %swap3A_536 {add = true, strides = array<i32>} : memref<128x768xf32, #tpu.memory_space<vmem>>, vector<1x16xf32>,
      %swap3A_537 = arith.constant 30 : i32
      %swap3A_538 = arith.index_cast %swap3A_537 : i32 to index
      %swap3A_539 = arith.index_cast %mul3A_106 : i32 to index
      %swap3A_540 = tpu.vector_load %arg8[%swap3A_538, %swap3A_539] {strides = array<i32>} : memref<128x768xf32, #tpu.memory_space<vmem>>, vector<1x16xf32>,
      %swap3A_541 = vector.shape_cast %swap3A_540 : vector<1x16xf32> to vector<16xf32>
      %swap3A_542 = vector.shape_cast %get3A_110 : vector<16xf32> to vector<1x16xf32>
      tpu.vector_store %arg8[%swap3A_538, %swap3A_539], %swap3A_542 {add = true, strides = array<i32>} : memref<128x768xf32, #tpu.memory_space<vmem>>, vector<1x16xf32>,
      %add3A_543 = arith.constant 16 : i32
      %add3A_544 = arith.addi %mul3A_106, %add3A_543 : i32
      %swap3A_545 = arith.constant 30 : i32
      %swap3A_546 = arith.index_cast %swap3A_545 : i32 to index
      %swap3A_547 = arith.index_cast %add3A_544 : i32 to index
      %swap3A_548 = tpu.vector_load %arg8[%swap3A_546, %swap3A_547] {strides = array<i32>} : memref<128x768xf32, #tpu.memory_space<vmem>>, vector<1x16xf32>,
      %swap3A_549 = vector.shape_cast %swap3A_548 : vector<1x16xf32> to vector<16xf32>
      %swap3A_550 = vector.shape_cast %get3A_117 : vector<16xf32> to vector<1x16xf32>
      tpu.vector_store %arg8[%swap3A_546, %swap3A_547], %swap3A_550 {add = true, strides = array<i32>} : memref<128x768xf32, #tpu.memory_space<vmem>>, vector<1x16xf32>,
      %swap3A_551 = arith.constant 31 : i32
      %swap3A_552 = arith.index_cast %swap3A_551 : i32 to index
      %swap3A_553 = arith.index_cast %mul3A_106 : i32 to index
      %swap3A_554 = tpu.vector_load %arg8[%swap3A_552, %swap3A_553] {strides = array<i32>} : memref<128x768xf32, #tpu.memory_space<vmem>>, vector<1x16xf32>,
      %swap3A_555 = vector.shape_cast %swap3A_554 : vector<1x16xf32> to vector<16xf32>
      %swap3A_556 = vector.shape_cast %get3A_110 : vector<16xf32> to vector<1x16xf32>
      tpu.vector_store %arg8[%swap3A_552, %swap3A_553], %swap3A_556 {add = true, strides = array<i32>} : memref<128x768xf32, #tpu.memory_space<vmem>>, vector<1x16xf32>,
      %add3A_557 = arith.constant 16 : i32
      %add3A_558 = arith.addi %mul3A_106, %add3A_557 : i32
      %swap3A_559 = arith.constant 31 : i32
      %swap3A_560 = arith.index_cast %swap3A_559 : i32 to index
      %swap3A_561 = arith.index_cast %add3A_558 : i32 to index
      %swap3A_562 = tpu.vector_load %arg8[%swap3A_560, %swap3A_561] {strides = array<i32>} : memref<128x768xf32, #tpu.memory_space<vmem>>, vector<1x16xf32>,
      %swap3A_563 = vector.shape_cast %swap3A_562 : vector<1x16xf32> to vector<16xf32>
      %swap3A_564 = vector.shape_cast %get3A_117 : vector<16xf32> to vector<1x16xf32>
      tpu.vector_store %arg8[%swap3A_560, %swap3A_561], %swap3A_564 {add = true, strides = array<i32>} : memref<128x768xf32, #tpu.memory_space<vmem>>, vector<1x16xf32>,
    }
    %scan3A_59 = arith.constant 24 : i32
    %add3A_60 = arith.constant 77824 : i32
    %add3A_61 = arith.addi %add3A_60, %mul3A_2 : i32
    %dma_start3A_62 = arith.constant 0 : i32
    %dma_start3A_63 = arith.constant 0 : i32
    %dma_start3A_64 = tpu.memref_slice %arg8[%dma_start3A_62, %dma_start3A_63] : memref<128x768xf32, #tpu.memory_space<vmem>> -> memref<32x768xf32, #tpu.memory_space<vmem>>
    %dma_start3A_65 = arith.constant 0 : i32
    %dma_start3A_66 = tpu.memref_slice %arg5[%add3A_61, %dma_start3A_65] : memref<78848x768xf32, #tpu.memory_space<hbm>> -> memref<32x768xf32, #tpu.memory_space<hbm>>
    %dma_start3A_67 = arith.constant 0 : i32
    %dma_start3A_68 = tpu.memref_slice %arg5[%add3A_61, %dma_start3A_67] : memref<78848x768xf32, #tpu.memory_space<hbm>> -> memref<32x768xf32, #tpu.memory_space<hbm>>
    %dma_start3A_69 = arith.constant 0 : i32
    %dma_start3A_70 = arith.constant 0 : i32
    %dma_start3A_71 = tpu.memref_slice %arg8[%dma_start3A_69, %dma_start3A_70] : memref<128x768xf32, #tpu.memory_space<vmem>> -> memref<32x768xf32, #tpu.memory_space<vmem>>
    tpu.enqueue_dma source(%dma_start3A_71 : memref<32x768xf32, #tpu.memory_space<vmem>>) target(%dma_start3A_68 : memref<32x768xf32, #tpu.memory_space<hbm>>) target_semaphore(%arg12 : memref<!tpu.dma_semaphore, #tpu.memory_space<semaphore_mem>>)
    %dma_wait3A_72 = arith.constant 0 : i32
    %dma_wait3A_73 = arith.constant 0 : i32
    %dma_wait3A_74 = tpu.memref_slice %arg8[%dma_wait3A_72, %dma_wait3A_73] : memref<128x768xf32, #tpu.memory_space<vmem>> -> memref<32x768xf32, #tpu.memory_space<vmem>>
    %dma_wait3A_75 = arith.constant 0 : i32
    %dma_wait3A_76 = tpu.memref_slice %arg5[%mul3A_2, %dma_wait3A_75] : memref<78848x768xf32, #tpu.memory_space<hbm>> -> memref<32x768xf32, #tpu.memory_space<hbm>>
    %dma_wait3A_77 = arith.constant 0 : i32
    %dma_wait3A_78 = tpu.memref_slice %arg5[%mul3A_2, %dma_wait3A_77] : memref<78848x768xf32, #tpu.memory_space<hbm>> -> memref<32x768xf32, #tpu.memory_space<hbm>>
    %dma_wait3A_79 = arith.constant 0 : i32
    %dma_wait3A_80 = arith.constant 0 : i32
    %dma_wait3A_81 = tpu.memref_slice %arg8[%dma_wait3A_79, %dma_wait3A_80] : memref<128x768xf32, #tpu.memory_space<vmem>> -> memref<32x768xf32, #tpu.memory_space<vmem>>
    tpu.wait_dma2 semaphore(%arg13 : memref<!tpu.dma_semaphore, #tpu.memory_space<semaphore_mem>>) src(%dma_wait3A_81 : memref<32x768xf32, #tpu.memory_space<vmem>>) dst(%dma_wait3A_78 : memref<32x768xf32, #tpu.memory_space<hbm>>)
    %dma_wait3A_82 = arith.constant 0 : i32
    %dma_wait3A_83 = arith.constant 0 : i32
    %dma_wait3A_84 = tpu.memref_slice %arg8[%dma_wait3A_82, %dma_wait3A_83] : memref<128x768xf32, #tpu.memory_space<vmem>> -> memref<32x768xf32, #tpu.memory_space<vmem>>
    %dma_wait3A_85 = arith.constant 0 : i32
    %dma_wait3A_86 = tpu.memref_slice %arg5[%mul3A_2, %dma_wait3A_85] : memref<78848x768xf32, #tpu.memory_space<hbm>> -> memref<32x768xf32, #tpu.memory_space<hbm>>
    %dma_wait3A_87 = arith.constant 0 : i32
    %dma_wait3A_88 = tpu.memref_slice %arg5[%mul3A_2, %dma_wait3A_87] : memref<78848x768xf32, #tpu.memory_space<hbm>> -> memref<32x768xf32, #tpu.memory_space<hbm>>
    %dma_wait3A_89 = arith.constant 0 : i32
    %dma_wait3A_90 = arith.constant 0 : i32
    %dma_wait3A_91 = tpu.memref_slice %arg8[%dma_wait3A_89, %dma_wait3A_90] : memref<128x768xf32, #tpu.memory_space<vmem>> -> memref<32x768xf32, #tpu.memory_space<vmem>>
    tpu.wait_dma2 semaphore(%arg13 : memref<!tpu.dma_semaphore, #tpu.memory_space<semaphore_mem>>) src(%dma_wait3A_91 : memref<32x768xf32, #tpu.memory_space<vmem>>) dst(%dma_wait3A_88 : memref<32x768xf32, #tpu.memory_space<hbm>>)
    %dma_wait3A_92 = arith.constant 0 : i32
    %dma_wait3A_93 = arith.constant 0 : i32
    %dma_wait3A_94 = tpu.memref_slice %arg8[%dma_wait3A_92, %dma_wait3A_93] : memref<128x768xf32, #tpu.memory_space<vmem>> -> memref<32x768xf32, #tpu.memory_space<vmem>>
    %dma_wait3A_95 = arith.constant 0 : i32
    %dma_wait3A_96 = tpu.memref_slice %arg5[%mul3A_2, %dma_wait3A_95] : memref<78848x768xf32, #tpu.memory_space<hbm>> -> memref<32x768xf32, #tpu.memory_space<hbm>>
    %dma_wait3A_97 = arith.constant 0 : i32
    %dma_wait3A_98 = tpu.memref_slice %arg5[%mul3A_2, %dma_wait3A_97] : memref<78848x768xf32, #tpu.memory_space<hbm>> -> memref<32x768xf32, #tpu.memory_space<hbm>>
    %dma_wait3A_99 = arith.constant 0 : i32
    %dma_wait3A_100 = arith.constant 0 : i32
    %dma_wait3A_101 = tpu.memref_slice %arg8[%dma_wait3A_99, %dma_wait3A_100] : memref<128x768xf32, #tpu.memory_space<vmem>> -> memref<32x768xf32, #tpu.memory_space<vmem>>
    tpu.wait_dma2 semaphore(%arg12 : memref<!tpu.dma_semaphore, #tpu.memory_space<semaphore_mem>>) src(%dma_wait3A_101 : memref<32x768xf32, #tpu.memory_space<vmem>>) dst(%dma_wait3A_98 : memref<32x768xf32, #tpu.memory_space<hbm>>)
    return
  }
}

</mosaic_0001>

<sc_bundles>
// kernel: kernel.3.cloned.1.call-start
scs
__scs_entry_jumppad:
0x0: {  	(pc) =	sbr.rel $0x88, $3  }
0x1: {  	(tag) =	ssettag $0x0;
	lr =	simm.s32 $0x1  }
0x2: {  	[smem:$0x3F9E] =	sst lr;
	_ =	strace $0xD0000000  }
0x3: {  	_ = 	snop  }
0x4: {  	_ = 	snop  }
0x5: {  	_ = 	snop  }
0x6: {  	_ = 	snop  }
0x7: {  	_ = 	snop  }
__scs_overlays_trampoline_lowered:
0x8: {  	[smem:$0x3FAD] =	sst s0  }
0x9: {  	[smem:$0x3FAE] =	sst s1  }
0xa: {  	[smem:$0x3FAF] =	sst s2  }
0xb: {  	[smem:$0x3FB0] =	sst s3  }
0xc: {  	[smem:$0x3FB1] =	sst s4  }
0xd: {  	[smem:$0x3FB2] =	sst s5  }
0xe: {  	[smem:$0x3FB3] =	sst s6  }
0xf: {  	[smem:$0x3FB4] =	sst s7  }
0x10: {  	[smem:$0x3FB5] =	sst s8  }
0x11: {  	[smem:$0x3FB6] =	sst s9;
	s0 =	simm.s32 @!p0 $0x0  }
0x12: {  	s1 =	sld [smem:$0x3F9C];
	s0 =	simm.s32 @p0 $0x1  }
0x13: {  	[smem:$0x3FB7] =	sst s0;
	s0 =	simm.s32 @!p1 $0x0  }
0x14: {  	s2 =	sld [smem:$0x3F9B];
	s0 =	simm.s32 @p1 $0x1  }
0x15: {  	[smem:$0x3FB8] =	sst s0;
	s0 =	simm.s32 @!p2 $0x0  }
0x16: {  	s3 =	sld [smem:$0x3FDB];
	s0 =	simm.s32 @p2 $0x1  }
0x17: {  	s4 =	simm.s32 $0x1BF5;
	[smem:$0x3FBA] =	sst s0  }
0x18: {  	s0 =	sld [smem:$0x3F9D];
	_ =	swait.ge [sflag:s4], $0x0  }
0x19: {  	s7 =	sld [smem:$0x3F9E]  }
0x1a: {  	s8 =	sadd.s32 $0xFFFFE003, lr  }
0x1b: {  	s9 =	sadd.s32 $0xFFFFFEF7, lr;
	s5 =	simm.s32 $0xFFFFFFFF;
	p2 =	slt.u32 s8, $0xFFFFF086  }
0x1c: {  	p1 =	slt.u32 s9, $0xF7A;
	s5 =	simm.s32 @!p2 $0x0  }
0x1d: {  	s5 =	simm.s32 @p1 $0x1;
	p0 =	seq.s32 s7, s2  }
0x1e: {  	s7 =	smul.u32 @!p0 $0xF7A, s2;
	p2 =	seq.s32 @!p0 s5, $0x0  }
0x1f: {  	s9 =	smul.u32 $0xF7A, s1;
	s8 =	simm.s32 @!p0 $0x1BF5;
	p2 =	por !p2, p0  }
0x20: {  	[sflag:s8] =	ssyncset.s32 @!p0 $0xFFFFF086;
	s6 =	sadd.s32 @!p0 s3, s7;
	s7 =	simm.s32 @!p0 $0x108  }
0x21: {  	s3 =	sadd.s32 s3, s9;
	s6 =	sadd.s32 @!p0 $0x88, s6;
	s7 =	simm.s32 @p2 $0x1082  }
0x22: {  	[simem:s7], [sflag:s8] =	dma.local @!p0 [hbm:s6], $0xF7A  }
0x23: {  	s9 =	sor.u32 $0xD0000000, s2;
	s6 =	simm.s32 $0x108;
	_ =	swait.ge @!p0 [sflag:s8], $0x0  }
0x24: {  	s3 =	sadd.s32 $0x88, s3;
	s6 =	simm.s32 @!p1 $0x1082;
	[sflag:s4] =	ssyncset.s32 $0xFFFFF086  }
0x25: {  	[simem:s6], [sflag:s4] =	dma.local [hbm:s3], $0xF7A  }
0x26: {  	[smem:$0x3F9E] =	sst s1;
	(tag) =	ssettag s2;
	_ =	strace s9  }
0x27: {  	s1 =	sld [smem:$0x3FAE]  }
0x28: {  	s2 =	sld [smem:$0x3FAF]  }
0x29: {  	s4 =	sld [smem:$0x3FB1]  }
0x2a: {  	p0 =	seq.s32 s5, $0x0;
	s5 =	sld [smem:$0x3FB2]  }
0x2b: {  	s6 =	sld [smem:$0x3FB3]  }
0x2c: {  	s7 =	sld [smem:$0x3FB4]  }
0x2d: {  	s3 =	simm.s32 $0x108;
	s8 =	sld [smem:$0x3FB5]  }
0x2e: {  	s3 =	simm.s32 @!p0 $0x1082;
	s9 =	sld [smem:$0x3FB6]  }
0x2f: {  	lr =	sadd.s32 s0, s3;
	s0 =	sld [smem:$0x3FAD]  }
0x30: {  	s3 =	sld [smem:$0x3FB0]  }
0x31: {  	[smem:$0x3FB9] =	sst s10  }
0x32: {  	s10 =	sld [smem:$0x3FB7];
	_ =	sdelay $0x3  }
0x33: {  	p0 =	seq.s32 s10, $0x1;
	s10 =	sld [smem:$0x3FB9];
	_ =	sdelay $0x3  }
0x34: {  	[smem:$0x3FB9] =	sst s10  }
0x35: {  	s10 =	sld [smem:$0x3FB8];
	_ =	sdelay $0x3  }
0x36: {  	p1 =	seq.s32 s10, $0x1;
	s10 =	sld [smem:$0x3FB9];
	_ =	sdelay $0x3  }
0x37: {  	[smem:$0x3FB9] =	sst s10  }
0x38: {  	s10 =	sld [smem:$0x3FBA]  }
0x39: {  	_ = 	snop;
	(pc) =	sbr.ind lr, $3  }
0x3a: {  	_ = 	snop  }
0x3b: {  	_ = 	snop  }
0x3c: {  	p2 =	seq.s32 s10, $0x1;
	s10 =	sld [smem:$0x3FB9]  }
0x3d: {  	_ =	shalt  }
0x3e: {  	_ =	shalt  }
0x3f: {  	_ =	shalt  }
0x40: {  	_ =	shalt  }
0x41: {  	_ =	shalt  }
0x42: {  	_ =	shalt  }
0x43: {  	_ =	shalt  }
0x44: {  	_ =	shalt  }
0x45: {  	_ =	shalt  }
0x46: {  	_ =	shalt  }
0x47: {  	_ =	shalt  }
0x48: {  	_ =	shalt  }
0x49: {  	_ =	shalt  }
0x4a: {  	_ =	shalt  }
0x4b: {  	_ =	shalt  }
0x4c: {  	_ =	shalt  }
0x4d: {  	_ =	shalt  }
0x4e: {  	_ =	shalt  }
0x4f: {  	_ =	shalt  }
0x50: {  	_ =	shalt  }
0x51: {  	_ =	shalt  }
0x52: {  	_ =	shalt  }
0x53: {  	_ =	shalt  }
0x54: {  	_ =	shalt  }
0x55: {  	_ =	shalt  }
0x56: {  	_ =	shalt  }
0x57: {  	_ =	shalt  }
0x58: {  	_ =	shalt  }
0x59: {  	_ =	shalt  }
0x5a: {  	_ =	shalt  }
0x5b: {  	_ =	shalt  }
0x5c: {  	_ =	shalt  }
0x5d: {  	_ =	shalt  }
0x5e: {  	_ =	shalt  }
0x5f: {  	_ =	shalt  }
0x60: {  	_ =	shalt  }
0x61: {  	_ =	shalt  }
0x62: {  	_ =	shalt  }
0x63: {  	_ =	shalt  }
0x64: {  	_ =	shalt  }
0x65: {  	_ =	shalt  }
0x66: {  	_ =	shalt  }
0x67: {  	_ =	shalt  }
0x68: {  	_ =	shalt  }
0x69: {  	_ =	shalt  }
0x6a: {  	_ =	shalt  }
0x6b: {  	_ =	shalt  }
0x6c: {  	_ =	shalt  }
0x6d: {  	_ =	shalt  }
0x6e: {  	_ =	shalt  }
0x6f: {  	_ =	shalt  }
0x70: {  	_ =	shalt  }
0x71: {  	_ =	shalt  }
0x72: {  	_ =	shalt  }
0x73: {  	_ =	shalt  }
0x74: {  	_ =	shalt  }
0x75: {  	_ =	shalt  }
0x76: {  	_ =	shalt  }
0x77: {  	_ =	shalt  }
0x78: {  	_ =	shalt  }
0x79: {  	_ =	shalt  }
0x7a: {  	_ =	shalt  }
0x7b: {  	_ =	shalt  }
0x7c: {  	_ =	shalt  }
0x7d: {  	_ =	shalt  }
0x7e: {  	_ =	shalt  }
0x7f: {  	_ =	shalt  }
0x80: {  	_ =	shalt  }
0x81: {  	_ =	shalt  }
0x82: {  	_ =	shalt  }
0x83: {  	_ =	shalt  }
0x84: {  	_ =	shalt  }
0x85: {  	_ =	shalt  }
0x86: {  	_ =	shalt  }
0x87: {  	_ =	shalt  }
.Lfunc_end0:
.L_simem_size_0:
called_computation_lowered:
.L_overlay_start_0:
0x88: {  	s2 =	sld [smem:$0x3FD9]  }
0x89: {  	s3 =	sld [smem:$0x3FFE];
	_ =	sdelay $0x1  }
0x8a: {  	s1 =	srdreg.scid  }
0x8b: {  	s0 =	sand.u32 $0x1, s1  }
0x8c: {  	s17 =	sshll.u32 s0, $0xA;
	s2 =	sadd.s32 s3, s2  }
0x8d: {  	s2 =	sadd.s32 s2, s17  }
0x8e: {  	[smem:$0x3FC5] =	sst s2  }
0x8f: {  	_ = 	snop  }
0x90: {  	s2 =	sld [smem:$0x3FC8]  }
0x91: {  	s18 =	sld [smem:$0x3FD0];
	(tm) =	ssettm $0x1  }
0x92: {  	s4 =	sld [smem:$0x3FFB];
	_ =	sdelay $0x3  }
0x93: {  	_ =	strace s4  }
0x94: {  	s4 =	sld [smem:$0x3FFC];
	_ =	sdelay $0x3  }
0x95: {  	_ =	strace s4  }
0x96: {  	s4 =	sld [smem:$0x3FFD];
	_ =	sdelay $0x3  }
0x97: {  	_ =	strace s4  }
0x98: {  	_ =	strace $0x8FFFFFFF  }
0x99: {  	s19 =	sld [smem:$0x3FDB];
	_ =	sdelay $0x1  }
0x9a: {  	s5 =	simm.s32 $_scs_section_size  }
0x9b: {  	s6 =	simm.s32 $_size__tile_overlayer_lowered;
	s7 =	simm.s32 $_tile_overlayer_lowered  }
0x9c: {  	s22 =	simm.s32 $0x1BFF;
	s21 =	sshll.u32 s7, $0x1;
	s4 =	sadd.s32 s5, s19  }
0x9d: {  	s8 =	simm.s32 $0x0;
	s20 =	sshll.u32 s6, $0x1;
	s6 =	sadd.s32 s21, s4  }
0x9e: {  	[timem:s8], [sflag:s22] =	dma.local [hbm:s6], s20  }
0x9f: {  	_ =	swait.ge [sflag:s22], s20  }
0xa0: {  	s5 =	ssub.s32 $0x0, s20;
	[sflag:s22] =	ssyncset.done $0x0  }
0xa1: {  	[sflag:s22] =	ssyncadd.s32 s5;
	_ =	sdelay $0x1  }
0xa2: {  	s23 =	simm.s32 $0x1B8B  }
0xa3: {  	_ =	swait.ge [sflag:s23], $0x1  }
0xa4: {  	[sflag:s23] =	ssyncset.done $0x0  }
0xa5: {  	s25 =	simm.s32 $0x1B8E;
	s24 =	sld [smem:$0x3FFE];
	[sflag:s23] =	ssyncadd.s32 $0xFFFFFFFF  }
0xa6: {  	s26 =	simm.s32 $execute0_lowered;
	[smem:$0x3FD2] =	sst s25  }
0xa7: {  	s6 =	sshll.u32 s26, $0x1;
	_ =	strace $0x80000046;
	[dreg:$0x1] =	wrdreg $0xFFFFFFFF  }
0xa8: {  	s28 =	simm.s32 $_size_execute0_lowered;
	s4 =	sadd.s32 s4, s6;
	[dreg:$0x0] =	wrdreg $0x0  }
0xa9: {  	s6 =	sshll.u32 s28, $0x1;
	[dreg:$0x2] =	wrdreg s4  }
0xaa: {  	[dreg:$0x3] =	wrdreg s6  }
0xab: {  	[dreg:$0x4] =	wrdreg $0xC0  }
0xac: {  	_ =	task [dreg:s8], $0x5FFFF  }
0xad: {  	[dreg:$0x1] =	wrdreg $0xFFFFFFFF  }
0xae: {  	[dreg:$0x0] =	wrdreg $0x60  }
0xaf: {  	[dreg:$0x2] =	wrdreg s24  }
0xb0: {  	[dreg:$0x3] =	wrdreg s2  }
0xb1: {  	[dreg:$0x4] =	wrdreg s18  }
0xb2: {  	[dreg:$0x5] =	wrdreg $0x190000  }
0xb3: {  	[dreg:$0x6] =	wrdreg $0x9  }
0xb4: {  	_ =	task.clear_ibuf [dreg:s8], $0x7FFFF;
	_ =	strace $0x90000046  }
0xb5: {  	s29 =	simm.s32 $0x9;
	_ =	strace $0x80000048  }
0xb6: {  	_ =	swait.ge [sflag:s29], $0x1  }
0xb7: {  	[sflag:s29] =	ssyncadd.s32 $0xFFFFFFFF  }
0xb8: {  	_ =	strace $0x90000048  }
0xb9: {  	_ =	sfence  }
0xba: {  	s30 =	sld [smem:$0x0];
	_ =	sdelay $0x2  }
0xbb: {  	s31 =	sshll.u32 s1, $0xD;
	s1 =	sshrl.u32 s1, $0x2  }
0xbc: {  	s3 =	sand.u32 $0x4000, s31;
	s1 =	sadd.s32 s1, s30  }
0xbd: {  	s0 =	sor.u32 s3, s0;
	s1 =	sshll.u32 s1, $0x11  }
0xbe: {  	s0 =	sor.u32 s1, s0  }
0xbf: {  	s0 =	sadd.s32 $0x8F2B, s0  }
0xc0: {  	[sflag:s0] =	ssyncadd.remote.s32 $0x1  }
0xc1: {  	_ =	sfence.sel $0xFFFF  }
0xc2: {  	[dreg:$0x0] =	wrdreg $0xFFFFFFFF;
	(pc) =	sbr.abs _section_cstart, $3  }
0xc3: {  	[dreg:$0x1] =	wrdreg $0xFFFFFFFF  }
0xc4: {  	_ =	task.clear_ibuf [dreg:s8], $0x2FFFF;
	_ =	strace $0x9FFFFFFF  }
0xc5: {  	(tm) =	ssettm $0x7FFFFFFF  }
tec
execute0_lowered:
.L_overlay_start_1:
0x0: {  	(tag) =	ssettag $0x1  }
0x1: {  	s0 =	rddreg [dreg:$0x0]  }
0x2: {  	s6 =	rddreg [dreg:$0x1];
	s1 =	srdreg.scid  }
0x3: {  	s2 =	stileid.u32;
	s7 =	rddreg [dreg:$0x2]  }
0x4: {  	s8 =	rddreg [dreg:$0x3];
	s9 =	simm.s32 $0x0;
	s1 =	sand.u32 $0x1, s1  }
0x5: {  	s3 =	sshll.u32 s2, $0x1;
	[smem:$0x7FF] =	sst s9;
	s26 =	sadd.s32 $0x100, s6  }
0x6: {  	s28 =	sadd.s32 $0x200, s6;
	_ =	strace $0x80000047;
	[smem:$0x7F8] =	sst s26  }
0x7: {  	s30 =	sadd.s32 $0xE400, s8;
	s31 =	sadd.s32 $0x18000, s7;
	[smem:$0x7F9] =	sst s28  }
0x8: {  	p0 =	sne.s32 s2, $0x0;
	s3 =	sor.u32 s1, s3;
	[smem:$0x7FA] =	sst s30  }
0x9: {  	s1 =	ssub.s32 $0x2, s1;
	[smem:$0x7FD] =	sst s31;
	s4 =	smul.u32 $0x134, s3  }
0xa: {  	s23 =	sshrl.u32 s1, $0x1;
	s5 =	smul.u32 $0xC00, s3;
	s24 =	sshll.u32 s3, $0x5  }
0xb: {  	[smem:$0x7F6] =	sst s24;
	s4 =	sadd.s32 s4, s0;
	s0 =	sadd.s32 $0x400, s0  }
0xc: {  	s29 =	sadd.s32 s5, s7;
	[smem:$0x7F5] =	sst s0;
	s25 =	sadd.s32 $0x2200, s4  }
0xd: {  	v2 =	vlaneseq.u32;
	s0 =	ssub.s32 s1, s23;
	s1 =	sadd.s32 $0x720000, s29;
	[smem:$0x7F7] =	sst s25  }
0xe: {  	vm0 =	vmmov $0xffff;
	s6 =	simm.s32 $0x13000;
	v1 =	vshrl.u32 v2, $0x3;
	[smem:$0x7FB] =	sst s1;
	s0 =	smax.u32 s0, $0x1  }
0xf: {  	v0 =	vand.u32 $0x7, v2;
	v2 =	vor.u32 $0x8, v2;
	v1 =	vmul.u32 $0x8, v1;
	s3 =	simm.s32 $0x0;
	s1 =	simm.s32 $0x1000;
	[smem:$0x7FC] =	sst s0  }
.LBB2_1:
0x10: {  	s0 =	sld [smem:$0x7F7];
	_ =	sdelay $0x1  }
0x11: {  	[smem:$0x7F4] =	sst s3;
	s4 =	simm.s32 $0x5  }
0x12: {  	[tilespmem:s9], [sflag:$0x5] =	stream.linear.gather [hbm4b:s0+s9], $0x9A0, $0x38;
	[tilespmem:$0x19E70] =	vst v63  }
0x13: {  	_ =	swait.ge [sflag:s4], $0x9A0  }
0x14: {  	[sflag:s4] =	ssyncset.done $0x0  }
0x15: {  	[sflag:s4] =	ssyncadd.s32 $0xFFFFF660  }
0x16: {  	v3 =	vld [tilespmem:$0x0];
	_ =	sdelay $0x4  }
0x17: {  	v4 =	vshrl.u32 v3, $0x3  }
0x18: {  	v4 =	vmul.u32 $0x30, v4  }
0x19: {  	v3 =	vand.u32 $0x7, v3  }
0x1a: {  	v3 =	vor.u32 v3, v4  }
0x1b: {  	v4 =	vperm.xlane v3, v0;
	_ =	sdelay $0x1  }
0x1c: {  	v4 =	vadd.s32 v1, v4;
	_ =	sdelay $0x2  }
0x1d: {  	s5 =	sld [smem:$0x7F8]  }
0x1e: {  	s0 =	rddreg [dreg:$0x1];
	v3 =	vperm.xlane v3, v2  }
0x1f: {  	[tilespmem:s1], [sflag:$0x1] =	stream.indirect_vreg.gather [hbm4b:s0+s9], $0x80, v4, vm0, $0xb8;
	[tilespmem:$0x19E70] =	vst v63  }
0x20: {  	s2 =	simm.s32 $0x1800;
	s7 =	sld [smem:$0x7F9];
	v3 =	vadd.s32 v1, v3  }
0x21: {  	[tilespmem:s2], [sflag:$0x1] =	stream.indirect_vreg.gather [hbm4b:s5+s9], $0x80, v4, vm0, $0xb8;
	[tilespmem:$0x19E70] =	vst v63  }
0x22: {  	s8 =	simm.s32 $0x2000  }
0x23: {  	[tilespmem:s8], [sflag:$0x1] =	stream.indirect_vreg.gather [hbm4b:s7+s9], $0x80, v4, vm0, $0xb8;
	[tilespmem:$0x19E70] =	vst v63  }
0x24: {  	s10 =	simm.s32 $0x2800  }
0x25: {  	[tilespmem:s10], [sflag:$0x1] =	stream.indirect_vreg.gather [hbm4b:s0+s9], $0x80, v3, vm0, $0xb8;
	[tilespmem:$0x19E70] =	vst v63  }
0x26: {  	s11 =	simm.s32 $0x3000  }
0x27: {  	[tilespmem:s11], [sflag:$0x1] =	stream.indirect_vreg.gather [hbm4b:s5+s9], $0x80, v3, vm0, $0xb8;
	[tilespmem:$0x19E70] =	vst v63  }
0x28: {  	s12 =	simm.s32 $0x3800  }
0x29: {  	[tilespmem:s12], [sflag:$0x1] =	stream.indirect_vreg.gather [hbm4b:s7+s9], $0x80, v3, vm0, $0xb8;
	[tilespmem:$0x19E70] =	vst v63  }
0x2a: {  	v3 =	vld [tilespmem:$0x10];
	_ =	sdelay $0x4  }
0x2b: {  	v61 =	vshrl.u32 v3, $0x3  }
0x2c: {  	v4 =	vmul.u32 $0x30, v61  }
0x2d: {  	v3 =	vand.u32 $0x7, v3  }
0x2e: {  	v3 =	vor.u32 v3, v4  }
0x2f: {  	v4 =	vperm.xlane v3, v0;
	_ =	sdelay $0x1  }
0x30: {  	v4 =	vadd.s32 v1, v4;
	_ =	sdelay $0x3  }
0x31: {  	s13 =	simm.s32 $0x4000;
	v3 =	vperm.xlane v3, v2  }
0x32: {  	[tilespmem:s13], [sflag:$0x1] =	stream.indirect_vreg.gather [hbm4b:s0+s9], $0x80, v4, vm0, $0xb8;
	[tilespmem:$0x19E70] =	vst v63  }
0x33: {  	s14 =	simm.s32 $0x4800;
	v3 =	vadd.s32 v1, v3  }
0x34: {  	[tilespmem:s14], [sflag:$0x1] =	stream.indirect_vreg.gather [hbm4b:s5+s9], $0x80, v4, vm0, $0xb8;
	[tilespmem:$0x19E70] =	vst v63  }
0x35: {  	s15 =	simm.s32 $0x5000  }
0x36: {  	[tilespmem:s15], [sflag:$0x1] =	stream.indirect_vreg.gather [hbm4b:s7+s9], $0x80, v4, vm0, $0xb8;
	[tilespmem:$0x19E70] =	vst v63  }
0x37: {  	s16 =	simm.s32 $0x5800  }
0x38: {  	[tilespmem:s16], [sflag:$0x1] =	stream.indirect_vreg.gather [hbm4b:s0+s9], $0x80, v3, vm0, $0xb8;
	[tilespmem:$0x19E70] =	vst v63  }
0x39: {  	s17 =	simm.s32 $0x6000  }
0x3a: {  	[tilespmem:s17], [sflag:$0x1] =	stream.indirect_vreg.gather [hbm4b:s5+s9], $0x80, v3, vm0, $0xb8;
	[tilespmem:$0x19E70] =	vst v63  }
0x3b: {  	s18 =	simm.s32 $0x6800  }
0x3c: {  	[tilespmem:s18], [sflag:$0x1] =	stream.indirect_vreg.gather [hbm4b:s7+s9], $0x80, v3, vm0, $0xb8;
	[tilespmem:$0x19E70] =	vst v63  }
0x3d: {  	v3 =	vld [tilespmem:$0x20];
	_ =	sdelay $0x4  }
0x3e: {  	v62 =	vshrl.u32 v3, $0x3  }
0x3f: {  	v4 =	vmul.u32 $0x30, v62  }
0x40: {  	v3 =	vand.u32 $0x7, v3  }
0x41: {  	v3 =	vor.u32 v3, v4  }
0x42: {  	v4 =	vperm.xlane v3, v0;
	_ =	sdelay $0x1  }
0x43: {  	v4 =	vadd.s32 v1, v4;
	_ =	sdelay $0x3  }
0x44: {  	s19 =	simm.s32 $0x7000;
	v3 =	vperm.xlane v3, v2  }
0x45: {  	[tilespmem:s19], [sflag:$0x1] =	stream.indirect_vreg.gather [hbm4b:s0+s9], $0x80, v4, vm0, $0xb8;
	[tilespmem:$0x19E70] =	vst v63  }
0x46: {  	s20 =	simm.s32 $0x7800;
	v3 =	vadd.s32 v1, v3  }
0x47: {  	[tilespmem:s20], [sflag:$0x1] =	stream.indirect_vreg.gather [hbm4b:s5+s9], $0x80, v4, vm0, $0xb8;
	[tilespmem:$0x19E70] =	vst v63  }
0x48: {  	s21 =	simm.s32 $0x8000  }
0x49: {  	[tilespmem:s21], [sflag:$0x1] =	stream.indirect_vreg.gather [hbm4b:s7+s9], $0x80, v4, vm0, $0xb8;
	[tilespmem:$0x19E70] =	vst v63  }
0x4a: {  	s22 =	simm.s32 $0x8800  }
0x4b: {  	[tilespmem:s22], [sflag:$0x1] =	stream.indirect_vreg.gather [hbm4b:s0+s9], $0x80, v3, vm0, $0xb8;
	[tilespmem:$0x19E70] =	vst v63  }
0x4c: {  	s23 =	simm.s32 $0x9000  }
0x4d: {  	[tilespmem:s23], [sflag:$0x1] =	stream.indirect_vreg.gather [hbm4b:s5+s9], $0x80, v3, vm0, $0xb8;
	[tilespmem:$0x19E70] =	vst v63  }
0x4e: {  	s24 =	simm.s32 $0x9800  }
0x4f: {  	[tilespmem:s24], [sflag:$0x1] =	stream.indirect_vreg.gather [hbm4b:s7+s9], $0x80, v3, vm0, $0xb8;
	[tilespmem:$0x19E70] =	vst v63  }
0x50: {  	v3 =	vld [tilespmem:$0x30];
	_ =	sdelay $0x4  }
0x51: {  	v63 =	vshrl.u32 v3, $0x3  }
0x52: {  	v4 =	vmul.u32 $0x30, v63  }
0x53: {  	v3 =	vand.u32 $0x7, v3  }
0x54: {  	v3 =	vor.u32 v3, v4  }
0x55: {  	v4 =	vperm.xlane v3, v0;
	_ =	sdelay $0x1  }
0x56: {  	v4 =	vadd.s32 v1, v4;
	_ =	sdelay $0x3  }
0x57: {  	s25 =	simm.s32 $0xA000;
	v3 =	vperm.xlane v3, v2  }
0x58: {  	[tilespmem:s25], [sflag:$0x1] =	stream.indirect_vreg.gather [hbm4b:s0+s9], $0x80, v4, vm0, $0xb8;
	[tilespmem:$0x19E70] =	vst v63  }
0x59: {  	s26 =	simm.s32 $0xA800;
	v3 =	vadd.s32 v1, v3  }
0x5a: {  	[tilespmem:s26], [sflag:$0x1] =	stream.indirect_vreg.gather [hbm4b:s5+s9], $0x80, v4, vm0, $0xb8;
	[tilespmem:$0x19E70] =	vst v63  }
0x5b: {  	s28 =	simm.s32 $0xB000  }
0x5c: {  	[tilespmem:s28], [sflag:$0x1] =	stream.indirect_vreg.gather [hbm4b:s7+s9], $0x80, v4, vm0, $0xb8;
	[tilespmem:$0x19E70] =	vst v63  }
0x5d: {  	s29 =	simm.s32 $0xB800;
	s2 =	sld [smem:$0x7F5]  }
0x5e: {  	[tilespmem:s29], [sflag:$0x1] =	stream.indirect_vreg.gather [hbm4b:s0+s9], $0x80, v3, vm0, $0xb8;
	[tilespmem:$0x19E70] =	vst v63  }
0x5f: {  	s30 =	simm.s32 $0xC000;
	s0 =	rddreg [dreg:$0x3]  }
0x60: {  	[tilespmem:s30], [sflag:$0x1] =	stream.indirect_vreg.gather [hbm4b:s5+s9], $0x80, v3, vm0, $0xb8;
	[tilespmem:$0x19E70] =	vst v63  }
0x61: {  	s31 =	simm.s32 $0xC800;
	s1 =	simm.s32 @!p0 $0x1C05;
	s0 =	sshrl.u32 @!p0 s0, $0x3  }
0x62: {  	[tilespmem:s31], [sflag:$0x1] =	stream.indirect_vreg.gather [hbm4b:s7+s9], $0x80, v3, vm0, $0xb8;
	[tilespmem:$0x19E70] =	vst v63  }
0x63: {  	[spmem:s0], [sflag:s1] =	dma.local @!p0 [hbm:s2], $0x1CE0  }
0x64: {  	s0 =	simm.s32 @!p0 $0x5  }
0x65: {  	_ =	swait.ge @!p0 [sflag:s0], $0x1CE0  }
0x66: {  	[sflag:s0] =	ssyncset.done @!p0 $0x0  }
0x67: {  	[sflag:s0] =	ssyncadd.s32 @!p0 $0xFFFFE320  }
0x68: {  	s9 =	simm.s32 $0x0;
	[bflag:$0x0] =	sbarrier.arrive $0xFFFF  }
.LBB2_2:
0x69: {  	p1 =	seq.s32 s9, $0x0  }
0x6a: {  	v3 =	vld @p1 [tilespmem:$0x40];
	_ =	sdelay $0x4  }
0x6b: {  	v4 =	vshrl.u32 @p1 v3, $0x3  }
0x6c: {  	v4 =	vmul.u32 @p1 $0x30, v4  }
0x6d: {  	v5 =	vlaneseq.u32 @p1;
	v3 =	vand.u32 @p1 $0x7, v3  }
0x6e: {  	v6 =	vshrl.u32 @p1 v5, $0x3;
	v3 =	vor.u32 @p1 v3, v4;
	v4 =	vand.u32 @p1 $0x7, v5  }
0x6f: {  	v6 =	vmul.u32 @p1 $0x8, v6;
	v7 =	vperm.xlane @p1 v3, v4;
	_ =	sdelay $0x1  }
0x70: {  	v7 =	vadd.s32 @p1 v6, v7;
	_ =	sdelay $0x2  }
0x71: {  	s3 =	rddreg [dreg:$0x1];
	v5 =	vor.u32 @p1 $0x8, v5  }
0x72: {  	s4 =	sld [smem:$0x7F8];
	vm1 =	vmmov @p1 $0xffff;
	s0 =	simm.s32 @p1 $0x0;
	s1 =	simm.s32 @p1 $0xD000;
	v3 =	vperm.xlane @p1 v3, v5  }
0x73: {  	[tilespmem:s1], [sflag:$0x2] =	stream.indirect_vreg.gather @p1 [hbm4b:s3+s0], $0x80, v7, vm1, $0xb8;
	[tilespmem:$0x19E70] =	vst v63  }
0x74: {  	s5 =	sld [smem:$0x7F9];
	v3 =	vadd.s32 @p1 v6, v3;
	s1 =	simm.s32 @p1 $0xD800  }
0x75: {  	[tilespmem:s1], [sflag:$0x2] =	stream.indirect_vreg.gather @p1 [hbm4b:s4+s0], $0x80, v7, vm1, $0xb8;
	[tilespmem:$0x19E70] =	vst v63  }
0x76: {  	s1 =	simm.s32 @p1 $0xE000  }
0x77: {  	[tilespmem:s1], [sflag:$0x2] =	stream.indirect_vreg.gather @p1 [hbm4b:s5+s0], $0x80, v7, vm1, $0xb8;
	[tilespmem:$0x19E70] =	vst v63  }
0x78: {  	s1 =	simm.s32 @p1 $0xE800  }
0x79: {  	[tilespmem:s1], [sflag:$0x2] =	stream.indirect_vreg.gather @p1 [hbm4b:s3+s0], $0x80, v3, vm1, $0xb8;
	[tilespmem:$0x19E70] =	vst v63  }
0x7a: {  	s1 =	simm.s32 @p1 $0xF000  }
0x7b: {  	[tilespmem:s1], [sflag:$0x2] =	stream.indirect_vreg.gather @p1 [hbm4b:s4+s0], $0x80, v3, vm1, $0xb8;
	[tilespmem:$0x19E70] =	vst v63  }
0x7c: {  	s1 =	simm.s32 @p1 $0xF800  }
0x7d: {  	[tilespmem:s1], [sflag:$0x2] =	stream.indirect_vreg.gather @p1 [hbm4b:s5+s0], $0x80, v3, vm1, $0xb8;
	[tilespmem:$0x19E70] =	vst v63  }
0x7e: {  	v3 =	vld @p1 [tilespmem:$0x50];
	_ =	sdelay $0x4  }
0x7f: {  	v7 =	vshrl.u32 @p1 v3, $0x3  }
0x80: {  	v7 =	vmul.u32 @p1 $0x30, v7  }
0x81: {  	v3 =	vand.u32 @p1 $0x7, v3  }
0x82: {  	v3 =	vor.u32 @p1 v3, v7  }
0x83: {  	v4 =	vperm.xlane @p1 v3, v4;
	_ =	sdelay $0x1  }
0x84: {  	v4 =	vadd.s32 @p1 v6, v4;
	_ =	sdelay $0x3  }
0x85: {  	s1 =	simm.s32 @p1 $0x10000;
	v3 =	vperm.xlane @p1 v3, v5  }
0x86: {  	[tilespmem:s1], [sflag:$0x2] =	stream.indirect_vreg.gather @p1 [hbm4b:s3+s0], $0x80, v4, vm1, $0xb8;
	[tilespmem:$0x19E70] =	vst v63  }
0x87: {  	v3 =	vadd.s32 @p1 v6, v3;
	s1 =	simm.s32 @p1 $0x10800  }
0x88: {  	[tilespmem:s1], [sflag:$0x2] =	stream.indirect_vreg.gather @p1 [hbm4b:s4+s0], $0x80, v4, vm1, $0xb8;
	[tilespmem:$0x19E70] =	vst v63  }
0x89: {  	s1 =	simm.s32 @p1 $0x11000  }
0x8a: {  	[tilespmem:s1], [sflag:$0x2] =	stream.indirect_vreg.gather @p1 [hbm4b:s5+s0], $0x80, v4, vm1, $0xb8;
	[tilespmem:$0x19E70] =	vst v63  }
0x8b: {  	s1 =	simm.s32 @p1 $0x11800  }
0x8c: {  	[tilespmem:s1], [sflag:$0x2] =	stream.indirect_vreg.gather @p1 [hbm4b:s3+s0], $0x80, v3, vm1, $0xb8;
	[tilespmem:$0x19E70] =	vst v63  }
0x8d: {  	s1 =	simm.s32 @p1 $0x12000  }
0x8e: {  	[tilespmem:s1], [sflag:$0x2] =	stream.indirect_vreg.gather @p1 [hbm4b:s4+s0], $0x80, v3, vm1, $0xb8;
	[tilespmem:$0x19E70] =	vst v63  }
0x8f: {  	s1 =	simm.s32 @p1 $0x12800  }
0x90: {  	[tilespmem:s1], [sflag:$0x2] =	stream.indirect_vreg.gather @p1 [hbm4b:s5+s0], $0x80, v3, vm1, $0xb8;
	[tilespmem:$0x19E70] =	vst v63  }
0x91: {  	s0 =	simm.s32 @!p1 $0x4  }
0x92: {  	_ =	swait.ge @!p1 [sflag:s0], $0x6000  }
0x93: {  	[sflag:s0] =	ssyncset.done @!p1 $0x0  }
0x94: {  	[sflag:s0] =	ssyncadd.s32 @!p1 $0xFFFFA000  }
0x95: {  	_ =	swait.ge @!p1 [sflag:s0], $0x6000  }
0x96: {  	s1 =	sshll.u32 @!p1 s9, $0x7;
	[sflag:s0] =	ssyncset.done @!p1 $0x0  }
0x97: {  	[sflag:s0] =	ssyncadd.s32 @!p1 $0xFFFFA000;
	s0 =	sand.u32 @!p1 $0x3FFFFF80, s1  }
0x98: {  	v3 =	vld @!p1 [tilespmem:s0+$0x40];
	_ =	sdelay $0x4  }
0x99: {  	v4 =	vshrl.u32 @!p1 v3, $0x3  }
0x9a: {  	v4 =	vmul.u32 @!p1 $0x30, v4  }
0x9b: {  	v5 =	vlaneseq.u32 @!p1;
	v3 =	vand.u32 @!p1 $0x7, v3  }
0x9c: {  	v6 =	vshrl.u32 @!p1 v5, $0x3;
	v3 =	vor.u32 @!p1 v3, v4;
	v4 =	vand.u32 @!p1 $0x7, v5  }
0x9d: {  	v6 =	vmul.u32 @!p1 $0x8, v6;
	v7 =	vperm.xlane @!p1 v3, v4;
	_ =	sdelay $0x1  }
0x9e: {  	v7 =	vadd.s32 @!p1 v6, v7;
	_ =	sdelay $0x2  }
0x9f: {  	v5 =	vor.u32 @!p1 $0x8, v5  }
0xa0: {  	s2 =	simm.s32 @!p1 $0xD000;
	vm1 =	vmmov @!p1 $0xffff;
	s1 =	simm.s32 @!p1 $0x0;
	v3 =	vperm.xlane @!p1 v3, v5  }
0xa1: {  	[tilespmem:s2], [sflag:$0x2] =	stream.indirect_vreg.gather @!p1 [hbm4b:s3+s1], $0x80, v7, vm1, $0xb8;
	[tilespmem:$0x19E70] =	vst v63  }
0xa2: {  	v3 =	vadd.s32 @!p1 v6, v3;
	s2 =	simm.s32 @!p1 $0xD800  }
0xa3: {  	[tilespmem:s2], [sflag:$0x2] =	stream.indirect_vreg.gather @!p1 [hbm4b:s4+s1], $0x80, v7, vm1, $0xb8;
	[tilespmem:$0x19E70] =	vst v63  }
0xa4: {  	s2 =	simm.s32 @!p1 $0xE000  }
0xa5: {  	[tilespmem:s2], [sflag:$0x2] =	stream.indirect_vreg.gather @!p1 [hbm4b:s5+s1], $0x80, v7, vm1, $0xb8;
	[tilespmem:$0x19E70] =	vst v63  }
0xa6: {  	s2 =	simm.s32 @!p1 $0xE800  }
0xa7: {  	[tilespmem:s2], [sflag:$0x2] =	stream.indirect_vreg.gather @!p1 [hbm4b:s3+s1], $0x80, v3, vm1, $0xb8;
	[tilespmem:$0x19E70] =	vst v63  }
0xa8: {  	s2 =	simm.s32 @!p1 $0xF000  }
0xa9: {  	[tilespmem:s2], [sflag:$0x2] =	stream.indirect_vreg.gather @!p1 [hbm4b:s4+s1], $0x80, v3, vm1, $0xb8;
	[tilespmem:$0x19E70] =	vst v63  }
0xaa: {  	s2 =	simm.s32 @!p1 $0xF800  }
0xab: {  	[tilespmem:s2], [sflag:$0x2] =	stream.indirect_vreg.gather @!p1 [hbm4b:s5+s1], $0x80, v3, vm1, $0xb8;
	[tilespmem:$0x19E70] =	vst v63  }
0xac: {  	v3 =	vld @!p1 [tilespmem:s0+$0x50];
	_ =	sdelay $0x4  }
0xad: {  	v7 =	vshrl.u32 @!p1 v3, $0x3  }
0xae: {  	v7 =	vmul.u32 @!p1 $0x30, v7  }
0xaf: {  	v3 =	vand.u32 @!p1 $0x7, v3  }
0xb0: {  	v3 =	vor.u32 @!p1 v3, v7  }
0xb1: {  	v4 =	vperm.xlane @!p1 v3, v4;
	_ =	sdelay $0x1  }
0xb2: {  	v4 =	vadd.s32 @!p1 v6, v4;
	_ =	sdelay $0x3  }
0xb3: {  	s2 =	simm.s32 @!p1 $0x10000;
	v3 =	vperm.xlane @!p1 v3, v5  }
0xb4: {  	[tilespmem:s2], [sflag:$0x2] =	stream.indirect_vreg.gather @!p1 [hbm4b:s3+s1], $0x80, v4, vm1, $0xb8;
	[tilespmem:$0x19E70] =	vst v63  }
0xb5: {  	v3 =	vadd.s32 @!p1 v6, v3;
	s2 =	simm.s32 @!p1 $0x10800  }
0xb6: {  	[tilespmem:s2], [sflag:$0x2] =	stream.indirect_vreg.gather @!p1 [hbm4b:s4+s1], $0x80, v4, vm1, $0xb8;
	[tilespmem:$0x19E70] =	vst v63  }
0xb7: {  	s2 =	simm.s32 @!p1 $0x11000  }
0xb8: {  	[tilespmem:s2], [sflag:$0x2] =	stream.indirect_vreg.gather @!p1 [hbm4b:s5+s1], $0x80, v4, vm1, $0xb8;
	[tilespmem:$0x19E70] =	vst v63  }
0xb9: {  	s2 =	simm.s32 @!p1 $0x11800  }
0xba: {  	[tilespmem:s2], [sflag:$0x2] =	stream.indirect_vreg.gather @!p1 [hbm4b:s3+s1], $0x80, v3, vm1, $0xb8;
	[tilespmem:$0x19E70] =	vst v63  }
0xbb: {  	s2 =	simm.s32 @!p1 $0x12000  }
0xbc: {  	[tilespmem:s2], [sflag:$0x2] =	stream.indirect_vreg.gather @!p1 [hbm4b:s4+s1], $0x80, v3, vm1, $0xb8;
	[tilespmem:$0x19E70] =	vst v63  }
0xbd: {  	s0 =	simm.s32 @p1 $0x0;
	s2 =	simm.s32 @!p1 $0x12800  }
0xbe: {  	[tilespmem:s2], [sflag:$0x2] =	stream.indirect_vreg.gather @!p1 [hbm4b:s5+s1], $0x80, v3, vm1, $0xb8;
	[tilespmem:$0x19E70] =	vst v63  }
0xbf: {  	v3 =	vld [tilespmem:s0+$0x60];
	_ =	sdelay $0x4  }
0xc0: {  	v4 =	vshrl.u32 v3, $0x3  }
0xc1: {  	v4 =	vmul.u32 $0x30, v4  }
0xc2: {  	v3 =	vand.u32 $0x7, v3  }
0xc3: {  	v3 =	vor.u32 v3, v4  }
0xc4: {  	v4 =	vperm.xlane v3, v0;
	_ =	sdelay $0x1  }
0xc5: {  	v4 =	vadd.s32 v1, v4;
	_ =	sdelay $0x3  }
0xc6: {  	s8 =	simm.s32 $0x0;
	v3 =	vperm.xlane v3, v2  }
0xc7: {  	[tilespmem:s6], [sflag:$0x2] =	stream.indirect_vreg.gather [hbm4b:s3+s8], $0x80, v4, vm0, $0xb8;
	[tilespmem:$0x19E70] =	vst v63  }
0xc8: {  	s23 =	simm.s32 $0x13800;
	v3 =	vadd.s32 v1, v3  }
0xc9: {  	[tilespmem:s23], [sflag:$0x2] =	stream.indirect_vreg.gather [hbm4b:s4+s8], $0x80, v4, vm0, $0xb8;
	[tilespmem:$0x19E70] =	vst v63  }
0xca: {  	s24 =	simm.s32 $0x14000  }
0xcb: {  	[tilespmem:s24], [sflag:$0x2] =	stream.indirect_vreg.gather [hbm4b:s5+s8], $0x80, v4, vm0, $0xb8;
	[tilespmem:$0x19E70] =	vst v63  }
0xcc: {  	s25 =	simm.s32 $0x14800  }
0xcd: {  	[tilespmem:s25], [sflag:$0x2] =	stream.indirect_vreg.gather [hbm4b:s3+s8], $0x80, v3, vm0, $0xb8;
	[tilespmem:$0x19E70] =	vst v63  }
0xce: {  	s26 =	simm.s32 $0x15000  }
0xcf: {  	[tilespmem:s26], [sflag:$0x2] =	stream.indirect_vreg.gather [hbm4b:s4+s8], $0x80, v3, vm0, $0xb8;
	[tilespmem:$0x19E70] =	vst v63  }
0xd0: {  	s28 =	simm.s32 $0x15800  }
0xd1: {  	[tilespmem:s28], [sflag:$0x2] =	stream.indirect_vreg.gather [hbm4b:s5+s8], $0x80, v3, vm0, $0xb8;
	[tilespmem:$0x19E70] =	vst v63  }
0xd2: {  	v3 =	vld [tilespmem:s0+$0x70];
	_ =	sdelay $0x4  }
0xd3: {  	v4 =	vshrl.u32 v3, $0x3  }
0xd4: {  	v4 =	vmul.u32 $0x30, v4  }
0xd5: {  	v3 =	vand.u32 $0x7, v3  }
0xd6: {  	v3 =	vor.u32 v3, v4  }
0xd7: {  	v4 =	vperm.xlane v3, v0;
	_ =	sdelay $0x1  }
0xd8: {  	v4 =	vadd.s32 v1, v4;
	_ =	sdelay $0x3  }
0xd9: {  	s29 =	simm.s32 $0x16000;
	v3 =	vperm.xlane v3, v2  }
0xda: {  	[tilespmem:s29], [sflag:$0x2] =	stream.indirect_vreg.gather [hbm4b:s3+s8], $0x80, v4, vm0, $0xb8;
	[tilespmem:$0x19E70] =	vst v63  }
0xdb: {  	s30 =	simm.s32 $0x16800;
	v3 =	vadd.s32 v1, v3  }
0xdc: {  	[tilespmem:s30], [sflag:$0x2] =	stream.indirect_vreg.gather [hbm4b:s4+s8], $0x80, v4, vm0, $0xb8;
	[tilespmem:$0x19E70] =	vst v63  }
0xdd: {  	s31 =	simm.s32 $0x17000  }
0xde: {  	[tilespmem:s31], [sflag:$0x2] =	stream.indirect_vreg.gather [hbm4b:s5+s8], $0x80, v4, vm0, $0xb8;
	[tilespmem:$0x19E70] =	vst v63  }
0xdf: {  	s1 =	simm.s32 $0x17800  }
0xe0: {  	[tilespmem:s1], [sflag:$0x2] =	stream.indirect_vreg.gather [hbm4b:s3+s8], $0x80, v3, vm0, $0xb8;
	[tilespmem:$0x19E70] =	vst v63  }
0xe1: {  	s2 =	simm.s32 $0x18000;
	s3 =	smul.u32 $0x3000, s9  }
0xe2: {  	[tilespmem:s2], [sflag:$0x2] =	stream.indirect_vreg.gather [hbm4b:s4+s8], $0x80, v3, vm0, $0xb8;
	[tilespmem:$0x19E70] =	vst v63  }
0xe3: {  	s6 =	rddreg [dreg:$0x3];
	s4 =	simm.s32 $0x18800;
	s0 =	sshra.s32 s3, $0x2  }
0xe4: {  	[tilespmem:s4], [sflag:$0x2] =	stream.indirect_vreg.gather [hbm4b:s5+s8], $0x80, v3, vm0, $0xb8;
	[tilespmem:$0x19E70] =	vst v63  }
0xe5: {  	s7 =	simm.s32 $0x5;
	s0 =	sadd.s32 s0, s6;
	s6 =	simm.s32 $0xA00  }
0xe6: {  	[tilespmem:s6], [sflag:$0x5] =	stream.linear.gather [spmem:s0], $0x600, $0x38;
	[tilespmem:$0x19E70] =	vst v63  }
0xe7: {  	_ =	swait.ge [sflag:s7], $0x600  }
0xe8: {  	[sflag:s7] =	ssyncset.done $0x0  }
0xe9: {  	s10 =	simm.s32 $0x1;
	[sflag:s7] =	ssyncadd.s32 $0xFFFFFA00  }
0xea: {  	_ =	swait.ge [sflag:s10], $0xC000  }
0xeb: {  	s1 =	sand.u32 $0x60, s8;
	[sflag:s10] =	ssyncset.done $0x0  }
0xec: {  	s11 =	sand.u32 $0x380, s8;
	s5 =	sor.u32 $0x10, s1;
	[sflag:s10] =	ssyncadd.s32 $0xFFFF4000  }
0xed: {  	s0 =	sor.u32 s5, s11;
	v4 =	vld [tilespmem:s6+$0x0]  }
0xee: {  	v3 =	vld [tilespmem:s0+$0xA00]  }
0xef: {  	s7 =	sand.u32 $0x1C00, s8  }
0xf0: {  	s12 =	sadd.s32 $0x1000, s7  }
0xf1: {  	s13 =	sor.u32 s1, s12  }
0xf2: {  	s0 =	sor.u32 s5, s12;
	[tilespmem:s13+$0x0] =	vst.add.f32.msk $0xffff, v4  }
0xf3: {  	s14 =	sor.u32 $0x80, s13;
	[tilespmem:s0+$0x0] =	vst.add.f32.msk $0xffff, v3  }
0xf4: {  	s15 =	sor.u32 $0x80, s0;
	[tilespmem:s14+$0x0] =	vst.add.f32.msk $0xffff, v4  }
0xf5: {  	s16 =	sor.u32 $0x100, s13;
	[tilespmem:s15+$0x0] =	vst.add.f32.msk $0xffff, v3  }
0xf6: {  	s17 =	sor.u32 $0x100, s0;
	[tilespmem:s16+$0x0] =	vst.add.f32.msk $0xffff, v4  }
0xf7: {  	s18 =	sor.u32 $0x180, s13;
	[tilespmem:s17+$0x0] =	vst.add.f32.msk $0xffff, v3  }
0xf8: {  	s19 =	sor.u32 $0x180, s0;
	[tilespmem:s18+$0x0] =	vst.add.f32.msk $0xffff, v4  }
0xf9: {  	s20 =	sor.u32 $0x200, s13;
	[tilespmem:s19+$0x0] =	vst.add.f32.msk $0xffff, v3  }
0xfa: {  	s21 =	sand.u32 $0x3, s8;
	s22 =	sor.u32 $0x200, s0;
	[tilespmem:s20+$0x0] =	vst.add.f32.msk $0xffff, v4  }
0xfb: {  	s23 =	sshll.u32 s21, $0x5;
	s2 =	sor.u32 $0x280, s13;
	[tilespmem:s22+$0x0] =	vst.add.f32.msk $0xffff, v3  }
0xfc: {  	s24 =	sadd.s32 $0x0, s23;
	s0 =	sor.u32 $0x280, s0;
	[tilespmem:s2+$0x0] =	vst.add.f32.msk $0xffff, v4  }
0xfd: {  	s25 =	sor.u32 $0x300, s24;
	s2 =	sadd.s32 $0x10, s24;
	[tilespmem:s0+$0x0] =	vst.add.f32.msk $0xffff, v3  }
0xfe: {  	s28 =	sor.u32 s8, s8;
	s26 =	sor.u32 $0x300, s2;
	[tilespmem:s25+$0x1000] =	vst.add.f32.msk $0xffff, v4  }
0xff: {  	s29 =	sor.u32 $0x380, s28;
	[tilespmem:s26+$0x1000] =	vst.add.f32.msk $0xffff, v3  }
0x100: {  	s30 =	sadd.s32 $0x2800, s7;
	s2 =	sor.u32 $0x380, s2;
	[tilespmem:s29+$0x1000] =	vst.add.f32.msk $0xffff, v4  }
0x101: {  	s31 =	sor.u32 s1, s30;
	[tilespmem:s2+$0x1000] =	vst.add.f32.msk $0xffff, v3  }
0x102: {  	s3 =	sadd.s32 $0x2880, s7;
	s0 =	sor.u32 s5, s30;
	[tilespmem:s31+$0x0] =	vst.add.f32.msk $0xffff, v4  }
0x103: {  	s4 =	sor.u32 s1, s3;
	[tilespmem:s0+$0x0] =	vst.add.f32.msk $0xffff, v3  }
0x104: {  	s10 =	sadd.s32 $0x2900, s7;
	s2 =	sor.u32 s5, s3;
	[tilespmem:s4+$0x0] =	vst.add.f32.msk $0xffff, v4  }
0x105: {  	s11 =	sor.u32 s1, s10;
	[tilespmem:s2+$0x0] =	vst.add.f32.msk $0xffff, v3  }
0x106: {  	s12 =	sadd.s32 $0x2980, s7;
	s0 =	sor.u32 s5, s10;
	[tilespmem:s11+$0x0] =	vst.add.f32.msk $0xffff, v4  }
0x107: {  	s13 =	sor.u32 s1, s12;
	[tilespmem:s0+$0x0] =	vst.add.f32.msk $0xffff, v3  }
0x108: {  	s14 =	sadd.s32 $0x2A00, s7;
	s2 =	sor.u32 s5, s12;
	[tilespmem:s13+$0x0] =	vst.add.f32.msk $0xffff, v4  }
0x109: {  	s15 =	sor.u32 s1, s14;
	[tilespmem:s2+$0x0] =	vst.add.f32.msk $0xffff, v3  }
0x10a: {  	s16 =	sadd.s32 $0x2A80, s7;
	s0 =	sor.u32 s5, s14;
	[tilespmem:s15+$0x0] =	vst.add.f32.msk $0xffff, v4  }
0x10b: {  	s17 =	sor.u32 s1, s16;
	[tilespmem:s0+$0x0] =	vst.add.f32.msk $0xffff, v3  }
0x10c: {  	s18 =	sadd.s32 $0x2B00, s7;
	s2 =	sor.u32 s5, s16;
	[tilespmem:s17+$0x0] =	vst.add.f32.msk $0xffff, v4  }
0x10d: {  	s19 =	sor.u32 s1, s18;
	[tilespmem:s2+$0x0] =	vst.add.f32.msk $0xffff, v3  }
0x10e: {  	s20 =	sadd.s32 $0x2B80, s7;
	s0 =	sor.u32 s5, s18;
	[tilespmem:s19+$0x0] =	vst.add.f32.msk $0xffff, v4  }
0x10f: {  	s21 =	sor.u32 s1, s20;
	[tilespmem:s0+$0x0] =	vst.add.f32.msk $0xffff, v3  }
0x110: {  	s22 =	sor.u32 $0x4000, s7;
	s2 =	sor.u32 s5, s20;
	[tilespmem:s21+$0x0] =	vst.add.f32.msk $0xffff, v4  }
0x111: {  	s23 =	sor.u32 s1, s22;
	[tilespmem:s2+$0x0] =	vst.add.f32.msk $0xffff, v3  }
0x112: {  	s24 =	sor.u32 $0x4080, s7;
	s0 =	sor.u32 s5, s22;
	[tilespmem:s23+$0x0] =	vst.add.f32.msk $0xffff, v4  }
0x113: {  	s25 =	sor.u32 s1, s24;
	[tilespmem:s0+$0x0] =	vst.add.f32.msk $0xffff, v3  }
0x114: {  	s26 =	sor.u32 $0x4100, s7;
	s2 =	sor.u32 s5, s24;
	[tilespmem:s25+$0x0] =	vst.add.f32.msk $0xffff, v4  }
0x115: {  	s28 =	sor.u32 s1, s26;
	[tilespmem:s2+$0x0] =	vst.add.f32.msk $0xffff, v3  }
0x116: {  	s29 =	sor.u32 $0x4180, s7;
	s0 =	sor.u32 s5, s26;
	[tilespmem:s28+$0x0] =	vst.add.f32.msk $0xffff, v4  }
0x117: {  	s30 =	sor.u32 s1, s29;
	[tilespmem:s0+$0x0] =	vst.add.f32.msk $0xffff, v3  }
0x118: {  	s31 =	sor.u32 $0x4200, s7;
	s2 =	sor.u32 s5, s29;
	[tilespmem:s30+$0x0] =	vst.add.f32.msk $0xffff, v4  }
0x119: {  	s3 =	sor.u32 s1, s31;
	[tilespmem:s2+$0x0] =	vst.add.f32.msk $0xffff, v3  }
0x11a: {  	s4 =	sor.u32 $0x4280, s7;
	s0 =	sor.u32 s5, s31;
	[tilespmem:s3+$0x0] =	vst.add.f32.msk $0xffff, v4  }
0x11b: {  	s10 =	sor.u32 s1, s4;
	[tilespmem:s0+$0x0] =	vst.add.f32.msk $0xffff, v3  }
0x11c: {  	s11 =	sor.u32 $0x4300, s7;
	s2 =	sor.u32 s5, s4;
	[tilespmem:s10+$0x0] =	vst.add.f32.msk $0xffff, v4  }
0x11d: {  	s12 =	sor.u32 s1, s11;
	[tilespmem:s2+$0x0] =	vst.add.f32.msk $0xffff, v3  }
0x11e: {  	s13 =	sor.u32 $0x4380, s7;
	s0 =	sor.u32 s5, s11;
	[tilespmem:s12+$0x0] =	vst.add.f32.msk $0xffff, v4  }
0x11f: {  	s14 =	sor.u32 s1, s13;
	[tilespmem:s0+$0x0] =	vst.add.f32.msk $0xffff, v3  }
0x120: {  	s15 =	sadd.s32 $0x5800, s7;
	s2 =	sor.u32 s5, s13;
	[tilespmem:s14+$0x0] =	vst.add.f32.msk $0xffff, v4  }
0x121: {  	s16 =	sor.u32 s1, s15;
	[tilespmem:s2+$0x0] =	vst.add.f32.msk $0xffff, v3  }
0x122: {  	s17 =	sadd.s32 $0x5880, s7;
	s0 =	sor.u32 s5, s15;
	[tilespmem:s16+$0x0] =	vst.add.f32.msk $0xffff, v4  }
0x123: {  	s18 =	sor.u32 s1, s17;
	[tilespmem:s0+$0x0] =	vst.add.f32.msk $0xffff, v3  }
0x124: {  	s19 =	sadd.s32 $0x5900, s7;
	s2 =	sor.u32 s5, s17;
	[tilespmem:s18+$0x0] =	vst.add.f32.msk $0xffff, v4  }
0x125: {  	s20 =	sor.u32 s1, s19;
	[tilespmem:s2+$0x0] =	vst.add.f32.msk $0xffff, v3  }
0x126: {  	s21 =	sadd.s32 $0x5980, s7;
	s0 =	sor.u32 s5, s19;
	[tilespmem:s20+$0x0] =	vst.add.f32.msk $0xffff, v4  }
0x127: {  	s22 =	sor.u32 s1, s21;
	[tilespmem:s0+$0x0] =	vst.add.f32.msk $0xffff, v3  }
0x128: {  	s23 =	sadd.s32 $0x5A00, s7;
	s2 =	sor.u32 s5, s21;
	[tilespmem:s22+$0x0] =	vst.add.f32.msk $0xffff, v4  }
0x129: {  	s24 =	sor.u32 s1, s23;
	[tilespmem:s2+$0x0] =	vst.add.f32.msk $0xffff, v3  }
0x12a: {  	s25 =	sadd.s32 $0x5A80, s7;
	s0 =	sor.u32 s5, s23;
	[tilespmem:s24+$0x0] =	vst.add.f32.msk $0xffff, v4  }
0x12b: {  	s26 =	sor.u32 s1, s25;
	[tilespmem:s0+$0x0] =	vst.add.f32.msk $0xffff, v3  }
0x12c: {  	[smem:$0x7F2] =	sst s9;
	s28 =	sadd.s32 $0x5B00, s7;
	s2 =	sor.u32 s5, s25;
	[tilespmem:s26+$0x0] =	vst.add.f32.msk $0xffff, v4  }
0x12d: {  	s29 =	sor.u32 s1, s28;
	s31 =	sshll.u32 s9, $0x1;
	s30 =	sadd.s32 $0x5B80, s7;
	[tilespmem:s2+$0x0] =	vst.add.f32.msk $0xffff, v3  }
0x12e: {  	[smem:$0x7F3] =	sst s31;
	s3 =	sor.u32 s1, s30;
	s0 =	sor.u32 s5, s28;
	[tilespmem:s29+$0x0] =	vst.add.f32.msk $0xffff, v4  }
0x12f: {  	s1 =	simm.s32 $0x20;
	s2 =	sor.u32 s5, s30;
	s5 =	simm.s32 $0x0;
	[tilespmem:s0+$0x0] =	vst.add.f32.msk $0xffff, v3  }
.LBB2_3:
0x130: {  	s7 =	sand.u32 $0x60, s1;
	s22 =	smov.u32 s1  }
0x131: {  	s6 =	sadd.s32 $0x20, s6;
	s8 =	sadd.s32 $0x100, s8;
	s5 =	sadd.s32 $0x1, s5  }
0x132: {  	s10 =	sor.u32 $0x10, s7;
	s0 =	sand.u32 $0x380, s22;
	s11 =	sand.u32 $0x1C00, s8  }
0x133: {  	[tilespmem:s3+$0x0] =	vst.add.f32.msk $0xffff, v4;
	[dreg:$0x6] =	wrdreg s6;
	s0 =	sor.u32 s10, s0;
	s20 =	sadd.s32 $0x1000, s11  }
0x134: {  	[tilespmem:s2+$0x0] =	vst.add.f32.msk $0xffff, v3;
	s21 =	sadd.s32 $0x2800, s11;
	s23 =	sadd.s32 $0x2880, s11;
	s12 =	sadd.s32 $0x2900, s11  }
0x135: {  	v4 =	vld [tilespmem:s6+$0x0];
	s13 =	sadd.s32 $0x2980, s11;
	s29 =	sadd.s32 $0x2A00, s11;
	s31 =	sadd.s32 $0x2A80, s11  }
0x136: {  	v3 =	vld [tilespmem:s0+$0xA00];
	s6 =	sor.u32 s7, s20;
	s9 =	sor.u32 s10, s20;
	s0 =	sor.u32 s7, s21  }
0x137: {  	s4 =	sor.u32 s10, s21;
	s20 =	sor.u32 s7, s23;
	s2 =	sor.u32 s10, s23  }
0x138: {  	s19 =	sor.u32 s7, s12;
	s3 =	sor.u32 s10, s12;
	s28 =	sor.u32 s7, s13  }
0x139: {  	s30 =	sor.u32 s10, s13;
	s16 =	sor.u32 s7, s29;
	s21 =	sor.u32 s10, s29  }
0x13a: {  	s18 =	sor.u32 s7, s31;
	s23 =	sor.u32 s10, s31;
	s24 =	sor.u32 $0x80, s6;
	[tilespmem:s6+$0x0] =	vst.add.f32.msk $0xffff, v4  }
0x13b: {  	s14 =	sor.u32 $0x80, s9;
	s25 =	sor.u32 $0x100, s6;
	s26 =	sor.u32 $0x100, s9;
	[tilespmem:s9+$0x0] =	vst.add.f32.msk $0xffff, v3  }
0x13c: {  	s15 =	sor.u32 $0x180, s6;
	s17 =	sor.u32 $0x180, s9;
	[dreg:$0xf] =	wrdreg s18;
	[tilespmem:s24+$0x0] =	vst.add.f32.msk $0xffff, v4  }
0x13d: {  	[dreg:$0xd] =	wrdreg s23;
	s29 =	sor.u32 $0x200, s9;
	s9 =	sor.u32 $0x280, s9;
	[tilespmem:s14+$0x0] =	vst.add.f32.msk $0xffff, v3  }
0x13e: {  	s24 =	sor.u32 $0x200, s6;
	s6 =	sor.u32 $0x280, s6;
	[tilespmem:s25+$0x0] =	vst.add.f32.msk $0xffff, v4;
	s25 =	sadd.s32 $0x2B00, s11  }
0x13f: {  	s14 =	sor.u32 $0x4080, s11;
	[tilespmem:s26+$0x0] =	vst.add.f32.msk $0xffff, v3;
	s26 =	sadd.s32 $0x2B80, s11;
	s31 =	sor.u32 s10, s25  }
0x140: {  	[tilespmem:s15+$0x0] =	vst.add.f32.msk $0xffff, v4;
	s15 =	sand.u32 $0x3, s5;
	[dreg:$0x13] =	wrdreg s31;
	s18 =	sor.u32 s10, s26  }
0x141: {  	[tilespmem:s17+$0x0] =	vst.add.f32.msk $0xffff, v3;
	s17 =	sor.u32 s7, s25;
	s15 =	sshll.u32 s15, $0x5;
	[dreg:$0x17] =	wrdreg s18  }
0x142: {  	s25 =	sor.u32 $0x4000, s11;
	s18 =	sor.u32 s10, s14;
	[dreg:$0x11] =	wrdreg s17  }
0x143: {  	[tilespmem:s24+$0x0] =	vst.add.f32.msk $0xffff, v4;
	s13 =	sadd.s32 s15, s8;
	s15 =	sor.u32 s7, s26;
	[smem:$0x7EF] =	sst s18  }
0x144: {  	s24 =	sor.u32 s8, s22;
	s31 =	sor.u32 s10, s25;
	[tilespmem:s29+$0x0] =	vst.add.f32.msk $0xffff, v3;
	[dreg:$0x15] =	wrdreg s15  }
0x145: {  	s17 =	sor.u32 $0x300, s13;
	s26 =	sor.u32 $0x380, s24;
	s29 =	sor.u32 s7, s25;
	[tilespmem:s6+$0x0] =	vst.add.f32.msk $0xffff, v4  }
0x146: {  	[dreg:$0x19] =	wrdreg s31;
	s15 =	sor.u32 $0x4100, s11;
	[tilespmem:s9+$0x0] =	vst.add.f32.msk $0xffff, v3;
	s9 =	sadd.s32 $0x10, s13  }
0x147: {  	s24 =	sor.u32 $0x4180, s11;
	s25 =	sor.u32 $0x4200, s11;
	[tilespmem:s17+$0x1000] =	vst.add.f32.msk $0xffff, v4;
	s23 =	sor.u32 $0x300, s9  }
0x148: {  	s31 =	sor.u32 $0x4300, s11;
	[dreg:$0x1b] =	wrdreg s29;
	s22 =	sor.u32 s7, s15;
	[tilespmem:s23+$0x1000] =	vst.add.f32.msk $0xffff, v3  }
0x149: {  	s29 =	sor.u32 $0x4280, s11;
	s6 =	sadd.s32 $0x5880, s11;
	s13 =	sor.u32 $0x380, s9;
	[tilespmem:s26+$0x1000] =	vst.add.f32.msk $0xffff, v4  }
0x14a: {  	[dreg:$0x1d] =	wrdreg s22;
	s22 =	sor.u32 s10, s24;
	s12 =	sor.u32 s7, s29;
	[tilespmem:s13+$0x1000] =	vst.add.f32.msk $0xffff, v3  }
0x14b: {  	s18 =	sor.u32 s7, s6;
	s17 =	sor.u32 s7, s14;
	s9 =	sor.u32 s7, s24;
	[tilespmem:s0+$0x0] =	vst.add.f32.msk $0xffff, v4  }
0x14c: {  	s14 =	sadd.s32 $0x5980, s11;
	[smem:$0x7EE] =	sst s17;
	s23 =	sor.u32 s10, s15;
	[tilespmem:s4+$0x0] =	vst.add.f32.msk $0xffff, v3  }
0x14d: {  	s15 =	sadd.s32 $0x5A00, s11;
	[smem:$0x7F0] =	sst s23;
	s26 =	sor.u32 s7, s25;
	[tilespmem:s20+$0x0] =	vst.add.f32.msk $0xffff, v4  }
0x14e: {  	s24 =	sor.u32 s7, s14;
	s23 =	sor.u32 s7, s31;
	[smem:$0x7F1] =	sst s26;
	[tilespmem:s2+$0x0] =	vst.add.f32.msk $0xffff, v3  }
0x14f: {  	s26 =	sor.u32 s10, s29;
	s13 =	sadd.s32 $0x5900, s11;
	s29 =	sor.u32 s10, s6;
	[tilespmem:s19+$0x0] =	vst.add.f32.msk $0xffff, v4  }
0x150: {  	s6 =	sadd.s32 $0x5A80, s11;
	s4 =	sadd.s32 $0x5800, s11;
	s2 =	sor.u32 $0x4380, s11;
	[tilespmem:s3+$0x0] =	vst.add.f32.msk $0xffff, v3  }
0x151: {  	s20 =	sor.u32 s10, s25;
	s19 =	sor.u32 s10, s31;
	s17 =	sor.u32 s7, s2;
	[tilespmem:s28+$0x0] =	vst.add.f32.msk $0xffff, v4  }
0x152: {  	s25 =	sor.u32 s10, s2;
	s31 =	sor.u32 s10, s14;
	s14 =	rddreg [dreg:$0xd];
	[tilespmem:s30+$0x0] =	vst.add.f32.msk $0xffff, v3  }
0x153: {  	s2 =	sadd.s32 $0x5B80, s11;
	s3 =	sadd.s32 $0x5B00, s11;
	s11 =	rddreg [dreg:$0x13];
	[tilespmem:s16+$0x0] =	vst.add.f32.msk $0xffff, v4  }
0x154: {  	s0 =	sor.u32 s7, s4;
	s28 =	sor.u32 s10, s4;
	s4 =	rddreg [dreg:$0xf];
	[tilespmem:s21+$0x0] =	vst.add.f32.msk $0xffff, v3  }
0x155: {  	s30 =	sor.u32 s7, s13;
	s16 =	sor.u32 s10, s13;
	s13 =	sor.u32 s7, s6;
	[tilespmem:s4+$0x0] =	vst.add.f32.msk $0xffff, v4  }
0x156: {  	s21 =	sor.u32 s7, s15;
	s15 =	sor.u32 s10, s15;
	s4 =	rddreg [dreg:$0x11];
	[tilespmem:s14+$0x0] =	vst.add.f32.msk $0xffff, v3  }
0x157: {  	s14 =	sor.u32 s10, s6;
	s6 =	sor.u32 s7, s3;
	[tilespmem:s4+$0x0] =	vst.add.f32.msk $0xffff, v4;
	s4 =	sor.u32 s10, s3  }
0x158: {  	s3 =	sor.u32 s7, s2;
	s2 =	sor.u32 s10, s2;
	s10 =	rddreg [dreg:$0x15]  }
0x159: {  	[tilespmem:s11+$0x0] =	vst.add.f32.msk $0xffff, v3;
	s11 =	rddreg [dreg:$0x17]  }
0x15a: {  	[tilespmem:s10+$0x0] =	vst.add.f32.msk $0xffff, v4;
	s10 =	rddreg [dreg:$0x1b]  }
0x15b: {  	[tilespmem:s11+$0x0] =	vst.add.f32.msk $0xffff, v3;
	s11 =	rddreg [dreg:$0x19]  }
0x15c: {  	[tilespmem:s10+$0x0] =	vst.add.f32.msk $0xffff, v4;
	s10 =	sld [smem:$0x7EE]  }
0x15d: {  	[tilespmem:s11+$0x0] =	vst.add.f32.msk $0xffff, v3;
	s11 =	sld [smem:$0x7EF];
	_ =	sdelay $0x1  }
0x15e: {  	[tilespmem:s10+$0x0] =	vst.add.f32.msk $0xffff, v4  }
0x15f: {  	[tilespmem:s11+$0x0] =	vst.add.f32.msk $0xffff, v3;
	s11 =	sld [smem:$0x7F0]  }
0x160: {  	s10 =	rddreg [dreg:$0x1d]  }
0x161: {  	[tilespmem:s10+$0x0] =	vst.add.f32.msk $0xffff, v4  }
0x162: {  	[tilespmem:s11+$0x0] =	vst.add.f32.msk $0xffff, v3  }
0x163: {  	[tilespmem:s9+$0x0] =	vst.add.f32.msk $0xffff, v4  }
0x164: {  	[tilespmem:s22+$0x0] =	vst.add.f32.msk $0xffff, v3;
	s22 =	sld [smem:$0x7F1];
	_ =	sdelay $0x2  }
0x165: {  	[tilespmem:s22+$0x0] =	vst.add.f32.msk $0xffff, v4  }
0x166: {  	[tilespmem:s20+$0x0] =	vst.add.f32.msk $0xffff, v3  }
0x167: {  	[tilespmem:s12+$0x0] =	vst.add.f32.msk $0xffff, v4  }
0x168: {  	[tilespmem:s26+$0x0] =	vst.add.f32.msk $0xffff, v3  }
0x169: {  	[tilespmem:s23+$0x0] =	vst.add.f32.msk $0xffff, v4  }
0x16a: {  	[tilespmem:s19+$0x0] =	vst.add.f32.msk $0xffff, v3  }
0x16b: {  	[tilespmem:s17+$0x0] =	vst.add.f32.msk $0xffff, v4  }
0x16c: {  	[tilespmem:s25+$0x0] =	vst.add.f32.msk $0xffff, v3  }
0x16d: {  	[tilespmem:s0+$0x0] =	vst.add.f32.msk $0xffff, v4  }
0x16e: {  	[tilespmem:s28+$0x0] =	vst.add.f32.msk $0xffff, v3  }
0x16f: {  	[tilespmem:s18+$0x0] =	vst.add.f32.msk $0xffff, v4  }
0x170: {  	[tilespmem:s29+$0x0] =	vst.add.f32.msk $0xffff, v3  }
0x171: {  	[tilespmem:s30+$0x0] =	vst.add.f32.msk $0xffff, v4  }
0x172: {  	[tilespmem:s16+$0x0] =	vst.add.f32.msk $0xffff, v3  }
0x173: {  	[tilespmem:s24+$0x0] =	vst.add.f32.msk $0xffff, v4  }
0x174: {  	[tilespmem:s31+$0x0] =	vst.add.f32.msk $0xffff, v3  }
0x175: {  	p1 =	sne.s32 s1, $0x2E0;
	[tilespmem:s21+$0x0] =	vst.add.f32.msk $0xffff, v4  }
.Ltmp0:
0x176: {  	[tilespmem:s15+$0x0] =	vst.add.f32.msk $0xffff, v3;
	(pc) =	sbr.rel @p1 .LBB2_3-.Ltmp0, $4  }
0x177: {  	[tilespmem:s13+$0x0] =	vst.add.f32.msk $0xffff, v4  }
0x178: {  	[tilespmem:s14+$0x0] =	vst.add.f32.msk $0xffff, v3  }
0x179: {  	[tilespmem:s6+$0x0] =	vst.add.f32.msk $0xffff, v4  }
0x17a: {  	s1 =	sadd.s32 $0x20, s1;
	s6 =	rddreg [dreg:$0x6];
	[tilespmem:s4+$0x0] =	vst.add.f32.msk $0xffff, v3  }
0x17b: {  	s0 =	sld [smem:$0x7F2]  }
0x17c: {  	s1 =	sld [smem:$0x7F6];
	_ =	sdelay $0x1  }
0x17d: {  	s0 =	sshll.u32 s0, $0xC  }
0x17e: {  	s0 =	sor.u32 s1, s0  }
0x17f: {  	s0 =	sshrl.u32 s0, $0x3  }
0x180: {  	[tilespmem:s3+$0x0] =	vst.add.f32.msk $0xffff, v4;
	s11 =	smul.u32 $0x300, s0  }
0x181: {  	s12 =	rddreg [dreg:$0x2];
	[tilespmem:s2+$0x0] =	vst.add.f32.msk $0xffff, v3;
	s2 =	simm.s32 $0x0  }
0x182: {  	s13 =	simm.s32 $0x1000;
	s14 =	sand.u32 $0x3E0, s2;
	s0 =	sadd.s32 s12, s11  }
0x183: {  	[hbm4b:s0+s2] =	stream.linear.scatter [tilespmem:s13], [sflag:$0x3], $0x6000, $0x38;
	[tilespmem:$0x19E70] =	vst v63  }
0x184: {  	s3 =	simm.s32 $0xD10;
	v4 =	vld [tilespmem:s14+$0xD00]  }
0x185: {  	v3 =	vld [tilespmem:s3+$0x0]  }
0x186: {  	s7 =	sand.u32 $0x1C00, s2  }
0x187: {  	s5 =	sand.u32 $0x60, s2;
	s15 =	sadd.s32 $0x7000, s7  }
0x188: {  	s10 =	sor.u32 $0x10, s5;
	s16 =	sor.u32 s5, s15  }
0x189: {  	s17 =	sadd.s32 $0x7080, s7;
	s0 =	sor.u32 s10, s15;
	[tilespmem:s16+$0x0] =	vst.add.f32.msk $0xffff, v4  }
0x18a: {  	s18 =	sor.u32 s5, s17;
	[tilespmem:s0+$0x0] =	vst.add.f32.msk $0xffff, v3  }
0x18b: {  	s19 =	sadd.s32 $0x7100, s7;
	s1 =	sor.u32 s10, s17;
	[tilespmem:s18+$0x0] =	vst.add.f32.msk $0xffff, v4  }
0x18c: {  	s20 =	sor.u32 s5, s19;
	[tilespmem:s1+$0x0] =	vst.add.f32.msk $0xffff, v3  }
0x18d: {  	s21 =	sadd.s32 $0x7180, s7;
	s0 =	sor.u32 s10, s19;
	[tilespmem:s20+$0x0] =	vst.add.f32.msk $0xffff, v4  }
0x18e: {  	s22 =	sor.u32 s5, s21;
	[tilespmem:s0+$0x0] =	vst.add.f32.msk $0xffff, v3  }
0x18f: {  	s23 =	sadd.s32 $0x7200, s7;
	s1 =	sor.u32 s10, s21;
	[tilespmem:s22+$0x0] =	vst.add.f32.msk $0xffff, v4  }
0x190: {  	s24 =	sor.u32 s5, s23;
	[tilespmem:s1+$0x0] =	vst.add.f32.msk $0xffff, v3  }
0x191: {  	s25 =	sadd.s32 $0x7280, s7;
	s0 =	sor.u32 s10, s23;
	[tilespmem:s24+$0x0] =	vst.add.f32.msk $0xffff, v4  }
0x192: {  	s26 =	sor.u32 s5, s25;
	[tilespmem:s0+$0x0] =	vst.add.f32.msk $0xffff, v3  }
0x193: {  	s28 =	sadd.s32 $0x7300, s7;
	s1 =	sor.u32 s10, s25;
	[tilespmem:s26+$0x0] =	vst.add.f32.msk $0xffff, v4  }
0x194: {  	s29 =	sor.u32 s5, s28;
	[tilespmem:s1+$0x0] =	vst.add.f32.msk $0xffff, v3  }
0x195: {  	s30 =	sadd.s32 $0x7380, s7;
	s0 =	sor.u32 s10, s28;
	[tilespmem:s29+$0x0] =	vst.add.f32.msk $0xffff, v4  }
0x196: {  	s31 =	sor.u32 s5, s30;
	[tilespmem:s0+$0x0] =	vst.add.f32.msk $0xffff, v3  }
0x197: {  	s4 =	sadd.s32 $0x8800, s7;
	s1 =	sor.u32 s10, s30;
	[tilespmem:s31+$0x0] =	vst.add.f32.msk $0xffff, v4  }
0x198: {  	s6 =	sor.u32 s5, s4;
	[tilespmem:s1+$0x0] =	vst.add.f32.msk $0xffff, v3  }
0x199: {  	s8 =	sadd.s32 $0x8880, s7;
	s0 =	sor.u32 s10, s4;
	[tilespmem:s6+$0x0] =	vst.add.f32.msk $0xffff, v4  }
0x19a: {  	s9 =	sor.u32 s5, s8;
	[tilespmem:s0+$0x0] =	vst.add.f32.msk $0xffff, v3  }
0x19b: {  	[smem:$0x7ED] =	sst s11;
	s11 =	sadd.s32 $0x8900, s7;
	s1 =	sor.u32 s10, s8;
	[tilespmem:s9+$0x0] =	vst.add.f32.msk $0xffff, v4  }
0x19c: {  	s12 =	sor.u32 s5, s11;
	[tilespmem:s1+$0x0] =	vst.add.f32.msk $0xffff, v3  }
0x19d: {  	s13 =	sadd.s32 $0x8980, s7;
	s0 =	sor.u32 s10, s11;
	[tilespmem:s12+$0x0] =	vst.add.f32.msk $0xffff, v4  }
0x19e: {  	s14 =	sor.u32 s5, s13;
	[tilespmem:s0+$0x0] =	vst.add.f32.msk $0xffff, v3  }
0x19f: {  	s15 =	sadd.s32 $0x8A00, s7;
	s1 =	sor.u32 s10, s13;
	[tilespmem:s14+$0x0] =	vst.add.f32.msk $0xffff, v4  }
0x1a0: {  	s16 =	sor.u32 s5, s15;
	[tilespmem:s1+$0x0] =	vst.add.f32.msk $0xffff, v3  }
0x1a1: {  	s17 =	sadd.s32 $0x8A80, s7;
	s0 =	sor.u32 s10, s15;
	[tilespmem:s16+$0x0] =	vst.add.f32.msk $0xffff, v4  }
0x1a2: {  	s18 =	sor.u32 s5, s17;
	[tilespmem:s0+$0x0] =	vst.add.f32.msk $0xffff, v3  }
0x1a3: {  	s19 =	sadd.s32 $0x8B00, s7;
	s1 =	sor.u32 s10, s17;
	[tilespmem:s18+$0x0] =	vst.add.f32.msk $0xffff, v4  }
0x1a4: {  	s20 =	sor.u32 s5, s19;
	[tilespmem:s1+$0x0] =	vst.add.f32.msk $0xffff, v3  }
0x1a5: {  	s21 =	sadd.s32 $0x8B80, s7;
	s0 =	sor.u32 s10, s19;
	[tilespmem:s20+$0x0] =	vst.add.f32.msk $0xffff, v4  }
0x1a6: {  	s22 =	sor.u32 s5, s21;
	[tilespmem:s0+$0x0] =	vst.add.f32.msk $0xffff, v3  }
0x1a7: {  	s23 =	sor.u32 $0xA000, s7;
	s1 =	sor.u32 s10, s21;
	[tilespmem:s22+$0x0] =	vst.add.f32.msk $0xffff, v4  }
0x1a8: {  	s24 =	sor.u32 s5, s23;
	[tilespmem:s1+$0x0] =	vst.add.f32.msk $0xffff, v3  }
0x1a9: {  	s25 =	sor.u32 $0xA080, s7;
	s0 =	sor.u32 s10, s23;
	[tilespmem:s24+$0x0] =	vst.add.f32.msk $0xffff, v4  }
0x1aa: {  	s26 =	sor.u32 s5, s25;
	[tilespmem:s0+$0x0] =	vst.add.f32.msk $0xffff, v3  }
0x1ab: {  	s28 =	sor.u32 $0xA100, s7;
	s1 =	sor.u32 s10, s25;
	[tilespmem:s26+$0x0] =	vst.add.f32.msk $0xffff, v4  }
0x1ac: {  	s29 =	sor.u32 s5, s28;
	[tilespmem:s1+$0x0] =	vst.add.f32.msk $0xffff, v3  }
0x1ad: {  	s30 =	sor.u32 $0xA180, s7;
	s0 =	sor.u32 s10, s28;
	[tilespmem:s29+$0x0] =	vst.add.f32.msk $0xffff, v4  }
0x1ae: {  	s31 =	sor.u32 s5, s30;
	[tilespmem:s0+$0x0] =	vst.add.f32.msk $0xffff, v3  }
0x1af: {  	s4 =	sor.u32 $0xA200, s7;
	s1 =	sor.u32 s10, s30;
	[tilespmem:s31+$0x0] =	vst.add.f32.msk $0xffff, v4  }
0x1b0: {  	s6 =	sor.u32 s5, s4;
	[tilespmem:s1+$0x0] =	vst.add.f32.msk $0xffff, v3  }
0x1b1: {  	s8 =	sor.u32 $0xA280, s7;
	s0 =	sor.u32 s10, s4;
	[tilespmem:s6+$0x0] =	vst.add.f32.msk $0xffff, v4  }
0x1b2: {  	s9 =	sor.u32 s5, s8;
	[tilespmem:s0+$0x0] =	vst.add.f32.msk $0xffff, v3  }
0x1b3: {  	s11 =	sor.u32 $0xA300, s7;
	s1 =	sor.u32 s10, s8;
	[tilespmem:s9+$0x0] =	vst.add.f32.msk $0xffff, v4  }
0x1b4: {  	s12 =	sor.u32 s5, s11;
	[tilespmem:s1+$0x0] =	vst.add.f32.msk $0xffff, v3  }
0x1b5: {  	s13 =	sor.u32 $0xA380, s7;
	s0 =	sor.u32 s10, s11;
	[tilespmem:s12+$0x0] =	vst.add.f32.msk $0xffff, v4  }
0x1b6: {  	s14 =	sor.u32 s5, s13;
	[tilespmem:s0+$0x0] =	vst.add.f32.msk $0xffff, v3  }
0x1b7: {  	s15 =	sadd.s32 $0xB800, s7;
	s1 =	sor.u32 s10, s13;
	[tilespmem:s14+$0x0] =	vst.add.f32.msk $0xffff, v4  }
0x1b8: {  	s16 =	sor.u32 s5, s15;
	[tilespmem:s1+$0x0] =	vst.add.f32.msk $0xffff, v3  }
0x1b9: {  	s17 =	sadd.s32 $0xB880, s7;
	s0 =	sor.u32 s10, s15;
	[tilespmem:s16+$0x0] =	vst.add.f32.msk $0xffff, v4  }
0x1ba: {  	s18 =	sor.u32 s5, s17;
	[tilespmem:s0+$0x0] =	vst.add.f32.msk $0xffff, v3  }
0x1bb: {  	s19 =	sadd.s32 $0xB900, s7;
	s1 =	sor.u32 s10, s17;
	[tilespmem:s18+$0x0] =	vst.add.f32.msk $0xffff, v4  }
0x1bc: {  	s20 =	sor.u32 s5, s19;
	[tilespmem:s1+$0x0] =	vst.add.f32.msk $0xffff, v3  }
0x1bd: {  	s21 =	sadd.s32 $0xB980, s7;
	s0 =	sor.u32 s10, s19;
	[tilespmem:s20+$0x0] =	vst.add.f32.msk $0xffff, v4  }
0x1be: {  	s22 =	sor.u32 s5, s21;
	[tilespmem:s0+$0x0] =	vst.add.f32.msk $0xffff, v3  }
0x1bf: {  	s23 =	sadd.s32 $0xBA00, s7;
	s1 =	sor.u32 s10, s21;
	[tilespmem:s22+$0x0] =	vst.add.f32.msk $0xffff, v4  }
0x1c0: {  	s24 =	sor.u32 s5, s23;
	[tilespmem:s1+$0x0] =	vst.add.f32.msk $0xffff, v3  }
0x1c1: {  	s25 =	sadd.s32 $0xBA80, s7;
	s0 =	sor.u32 s10, s23;
	[tilespmem:s24+$0x0] =	vst.add.f32.msk $0xffff, v4  }
0x1c2: {  	s26 =	sor.u32 s5, s25;
	[tilespmem:s0+$0x0] =	vst.add.f32.msk $0xffff, v3  }
0x1c3: {  	s28 =	sadd.s32 $0xBB00, s7;
	s1 =	sor.u32 s10, s25;
	[tilespmem:s26+$0x0] =	vst.add.f32.msk $0xffff, v4  }
0x1c4: {  	s29 =	sor.u32 s5, s28;
	[tilespmem:s1+$0x0] =	vst.add.f32.msk $0xffff, v3  }
0x1c5: {  	s30 =	sadd.s32 $0xBB80, s7;
	s0 =	sor.u32 s10, s28;
	[tilespmem:s29+$0x0] =	vst.add.f32.msk $0xffff, v4  }
0x1c6: {  	s31 =	sor.u32 s5, s30;
	[tilespmem:s0+$0x0] =	vst.add.f32.msk $0xffff, v3  }
0x1c7: {  	s5 =	simm.s32 $0x20;
	s6 =	sor.u32 s10, s30;
	[tilespmem:s31+$0x0] =	vst.add.f32.msk $0xffff, v4  }
.LBB2_5:
0x1c8: {  	s0 =	sand.u32 $0x3E0, s5;
	[tilespmem:s6+$0x0] =	vst.add.f32.msk $0xffff, v3;
	s3 =	sadd.s32 $0x20, s3  }
0x1c9: {  	s1 =	smov.u32 s5;
	s2 =	sadd.s32 $0x100, s2;
	v4 =	vld [tilespmem:s0+$0xD00];
	[dreg:$0xb] =	wrdreg s3  }
0x1ca: {  	v3 =	vld [tilespmem:s3+$0x0];
	[dreg:$0x9] =	wrdreg s2;
	s10 =	sand.u32 $0x1C00, s2;
	s7 =	sand.u32 $0x60, s1  }
0x1cb: {  	s17 =	sadd.s32 $0x7000, s10;
	s18 =	sadd.s32 $0x7080, s10;
	s11 =	sor.u32 $0x10, s7  }
0x1cc: {  	s20 =	sadd.s32 $0x7100, s10;
	s4 =	sadd.s32 $0x7180, s10;
	s23 =	sadd.s32 $0x7200, s10  }
0x1cd: {  	s8 =	sadd.s32 $0x7280, s10;
	s9 =	sadd.s32 $0x7300, s10;
	s19 =	sor.u32 s7, s17  }
0x1ce: {  	s29 =	sadd.s32 $0x7380, s10;
	s30 =	sadd.s32 $0x8800, s10;
	s0 =	sor.u32 s11, s17;
	[tilespmem:s19+$0x0] =	vst.add.f32.msk $0xffff, v4  }
0x1cf: {  	s21 =	sor.u32 s7, s20;
	s3 =	sor.u32 s11, s20;
	s22 =	sor.u32 s7, s18;
	[tilespmem:s0+$0x0] =	vst.add.f32.msk $0xffff, v3  }
0x1d0: {  	s24 =	sor.u32 s11, s18;
	s25 =	sor.u32 s7, s4;
	s4 =	sor.u32 s11, s4;
	[tilespmem:s22+$0x0] =	vst.add.f32.msk $0xffff, v4  }
0x1d1: {  	s26 =	sor.u32 s7, s23;
	s6 =	sor.u32 s11, s23;
	s28 =	sor.u32 s7, s8;
	[tilespmem:s24+$0x0] =	vst.add.f32.msk $0xffff, v3  }
0x1d2: {  	s8 =	sor.u32 s11, s8;
	s12 =	sor.u32 s7, s9;
	s9 =	sor.u32 s11, s9;
	[tilespmem:s21+$0x0] =	vst.add.f32.msk $0xffff, v4  }
0x1d3: {  	s13 =	sor.u32 s7, s29;
	s14 =	sor.u32 s11, s29;
	s31 =	sor.u32 s7, s30;
	[tilespmem:s3+$0x0] =	vst.add.f32.msk $0xffff, v3  }
0x1d4: {  	s15 =	sor.u32 s11, s30;
	s20 =	sadd.s32 $0x8900, s10;
	s30 =	sor.u32 $0xA080, s10;
	[tilespmem:s25+$0x0] =	vst.add.f32.msk $0xffff, v4  }
0x1d5: {  	s18 =	sor.u32 s7, s20;
	s20 =	sor.u32 s11, s20;
	s19 =	sadd.s32 $0x8880, s10;
	[tilespmem:s4+$0x0] =	vst.add.f32.msk $0xffff, v3  }
0x1d6: {  	s16 =	sor.u32 s7, s19;
	s17 =	sor.u32 s11, s19;
	s22 =	sadd.s32 $0x8A00, s10;
	[tilespmem:s26+$0x0] =	vst.add.f32.msk $0xffff, v4  }
0x1d7: {  	s19 =	sor.u32 $0xA200, s10;
	s2 =	sor.u32 s7, s22;
	s1 =	sor.u32 s11, s22;
	[tilespmem:s6+$0x0] =	vst.add.f32.msk $0xffff, v3  }
0x1d8: {  	s24 =	sadd.s32 $0x8A80, s10;
	s22 =	sor.u32 $0xA280, s10;
	s21 =	sadd.s32 $0x8980, s10;
	[tilespmem:s28+$0x0] =	vst.add.f32.msk $0xffff, v4  }
0x1d9: {  	s0 =	sor.u32 s7, s24;
	s24 =	sor.u32 s11, s24;
	s23 =	sor.u32 s7, s21;
	[tilespmem:s8+$0x0] =	vst.add.f32.msk $0xffff, v3  }
0x1da: {  	s3 =	sor.u32 s11, s21;
	s25 =	sadd.s32 $0x8B00, s10;
	s26 =	sadd.s32 $0x8B80, s10;
	[tilespmem:s12+$0x0] =	vst.add.f32.msk $0xffff, v4  }
0x1db: {  	s21 =	sor.u32 s7, s25;
	s28 =	sor.u32 $0xA000, s10;
	s8 =	sor.u32 s11, s26;
	[tilespmem:s9+$0x0] =	vst.add.f32.msk $0xffff, v3  }
0x1dc: {  	s6 =	sor.u32 s7, s26;
	s29 =	sor.u32 s7, s28;
	[dreg:$0x1e] =	wrdreg s8;
	[tilespmem:s13+$0x0] =	vst.add.f32.msk $0xffff, v4  }
0x1dd: {  	s26 =	sor.u32 $0xA380, s10;
	[smem:$0x7E8] =	sst s29;
	s8 =	sor.u32 s11, s28;
	[tilespmem:s14+$0x0] =	vst.add.f32.msk $0xffff, v3  }
0x1de: {  	s12 =	sor.u32 $0xA100, s10;
	s28 =	sor.u32 s7, s26;
	s29 =	sadd.s32 $0xB800, s10;
	[tilespmem:s31+$0x0] =	vst.add.f32.msk $0xffff, v4  }
0x1df: {  	s9 =	sor.u32 s11, s25;
	[smem:$0x7E9] =	sst s8;
	s8 =	sor.u32 s11, s30;
	[tilespmem:s15+$0x0] =	vst.add.f32.msk $0xffff, v3  }
0x1e0: {  	s4 =	sor.u32 s11, s12;
	s25 =	sor.u32 $0xA300, s10;
	[smem:$0x7EB] =	sst s8;
	[tilespmem:s16+$0x0] =	vst.add.f32.msk $0xffff, v4  }
0x1e1: {  	s13 =	sor.u32 s7, s12;
	[smem:$0x7EC] =	sst s4;
	s4 =	sadd.s32 $0xB900, s10;
	[tilespmem:s17+$0x0] =	vst.add.f32.msk $0xffff, v3  }
0x1e2: {  	s12 =	sadd.s32 $0xB980, s10;
	s14 =	sor.u32 $0xA180, s10;
	s8 =	sor.u32 s7, s4;
	[tilespmem:s18+$0x0] =	vst.add.f32.msk $0xffff, v4  }
0x1e3: {  	s31 =	sor.u32 s7, s30;
	s30 =	sor.u32 s7, s29;
	s29 =	sor.u32 s11, s29;
	[tilespmem:s20+$0x0] =	vst.add.f32.msk $0xffff, v3  }
0x1e4: {  	[smem:$0x7EA] =	sst s31;
	s15 =	sor.u32 s7, s14;
	s14 =	sor.u32 s11, s14;
	[tilespmem:s23+$0x0] =	vst.add.f32.msk $0xffff, v4  }
0x1e5: {  	s31 =	sadd.s32 $0xB880, s10;
	s16 =	sor.u32 s11, s19;
	s17 =	sor.u32 s7, s19;
	[tilespmem:s3+$0x0] =	vst.add.f32.msk $0xffff, v3  }
0x1e6: {  	s19 =	sor.u32 s7, s22;
	s18 =	sor.u32 s11, s22;
	s22 =	sor.u32 s7, s25;
	[tilespmem:s2+$0x0] =	vst.add.f32.msk $0xffff, v4  }
0x1e7: {  	s20 =	sor.u32 s11, s25;
	s25 =	sor.u32 s7, s31;
	s31 =	sor.u32 s11, s31;
	[tilespmem:s1+$0x0] =	vst.add.f32.msk $0xffff, v3  }
0x1e8: {  	s23 =	sor.u32 s11, s26;
	s26 =	sor.u32 s11, s4;
	s2 =	sadd.s32 $0xBA00, s10;
	[tilespmem:s0+$0x0] =	vst.add.f32.msk $0xffff, v4  }
0x1e9: {  	s4 =	sor.u32 s7, s12;
	s12 =	sor.u32 s11, s12;
	s3 =	sor.u32 s7, s2;
	[tilespmem:s24+$0x0] =	vst.add.f32.msk $0xffff, v3  }
0x1ea: {  	s1 =	sadd.s32 $0xBA80, s10;
	s0 =	sadd.s32 $0xBB00, s10;
	s10 =	sadd.s32 $0xBB80, s10;
	[tilespmem:s21+$0x0] =	vst.add.f32.msk $0xffff, v4  }
0x1eb: {  	s24 =	sor.u32 s11, s2;
	s2 =	sor.u32 s7, s1;
	s21 =	sor.u32 s11, s1;
	[tilespmem:s9+$0x0] =	vst.add.f32.msk $0xffff, v3  }
0x1ec: {  	s9 =	sor.u32 s11, s0;
	[tilespmem:s6+$0x0] =	vst.add.f32.msk $0xffff, v4;
	s6 =	sor.u32 s11, s10;
	s11 =	rddreg [dreg:$0x1e]  }
0x1ed: {  	s1 =	sor.u32 s7, s0;
	s7 =	sor.u32 s7, s10;
	s10 =	sld [smem:$0x7E8]  }
0x1ee: {  	[tilespmem:s11+$0x0] =	vst.add.f32.msk $0xffff, v3;
	s11 =	sld [smem:$0x7E9];
	_ =	sdelay $0x1  }
0x1ef: {  	[tilespmem:s10+$0x0] =	vst.add.f32.msk $0xffff, v4;
	s10 =	sld [smem:$0x7EA]  }
0x1f0: {  	[tilespmem:s11+$0x0] =	vst.add.f32.msk $0xffff, v3;
	s11 =	sld [smem:$0x7EB];
	_ =	sdelay $0x1  }
0x1f1: {  	[tilespmem:s10+$0x0] =	vst.add.f32.msk $0xffff, v4  }
0x1f2: {  	[tilespmem:s11+$0x0] =	vst.add.f32.msk $0xffff, v3  }
0x1f3: {  	[tilespmem:s13+$0x0] =	vst.add.f32.msk $0xffff, v4;
	s13 =	sld [smem:$0x7EC];
	_ =	sdelay $0x2  }
0x1f4: {  	[tilespmem:s13+$0x0] =	vst.add.f32.msk $0xffff, v3  }
0x1f5: {  	[tilespmem:s15+$0x0] =	vst.add.f32.msk $0xffff, v4  }
0x1f6: {  	[tilespmem:s14+$0x0] =	vst.add.f32.msk $0xffff, v3  }
0x1f7: {  	[tilespmem:s17+$0x0] =	vst.add.f32.msk $0xffff, v4  }
0x1f8: {  	[tilespmem:s16+$0x0] =	vst.add.f32.msk $0xffff, v3  }
0x1f9: {  	[tilespmem:s19+$0x0] =	vst.add.f32.msk $0xffff, v4  }
0x1fa: {  	[tilespmem:s18+$0x0] =	vst.add.f32.msk $0xffff, v3  }
0x1fb: {  	[tilespmem:s22+$0x0] =	vst.add.f32.msk $0xffff, v4  }
0x1fc: {  	[tilespmem:s20+$0x0] =	vst.add.f32.msk $0xffff, v3  }
0x1fd: {  	[tilespmem:s28+$0x0] =	vst.add.f32.msk $0xffff, v4  }
0x1fe: {  	[tilespmem:s23+$0x0] =	vst.add.f32.msk $0xffff, v3  }
0x1ff: {  	[tilespmem:s30+$0x0] =	vst.add.f32.msk $0xffff, v4  }
0x200: {  	[tilespmem:s29+$0x0] =	vst.add.f32.msk $0xffff, v3  }
0x201: {  	[tilespmem:s25+$0x0] =	vst.add.f32.msk $0xffff, v4  }
0x202: {  	[tilespmem:s31+$0x0] =	vst.add.f32.msk $0xffff, v3  }
0x203: {  	[tilespmem:s8+$0x0] =	vst.add.f32.msk $0xffff, v4  }
0x204: {  	[tilespmem:s26+$0x0] =	vst.add.f32.msk $0xffff, v3  }
0x205: {  	[tilespmem:s4+$0x0] =	vst.add.f32.msk $0xffff, v4  }
0x206: {  	[tilespmem:s12+$0x0] =	vst.add.f32.msk $0xffff, v3  }
0x207: {  	[tilespmem:s3+$0x0] =	vst.add.f32.msk $0xffff, v4  }
0x208: {  	p1 =	sne.s32 s5, $0x2E0;
	[tilespmem:s24+$0x0] =	vst.add.f32.msk $0xffff, v3  }
.Ltmp1:
0x209: {  	[tilespmem:s2+$0x0] =	vst.add.f32.msk $0xffff, v4;
	(pc) =	sbr.rel @p1 .LBB2_5-.Ltmp1, $4  }
0x20a: {  	[tilespmem:s21+$0x0] =	vst.add.f32.msk $0xffff, v3  }
0x20b: {  	[tilespmem:s1+$0x0] =	vst.add.f32.msk $0xffff, v4  }
0x20c: {  	s3 =	rddreg [dreg:$0xb];
	[tilespmem:s9+$0x0] =	vst.add.f32.msk $0xffff, v3  }
0x20d: {  	s5 =	sadd.s32 $0x20, s5;
	s2 =	rddreg [dreg:$0x9];
	[tilespmem:s7+$0x0] =	vst.add.f32.msk $0xffff, v4  }
0x20e: {  	s0 =	sld [smem:$0x7FD]  }
0x20f: {  	s1 =	sld [smem:$0x7ED];
	_ =	sdelay $0x2  }
0x210: {  	[tilespmem:s6+$0x0] =	vst.add.f32.msk $0xffff, v3;
	s2 =	simm.s32 $0x0;
	s31 =	simm.s32 $0x7000;
	s0 =	sadd.s32 s0, s1  }
0x211: {  	[hbm4b:s0+s2] =	stream.linear.scatter [tilespmem:s31], [sflag:$0x3], $0x6000, $0x38;
	[tilespmem:$0x19E70] =	vst v63  }
0x212: {  	s0 =	sld [smem:$0x7F2];
	_ =	sdelay $0x2  }
0x213: {  	p1 =	seq.s32 s0, $0x12  }
.Ltmp2:
0x214: {  	_ = 	snop;
	(pc) =	sbr.rel @p1 .LBB2_8-.Ltmp2, $1  }
0x215: {  	_ =	sdelay $0x3  }
0x216: {  	s1 =	simm.s32 $0x3  }
0x217: {  	_ =	swait.ge [sflag:s1], $0x6000  }
0x218: {  	[sflag:s1] =	ssyncset.done $0x0  }
0x219: {  	[sflag:s1] =	ssyncadd.s32 $0xFFFFA000  }
0x21a: {  	_ =	swait.ge [sflag:s1], $0x6000  }
0x21b: {  	s0 =	sshll.u32 s0, $0x7;
	[sflag:s1] =	ssyncset.done $0x0  }
0x21c: {  	s0 =	sand.u32 $0x3FFFFF80, s0;
	[sflag:s1] =	ssyncadd.s32 $0xFFFFA000  }
0x21d: {  	v3 =	vld [tilespmem:s0+$0x80];
	_ =	sdelay $0x4  }
0x21e: {  	v4 =	vshrl.u32 v3, $0x3  }
0x21f: {  	v4 =	vmul.u32 $0x30, v4  }
0x220: {  	v3 =	vand.u32 $0x7, v3  }
0x221: {  	v3 =	vor.u32 v3, v4  }
0x222: {  	v4 =	vperm.xlane v3, v0;
	_ =	sdelay $0x1  }
0x223: {  	v4 =	vadd.s32 v1, v4;
	_ =	sdelay $0x2  }
0x224: {  	s8 =	sld [smem:$0x7F8]  }
0x225: {  	s3 =	simm.s32 $0x1000;
	s1 =	rddreg [dreg:$0x1];
	v3 =	vperm.xlane v3, v2  }
0x226: {  	[tilespmem:s3], [sflag:$0x1] =	stream.indirect_vreg.gather [hbm4b:s1+s2], $0x80, v4, vm0, $0xb8;
	[tilespmem:$0x19E70] =	vst v63  }
0x227: {  	s4 =	simm.s32 $0x1800;
	s9 =	sld [smem:$0x7F9];
	v3 =	vadd.s32 v1, v3  }
0x228: {  	[tilespmem:s4], [sflag:$0x1] =	stream.indirect_vreg.gather [hbm4b:s8+s2], $0x80, v4, vm0, $0xb8;
	[tilespmem:$0x19E70] =	vst v63  }
0x229: {  	s5 =	simm.s32 $0x2000  }
0x22a: {  	[tilespmem:s5], [sflag:$0x1] =	stream.indirect_vreg.gather [hbm4b:s9+s2], $0x80, v4, vm0, $0xb8;
	[tilespmem:$0x19E70] =	vst v63  }
0x22b: {  	s10 =	simm.s32 $0x2800  }
0x22c: {  	[tilespmem:s10], [sflag:$0x1] =	stream.indirect_vreg.gather [hbm4b:s1+s2], $0x80, v3, vm0, $0xb8;
	[tilespmem:$0x19E70] =	vst v63  }
0x22d: {  	s11 =	simm.s32 $0x3000  }
0x22e: {  	[tilespmem:s11], [sflag:$0x1] =	stream.indirect_vreg.gather [hbm4b:s8+s2], $0x80, v3, vm0, $0xb8;
	[tilespmem:$0x19E70] =	vst v63  }
0x22f: {  	s12 =	simm.s32 $0x3800  }
0x230: {  	[tilespmem:s12], [sflag:$0x1] =	stream.indirect_vreg.gather [hbm4b:s9+s2], $0x80, v3, vm0, $0xb8;
	[tilespmem:$0x19E70] =	vst v63  }
0x231: {  	v3 =	vld [tilespmem:s0+$0x90];
	_ =	sdelay $0x4  }
0x232: {  	v61 =	vshrl.u32 v3, $0x3  }
0x233: {  	v4 =	vmul.u32 $0x30, v61  }
0x234: {  	v3 =	vand.u32 $0x7, v3  }
0x235: {  	v3 =	vor.u32 v3, v4  }
0x236: {  	v4 =	vperm.xlane v3, v0;
	_ =	sdelay $0x1  }
0x237: {  	v4 =	vadd.s32 v1, v4;
	_ =	sdelay $0x3  }
0x238: {  	s13 =	simm.s32 $0x4000;
	v3 =	vperm.xlane v3, v2  }
0x239: {  	[tilespmem:s13], [sflag:$0x1] =	stream.indirect_vreg.gather [hbm4b:s1+s2], $0x80, v4, vm0, $0xb8;
	[tilespmem:$0x19E70] =	vst v63  }
0x23a: {  	s14 =	simm.s32 $0x4800;
	v3 =	vadd.s32 v1, v3  }
0x23b: {  	[tilespmem:s14], [sflag:$0x1] =	stream.indirect_vreg.gather [hbm4b:s8+s2], $0x80, v4, vm0, $0xb8;
	[tilespmem:$0x19E70] =	vst v63  }
0x23c: {  	s15 =	simm.s32 $0x5000  }
0x23d: {  	[tilespmem:s15], [sflag:$0x1] =	stream.indirect_vreg.gather [hbm4b:s9+s2], $0x80, v4, vm0, $0xb8;
	[tilespmem:$0x19E70] =	vst v63  }
0x23e: {  	s16 =	simm.s32 $0x5800  }
0x23f: {  	[tilespmem:s16], [sflag:$0x1] =	stream.indirect_vreg.gather [hbm4b:s1+s2], $0x80, v3, vm0, $0xb8;
	[tilespmem:$0x19E70] =	vst v63  }
0x240: {  	s17 =	simm.s32 $0x6000  }
0x241: {  	[tilespmem:s17], [sflag:$0x1] =	stream.indirect_vreg.gather [hbm4b:s8+s2], $0x80, v3, vm0, $0xb8;
	[tilespmem:$0x19E70] =	vst v63  }
0x242: {  	s18 =	simm.s32 $0x6800  }
0x243: {  	[tilespmem:s18], [sflag:$0x1] =	stream.indirect_vreg.gather [hbm4b:s9+s2], $0x80, v3, vm0, $0xb8;
	[tilespmem:$0x19E70] =	vst v63  }
0x244: {  	v3 =	vld [tilespmem:s0+$0xA0];
	_ =	sdelay $0x4  }
0x245: {  	v62 =	vshrl.u32 v3, $0x3  }
0x246: {  	v4 =	vmul.u32 $0x30, v62  }
0x247: {  	v3 =	vand.u32 $0x7, v3  }
0x248: {  	v3 =	vor.u32 v3, v4  }
0x249: {  	v4 =	vperm.xlane v3, v0;
	_ =	sdelay $0x1  }
0x24a: {  	v4 =	vadd.s32 v1, v4;
	_ =	sdelay $0x3  }
0x24b: {  	s19 =	simm.s32 $0x7000;
	v3 =	vperm.xlane v3, v2  }
0x24c: {  	[tilespmem:s19], [sflag:$0x1] =	stream.indirect_vreg.gather [hbm4b:s1+s2], $0x80, v4, vm0, $0xb8;
	[tilespmem:$0x19E70] =	vst v63  }
0x24d: {  	s20 =	simm.s32 $0x7800;
	v3 =	vadd.s32 v1, v3  }
0x24e: {  	[tilespmem:s20], [sflag:$0x1] =	stream.indirect_vreg.gather [hbm4b:s8+s2], $0x80, v4, vm0, $0xb8;
	[tilespmem:$0x19E70] =	vst v63  }
0x24f: {  	s21 =	simm.s32 $0x8000  }
0x250: {  	[tilespmem:s21], [sflag:$0x1] =	stream.indirect_vreg.gather [hbm4b:s9+s2], $0x80, v4, vm0, $0xb8;
	[tilespmem:$0x19E70] =	vst v63  }
0x251: {  	s22 =	simm.s32 $0x8800  }
0x252: {  	[tilespmem:s22], [sflag:$0x1] =	stream.indirect_vreg.gather [hbm4b:s1+s2], $0x80, v3, vm0, $0xb8;
	[tilespmem:$0x19E70] =	vst v63  }
0x253: {  	s23 =	simm.s32 $0x9000  }
0x254: {  	[tilespmem:s23], [sflag:$0x1] =	stream.indirect_vreg.gather [hbm4b:s8+s2], $0x80, v3, vm0, $0xb8;
	[tilespmem:$0x19E70] =	vst v63  }
0x255: {  	s24 =	simm.s32 $0x9800  }
0x256: {  	[tilespmem:s24], [sflag:$0x1] =	stream.indirect_vreg.gather [hbm4b:s9+s2], $0x80, v3, vm0, $0xb8;
	[tilespmem:$0x19E70] =	vst v63  }
0x257: {  	v3 =	vld [tilespmem:s0+$0xB0];
	_ =	sdelay $0x4  }
0x258: {  	v63 =	vshrl.u32 v3, $0x3  }
0x259: {  	v4 =	vmul.u32 $0x30, v63  }
0x25a: {  	v3 =	vand.u32 $0x7, v3  }
0x25b: {  	v3 =	vor.u32 v3, v4  }
0x25c: {  	v4 =	vperm.xlane v3, v0;
	_ =	sdelay $0x1  }
0x25d: {  	v4 =	vadd.s32 v1, v4;
	_ =	sdelay $0x3  }
0x25e: {  	s25 =	simm.s32 $0xA000;
	v3 =	vperm.xlane v3, v2  }
0x25f: {  	[tilespmem:s25], [sflag:$0x1] =	stream.indirect_vreg.gather [hbm4b:s1+s2], $0x80, v4, vm0, $0xb8;
	[tilespmem:$0x19E70] =	vst v63  }
0x260: {  	s26 =	simm.s32 $0xA800;
	v3 =	vadd.s32 v1, v3  }
0x261: {  	[tilespmem:s26], [sflag:$0x1] =	stream.indirect_vreg.gather [hbm4b:s8+s2], $0x80, v4, vm0, $0xb8;
	[tilespmem:$0x19E70] =	vst v63  }
0x262: {  	s28 =	simm.s32 $0xB000  }
0x263: {  	[tilespmem:s28], [sflag:$0x1] =	stream.indirect_vreg.gather [hbm4b:s9+s2], $0x80, v4, vm0, $0xb8;
	[tilespmem:$0x19E70] =	vst v63  }
0x264: {  	s29 =	simm.s32 $0xB800  }
0x265: {  	[tilespmem:s29], [sflag:$0x1] =	stream.indirect_vreg.gather [hbm4b:s1+s2], $0x80, v3, vm0, $0xb8;
	[tilespmem:$0x19E70] =	vst v63  }
0x266: {  	s30 =	simm.s32 $0xC000  }
0x267: {  	[tilespmem:s30], [sflag:$0x1] =	stream.indirect_vreg.gather [hbm4b:s8+s2], $0x80, v3, vm0, $0xb8;
	[tilespmem:$0x19E70] =	vst v63  }
0x268: {  	s31 =	simm.s32 $0xC800  }
0x269: {  	[tilespmem:s31], [sflag:$0x1] =	stream.indirect_vreg.gather [hbm4b:s9+s2], $0x80, v3, vm0, $0xb8;
	[tilespmem:$0x19E70] =	vst v63  }
.LBB2_8:
0x26a: {  	s0 =	sld [smem:$0x7F3];
	_ =	sdelay $0x2  }
0x26b: {  	s0 =	sor.u32 $0x1, s0  }
0x26c: {  	[smem:$0x7E7] =	sst s0;
	s0 =	smul.u32 $0x1800, s0  }
0x26d: {  	_ = 	snop  }
0x26e: {  	s1 =	rddreg [dreg:$0x3];
	s0 =	sshra.s32 s0, $0x2  }
0x26f: {  	s3 =	simm.s32 $0xA00;
	s14 =	simm.s32 $0x5;
	s0 =	sadd.s32 s0, s1  }
0x270: {  	[tilespmem:s3], [sflag:$0x5] =	stream.linear.gather [spmem:s0], $0x600, $0x38;
	[tilespmem:$0x19E70] =	vst v63  }
0x271: {  	_ =	swait.ge [sflag:s14], $0x600  }
0x272: {  	[sflag:s14] =	ssyncset.done $0x0  }
0x273: {  	s15 =	simm.s32 $0x2;
	[sflag:s14] =	ssyncadd.s32 $0xFFFFFA00  }
0x274: {  	s4 =	simm.s32 $0x0;
	_ =	swait.ge [sflag:s15], $0xC000  }
0x275: {  	s1 =	sand.u32 $0x60, s4;
	[sflag:s15] =	ssyncset.done $0x0  }
0x276: {  	s16 =	sand.u32 $0x380, s4;
	s5 =	sor.u32 $0x10, s1;
	[sflag:s15] =	ssyncadd.s32 $0xFFFF4000  }
0x277: {  	s0 =	sor.u32 s5, s16;
	v4 =	vld [tilespmem:s3+$0x0]  }
0x278: {  	v3 =	vld [tilespmem:s0+$0xA00]  }
0x279: {  	s7 =	sand.u32 $0x1C00, s4  }
0x27a: {  	s17 =	sadd.s32 $0xD000, s7  }
0x27b: {  	s2 =	sor.u32 s1, s17  }
0x27c: {  	s18 =	sadd.s32 $0xD080, s7;
	s0 =	sor.u32 s5, s17;
	[tilespmem:s2+$0x0] =	vst.add.f32.msk $0xffff, v4  }
0x27d: {  	s19 =	sor.u32 s1, s18;
	[tilespmem:s0+$0x0] =	vst.add.f32.msk $0xffff, v3  }
0x27e: {  	s20 =	sadd.s32 $0xD100, s7;
	s2 =	sor.u32 s5, s18;
	[tilespmem:s19+$0x0] =	vst.add.f32.msk $0xffff, v4  }
0x27f: {  	s21 =	sor.u32 s1, s20;
	[tilespmem:s2+$0x0] =	vst.add.f32.msk $0xffff, v3  }
0x280: {  	s22 =	sadd.s32 $0xD180, s7;
	s0 =	sor.u32 s5, s20;
	[tilespmem:s21+$0x0] =	vst.add.f32.msk $0xffff, v4  }
0x281: {  	s23 =	sor.u32 s1, s22;
	[tilespmem:s0+$0x0] =	vst.add.f32.msk $0xffff, v3  }
0x282: {  	s24 =	sadd.s32 $0xD200, s7;
	s2 =	sor.u32 s5, s22;
	[tilespmem:s23+$0x0] =	vst.add.f32.msk $0xffff, v4  }
0x283: {  	s25 =	sor.u32 s1, s24;
	[tilespmem:s2+$0x0] =	vst.add.f32.msk $0xffff, v3  }
0x284: {  	s26 =	sadd.s32 $0xD280, s7;
	s0 =	sor.u32 s5, s24;
	[tilespmem:s25+$0x0] =	vst.add.f32.msk $0xffff, v4  }
0x285: {  	s28 =	sor.u32 s1, s26;
	[tilespmem:s0+$0x0] =	vst.add.f32.msk $0xffff, v3  }
0x286: {  	s29 =	sadd.s32 $0xD300, s7;
	s2 =	sor.u32 s5, s26;
	[tilespmem:s28+$0x0] =	vst.add.f32.msk $0xffff, v4  }
0x287: {  	s30 =	sor.u32 s1, s29;
	[tilespmem:s2+$0x0] =	vst.add.f32.msk $0xffff, v3  }
0x288: {  	s31 =	sadd.s32 $0xD380, s7;
	s0 =	sor.u32 s5, s29;
	[tilespmem:s30+$0x0] =	vst.add.f32.msk $0xffff, v4  }
0x289: {  	s6 =	sor.u32 s1, s31;
	[tilespmem:s0+$0x0] =	vst.add.f32.msk $0xffff, v3  }
0x28a: {  	s8 =	sadd.s32 $0xE800, s7;
	s2 =	sor.u32 s5, s31;
	[tilespmem:s6+$0x0] =	vst.add.f32.msk $0xffff, v4  }
0x28b: {  	s9 =	sor.u32 s1, s8;
	[tilespmem:s2+$0x0] =	vst.add.f32.msk $0xffff, v3  }
0x28c: {  	s10 =	sadd.s32 $0xE880, s7;
	s0 =	sor.u32 s5, s8;
	[tilespmem:s9+$0x0] =	vst.add.f32.msk $0xffff, v4  }
0x28d: {  	s11 =	sor.u32 s1, s10;
	[tilespmem:s0+$0x0] =	vst.add.f32.msk $0xffff, v3  }
0x28e: {  	s12 =	sadd.s32 $0xE900, s7;
	s2 =	sor.u32 s5, s10;
	[tilespmem:s11+$0x0] =	vst.add.f32.msk $0xffff, v4  }
0x28f: {  	s13 =	sor.u32 s1, s12;
	[tilespmem:s2+$0x0] =	vst.add.f32.msk $0xffff, v3  }
0x290: {  	s14 =	sadd.s32 $0xE980, s7;
	s0 =	sor.u32 s5, s12;
	[tilespmem:s13+$0x0] =	vst.add.f32.msk $0xffff, v4  }
0x291: {  	s15 =	sor.u32 s1, s14;
	[tilespmem:s0+$0x0] =	vst.add.f32.msk $0xffff, v3  }
0x292: {  	s16 =	sadd.s32 $0xEA00, s7;
	s2 =	sor.u32 s5, s14;
	[tilespmem:s15+$0x0] =	vst.add.f32.msk $0xffff, v4  }
0x293: {  	s17 =	sor.u32 s1, s16;
	[tilespmem:s2+$0x0] =	vst.add.f32.msk $0xffff, v3  }
0x294: {  	s18 =	sadd.s32 $0xEA80, s7;
	s0 =	sor.u32 s5, s16;
	[tilespmem:s17+$0x0] =	vst.add.f32.msk $0xffff, v4  }
0x295: {  	s19 =	sor.u32 s1, s18;
	[tilespmem:s0+$0x0] =	vst.add.f32.msk $0xffff, v3  }
0x296: {  	s20 =	sadd.s32 $0xEB00, s7;
	s2 =	sor.u32 s5, s18;
	[tilespmem:s19+$0x0] =	vst.add.f32.msk $0xffff, v4  }
0x297: {  	s21 =	sor.u32 s1, s20;
	[tilespmem:s2+$0x0] =	vst.add.f32.msk $0xffff, v3  }
0x298: {  	s22 =	sadd.s32 $0xEB80, s7;
	s0 =	sor.u32 s5, s20;
	[tilespmem:s21+$0x0] =	vst.add.f32.msk $0xffff, v4  }
0x299: {  	s23 =	sor.u32 s1, s22;
	[tilespmem:s0+$0x0] =	vst.add.f32.msk $0xffff, v3  }
0x29a: {  	s24 =	sor.u32 $0x10000, s7;
	s2 =	sor.u32 s5, s22;
	[tilespmem:s23+$0x0] =	vst.add.f32.msk $0xffff, v4  }
0x29b: {  	s25 =	sor.u32 s1, s24;
	[tilespmem:s2+$0x0] =	vst.add.f32.msk $0xffff, v3  }
0x29c: {  	s26 =	sor.u32 $0x10080, s7;
	s0 =	sor.u32 s5, s24;
	[tilespmem:s25+$0x0] =	vst.add.f32.msk $0xffff, v4  }
0x29d: {  	s28 =	sor.u32 s1, s26;
	[tilespmem:s0+$0x0] =	vst.add.f32.msk $0xffff, v3  }
0x29e: {  	s29 =	sor.u32 $0x10100, s7;
	s2 =	sor.u32 s5, s26;
	[tilespmem:s28+$0x0] =	vst.add.f32.msk $0xffff, v4  }
0x29f: {  	s30 =	sor.u32 s1, s29;
	[tilespmem:s2+$0x0] =	vst.add.f32.msk $0xffff, v3  }
0x2a0: {  	s31 =	sor.u32 $0x10180, s7;
	s0 =	sor.u32 s5, s29;
	[tilespmem:s30+$0x0] =	vst.add.f32.msk $0xffff, v4  }
0x2a1: {  	s6 =	sor.u32 s1, s31;
	[tilespmem:s0+$0x0] =	vst.add.f32.msk $0xffff, v3  }
0x2a2: {  	s8 =	sor.u32 $0x10200, s7;
	s2 =	sor.u32 s5, s31;
	[tilespmem:s6+$0x0] =	vst.add.f32.msk $0xffff, v4  }
0x2a3: {  	s9 =	sor.u32 s1, s8;
	[tilespmem:s2+$0x0] =	vst.add.f32.msk $0xffff, v3  }
0x2a4: {  	s10 =	sor.u32 $0x10280, s7;
	s0 =	sor.u32 s5, s8;
	[tilespmem:s9+$0x0] =	vst.add.f32.msk $0xffff, v4  }
0x2a5: {  	s11 =	sor.u32 s1, s10;
	[tilespmem:s0+$0x0] =	vst.add.f32.msk $0xffff, v3  }
0x2a6: {  	s12 =	sor.u32 $0x10300, s7;
	s2 =	sor.u32 s5, s10;
	[tilespmem:s11+$0x0] =	vst.add.f32.msk $0xffff, v4  }
0x2a7: {  	s13 =	sor.u32 s1, s12;
	[tilespmem:s2+$0x0] =	vst.add.f32.msk $0xffff, v3  }
0x2a8: {  	s14 =	sor.u32 $0x10380, s7;
	s0 =	sor.u32 s5, s12;
	[tilespmem:s13+$0x0] =	vst.add.f32.msk $0xffff, v4  }
0x2a9: {  	s15 =	sor.u32 s1, s14;
	[tilespmem:s0+$0x0] =	vst.add.f32.msk $0xffff, v3  }
0x2aa: {  	s16 =	sadd.s32 $0x11800, s7;
	s2 =	sor.u32 s5, s14;
	[tilespmem:s15+$0x0] =	vst.add.f32.msk $0xffff, v4  }
0x2ab: {  	s17 =	sor.u32 s1, s16;
	[tilespmem:s2+$0x0] =	vst.add.f32.msk $0xffff, v3  }
0x2ac: {  	s18 =	sadd.s32 $0x11880, s7;
	s0 =	sor.u32 s5, s16;
	[tilespmem:s17+$0x0] =	vst.add.f32.msk $0xffff, v4  }
0x2ad: {  	s19 =	sor.u32 s1, s18;
	[tilespmem:s0+$0x0] =	vst.add.f32.msk $0xffff, v3  }
0x2ae: {  	s20 =	sadd.s32 $0x11900, s7;
	s2 =	sor.u32 s5, s18;
	[tilespmem:s19+$0x0] =	vst.add.f32.msk $0xffff, v4  }
0x2af: {  	s21 =	sor.u32 s1, s20;
	[tilespmem:s2+$0x0] =	vst.add.f32.msk $0xffff, v3  }
0x2b0: {  	s22 =	sadd.s32 $0x11980, s7;
	s0 =	sor.u32 s5, s20;
	[tilespmem:s21+$0x0] =	vst.add.f32.msk $0xffff, v4  }
0x2b1: {  	s23 =	sor.u32 s1, s22;
	[tilespmem:s0+$0x0] =	vst.add.f32.msk $0xffff, v3  }
0x2b2: {  	s24 =	sadd.s32 $0x11A00, s7;
	s2 =	sor.u32 s5, s22;
	[tilespmem:s23+$0x0] =	vst.add.f32.msk $0xffff, v4  }
0x2b3: {  	s25 =	sor.u32 s1, s24;
	[tilespmem:s2+$0x0] =	vst.add.f32.msk $0xffff, v3  }
0x2b4: {  	s26 =	sadd.s32 $0x11A80, s7;
	s0 =	sor.u32 s5, s24;
	[tilespmem:s25+$0x0] =	vst.add.f32.msk $0xffff, v4  }
0x2b5: {  	s28 =	sor.u32 s1, s26;
	[tilespmem:s0+$0x0] =	vst.add.f32.msk $0xffff, v3  }
0x2b6: {  	s29 =	sadd.s32 $0x11B00, s7;
	s2 =	sor.u32 s5, s26;
	[tilespmem:s28+$0x0] =	vst.add.f32.msk $0xffff, v4  }
0x2b7: {  	s30 =	sor.u32 s1, s29;
	[tilespmem:s2+$0x0] =	vst.add.f32.msk $0xffff, v3  }
0x2b8: {  	s31 =	sadd.s32 $0x11B80, s7;
	s0 =	sor.u32 s5, s29;
	[tilespmem:s30+$0x0] =	vst.add.f32.msk $0xffff, v4  }
0x2b9: {  	s10 =	sor.u32 s1, s31;
	s22 =	simm.s32 $0x20;
	s2 =	sor.u32 s5, s31;
	[tilespmem:s0+$0x0] =	vst.add.f32.msk $0xffff, v3  }
.LBB2_9:
0x2ba: {  	s5 =	sand.u32 $0x60, s22;
	[tilespmem:s10+$0x0] =	vst.add.f32.msk $0xffff, v4;
	s0 =	smov.u32 s22;
	s3 =	sadd.s32 $0x20, s3  }
0x2bb: {  	s4 =	sadd.s32 $0x100, s4;
	s7 =	sor.u32 $0x10, s5;
	s0 =	sand.u32 $0x380, s0;
	[tilespmem:s2+$0x0] =	vst.add.f32.msk $0xffff, v3  }
0x2bc: {  	[dreg:$0x5] =	wrdreg s3;
	s10 =	sand.u32 $0x1C00, s4;
	v4 =	vld [tilespmem:s3+$0x0];
	s0 =	sor.u32 s7, s0  }
0x2bd: {  	[dreg:$0x8] =	wrdreg s4;
	s23 =	sadd.s32 $0xD000, s10;
	v3 =	vld [tilespmem:s0+$0xA00]  }
0x2be: {  	s24 =	sadd.s32 $0xD080, s10;
	s25 =	sadd.s32 $0xD100, s10;
	s29 =	sadd.s32 $0xD180, s10  }
0x2bf: {  	s8 =	sadd.s32 $0xD200, s10;
	s9 =	sadd.s32 $0xD280, s10;
	s20 =	sadd.s32 $0xD300, s10  }
0x2c0: {  	s12 =	sadd.s32 $0xD380, s10;
	s13 =	sadd.s32 $0xE800, s10;
	s26 =	sor.u32 s5, s23  }
0x2c1: {  	s21 =	sadd.s32 $0xE880, s10;
	s0 =	sor.u32 s7, s23;
	s6 =	sor.u32 s5, s24;
	[tilespmem:s26+$0x0] =	vst.add.f32.msk $0xffff, v4  }
0x2c2: {  	s2 =	sor.u32 s7, s24;
	s28 =	sor.u32 s5, s25;
	s3 =	sor.u32 s7, s25;
	[tilespmem:s0+$0x0] =	vst.add.f32.msk $0xffff, v3  }
0x2c3: {  	s30 =	sor.u32 s5, s29;
	s11 =	sor.u32 s5, s8;
	s31 =	sor.u32 s7, s8;
	[tilespmem:s6+$0x0] =	vst.add.f32.msk $0xffff, v4  }
0x2c4: {  	s1 =	sor.u32 s5, s9;
	s9 =	sor.u32 s7, s9;
	s14 =	sor.u32 s5, s20;
	[tilespmem:s2+$0x0] =	vst.add.f32.msk $0xffff, v3  }
0x2c5: {  	s15 =	sor.u32 s7, s20;
	s16 =	sor.u32 s5, s12;
	s17 =	sor.u32 s7, s12;
	[tilespmem:s28+$0x0] =	vst.add.f32.msk $0xffff, v4  }
0x2c6: {  	s18 =	sor.u32 s5, s13;
	s13 =	sor.u32 s7, s13;
	s23 =	sadd.s32 $0xE900, s10;
	[tilespmem:s3+$0x0] =	vst.add.f32.msk $0xffff, v3  }
0x2c7: {  	s24 =	sadd.s32 $0xE980, s10;
	s19 =	sor.u32 s7, s21;
	s0 =	sor.u32 s7, s29;
	[tilespmem:s30+$0x0] =	vst.add.f32.msk $0xffff, v4  }
0x2c8: {  	s25 =	sadd.s32 $0xEA00, s10;
	s12 =	sor.u32 $0x10080, s10;
	s8 =	sadd.s32 $0x11A00, s10;
	[tilespmem:s0+$0x0] =	vst.add.f32.msk $0xffff, v3  }
0x2c9: {  	s20 =	sor.u32 s5, s23;
	s23 =	sor.u32 s7, s23;
	s4 =	sor.u32 s5, s25;
	[tilespmem:s11+$0x0] =	vst.add.f32.msk $0xffff, v4  }
0x2ca: {  	s26 =	sadd.s32 $0xEA80, s10;
	s29 =	sadd.s32 $0xEB80, s10;
	s6 =	sor.u32 s5, s24;
	[tilespmem:s31+$0x0] =	vst.add.f32.msk $0xffff, v3  }
0x2cb: {  	s2 =	sor.u32 s5, s29;
	s3 =	sor.u32 s7, s24;
	s24 =	sor.u32 s7, s29;
	[tilespmem:s1+$0x0] =	vst.add.f32.msk $0xffff, v4  }
0x2cc: {  	s28 =	sadd.s32 $0xEB00, s10;
	s29 =	sor.u32 s7, s12;
	[smem:$0x7E2] =	sst s24;
	[tilespmem:s9+$0x0] =	vst.add.f32.msk $0xffff, v3  }
0x2cd: {  	s30 =	sor.u32 s5, s26;
	[dreg:$0x1f] =	wrdreg s29;
	s29 =	sor.u32 $0x10380, s10;
	[tilespmem:s14+$0x0] =	vst.add.f32.msk $0xffff, v4  }
0x2ce: {  	s0 =	sor.u32 s7, s25;
	s31 =	sor.u32 $0x10000, s10;
	s1 =	sor.u32 s7, s28;
	[tilespmem:s15+$0x0] =	vst.add.f32.msk $0xffff, v3  }
0x2cf: {  	s11 =	sor.u32 s5, s21;
	s25 =	sor.u32 s5, s31;
	[smem:$0x7E1] =	sst s1;
	[tilespmem:s16+$0x0] =	vst.add.f32.msk $0xffff, v4  }
0x2d0: {  	s21 =	sor.u32 s7, s26;
	s26 =	sor.u32 s7, s31;
	[smem:$0x7E3] =	sst s25;
	[tilespmem:s17+$0x0] =	vst.add.f32.msk $0xffff, v3  }
0x2d1: {  	s31 =	sor.u32 $0x10100, s10;
	s9 =	sor.u32 s5, s28;
	[smem:$0x7E4] =	sst s26;
	[tilespmem:s18+$0x0] =	vst.add.f32.msk $0xffff, v4  }
0x2d2: {  	s28 =	sor.u32 s5, s12;
	s1 =	sor.u32 $0x10180, s10;
	s12 =	sor.u32 $0x10200, s10;
	[tilespmem:s13+$0x0] =	vst.add.f32.msk $0xffff, v3  }
0x2d3: {  	s25 =	sor.u32 $0x10280, s10;
	s26 =	sor.u32 $0x10300, s10;
	[smem:$0x7E5] =	sst s28;
	[tilespmem:s11+$0x0] =	vst.add.f32.msk $0xffff, v4  }
0x2d4: {  	s14 =	sor.u32 s5, s12;
	s24 =	sor.u32 s7, s12;
	s28 =	sor.u32 s5, s25;
	[tilespmem:s19+$0x0] =	vst.add.f32.msk $0xffff, v3  }
0x2d5: {  	s12 =	sor.u32 s7, s25;
	s15 =	sor.u32 s7, s31;
	s16 =	sor.u32 s7, s1;
	[tilespmem:s20+$0x0] =	vst.add.f32.msk $0xffff, v4  }
0x2d6: {  	s17 =	sor.u32 s5, s31;
	s31 =	sadd.s32 $0x11800, s10;
	s18 =	sor.u32 s7, s29;
	[tilespmem:s23+$0x0] =	vst.add.f32.msk $0xffff, v3  }
0x2d7: {  	s25 =	sor.u32 s7, s31;
	s13 =	sor.u32 s5, s1;
	s1 =	sadd.s32 $0x11880, s10;
	[tilespmem:s6+$0x0] =	vst.add.f32.msk $0xffff, v4  }
0x2d8: {  	s11 =	sor.u32 s5, s31;
	s31 =	sor.u32 s5, s1;
	s19 =	sor.u32 s5, s26;
	[tilespmem:s3+$0x0] =	vst.add.f32.msk $0xffff, v3  }
0x2d9: {  	s20 =	sor.u32 s5, s29;
	s29 =	sadd.s32 $0x11900, s10;
	s23 =	sor.u32 s7, s26;
	[tilespmem:s4+$0x0] =	vst.add.f32.msk $0xffff, v4  }
0x2da: {  	s26 =	sor.u32 s7, s1;
	s1 =	sadd.s32 $0x11A80, s10;
	s6 =	sadd.s32 $0x11980, s10;
	[tilespmem:s0+$0x0] =	vst.add.f32.msk $0xffff, v3  }
0x2db: {  	s3 =	sor.u32 s5, s6;
	s4 =	sor.u32 s7, s6;
	s6 =	sor.u32 s7, s8;
	[tilespmem:s30+$0x0] =	vst.add.f32.msk $0xffff, v4  }
0x2dc: {  	s30 =	sor.u32 s5, s8;
	s8 =	sor.u32 s5, s1;
	[tilespmem:s21+$0x0] =	vst.add.f32.msk $0xffff, v3;
	s21 =	sor.u32 s7, s1  }
0x2dd: {  	s1 =	sadd.s32 $0x11B00, s10;
	[tilespmem:s9+$0x0] =	vst.add.f32.msk $0xffff, v4;
	s9 =	sadd.s32 $0x11B80, s10;
	s10 =	sld [smem:$0x7E1]  }
0x2de: {  	_ =	sdelay $0x1  }
0x2df: {  	[smem:$0x7E6] =	sst s24;
	s24 =	sor.u32 s5, s29;
	s29 =	sor.u32 s7, s29;
	[tilespmem:s10+$0x0] =	vst.add.f32.msk $0xffff, v3  }
0x2e0: {  	s10 =	sor.u32 s5, s9;
	[tilespmem:s2+$0x0] =	vst.add.f32.msk $0xffff, v4;
	s2 =	sor.u32 s7, s9;
	s9 =	sld [smem:$0x7E2]  }
0x2e1: {  	s0 =	sor.u32 s5, s1;
	s1 =	sor.u32 s7, s1;
	s7 =	sld [smem:$0x7E3]  }
0x2e2: {  	_ = 	snop  }
0x2e3: {  	[tilespmem:s9+$0x0] =	vst.add.f32.msk $0xffff, v3;
	s9 =	sld [smem:$0x7E4]  }
0x2e4: {  	[tilespmem:s7+$0x0] =	vst.add.f32.msk $0xffff, v4;
	s7 =	sld [smem:$0x7E5];
	_ =	sdelay $0x1  }
0x2e5: {  	[tilespmem:s9+$0x0] =	vst.add.f32.msk $0xffff, v3  }
0x2e6: {  	s9 =	rddreg [dreg:$0x1f];
	[tilespmem:s7+$0x0] =	vst.add.f32.msk $0xffff, v4  }
0x2e7: {  	[tilespmem:s9+$0x0] =	vst.add.f32.msk $0xffff, v3  }
0x2e8: {  	[tilespmem:s17+$0x0] =	vst.add.f32.msk $0xffff, v4  }
0x2e9: {  	[tilespmem:s15+$0x0] =	vst.add.f32.msk $0xffff, v3  }
0x2ea: {  	s17 =	sld [smem:$0x7E6];
	[tilespmem:s13+$0x0] =	vst.add.f32.msk $0xffff, v4  }
0x2eb: {  	[tilespmem:s16+$0x0] =	vst.add.f32.msk $0xffff, v3  }
0x2ec: {  	[tilespmem:s14+$0x0] =	vst.add.f32.msk $0xffff, v4  }
0x2ed: {  	[tilespmem:s17+$0x0] =	vst.add.f32.msk $0xffff, v3  }
0x2ee: {  	[tilespmem:s28+$0x0] =	vst.add.f32.msk $0xffff, v4  }
0x2ef: {  	[tilespmem:s12+$0x0] =	vst.add.f32.msk $0xffff, v3  }
0x2f0: {  	[tilespmem:s19+$0x0] =	vst.add.f32.msk $0xffff, v4  }
0x2f1: {  	[tilespmem:s23+$0x0] =	vst.add.f32.msk $0xffff, v3  }
0x2f2: {  	[tilespmem:s20+$0x0] =	vst.add.f32.msk $0xffff, v4  }
0x2f3: {  	[tilespmem:s18+$0x0] =	vst.add.f32.msk $0xffff, v3  }
0x2f4: {  	[tilespmem:s11+$0x0] =	vst.add.f32.msk $0xffff, v4  }
0x2f5: {  	[tilespmem:s25+$0x0] =	vst.add.f32.msk $0xffff, v3  }
0x2f6: {  	[tilespmem:s31+$0x0] =	vst.add.f32.msk $0xffff, v4  }
0x2f7: {  	[tilespmem:s26+$0x0] =	vst.add.f32.msk $0xffff, v3  }
0x2f8: {  	[tilespmem:s24+$0x0] =	vst.add.f32.msk $0xffff, v4  }
0x2f9: {  	[tilespmem:s29+$0x0] =	vst.add.f32.msk $0xffff, v3  }
0x2fa: {  	[tilespmem:s3+$0x0] =	vst.add.f32.msk $0xffff, v4  }
0x2fb: {  	[tilespmem:s4+$0x0] =	vst.add.f32.msk $0xffff, v3  }
0x2fc: {  	p1 =	sne.s32 s22, $0x2E0;
	[tilespmem:s30+$0x0] =	vst.add.f32.msk $0xffff, v4  }
.Ltmp3:
0x2fd: {  	[tilespmem:s6+$0x0] =	vst.add.f32.msk $0xffff, v3;
	(pc) =	sbr.rel @p1 .LBB2_9-.Ltmp3, $4  }
0x2fe: {  	[tilespmem:s8+$0x0] =	vst.add.f32.msk $0xffff, v4  }
0x2ff: {  	[tilespmem:s21+$0x0] =	vst.add.f32.msk $0xffff, v3  }
0x300: {  	s3 =	rddreg [dreg:$0x5];
	[tilespmem:s0+$0x0] =	vst.add.f32.msk $0xffff, v4  }
0x301: {  	s22 =	sadd.s32 $0x20, s22;
	s4 =	rddreg [dreg:$0x8];
	[tilespmem:s1+$0x0] =	vst.add.f32.msk $0xffff, v3  }
0x302: {  	s0 =	sld [smem:$0x7E7]  }
0x303: {  	s1 =	sld [smem:$0x7F6];
	_ =	sdelay $0x1  }
0x304: {  	s0 =	sshll.u32 s0, $0xB  }
0x305: {  	s0 =	sor.u32 s1, s0  }
0x306: {  	s0 =	sshrl.u32 s0, $0x3  }
0x307: {  	[tilespmem:s10+$0x0] =	vst.add.f32.msk $0xffff, v4;
	s11 =	smul.u32 $0x300, s0  }
0x308: {  	s12 =	rddreg [dreg:$0x2];
	[tilespmem:s2+$0x0] =	vst.add.f32.msk $0xffff, v3;
	s2 =	simm.s32 $0x0  }
0x309: {  	s13 =	simm.s32 $0xD000;
	s14 =	sand.u32 $0x3E0, s2;
	s0 =	sadd.s32 s12, s11  }
0x30a: {  	[hbm4b:s0+s2] =	stream.linear.scatter [tilespmem:s13], [sflag:$0x4], $0x6000, $0x38;
	[tilespmem:$0x19E70] =	vst v63  }
0x30b: {  	s3 =	simm.s32 $0xD10;
	v4 =	vld [tilespmem:s14+$0xD00]  }
0x30c: {  	v3 =	vld [tilespmem:s3+$0x0]  }
0x30d: {  	s7 =	sand.u32 $0x1C00, s2  }
0x30e: {  	s5 =	sand.u32 $0x60, s2;
	s15 =	sadd.s32 $0x13000, s7  }
0x30f: {  	s10 =	sor.u32 $0x10, s5;
	s16 =	sor.u32 s5, s15  }
0x310: {  	s17 =	sadd.s32 $0x13080, s7;
	s0 =	sor.u32 s10, s15;
	[tilespmem:s16+$0x0] =	vst.add.f32.msk $0xffff, v4  }
0x311: {  	s18 =	sor.u32 s5, s17;
	[tilespmem:s0+$0x0] =	vst.add.f32.msk $0xffff, v3  }
0x312: {  	s19 =	sadd.s32 $0x13100, s7;
	s1 =	sor.u32 s10, s17;
	[tilespmem:s18+$0x0] =	vst.add.f32.msk $0xffff, v4  }
0x313: {  	s20 =	sor.u32 s5, s19;
	[tilespmem:s1+$0x0] =	vst.add.f32.msk $0xffff, v3  }
0x314: {  	s21 =	sadd.s32 $0x13180, s7;
	s0 =	sor.u32 s10, s19;
	[tilespmem:s20+$0x0] =	vst.add.f32.msk $0xffff, v4  }
0x315: {  	s22 =	sor.u32 s5, s21;
	[tilespmem:s0+$0x0] =	vst.add.f32.msk $0xffff, v3  }
0x316: {  	s23 =	sadd.s32 $0x13200, s7;
	s1 =	sor.u32 s10, s21;
	[tilespmem:s22+$0x0] =	vst.add.f32.msk $0xffff, v4  }
0x317: {  	s24 =	sor.u32 s5, s23;
	[tilespmem:s1+$0x0] =	vst.add.f32.msk $0xffff, v3  }
0x318: {  	s25 =	sadd.s32 $0x13280, s7;
	s0 =	sor.u32 s10, s23;
	[tilespmem:s24+$0x0] =	vst.add.f32.msk $0xffff, v4  }
0x319: {  	s26 =	sor.u32 s5, s25;
	[tilespmem:s0+$0x0] =	vst.add.f32.msk $0xffff, v3  }
0x31a: {  	s28 =	sadd.s32 $0x13300, s7;
	s1 =	sor.u32 s10, s25;
	[tilespmem:s26+$0x0] =	vst.add.f32.msk $0xffff, v4  }
0x31b: {  	s29 =	sor.u32 s5, s28;
	[tilespmem:s1+$0x0] =	vst.add.f32.msk $0xffff, v3  }
0x31c: {  	s30 =	sadd.s32 $0x13380, s7;
	s0 =	sor.u32 s10, s28;
	[tilespmem:s29+$0x0] =	vst.add.f32.msk $0xffff, v4  }
0x31d: {  	s31 =	sor.u32 s5, s30;
	[tilespmem:s0+$0x0] =	vst.add.f32.msk $0xffff, v3  }
0x31e: {  	s4 =	sadd.s32 $0x14800, s7;
	s1 =	sor.u32 s10, s30;
	[tilespmem:s31+$0x0] =	vst.add.f32.msk $0xffff, v4  }
0x31f: {  	s6 =	sor.u32 s5, s4;
	[tilespmem:s1+$0x0] =	vst.add.f32.msk $0xffff, v3  }
0x320: {  	s8 =	sadd.s32 $0x14880, s7;
	s0 =	sor.u32 s10, s4;
	[tilespmem:s6+$0x0] =	vst.add.f32.msk $0xffff, v4  }
0x321: {  	s9 =	sor.u32 s5, s8;
	[tilespmem:s0+$0x0] =	vst.add.f32.msk $0xffff, v3  }
0x322: {  	[smem:$0x7E0] =	sst s11;
	s11 =	sadd.s32 $0x14900, s7;
	s1 =	sor.u32 s10, s8;
	[tilespmem:s9+$0x0] =	vst.add.f32.msk $0xffff, v4  }
0x323: {  	s12 =	sor.u32 s5, s11;
	[tilespmem:s1+$0x0] =	vst.add.f32.msk $0xffff, v3  }
0x324: {  	s13 =	sadd.s32 $0x14980, s7;
	s0 =	sor.u32 s10, s11;
	[tilespmem:s12+$0x0] =	vst.add.f32.msk $0xffff, v4  }
0x325: {  	s14 =	sor.u32 s5, s13;
	[tilespmem:s0+$0x0] =	vst.add.f32.msk $0xffff, v3  }
0x326: {  	s15 =	sadd.s32 $0x14A00, s7;
	s1 =	sor.u32 s10, s13;
	[tilespmem:s14+$0x0] =	vst.add.f32.msk $0xffff, v4  }
0x327: {  	s16 =	sor.u32 s5, s15;
	[tilespmem:s1+$0x0] =	vst.add.f32.msk $0xffff, v3  }
0x328: {  	s17 =	sadd.s32 $0x14A80, s7;
	s0 =	sor.u32 s10, s15;
	[tilespmem:s16+$0x0] =	vst.add.f32.msk $0xffff, v4  }
0x329: {  	s18 =	sor.u32 s5, s17;
	[tilespmem:s0+$0x0] =	vst.add.f32.msk $0xffff, v3  }
0x32a: {  	s19 =	sadd.s32 $0x14B00, s7;
	s1 =	sor.u32 s10, s17;
	[tilespmem:s18+$0x0] =	vst.add.f32.msk $0xffff, v4  }
0x32b: {  	s20 =	sor.u32 s5, s19;
	[tilespmem:s1+$0x0] =	vst.add.f32.msk $0xffff, v3  }
0x32c: {  	s21 =	sadd.s32 $0x14B80, s7;
	s0 =	sor.u32 s10, s19;
	[tilespmem:s20+$0x0] =	vst.add.f32.msk $0xffff, v4  }
0x32d: {  	s22 =	sor.u32 s5, s21;
	[tilespmem:s0+$0x0] =	vst.add.f32.msk $0xffff, v3  }
0x32e: {  	s23 =	sor.u32 $0x16000, s7;
	s1 =	sor.u32 s10, s21;
	[tilespmem:s22+$0x0] =	vst.add.f32.msk $0xffff, v4  }
0x32f: {  	s24 =	sor.u32 s5, s23;
	[tilespmem:s1+$0x0] =	vst.add.f32.msk $0xffff, v3  }
0x330: {  	s25 =	sor.u32 $0x16080, s7;
	s0 =	sor.u32 s10, s23;
	[tilespmem:s24+$0x0] =	vst.add.f32.msk $0xffff, v4  }
0x331: {  	s26 =	sor.u32 s5, s25;
	[tilespmem:s0+$0x0] =	vst.add.f32.msk $0xffff, v3  }
0x332: {  	s28 =	sor.u32 $0x16100, s7;
	s1 =	sor.u32 s10, s25;
	[tilespmem:s26+$0x0] =	vst.add.f32.msk $0xffff, v4  }
0x333: {  	s29 =	sor.u32 s5, s28;
	[tilespmem:s1+$0x0] =	vst.add.f32.msk $0xffff, v3  }
0x334: {  	s30 =	sor.u32 $0x16180, s7;
	s0 =	sor.u32 s10, s28;
	[tilespmem:s29+$0x0] =	vst.add.f32.msk $0xffff, v4  }
0x335: {  	s31 =	sor.u32 s5, s30;
	[tilespmem:s0+$0x0] =	vst.add.f32.msk $0xffff, v3  }
0x336: {  	s4 =	sor.u32 $0x16200, s7;
	s1 =	sor.u32 s10, s30;
	[tilespmem:s31+$0x0] =	vst.add.f32.msk $0xffff, v4  }
0x337: {  	s6 =	sor.u32 s5, s4;
	[tilespmem:s1+$0x0] =	vst.add.f32.msk $0xffff, v3  }
0x338: {  	s8 =	sor.u32 $0x16280, s7;
	s0 =	sor.u32 s10, s4;
	[tilespmem:s6+$0x0] =	vst.add.f32.msk $0xffff, v4  }
0x339: {  	s9 =	sor.u32 s5, s8;
	[tilespmem:s0+$0x0] =	vst.add.f32.msk $0xffff, v3  }
0x33a: {  	s11 =	sor.u32 $0x16300, s7;
	s1 =	sor.u32 s10, s8;
	[tilespmem:s9+$0x0] =	vst.add.f32.msk $0xffff, v4  }
0x33b: {  	s12 =	sor.u32 s5, s11;
	[tilespmem:s1+$0x0] =	vst.add.f32.msk $0xffff, v3  }
0x33c: {  	s13 =	sor.u32 $0x16380, s7;
	s0 =	sor.u32 s10, s11;
	[tilespmem:s12+$0x0] =	vst.add.f32.msk $0xffff, v4  }
0x33d: {  	s14 =	sor.u32 s5, s13;
	[tilespmem:s0+$0x0] =	vst.add.f32.msk $0xffff, v3  }
0x33e: {  	s15 =	sadd.s32 $0x17800, s7;
	s1 =	sor.u32 s10, s13;
	[tilespmem:s14+$0x0] =	vst.add.f32.msk $0xffff, v4  }
0x33f: {  	s16 =	sor.u32 s5, s15;
	[tilespmem:s1+$0x0] =	vst.add.f32.msk $0xffff, v3  }
0x340: {  	s17 =	sadd.s32 $0x17880, s7;
	s0 =	sor.u32 s10, s15;
	[tilespmem:s16+$0x0] =	vst.add.f32.msk $0xffff, v4  }
0x341: {  	s18 =	sor.u32 s5, s17;
	[tilespmem:s0+$0x0] =	vst.add.f32.msk $0xffff, v3  }
0x342: {  	s19 =	sadd.s32 $0x17900, s7;
	s1 =	sor.u32 s10, s17;
	[tilespmem:s18+$0x0] =	vst.add.f32.msk $0xffff, v4  }
0x343: {  	s20 =	sor.u32 s5, s19;
	[tilespmem:s1+$0x0] =	vst.add.f32.msk $0xffff, v3  }
0x344: {  	s21 =	sadd.s32 $0x17980, s7;
	s0 =	sor.u32 s10, s19;
	[tilespmem:s20+$0x0] =	vst.add.f32.msk $0xffff, v4  }
0x345: {  	s22 =	sor.u32 s5, s21;
	[tilespmem:s0+$0x0] =	vst.add.f32.msk $0xffff, v3  }
0x346: {  	s23 =	sadd.s32 $0x17A00, s7;
	s1 =	sor.u32 s10, s21;
	[tilespmem:s22+$0x0] =	vst.add.f32.msk $0xffff, v4  }
0x347: {  	s24 =	sor.u32 s5, s23;
	[tilespmem:s1+$0x0] =	vst.add.f32.msk $0xffff, v3  }
0x348: {  	s25 =	sadd.s32 $0x17A80, s7;
	s0 =	sor.u32 s10, s23;
	[tilespmem:s24+$0x0] =	vst.add.f32.msk $0xffff, v4  }
0x349: {  	s26 =	sor.u32 s5, s25;
	[tilespmem:s0+$0x0] =	vst.add.f32.msk $0xffff, v3  }
0x34a: {  	s28 =	sadd.s32 $0x17B00, s7;
	s1 =	sor.u32 s10, s25;
	[tilespmem:s26+$0x0] =	vst.add.f32.msk $0xffff, v4  }
0x34b: {  	s29 =	sor.u32 s5, s28;
	[tilespmem:s1+$0x0] =	vst.add.f32.msk $0xffff, v3  }
0x34c: {  	s30 =	sadd.s32 $0x17B80, s7;
	s0 =	sor.u32 s10, s28;
	[tilespmem:s29+$0x0] =	vst.add.f32.msk $0xffff, v4  }
0x34d: {  	s31 =	sor.u32 s5, s30;
	[tilespmem:s0+$0x0] =	vst.add.f32.msk $0xffff, v3  }
0x34e: {  	s5 =	simm.s32 $0x20;
	s6 =	sor.u32 s10, s30;
	[tilespmem:s31+$0x0] =	vst.add.f32.msk $0xffff, v4  }
.LBB2_11:
0x34f: {  	s0 =	sand.u32 $0x3E0, s5;
	[tilespmem:s6+$0x0] =	vst.add.f32.msk $0xffff, v3  }
0x350: {  	s3 =	sadd.s32 $0x20, s3;
	s2 =	sadd.s32 $0x100, s2;
	v4 =	vld [tilespmem:s0+$0xD00]  }
0x351: {  	s1 =	smov.u32 s5;
	[dreg:$0xc] =	wrdreg s3;
	v3 =	vld [tilespmem:s3+$0x0];
	s10 =	sand.u32 $0x1C00, s2  }
0x352: {  	[dreg:$0xa] =	wrdreg s2;
	s7 =	sand.u32 $0x60, s1;
	s17 =	sadd.s32 $0x13000, s10  }
0x353: {  	s18 =	sadd.s32 $0x13080, s10;
	s11 =	sor.u32 $0x10, s7;
	s20 =	sadd.s32 $0x13100, s10  }
0x354: {  	s4 =	sadd.s32 $0x13180, s10;
	s23 =	sadd.s32 $0x13200, s10;
	s19 =	sor.u32 s7, s17  }
0x355: {  	s8 =	sadd.s32 $0x13280, s10;
	s9 =	sadd.s32 $0x13300, s10;
	s0 =	sor.u32 s11, s17;
	[tilespmem:s19+$0x0] =	vst.add.f32.msk $0xffff, v4  }
0x356: {  	s29 =	sadd.s32 $0x13380, s10;
	s30 =	sadd.s32 $0x14800, s10;
	s22 =	sor.u32 s7, s18;
	[tilespmem:s0+$0x0] =	vst.add.f32.msk $0xffff, v3  }
0x357: {  	s31 =	sadd.s32 $0x14880, s10;
	s21 =	sor.u32 s7, s20;
	s24 =	sor.u32 s11, s18;
	[tilespmem:s22+$0x0] =	vst.add.f32.msk $0xffff, v4  }
0x358: {  	s3 =	sor.u32 s11, s20;
	s25 =	sor.u32 s7, s4;
	s4 =	sor.u32 s11, s4;
	[tilespmem:s24+$0x0] =	vst.add.f32.msk $0xffff, v3  }
0x359: {  	s26 =	sor.u32 s7, s23;
	s6 =	sor.u32 s11, s23;
	s28 =	sor.u32 s7, s8;
	[tilespmem:s21+$0x0] =	vst.add.f32.msk $0xffff, v4  }
0x35a: {  	s8 =	sor.u32 s11, s8;
	s12 =	sor.u32 s7, s9;
	s9 =	sor.u32 s11, s9;
	[tilespmem:s3+$0x0] =	vst.add.f32.msk $0xffff, v3  }
0x35b: {  	s13 =	sor.u32 s7, s29;
	s14 =	sor.u32 s11, s29;
	s15 =	sor.u32 s11, s30;
	[tilespmem:s25+$0x0] =	vst.add.f32.msk $0xffff, v4  }
0x35c: {  	s16 =	sor.u32 s7, s31;
	s19 =	sadd.s32 $0x14980, s10;
	s22 =	sadd.s32 $0x14A80, s10;
	[tilespmem:s4+$0x0] =	vst.add.f32.msk $0xffff, v3  }
0x35d: {  	s17 =	sor.u32 s11, s31;
	s23 =	sor.u32 s7, s19;
	s0 =	sor.u32 s7, s22;
	[tilespmem:s26+$0x0] =	vst.add.f32.msk $0xffff, v4  }
0x35e: {  	s24 =	sadd.s32 $0x14B00, s10;
	s21 =	sadd.s32 $0x14A00, s10;
	s3 =	sadd.s32 $0x14900, s10;
	[tilespmem:s6+$0x0] =	vst.add.f32.msk $0xffff, v3  }
0x35f: {  	s2 =	sor.u32 s7, s21;
	s1 =	sor.u32 s11, s21;
	s21 =	sor.u32 s7, s24;
	[tilespmem:s28+$0x0] =	vst.add.f32.msk $0xffff, v4  }
0x360: {  	s18 =	sor.u32 s7, s3;
	s20 =	sor.u32 s11, s3;
	s3 =	sor.u32 s11, s19;
	[tilespmem:s8+$0x0] =	vst.add.f32.msk $0xffff, v3  }
0x361: {  	s25 =	sadd.s32 $0x14B80, s10;
	s4 =	sor.u32 s7, s30;
	s30 =	sor.u32 $0x16080, s10;
	[tilespmem:s12+$0x0] =	vst.add.f32.msk $0xffff, v4  }
0x362: {  	s19 =	sor.u32 $0x16200, s10;
	s26 =	sor.u32 s11, s22;
	s31 =	sor.u32 s7, s30;
	[tilespmem:s9+$0x0] =	vst.add.f32.msk $0xffff, v3  }
0x363: {  	s22 =	sor.u32 $0x16280, s10;
	s6 =	sor.u32 s7, s25;
	[smem:$0x7DD] =	sst s31;
	[tilespmem:s13+$0x0] =	vst.add.f32.msk $0xffff, v4  }
0x364: {  	s31 =	sadd.s32 $0x17880, s10;
	s28 =	sor.u32 $0x16000, s10;
	s8 =	sor.u32 s11, s25;
	[tilespmem:s14+$0x0] =	vst.add.f32.msk $0xffff, v3  }
0x365: {  	s29 =	sor.u32 s7, s28;
	s25 =	sor.u32 $0x16380, s10;
	[smem:$0x7DA] =	sst s8;
	[tilespmem:s4+$0x0] =	vst.add.f32.msk $0xffff, v4  }
0x366: {  	[smem:$0x7DB] =	sst s29;
	s8 =	sor.u32 s11, s28;
	s12 =	sor.u32 $0x16100, s10;
	[tilespmem:s15+$0x0] =	vst.add.f32.msk $0xffff, v3  }
0x367: {  	s28 =	sor.u32 s7, s25;
	s29 =	sadd.s32 $0x17800, s10;
	s9 =	sor.u32 s11, s24;
	[tilespmem:s16+$0x0] =	vst.add.f32.msk $0xffff, v4  }
0x368: {  	[smem:$0x7DC] =	sst s8;
	s8 =	sor.u32 s11, s30;
	s24 =	sor.u32 $0x16300, s10;
	[tilespmem:s17+$0x0] =	vst.add.f32.msk $0xffff, v3  }
0x369: {  	s30 =	sor.u32 s7, s29;
	s29 =	sor.u32 s11, s29;
	[smem:$0x7DE] =	sst s8;
	[tilespmem:s18+$0x0] =	vst.add.f32.msk $0xffff, v4  }
0x36a: {  	s13 =	sor.u32 s7, s12;
	s14 =	sor.u32 $0x16180, s10;
	s4 =	sor.u32 s11, s12;
	[tilespmem:s20+$0x0] =	vst.add.f32.msk $0xffff, v3  }
0x36b: {  	s12 =	sadd.s32 $0x17980, s10;
	[smem:$0x7DF] =	sst s4;
	s15 =	sor.u32 s7, s14;
	[tilespmem:s23+$0x0] =	vst.add.f32.msk $0xffff, v4  }
0x36c: {  	s14 =	sor.u32 s11, s14;
	s4 =	sadd.s32 $0x17900, s10;
	s16 =	sor.u32 s11, s19;
	[tilespmem:s3+$0x0] =	vst.add.f32.msk $0xffff, v3  }
0x36d: {  	s8 =	sor.u32 s7, s4;
	s17 =	sor.u32 s7, s19;
	s19 =	sor.u32 s7, s22;
	[tilespmem:s2+$0x0] =	vst.add.f32.msk $0xffff, v4  }
0x36e: {  	s18 =	sor.u32 s11, s22;
	s22 =	sor.u32 s7, s24;
	s20 =	sor.u32 s11, s24;
	[tilespmem:s1+$0x0] =	vst.add.f32.msk $0xffff, v3  }
0x36f: {  	s24 =	sor.u32 s7, s31;
	s31 =	sor.u32 s11, s31;
	s23 =	sor.u32 s11, s25;
	[tilespmem:s0+$0x0] =	vst.add.f32.msk $0xffff, v4  }
0x370: {  	s25 =	sor.u32 s11, s4;
	s4 =	sor.u32 s7, s12;
	s12 =	sor.u32 s11, s12;
	[tilespmem:s26+$0x0] =	vst.add.f32.msk $0xffff, v3  }
0x371: {  	s2 =	sadd.s32 $0x17A00, s10;
	s1 =	sadd.s32 $0x17A80, s10;
	s0 =	sadd.s32 $0x17B00, s10;
	[tilespmem:s21+$0x0] =	vst.add.f32.msk $0xffff, v4  }
0x372: {  	s10 =	sadd.s32 $0x17B80, s10;
	s26 =	sor.u32 s11, s2;
	s21 =	sor.u32 s11, s1;
	[tilespmem:s9+$0x0] =	vst.add.f32.msk $0xffff, v3  }
0x373: {  	s9 =	sor.u32 s11, s0;
	[tilespmem:s6+$0x0] =	vst.add.f32.msk $0xffff, v4;
	s6 =	sor.u32 s11, s10;
	s11 =	sld [smem:$0x7DA]  }
0x374: {  	s3 =	sor.u32 s7, s2;
	s2 =	sor.u32 s7, s1  }
0x375: {  	s1 =	sor.u32 s7, s0;
	s7 =	sor.u32 s7, s10;
	s10 =	sld [smem:$0x7DB]  }
0x376: {  	[tilespmem:s11+$0x0] =	vst.add.f32.msk $0xffff, v3;
	s11 =	sld [smem:$0x7DC];
	_ =	sdelay $0x1  }
0x377: {  	[tilespmem:s10+$0x0] =	vst.add.f32.msk $0xffff, v4;
	s10 =	sld [smem:$0x7DD]  }
0x378: {  	[tilespmem:s11+$0x0] =	vst.add.f32.msk $0xffff, v3;
	s11 =	sld [smem:$0x7DE];
	_ =	sdelay $0x1  }
0x379: {  	[tilespmem:s10+$0x0] =	vst.add.f32.msk $0xffff, v4  }
0x37a: {  	[tilespmem:s11+$0x0] =	vst.add.f32.msk $0xffff, v3  }
0x37b: {  	[tilespmem:s13+$0x0] =	vst.add.f32.msk $0xffff, v4;
	s13 =	sld [smem:$0x7DF];
	_ =	sdelay $0x2  }
0x37c: {  	[tilespmem:s13+$0x0] =	vst.add.f32.msk $0xffff, v3  }
0x37d: {  	[tilespmem:s15+$0x0] =	vst.add.f32.msk $0xffff, v4  }
0x37e: {  	[tilespmem:s14+$0x0] =	vst.add.f32.msk $0xffff, v3  }
0x37f: {  	[tilespmem:s17+$0x0] =	vst.add.f32.msk $0xffff, v4  }
0x380: {  	[tilespmem:s16+$0x0] =	vst.add.f32.msk $0xffff, v3  }
0x381: {  	[tilespmem:s19+$0x0] =	vst.add.f32.msk $0xffff, v4  }
0x382: {  	[tilespmem:s18+$0x0] =	vst.add.f32.msk $0xffff, v3  }
0x383: {  	[tilespmem:s22+$0x0] =	vst.add.f32.msk $0xffff, v4  }
0x384: {  	[tilespmem:s20+$0x0] =	vst.add.f32.msk $0xffff, v3  }
0x385: {  	[tilespmem:s28+$0x0] =	vst.add.f32.msk $0xffff, v4  }
0x386: {  	[tilespmem:s23+$0x0] =	vst.add.f32.msk $0xffff, v3  }
0x387: {  	[tilespmem:s30+$0x0] =	vst.add.f32.msk $0xffff, v4  }
0x388: {  	[tilespmem:s29+$0x0] =	vst.add.f32.msk $0xffff, v3  }
0x389: {  	[tilespmem:s24+$0x0] =	vst.add.f32.msk $0xffff, v4  }
0x38a: {  	[tilespmem:s31+$0x0] =	vst.add.f32.msk $0xffff, v3  }
0x38b: {  	[tilespmem:s8+$0x0] =	vst.add.f32.msk $0xffff, v4  }
0x38c: {  	[tilespmem:s25+$0x0] =	vst.add.f32.msk $0xffff, v3  }
0x38d: {  	[tilespmem:s4+$0x0] =	vst.add.f32.msk $0xffff, v4  }
0x38e: {  	[tilespmem:s12+$0x0] =	vst.add.f32.msk $0xffff, v3  }
0x38f: {  	[tilespmem:s3+$0x0] =	vst.add.f32.msk $0xffff, v4  }
0x390: {  	p1 =	sne.s32 s5, $0x2E0;
	[tilespmem:s26+$0x0] =	vst.add.f32.msk $0xffff, v3  }
.Ltmp4:
0x391: {  	[tilespmem:s2+$0x0] =	vst.add.f32.msk $0xffff, v4;
	(pc) =	sbr.rel @p1 .LBB2_11-.Ltmp4, $4  }
0x392: {  	[tilespmem:s21+$0x0] =	vst.add.f32.msk $0xffff, v3  }
0x393: {  	[tilespmem:s1+$0x0] =	vst.add.f32.msk $0xffff, v4  }
0x394: {  	s3 =	rddreg [dreg:$0xc];
	[tilespmem:s9+$0x0] =	vst.add.f32.msk $0xffff, v3  }
0x395: {  	s5 =	sadd.s32 $0x20, s5;
	s2 =	rddreg [dreg:$0xa];
	[tilespmem:s7+$0x0] =	vst.add.f32.msk $0xffff, v4  }
0x396: {  	s9 =	sld [smem:$0x7F2];
	_ =	sdelay $0x2  }
0x397: {  	s9 =	sadd.s32 $0x1, s9  }
0x398: {  	s0 =	sld [smem:$0x7FD];
	p1 =	sne.s32 s9, $0x13  }
.Ltmp5:
0x399: {  	s1 =	sld [smem:$0x7E0];
	(pc) =	sbr.rel @p1 .LBB2_2-.Ltmp5, $3  }
0x39a: {  	_ =	sdelay $0x1  }
0x39b: {  	[tilespmem:s6+$0x0] =	vst.add.f32.msk $0xffff, v3;
	s31 =	simm.s32 $0x0;
	s6 =	simm.s32 $0x13000;
	s0 =	sadd.s32 s0, s1  }
0x39c: {  	[hbm4b:s0+s31] =	stream.linear.scatter [tilespmem:s6], [sflag:$0x4], $0x6000, $0x38;
	[tilespmem:$0x19E70] =	vst v63  }
0x39d: {  	s0 =	simm.s32 $0x3  }
0x39e: {  	_ =	swait.ge [sflag:s0], $0x6000  }
0x39f: {  	[sflag:s0] =	ssyncset.done $0x0  }
0x3a0: {  	[sflag:s0] =	ssyncadd.s32 $0xFFFFA000  }
0x3a1: {  	_ =	swait.ge [sflag:s0], $0x6000  }
0x3a2: {  	[sflag:s0] =	ssyncset.done $0x0  }
0x3a3: {  	[sflag:s0] =	ssyncadd.s32 $0xFFFFA000  }
0x3a4: {  	v3 =	vld [tilespmem:$0x980];
	_ =	sdelay $0x4  }
0x3a5: {  	v4 =	vshrl.u32 v3, $0x3  }
0x3a6: {  	v4 =	vmul.u32 $0x30, v4  }
0x3a7: {  	v3 =	vand.u32 $0x7, v3  }
0x3a8: {  	v3 =	vor.u32 v3, v4  }
0x3a9: {  	v4 =	vperm.xlane v3, v0;
	_ =	sdelay $0x1  }
0x3aa: {  	v4 =	vadd.s32 v1, v4;
	_ =	sdelay $0x2  }
0x3ab: {  	s28 =	sld [smem:$0x7F8]  }
0x3ac: {  	s8 =	simm.s32 $0x0;
	s1 =	simm.s32 $0x1000;
	s0 =	rddreg [dreg:$0x1];
	v3 =	vperm.xlane v3, v2  }
0x3ad: {  	[tilespmem:s1], [sflag:$0x1] =	stream.indirect_vreg.gather [hbm4b:s0+s8], $0x80, v4, vm0, $0xb8;
	[tilespmem:$0x19E70] =	vst v63  }
0x3ae: {  	s2 =	simm.s32 $0x1800;
	s29 =	sld [smem:$0x7F9];
	v3 =	vadd.s32 v1, v3  }
0x3af: {  	[tilespmem:s2], [sflag:$0x1] =	stream.indirect_vreg.gather [hbm4b:s28+s8], $0x80, v4, vm0, $0xb8;
	[tilespmem:$0x19E70] =	vst v63  }
0x3b0: {  	s3 =	simm.s32 $0x2000  }
0x3b1: {  	[tilespmem:s3], [sflag:$0x1] =	stream.indirect_vreg.gather [hbm4b:s29+s8], $0x80, v4, vm0, $0xb8;
	[tilespmem:$0x19E70] =	vst v63  }
0x3b2: {  	s30 =	simm.s32 $0x2800  }
0x3b3: {  	[tilespmem:s30], [sflag:$0x1] =	stream.indirect_vreg.gather [hbm4b:s0+s8], $0x80, v3, vm0, $0xb8;
	[tilespmem:$0x19E70] =	vst v63  }
0x3b4: {  	s31 =	simm.s32 $0x3000  }
0x3b5: {  	[tilespmem:s31], [sflag:$0x1] =	stream.indirect_vreg.gather [hbm4b:s28+s8], $0x80, v3, vm0, $0xb8;
	[tilespmem:$0x19E70] =	vst v63  }
0x3b6: {  	s4 =	simm.s32 $0x3800  }
0x3b7: {  	[tilespmem:s4], [sflag:$0x1] =	stream.indirect_vreg.gather [hbm4b:s29+s8], $0x80, v3, vm0, $0xb8;
	[tilespmem:$0x19E70] =	vst v63  }
0x3b8: {  	v3 =	vld [tilespmem:$0x990];
	_ =	sdelay $0x4  }
0x3b9: {  	v4 =	vshrl.u32 v3, $0x3  }
0x3ba: {  	v4 =	vmul.u32 $0x30, v4  }
0x3bb: {  	v3 =	vand.u32 $0x7, v3  }
0x3bc: {  	v3 =	vor.u32 v3, v4  }
0x3bd: {  	v4 =	vperm.xlane v3, v0;
	_ =	sdelay $0x1  }
0x3be: {  	v4 =	vadd.s32 v1, v4;
	_ =	sdelay $0x3  }
0x3bf: {  	s5 =	simm.s32 $0x4000;
	v3 =	vperm.xlane v3, v2  }
0x3c0: {  	[tilespmem:s5], [sflag:$0x1] =	stream.indirect_vreg.gather [hbm4b:s0+s8], $0x80, v4, vm0, $0xb8;
	[tilespmem:$0x19E70] =	vst v63  }
0x3c1: {  	s6 =	simm.s32 $0x4800;
	v3 =	vadd.s32 v1, v3  }
0x3c2: {  	[tilespmem:s6], [sflag:$0x1] =	stream.indirect_vreg.gather [hbm4b:s28+s8], $0x80, v4, vm0, $0xb8;
	[tilespmem:$0x19E70] =	vst v63  }
0x3c3: {  	s7 =	simm.s32 $0x5000  }
0x3c4: {  	[tilespmem:s7], [sflag:$0x1] =	stream.indirect_vreg.gather [hbm4b:s29+s8], $0x80, v4, vm0, $0xb8;
	[tilespmem:$0x19E70] =	vst v63  }
0x3c5: {  	s9 =	simm.s32 $0x5800  }
0x3c6: {  	[tilespmem:s9], [sflag:$0x1] =	stream.indirect_vreg.gather [hbm4b:s0+s8], $0x80, v3, vm0, $0xb8;
	[tilespmem:$0x19E70] =	vst v63  }
0x3c7: {  	s10 =	simm.s32 $0x6000  }
0x3c8: {  	[tilespmem:s10], [sflag:$0x1] =	stream.indirect_vreg.gather [hbm4b:s28+s8], $0x80, v3, vm0, $0xb8;
	[tilespmem:$0x19E70] =	vst v63  }
0x3c9: {  	s11 =	simm.s32 $0x6800;
	s12 =	sld [smem:$0x7FA]  }
0x3ca: {  	[tilespmem:s11], [sflag:$0x1] =	stream.indirect_vreg.gather [hbm4b:s29+s8], $0x80, v3, vm0, $0xb8;
	[tilespmem:$0x19E70] =	vst v63  }
0x3cb: {  	s13 =	simm.s32 $0x5;
	s6 =	simm.s32 $0xA00  }
0x3cc: {  	[tilespmem:s6], [sflag:$0x5] =	stream.linear.gather [spmem:s12], $0x300, $0x38;
	[tilespmem:$0x19E70] =	vst v63  }
0x3cd: {  	_ =	swait.ge [sflag:s13], $0x300  }
0x3ce: {  	[sflag:s13] =	ssyncset.done $0x0  }
0x3cf: {  	s14 =	simm.s32 $0x1;
	[sflag:s13] =	ssyncadd.s32 $0xFFFFFD00  }
0x3d0: {  	_ =	swait.ge [sflag:s14], $0x6000  }
0x3d1: {  	s1 =	sand.u32 $0x60, s8;
	[sflag:s14] =	ssyncset.done $0x0  }
0x3d2: {  	s15 =	sand.u32 $0x380, s8;
	s5 =	sor.u32 $0x10, s1;
	[sflag:s14] =	ssyncadd.s32 $0xFFFFA000  }
0x3d3: {  	s0 =	sor.u32 s5, s15;
	v4 =	vld [tilespmem:s6+$0x0]  }
0x3d4: {  	v3 =	vld [tilespmem:s0+$0xA00]  }
0x3d5: {  	s7 =	sand.u32 $0x1C00, s8  }
0x3d6: {  	s16 =	sadd.s32 $0x1000, s7  }
0x3d7: {  	s17 =	sor.u32 s1, s16  }
0x3d8: {  	s0 =	sor.u32 s5, s16;
	[tilespmem:s17+$0x0] =	vst.add.f32.msk $0xffff, v4  }
0x3d9: {  	s18 =	sor.u32 $0x80, s17;
	[tilespmem:s0+$0x0] =	vst.add.f32.msk $0xffff, v3  }
0x3da: {  	s19 =	sor.u32 $0x80, s0;
	[tilespmem:s18+$0x0] =	vst.add.f32.msk $0xffff, v4  }
0x3db: {  	s20 =	sor.u32 $0x100, s17;
	[tilespmem:s19+$0x0] =	vst.add.f32.msk $0xffff, v3  }
0x3dc: {  	s21 =	sor.u32 $0x100, s0;
	[tilespmem:s20+$0x0] =	vst.add.f32.msk $0xffff, v4  }
0x3dd: {  	s22 =	sor.u32 $0x180, s17;
	[tilespmem:s21+$0x0] =	vst.add.f32.msk $0xffff, v3  }
0x3de: {  	s23 =	sor.u32 $0x180, s0;
	[tilespmem:s22+$0x0] =	vst.add.f32.msk $0xffff, v4  }
0x3df: {  	s24 =	sor.u32 $0x200, s17;
	[tilespmem:s23+$0x0] =	vst.add.f32.msk $0xffff, v3  }
0x3e0: {  	s4 =	sand.u32 $0x3, s8;
	s25 =	sor.u32 $0x200, s0;
	[tilespmem:s24+$0x0] =	vst.add.f32.msk $0xffff, v4  }
0x3e1: {  	s26 =	sshll.u32 s4, $0x5;
	s2 =	sor.u32 $0x280, s17;
	[tilespmem:s25+$0x0] =	vst.add.f32.msk $0xffff, v3  }
0x3e2: {  	s28 =	sadd.s32 $0x0, s26;
	s0 =	sor.u32 $0x280, s0;
	[tilespmem:s2+$0x0] =	vst.add.f32.msk $0xffff, v4  }
0x3e3: {  	s29 =	sor.u32 $0x300, s28;
	s2 =	sadd.s32 $0x10, s28;
	[tilespmem:s0+$0x0] =	vst.add.f32.msk $0xffff, v3  }
0x3e4: {  	s31 =	sor.u32 s8, s8;
	s30 =	sor.u32 $0x300, s2;
	[tilespmem:s29+$0x1000] =	vst.add.f32.msk $0xffff, v4  }
0x3e5: {  	s3 =	sor.u32 $0x380, s31;
	[tilespmem:s30+$0x1000] =	vst.add.f32.msk $0xffff, v3  }
0x3e6: {  	s4 =	sadd.s32 $0x2800, s7;
	s2 =	sor.u32 $0x380, s2;
	[tilespmem:s3+$0x1000] =	vst.add.f32.msk $0xffff, v4  }
0x3e7: {  	s9 =	sor.u32 s1, s4;
	[tilespmem:s2+$0x1000] =	vst.add.f32.msk $0xffff, v3  }
0x3e8: {  	s10 =	sadd.s32 $0x2880, s7;
	s0 =	sor.u32 s5, s4;
	[tilespmem:s9+$0x0] =	vst.add.f32.msk $0xffff, v4  }
0x3e9: {  	s11 =	sor.u32 s1, s10;
	[tilespmem:s0+$0x0] =	vst.add.f32.msk $0xffff, v3  }
0x3ea: {  	s12 =	sadd.s32 $0x2900, s7;
	s2 =	sor.u32 s5, s10;
	[tilespmem:s11+$0x0] =	vst.add.f32.msk $0xffff, v4  }
0x3eb: {  	s13 =	sor.u32 s1, s12;
	[tilespmem:s2+$0x0] =	vst.add.f32.msk $0xffff, v3  }
0x3ec: {  	s14 =	sadd.s32 $0x2980, s7;
	s0 =	sor.u32 s5, s12;
	[tilespmem:s13+$0x0] =	vst.add.f32.msk $0xffff, v4  }
0x3ed: {  	s15 =	sor.u32 s1, s14;
	[tilespmem:s0+$0x0] =	vst.add.f32.msk $0xffff, v3  }
0x3ee: {  	s16 =	sadd.s32 $0x2A00, s7;
	s2 =	sor.u32 s5, s14;
	[tilespmem:s15+$0x0] =	vst.add.f32.msk $0xffff, v4  }
0x3ef: {  	s17 =	sor.u32 s1, s16;
	[tilespmem:s2+$0x0] =	vst.add.f32.msk $0xffff, v3  }
0x3f0: {  	s18 =	sadd.s32 $0x2A80, s7;
	s0 =	sor.u32 s5, s16;
	[tilespmem:s17+$0x0] =	vst.add.f32.msk $0xffff, v4  }
0x3f1: {  	s19 =	sor.u32 s1, s18;
	[tilespmem:s0+$0x0] =	vst.add.f32.msk $0xffff, v3  }
0x3f2: {  	s20 =	sadd.s32 $0x2B00, s7;
	s2 =	sor.u32 s5, s18;
	[tilespmem:s19+$0x0] =	vst.add.f32.msk $0xffff, v4  }
0x3f3: {  	s21 =	sor.u32 s1, s20;
	[tilespmem:s2+$0x0] =	vst.add.f32.msk $0xffff, v3  }
0x3f4: {  	s22 =	sadd.s32 $0x2B80, s7;
	s0 =	sor.u32 s5, s20;
	[tilespmem:s21+$0x0] =	vst.add.f32.msk $0xffff, v4  }
0x3f5: {  	s23 =	sor.u32 s1, s22;
	[tilespmem:s0+$0x0] =	vst.add.f32.msk $0xffff, v3  }
0x3f6: {  	s24 =	sor.u32 $0x4000, s7;
	s2 =	sor.u32 s5, s22;
	[tilespmem:s23+$0x0] =	vst.add.f32.msk $0xffff, v4  }
0x3f7: {  	s25 =	sor.u32 s1, s24;
	[tilespmem:s2+$0x0] =	vst.add.f32.msk $0xffff, v3  }
0x3f8: {  	s26 =	sor.u32 $0x4080, s7;
	s0 =	sor.u32 s5, s24;
	[tilespmem:s25+$0x0] =	vst.add.f32.msk $0xffff, v4  }
0x3f9: {  	s28 =	sor.u32 s1, s26;
	[tilespmem:s0+$0x0] =	vst.add.f32.msk $0xffff, v3  }
0x3fa: {  	s29 =	sor.u32 $0x4100, s7;
	s2 =	sor.u32 s5, s26;
	[tilespmem:s28+$0x0] =	vst.add.f32.msk $0xffff, v4  }
0x3fb: {  	s30 =	sor.u32 s1, s29;
	[tilespmem:s2+$0x0] =	vst.add.f32.msk $0xffff, v3  }
0x3fc: {  	s31 =	sor.u32 $0x4180, s7;
	s0 =	sor.u32 s5, s29;
	[tilespmem:s30+$0x0] =	vst.add.f32.msk $0xffff, v4  }
0x3fd: {  	s3 =	sor.u32 s1, s31;
	[tilespmem:s0+$0x0] =	vst.add.f32.msk $0xffff, v3  }
0x3fe: {  	s4 =	sor.u32 $0x4200, s7;
	s2 =	sor.u32 s5, s31;
	[tilespmem:s3+$0x0] =	vst.add.f32.msk $0xffff, v4  }
0x3ff: {  	s9 =	sor.u32 s1, s4;
	[tilespmem:s2+$0x0] =	vst.add.f32.msk $0xffff, v3  }
0x400: {  	s10 =	sor.u32 $0x4280, s7;
	s0 =	sor.u32 s5, s4;
	[tilespmem:s9+$0x0] =	vst.add.f32.msk $0xffff, v4  }
0x401: {  	s11 =	sor.u32 s1, s10;
	[tilespmem:s0+$0x0] =	vst.add.f32.msk $0xffff, v3  }
0x402: {  	s12 =	sor.u32 $0x4300, s7;
	s2 =	sor.u32 s5, s10;
	[tilespmem:s11+$0x0] =	vst.add.f32.msk $0xffff, v4  }
0x403: {  	s13 =	sor.u32 s1, s12;
	[tilespmem:s2+$0x0] =	vst.add.f32.msk $0xffff, v3  }
0x404: {  	s14 =	sor.u32 $0x4380, s7;
	s0 =	sor.u32 s5, s12;
	[tilespmem:s13+$0x0] =	vst.add.f32.msk $0xffff, v4  }
0x405: {  	s15 =	sor.u32 s1, s14;
	[tilespmem:s0+$0x0] =	vst.add.f32.msk $0xffff, v3  }
0x406: {  	s16 =	sadd.s32 $0x5800, s7;
	s2 =	sor.u32 s5, s14;
	[tilespmem:s15+$0x0] =	vst.add.f32.msk $0xffff, v4  }
0x407: {  	s17 =	sor.u32 s1, s16;
	[tilespmem:s2+$0x0] =	vst.add.f32.msk $0xffff, v3  }
0x408: {  	s18 =	sadd.s32 $0x5880, s7;
	s0 =	sor.u32 s5, s16;
	[tilespmem:s17+$0x0] =	vst.add.f32.msk $0xffff, v4  }
0x409: {  	s19 =	sor.u32 s1, s18;
	[tilespmem:s0+$0x0] =	vst.add.f32.msk $0xffff, v3  }
0x40a: {  	s20 =	sadd.s32 $0x5900, s7;
	s2 =	sor.u32 s5, s18;
	[tilespmem:s19+$0x0] =	vst.add.f32.msk $0xffff, v4  }
0x40b: {  	s21 =	sor.u32 s1, s20;
	[tilespmem:s2+$0x0] =	vst.add.f32.msk $0xffff, v3  }
0x40c: {  	s22 =	sadd.s32 $0x5980, s7;
	s0 =	sor.u32 s5, s20;
	[tilespmem:s21+$0x0] =	vst.add.f32.msk $0xffff, v4  }
0x40d: {  	s23 =	sor.u32 s1, s22;
	[tilespmem:s0+$0x0] =	vst.add.f32.msk $0xffff, v3  }
0x40e: {  	s24 =	sadd.s32 $0x5A00, s7;
	s2 =	sor.u32 s5, s22;
	[tilespmem:s23+$0x0] =	vst.add.f32.msk $0xffff, v4  }
0x40f: {  	s25 =	sor.u32 s1, s24;
	[tilespmem:s2+$0x0] =	vst.add.f32.msk $0xffff, v3  }
0x410: {  	s26 =	sadd.s32 $0x5A80, s7;
	s0 =	sor.u32 s5, s24;
	[tilespmem:s25+$0x0] =	vst.add.f32.msk $0xffff, v4  }
0x411: {  	s28 =	sor.u32 s1, s26;
	[tilespmem:s0+$0x0] =	vst.add.f32.msk $0xffff, v3  }
0x412: {  	s29 =	sadd.s32 $0x5B00, s7;
	s2 =	sor.u32 s5, s26;
	[tilespmem:s28+$0x0] =	vst.add.f32.msk $0xffff, v4  }
0x413: {  	s31 =	sadd.s32 $0x5B80, s7;
	s30 =	sor.u32 s1, s29;
	[tilespmem:s2+$0x0] =	vst.add.f32.msk $0xffff, v3  }
0x414: {  	s3 =	sor.u32 s1, s31;
	s0 =	sor.u32 s5, s29;
	[tilespmem:s30+$0x0] =	vst.add.f32.msk $0xffff, v4  }
0x415: {  	s1 =	simm.s32 $0x20;
	s2 =	sor.u32 s5, s31;
	s5 =	simm.s32 $0x0;
	[tilespmem:s0+$0x0] =	vst.add.f32.msk $0xffff, v3  }
.LBB2_14:
0x416: {  	s7 =	sand.u32 $0x60, s1;
	s22 =	smov.u32 s1  }
0x417: {  	s6 =	sadd.s32 $0x20, s6;
	s8 =	sadd.s32 $0x100, s8;
	s5 =	sadd.s32 $0x1, s5  }
0x418: {  	s10 =	sor.u32 $0x10, s7;
	s0 =	sand.u32 $0x380, s22;
	s11 =	sand.u32 $0x1C00, s8  }
0x419: {  	[tilespmem:s3+$0x0] =	vst.add.f32.msk $0xffff, v4;
	[dreg:$0x7] =	wrdreg s6;
	s0 =	sor.u32 s10, s0;
	s23 =	sadd.s32 $0x1000, s11  }
0x41a: {  	[tilespmem:s2+$0x0] =	vst.add.f32.msk $0xffff, v3;
	s24 =	sadd.s32 $0x2800, s11;
	s25 =	sadd.s32 $0x2880, s11;
	s12 =	sadd.s32 $0x2900, s11  }
0x41b: {  	v4 =	vld [tilespmem:s6+$0x0];
	s13 =	sadd.s32 $0x2980, s11;
	s30 =	sadd.s32 $0x2A00, s11;
	s31 =	sadd.s32 $0x2A80, s11  }
0x41c: {  	v3 =	vld [tilespmem:s0+$0xA00];
	s6 =	sor.u32 s7, s23;
	s9 =	sor.u32 s10, s23;
	s0 =	sor.u32 s7, s24  }
0x41d: {  	s4 =	sor.u32 s10, s24;
	s19 =	sor.u32 s7, s25;
	s2 =	sor.u32 s10, s25  }
0x41e: {  	s20 =	sor.u32 s7, s12;
	s3 =	sor.u32 s10, s12;
	s16 =	sor.u32 s7, s13  }
0x41f: {  	s18 =	sor.u32 s10, s13;
	s21 =	sor.u32 s10, s30;
	s23 =	sor.u32 s7, s31  }
0x420: {  	s24 =	sor.u32 s10, s31;
	s26 =	sor.u32 $0x80, s6;
	s14 =	sor.u32 $0x80, s9;
	[tilespmem:s6+$0x0] =	vst.add.f32.msk $0xffff, v4  }
0x421: {  	s28 =	sor.u32 $0x100, s6;
	s29 =	sor.u32 $0x100, s9;
	[dreg:$0x10] =	wrdreg s23;
	[tilespmem:s9+$0x0] =	vst.add.f32.msk $0xffff, v3  }
0x422: {  	s15 =	sor.u32 $0x180, s6;
	s17 =	sor.u32 $0x180, s9;
	[dreg:$0xe] =	wrdreg s24;
	[tilespmem:s26+$0x0] =	vst.add.f32.msk $0xffff, v4  }
0x423: {  	s25 =	sor.u32 $0x200, s6;
	s6 =	sor.u32 $0x280, s6;
	s26 =	sadd.s32 $0x2B00, s11;
	[tilespmem:s14+$0x0] =	vst.add.f32.msk $0xffff, v3  }
0x424: {  	s31 =	sor.u32 s10, s26;
	s14 =	sor.u32 $0x4100, s11;
	[tilespmem:s28+$0x0] =	vst.add.f32.msk $0xffff, v4;
	s28 =	sor.u32 s7, s30  }
0x425: {  	s30 =	sor.u32 $0x200, s9;
	[dreg:$0x14] =	wrdreg s31;
	[tilespmem:s29+$0x0] =	vst.add.f32.msk $0xffff, v3;
	s29 =	sadd.s32 $0x2B80, s11  }
0x426: {  	s9 =	sor.u32 $0x280, s9;
	[tilespmem:s15+$0x0] =	vst.add.f32.msk $0xffff, v4;
	s15 =	sand.u32 $0x3, s5;
	s23 =	sor.u32 s10, s29  }
0x427: {  	[tilespmem:s17+$0x0] =	vst.add.f32.msk $0xffff, v3;
	s17 =	sor.u32 s7, s26;
	s15 =	sshll.u32 s15, $0x5;
	[dreg:$0x18] =	wrdreg s23  }
0x428: {  	s26 =	sor.u32 $0x4000, s11;
	s23 =	sor.u32 s10, s14;
	[dreg:$0x12] =	wrdreg s17  }
0x429: {  	[tilespmem:s25+$0x0] =	vst.add.f32.msk $0xffff, v4;
	s13 =	sadd.s32 s15, s8;
	s15 =	sor.u32 s7, s29;
	s25 =	sor.u32 s8, s22  }
0x42a: {  	s31 =	sor.u32 s10, s26;
	s22 =	sor.u32 s7, s14;
	[smem:$0x7D8] =	sst s23;
	[tilespmem:s30+$0x0] =	vst.add.f32.msk $0xffff, v3  }
0x42b: {  	[dreg:$0x16] =	wrdreg s15;
	s17 =	sor.u32 $0x300, s13;
	s29 =	sor.u32 $0x380, s25;
	[tilespmem:s6+$0x0] =	vst.add.f32.msk $0xffff, v4  }
0x42c: {  	s30 =	sor.u32 s7, s26;
	[dreg:$0x1a] =	wrdreg s31;
	[tilespmem:s9+$0x0] =	vst.add.f32.msk $0xffff, v3;
	s9 =	sadd.s32 $0x10, s13  }
0x42d: {  	[smem:$0x7D7] =	sst s22;
	s25 =	sor.u32 $0x4200, s11;
	[tilespmem:s17+$0x1000] =	vst.add.f32.msk $0xffff, v4;
	s24 =	sor.u32 $0x300, s9  }
0x42e: {  	s14 =	sadd.s32 $0x5980, s11;
	[dreg:$0x1c] =	wrdreg s30;
	s26 =	sor.u32 s7, s25;
	[tilespmem:s24+$0x1000] =	vst.add.f32.msk $0xffff, v3  }
0x42f: {  	s30 =	sor.u32 $0x4300, s11;
	s13 =	sor.u32 $0x4080, s11;
	s12 =	sor.u32 $0x380, s9;
	[tilespmem:s29+$0x1000] =	vst.add.f32.msk $0xffff, v4  }
0x430: {  	s6 =	sadd.s32 $0x5880, s11;
	[smem:$0x7D9] =	sst s26;
	s15 =	sor.u32 s7, s13;
	[tilespmem:s12+$0x1000] =	vst.add.f32.msk $0xffff, v3  }
0x431: {  	s31 =	sor.u32 s7, s30;
	s17 =	sor.u32 s10, s13;
	[smem:$0x7D5] =	sst s15;
	[tilespmem:s0+$0x0] =	vst.add.f32.msk $0xffff, v4  }
0x432: {  	s26 =	sor.u32 s10, s6;
	s13 =	sadd.s32 $0x5900, s11;
	[smem:$0x7D6] =	sst s17;
	[tilespmem:s4+$0x0] =	vst.add.f32.msk $0xffff, v3  }
0x433: {  	s24 =	sor.u32 $0x4180, s11;
	s15 =	sadd.s32 $0x5A00, s11;
	s29 =	sor.u32 $0x4280, s11;
	[tilespmem:s19+$0x0] =	vst.add.f32.msk $0xffff, v4  }
0x434: {  	s9 =	sor.u32 s7, s24;
	s22 =	sor.u32 s10, s24;
	s12 =	sor.u32 s7, s29;
	[tilespmem:s2+$0x0] =	vst.add.f32.msk $0xffff, v3  }
0x435: {  	s24 =	sor.u32 s10, s29;
	s29 =	sor.u32 s10, s14;
	s4 =	sadd.s32 $0x5800, s11;
	[tilespmem:s20+$0x0] =	vst.add.f32.msk $0xffff, v4  }
0x436: {  	s19 =	sor.u32 s10, s25;
	s0 =	sor.u32 s7, s4;
	s2 =	sor.u32 $0x4380, s11;
	[tilespmem:s3+$0x0] =	vst.add.f32.msk $0xffff, v3  }
0x437: {  	s25 =	sor.u32 s7, s13;
	s20 =	sor.u32 s10, s30;
	s17 =	sor.u32 s7, s2;
	[tilespmem:s16+$0x0] =	vst.add.f32.msk $0xffff, v4  }
0x438: {  	s23 =	sor.u32 s10, s2;
	s30 =	sor.u32 s7, s14;
	s14 =	rddreg [dreg:$0xe];
	[tilespmem:s18+$0x0] =	vst.add.f32.msk $0xffff, v3  }
0x439: {  	s2 =	sadd.s32 $0x5B80, s11;
	s3 =	sadd.s32 $0x5B00, s11;
	s16 =	sor.u32 s10, s4;
	[tilespmem:s28+$0x0] =	vst.add.f32.msk $0xffff, v4  }
0x43a: {  	s4 =	rddreg [dreg:$0x10];
	s18 =	sor.u32 s7, s6;
	s6 =	sadd.s32 $0x5A80, s11;
	[tilespmem:s21+$0x0] =	vst.add.f32.msk $0xffff, v3  }
0x43b: {  	s11 =	rddreg [dreg:$0x14];
	s28 =	sor.u32 s10, s13;
	s13 =	sor.u32 s7, s6;
	[tilespmem:s4+$0x0] =	vst.add.f32.msk $0xffff, v4  }
0x43c: {  	s21 =	sor.u32 s7, s15;
	s15 =	sor.u32 s10, s15;
	s4 =	rddreg [dreg:$0x12];
	[tilespmem:s14+$0x0] =	vst.add.f32.msk $0xffff, v3  }
0x43d: {  	s14 =	sor.u32 s10, s6;
	s6 =	sor.u32 s7, s3;
	[tilespmem:s4+$0x0] =	vst.add.f32.msk $0xffff, v4;
	s4 =	sor.u32 s10, s3  }
0x43e: {  	s3 =	sor.u32 s7, s2;
	s2 =	sor.u32 s10, s2;
	s10 =	rddreg [dreg:$0x16]  }
0x43f: {  	[tilespmem:s11+$0x0] =	vst.add.f32.msk $0xffff, v3;
	s11 =	rddreg [dreg:$0x18]  }
0x440: {  	[tilespmem:s10+$0x0] =	vst.add.f32.msk $0xffff, v4;
	s10 =	rddreg [dreg:$0x1c]  }
0x441: {  	[tilespmem:s11+$0x0] =	vst.add.f32.msk $0xffff, v3;
	s11 =	rddreg [dreg:$0x1a]  }
0x442: {  	[tilespmem:s10+$0x0] =	vst.add.f32.msk $0xffff, v4;
	s10 =	sld [smem:$0x7D5]  }
0x443: {  	[tilespmem:s11+$0x0] =	vst.add.f32.msk $0xffff, v3;
	s11 =	sld [smem:$0x7D6];
	_ =	sdelay $0x1  }
0x444: {  	[tilespmem:s10+$0x0] =	vst.add.f32.msk $0xffff, v4;
	s10 =	sld [smem:$0x7D7]  }
0x445: {  	[tilespmem:s11+$0x0] =	vst.add.f32.msk $0xffff, v3;
	s11 =	sld [smem:$0x7D8];
	_ =	sdelay $0x1  }
0x446: {  	[tilespmem:s10+$0x0] =	vst.add.f32.msk $0xffff, v4  }
0x447: {  	[tilespmem:s11+$0x0] =	vst.add.f32.msk $0xffff, v3  }
0x448: {  	[tilespmem:s9+$0x0] =	vst.add.f32.msk $0xffff, v4  }
0x449: {  	[tilespmem:s22+$0x0] =	vst.add.f32.msk $0xffff, v3;
	s22 =	sld [smem:$0x7D9];
	_ =	sdelay $0x2  }
0x44a: {  	[tilespmem:s22+$0x0] =	vst.add.f32.msk $0xffff, v4  }
0x44b: {  	[tilespmem:s19+$0x0] =	vst.add.f32.msk $0xffff, v3  }
0x44c: {  	[tilespmem:s12+$0x0] =	vst.add.f32.msk $0xffff, v4  }
0x44d: {  	[tilespmem:s24+$0x0] =	vst.add.f32.msk $0xffff, v3  }
0x44e: {  	[tilespmem:s31+$0x0] =	vst.add.f32.msk $0xffff, v4  }
0x44f: {  	[tilespmem:s20+$0x0] =	vst.add.f32.msk $0xffff, v3  }
0x450: {  	[tilespmem:s17+$0x0] =	vst.add.f32.msk $0xffff, v4  }
0x451: {  	[tilespmem:s23+$0x0] =	vst.add.f32.msk $0xffff, v3  }
0x452: {  	[tilespmem:s0+$0x0] =	vst.add.f32.msk $0xffff, v4  }
0x453: {  	[tilespmem:s16+$0x0] =	vst.add.f32.msk $0xffff, v3  }
0x454: {  	[tilespmem:s18+$0x0] =	vst.add.f32.msk $0xffff, v4  }
0x455: {  	[tilespmem:s26+$0x0] =	vst.add.f32.msk $0xffff, v3  }
0x456: {  	[tilespmem:s25+$0x0] =	vst.add.f32.msk $0xffff, v4  }
0x457: {  	[tilespmem:s28+$0x0] =	vst.add.f32.msk $0xffff, v3  }
0x458: {  	[tilespmem:s30+$0x0] =	vst.add.f32.msk $0xffff, v4  }
0x459: {  	[tilespmem:s29+$0x0] =	vst.add.f32.msk $0xffff, v3  }
0x45a: {  	p1 =	sne.s32 s1, $0x2E0;
	[tilespmem:s21+$0x0] =	vst.add.f32.msk $0xffff, v4  }
.Ltmp6:
0x45b: {  	[tilespmem:s15+$0x0] =	vst.add.f32.msk $0xffff, v3;
	(pc) =	sbr.rel @p1 .LBB2_14-.Ltmp6, $4  }
0x45c: {  	[tilespmem:s13+$0x0] =	vst.add.f32.msk $0xffff, v4  }
0x45d: {  	[tilespmem:s14+$0x0] =	vst.add.f32.msk $0xffff, v3  }
0x45e: {  	[tilespmem:s6+$0x0] =	vst.add.f32.msk $0xffff, v4  }
0x45f: {  	s1 =	sadd.s32 $0x20, s1;
	s6 =	rddreg [dreg:$0x7];
	[tilespmem:s4+$0x0] =	vst.add.f32.msk $0xffff, v3  }
0x460: {  	s0 =	sld [smem:$0x7FB]  }
0x461: {  	[tilespmem:s3+$0x0] =	vst.add.f32.msk $0xffff, v4  }
0x462: {  	s9 =	simm.s32 $0x0;
	s1 =	simm.s32 $0x1000;
	s28 =	simm.s32 $0x4;
	[tilespmem:s2+$0x0] =	vst.add.f32.msk $0xffff, v3  }
0x463: {  	[hbm4b:s0+s9] =	stream.linear.scatter [tilespmem:s1], [sflag:$0x3], $0x6000, $0x38;
	[tilespmem:$0x19E70] =	vst v63  }
0x464: {  	_ =	swait.ge [sflag:s28], $0x6000  }
0x465: {  	[sflag:s28] =	ssyncset.done $0x0  }
0x466: {  	[sflag:s28] =	ssyncadd.s32 $0xFFFFA000  }
0x467: {  	_ =	swait.ge [sflag:s28], $0x6000  }
0x468: {  	[sflag:s28] =	ssyncset.done $0x0  }
0x469: {  	s29 =	simm.s32 $0x3;
	[sflag:s28] =	ssyncadd.s32 $0xFFFFA000  }
0x46a: {  	_ =	swait.ge [sflag:s29], $0x6000  }
0x46b: {  	s30 =	sld [smem:$0x7F4]  }
0x46c: {  	s31 =	sld [smem:$0x7FC];
	_ =	sdelay $0x1  }
0x46d: {  	s3 =	sadd.s32 $0x1, s30  }
0x46e: {  	p1 =	sne.s32 s3, s31  }
.Ltmp7:
0x46f: {  	_ = 	snop;
	(pc) =	sbr.rel @p1 .LBB2_1-.Ltmp7, $3  }
0x470: {  	_ =	sdelay $0x1  }
0x471: {  	[sflag:s29] =	ssyncset.done $0x0  }
0x472: {  	s6 =	simm.s32 $0x13000;
	[sflag:s29] =	ssyncadd.s32 $0xFFFFA000  }
0x473: {  	_ =	sfence.sel $0x180000  }
0x474: {  	[bflag:$0x0] =	sbarrier.arrive $0xFFFF  }
0x475: {  	_ =	strace $0x90000047  }
0x476: {  	[bflag:$0x2] =	sbarrier.arrive $0xFFFF  }
0x477: {  	s0 =	rddreg [dreg:$0x4]  }
0x478: {  	s0 =	sadd.s32 @!p0 $0x100000, s0  }
0x479: {  	[sflag:s0] =	ssyncadd.tile.s32 @!p0 $0x1;
	_ =	shalt  }
.Lfunc_end2:
_tile_overlayer_lowered:
.L_overlay_start_2:
0x47a: {  	(tag) =	ssettag $0x2  }
0x47b: {  	s0 =	rddreg [dreg:$0x0];
	s2 =	stileid.u32  }
0x47c: {  	s1 =	rddreg [dreg:$0x1];
	p0 =	sne.s32 s2, $0x0  }
0x47d: {  	s3 =	rddreg [dreg:$0x2];
	[bflag:$0x3] =	sbarrier.arrive $0xFFFF;
	s2 =	simm.s32 @!p0 $0x1C05  }
0x47e: {  	[timem:s3], [sflag:s2] =	dma.local @!p0 [hbm:s0], s1  }
0x47f: {  	s0 =	simm.s32 @!p0 $0x5  }
0x480: {  	_ =	swait.ge @!p0 [sflag:s0], s1  }
0x481: {  	s1 =	ssub.s32 @!p0 $0x0, s1;
	[sflag:s0] =	ssyncset.done @!p0 $0x0  }
0x482: {  	[sflag:s0] =	ssyncadd.s32 @!p0 s1  }
0x483: {  	[bflag:$0x3] =	sbarrier.arrive $0xFFFF  }
0x484: {  	_ =	shalt  }

</sc_bundles>
